<compile_context>
chip_gen: v7x
topology: tpu7x:2x2x1
jax: 0.10.2.dev20260603
libtpu: 0.0.44.dev20260713+nightly
codegen_flags: <defaults>
</compile_context>

<pallas_src>
import functools

import jax
import jax.numpy as jnp
from jax import lax
from jax.experimental import pallas as pl
from jax.experimental.pallas import tpu as pltpu
from jax.experimental.pallas import tpu_sc as plsc

N = 10000
E = 160000
D = 256
HALF = 128

NUM_TILES = 16
EPT = E // NUM_TILES
SG = 80
EPT_PAD = SG * 128
CH = 40
NCH = SG // CH
STRIPE = 640
LAST_STRIPE = N - 15 * STRIPE


def _bcast_lane(vec, j):
    idx = jnp.full((16,), j, dtype=jnp.int32)
    return lax.gather(
        vec, idx[:, None],
        lax.GatherDimensionNumbers(
            offset_dims=(), collapsed_slice_dims=(0,), start_index_map=(0,)),
        slice_sizes=(1,),
        mode=lax.GatherScatterMode.PROMISE_IN_BOUNDS)


def _matmul_body(x_ref, w_ref, b_ref, o_ref):
    o_ref[0] = lax.dot_general(
        x_ref[...], w_ref[...], (((1,), (1,)), ((), ())),
        preferred_element_type=jnp.float32) + b_ref[0]


def _linear(x, W, b):
    R = 1000
    b2 = b.reshape(2, 1, HALF)
    return pl.pallas_call(
        _matmul_body,
        grid=(2, N // R),
        in_specs=[
            pl.BlockSpec((R, D), lambda c, i: (i, 0)),
            pl.BlockSpec((HALF, D), lambda c, i: (c, 0)),
            pl.BlockSpec((1, 1, HALF), lambda c, i: (c, 0, 0)),
        ],
        out_specs=pl.BlockSpec((1, R, HALF), lambda c, i: (c, i, 0)),
        out_shape=jax.ShapeDtypeStruct((2, N, HALF), jnp.float32),
    )(x, W, b2)


def _make_spmm():
    mesh = plsc.VectorSubcoreMesh(core_axis_name="c", subcore_axis_name="s")

    @functools.partial(
        pl.kernel, mesh=mesh,
        out_type=jax.ShapeDtypeStruct((N, D), jnp.float32),
        scratch_types=[
            pltpu.VMEM((CH, 128), jnp.int32),
            pltpu.VMEM((CH, 128), jnp.int32),
            pltpu.VMEM((CH, 128), jnp.float32),
            [pltpu.VMEM((128, HALF), jnp.float32) for _ in range(2)],
            [pltpu.SemaphoreType.DMA for _ in range(2)],
            [pltpu.SemaphoreType.DMA for _ in range(2)],
            pltpu.VMEM_SHARED((N, HALF), jnp.float32),
        ],
    )
    def spmm(h2_hbm, rows_hbm, cols_hbm, vals_hbm, out_hbm,
             rowbuf, idxbuf, valbuf, gbufs, gsems, ssems, acc):
        s = lax.axis_index("s")
        c = lax.axis_index("c")

        def stage_start(g0):
            pltpu.async_copy(rows_hbm.at[s, pl.ds(g0, CH)], rowbuf, gsems[0])
            pltpu.async_copy(cols_hbm.at[s, pl.ds(g0, CH)], idxbuf, gsems[0])
            pltpu.async_copy(vals_hbm.at[s, pl.ds(g0, CH)], valbuf, gsems[0])

        def stage_wait(g0):
            pltpu.make_async_copy(rows_hbm.at[s, pl.ds(g0, CH)], rowbuf,
                                  gsems[0]).wait()
            pltpu.make_async_copy(cols_hbm.at[s, pl.ds(g0, CH)], idxbuf,
                                  gsems[0]).wait()
            pltpu.make_async_copy(vals_hbm.at[s, pl.ds(g0, CH)], valbuf,
                                  gsems[0]).wait()

        stage_start(0)

        zvec = jnp.zeros((16,), jnp.float32)

        def z_body(i, _):
            for q in range(HALF // 16):
                gbufs[0][i, pl.ds(q * 16, 16)] = zvec
            return 0
        lax.fori_loop(0, 128, z_body, 0)
        row0 = pl.multiple_of(s * STRIPE, 8)

        def zdst(i):
            return acc.at[pl.ds(pl.multiple_of(row0 + i * 128, 8), 128)]

        @pl.when(s < 15)
        def _():
            for i in range(STRIPE // 128):
                pltpu.async_copy(gbufs[0], zdst(i), ssems[0])
            for i in range(STRIPE // 128):
                pltpu.make_async_copy(gbufs[0], zdst(i), ssems[0]).wait()

        @pl.when(s == 15)
        def _():
            for i in range(LAST_STRIPE // 128):
                pltpu.async_copy(gbufs[0], zdst(i), ssems[0])
            rem0 = pl.multiple_of(row0 + (LAST_STRIPE // 128) * 128, 8)
            rem = LAST_STRIPE % 128
            pltpu.async_copy(gbufs[0].at[pl.ds(0, rem)],
                             acc.at[pl.ds(rem0, rem)], ssems[0])
            for i in range(LAST_STRIPE // 128):
                pltpu.make_async_copy(gbufs[0], zdst(i), ssems[0]).wait()
            pltpu.make_async_copy(gbufs[0].at[pl.ds(0, rem)],
                                  acc.at[pl.ds(rem0, rem)], ssems[0]).wait()

        plsc.subcore_barrier()

        def issue_gather(k, b):
            pltpu.async_copy(h2_hbm.at[idxbuf.at[k]], gbufs[b], gsems[b])

        def wait_gather(b):
            pltpu.make_async_copy(h2_hbm.at[idxbuf.at[0]], gbufs[b],
                                  gsems[b]).wait()

        def issue_scatter(k, b):
            pltpu.async_copy(gbufs[b], acc.at[rowbuf.at[k]], ssems[b],
                             add=True)

        def wait_scatter(b):
            pltpu.make_async_copy(gbufs[b], acc.at[rowbuf.at[0]],
                                  ssems[b]).wait()

        def scale(k, b, lo, hi):
            @plsc.parallel_loop(lo, hi, unroll=2)
            def u_body(u):
                u16 = pl.multiple_of(u * 16, 8)
                vals16 = valbuf[k, pl.ds(u16, 16)]
                vjs = [_bcast_lane(vals16, j) for j in range(16)]
                for j in range(16):
                    r = u16 + j
                    for q in range(HALF // 16):
                        sl = pl.ds(q * 16, 16)
                        gbufs[b][r, sl] = gbufs[b][r, sl] * vjs[j]

        off = c * N

        def chunk_body(c0, _):
            g0 = pl.multiple_of(c0 * CH, 8)

            @pl.when(c0 > 0)
            def _():
                stage_start(g0)
            stage_wait(g0)

            def off_body(r, _):
                for q in range(HALF // 16):
                    sl = pl.ds(q * 16, 16)
                    idxbuf[r, sl] = idxbuf[r, sl] + off
                return 0
            lax.fori_loop(0, CH, off_body, 0)
            issue_gather(0, 0)

            def pair_body(p, _):
                for b in range(2):
                    kl = p * 2 + b
                    o = 1 - b
                    wait_gather(b)

                    @pl.when(kl >= 1)
                    def _():
                        wait_scatter(o)

                    @pl.when(kl + 1 < CH)
                    def _():
                        issue_gather(kl + 1, o)

                    scale(kl, b, 0, 8)
                    issue_scatter(kl, b)
                return 0
            lax.fori_loop(0, CH // 2, pair_body, 0)
            wait_scatter(1)
            return 0
        lax.fori_loop(0, NCH, chunk_body, 0)
        plsc.subcore_barrier()

        col0 = pl.multiple_of(c * HALF, 128)

        @pl.when(s < 15)
        def _():
            pltpu.sync_copy(
                acc.at[pl.ds(row0, STRIPE)],
                out_hbm.at[pl.ds(row0, STRIPE), pl.ds(col0, HALF)])

        @pl.when(s == 15)
        def _():
            pltpu.sync_copy(
                acc.at[pl.ds(row0, LAST_STRIPE)],
                out_hbm.at[pl.ds(row0, LAST_STRIPE), pl.ds(col0, HALF)])

    return spmm


_spmm = _make_spmm()


def kernel(x, edge_index, edge_vals, W, b):
    h2 = _linear(x, W, b).reshape(2 * N, HALF)
    pad = EPT_PAD * NUM_TILES - E
    padidx = (jnp.arange(pad, dtype=jnp.int32) * 37) % N
    ei_pad = jnp.concatenate(
        [edge_index, jnp.broadcast_to(padidx, (2, pad))], axis=1)
    rows2 = ei_pad[0].reshape(NUM_TILES, SG, 128)
    cols2 = ei_pad[1].reshape(NUM_TILES, SG, 128)
    vals2 = jnp.pad(edge_vals, (0, pad)).reshape(NUM_TILES, SG, 128)
    return _spmm(h2, rows2, cols2, vals2)

# --- scband reference (transcript-rebuilt; emitter-appended) ---
"""Pipeline reference for scband-graph-convolution-63324997812882 (READ-ONLY COPY).

The authoritative reference and input builder live on the scoring server;
editing this copy changes nothing except your own understanding.
"""

import jax, jax.numpy as jnp
import numpy as np

N = 10000
E = 160000
D_IN = 256
D_OUT = 256


def setup_inputs(seed: int = 0) -> dict:
    key = jax.random.key(seed)
    k1, k2, k3, k4, k5 = jax.random.split(key, 5)
    x = jax.random.normal(k1, (N, D_IN), dtype=jnp.float32)
    edge_index = jax.random.randint(k2, (2, E), 0, N, dtype=jnp.int32)
    edge_vals = jax.random.uniform(k3, (E,), dtype=jnp.float32)
    stdv = 1.0 / np.sqrt(D_IN)
    W = jax.random.uniform(k4, (D_OUT, D_IN), minval=-stdv, maxval=stdv, dtype=jnp.float32)
    b = jax.random.uniform(k5, (D_OUT,), minval=-stdv, maxval=stdv, dtype=jnp.float32)
    return {"x": x, "edge_index": edge_index, "edge_vals": edge_vals, "W": W, "b": b}


def reference(x, edge_index, edge_vals, W, b):
    # x = self.linear(x)
    h = x @ W.T + b
    # x = torch.spmm(adj, x); adj given in COO form (rows, cols, vals)
    rows = edge_index[0]
    cols = edge_index[1]
    out = jax.ops.segment_sum(edge_vals[:, None] * h[cols], rows, num_segments=N)
    return out

if __name__ == "__main__":
    import jax
    _d = setup_inputs()
    print(jax.jit(kernel)(*tuple(_d.values())))

</pallas_src>

<mosaic_0001>
#map = affine_map<(d0, d1) -> (0, 0)>
#map1 = affine_map<(d0, d1) -> (0, 0, 0)>
module attributes {stable_mosaic.version = 14 : i64} {
  func.func @spmm(%arg0: i32, %arg1: i32, %arg2: memref<20000x128xf32, #tpu.memory_space<hbm>>, %arg3: memref<16x80x128xi32, #tpu.memory_space<hbm>>, %arg4: memref<16x80x128xi32, #tpu.memory_space<hbm>>, %arg5: memref<16x80x128xf32, #tpu.memory_space<hbm>>, %arg6: memref<10000x256xf32, #tpu.memory_space<hbm>>, %arg7: memref<40x128xi32, #tpu.memory_space<vmem>>, %arg8: memref<40x128xi32, #tpu.memory_space<vmem>>, %arg9: memref<40x128xf32, #tpu.memory_space<vmem>>, %arg10: memref<128x128xf32, #tpu.memory_space<vmem>>, %arg11: memref<128x128xf32, #tpu.memory_space<vmem>>, %arg12: memref<!tpu.dma_semaphore, #tpu.memory_space<semaphore_mem>>, %arg13: memref<!tpu.dma_semaphore, #tpu.memory_space<semaphore_mem>>, %arg14: memref<!tpu.dma_semaphore, #tpu.memory_space<semaphore_mem>>, %arg15: memref<!tpu.dma_semaphore, #tpu.memory_space<semaphore_mem>>, %arg16: memref<10000x128xf32, #tpu.memory_space<vmem_shared>>) attributes {dimension_semantics = [#tpu.dimension_semantics<core_parallel>, #tpu.dimension_semantics<subcore_parallel>], iteration_bounds = array<i64: 2, 16>, scalar_prefetch = 0 : i64, scratch_operands = 10 : i64, tpu.core_type = #tpu.core_type<sc_vector_subcore>, window_params = [{transform_indices = #map}, {transform_indices = #map1}, {transform_indices = #map1}, {transform_indices = #map1}, {transform_indices = #map}]} {
    %dma_start3A = arith.constant 0 : i32
    %dma_start3A_0 = arith.constant 0 : i32
    %dma_start3A_1 = tpu.memref_slice %arg3[%arg1, %dma_start3A, %dma_start3A_0] : memref<16x80x128xi32, #tpu.memory_space<hbm>> -> memref<1x40x128xi32, #tpu.memory_space<hbm>>
    %dma_start3A_2 = tpu.memref_squeeze %dma_start3A_1 : memref<1x40x128xi32, #tpu.memory_space<hbm>> -> memref<40x128xi32, #tpu.memory_space<hbm>>
    %dma_start3A_3 = arith.constant 0 : i32
    %dma_start3A_4 = arith.constant 0 : i32
    %dma_start3A_5 = tpu.memref_slice %arg3[%arg1, %dma_start3A_3, %dma_start3A_4] : memref<16x80x128xi32, #tpu.memory_space<hbm>> -> memref<1x40x128xi32, #tpu.memory_space<hbm>>
    %dma_start3A_6 = tpu.memref_squeeze %dma_start3A_5 : memref<1x40x128xi32, #tpu.memory_space<hbm>> -> memref<40x128xi32, #tpu.memory_space<hbm>>
    tpu.enqueue_dma source(%dma_start3A_6 : memref<40x128xi32, #tpu.memory_space<hbm>>) target(%arg7 : memref<40x128xi32, #tpu.memory_space<vmem>>) target_semaphore(%arg12 : memref<!tpu.dma_semaphore, #tpu.memory_space<semaphore_mem>>)
    %dma_start3A_7 = arith.constant 0 : i32
    %dma_start3A_8 = arith.constant 0 : i32
    %dma_start3A_9 = tpu.memref_slice %arg4[%arg1, %dma_start3A_7, %dma_start3A_8] : memref<16x80x128xi32, #tpu.memory_space<hbm>> -> memref<1x40x128xi32, #tpu.memory_space<hbm>>
    %dma_start3A_10 = tpu.memref_squeeze %dma_start3A_9 : memref<1x40x128xi32, #tpu.memory_space<hbm>> -> memref<40x128xi32, #tpu.memory_space<hbm>>
    %dma_start3A_11 = arith.constant 0 : i32
    %dma_start3A_12 = arith.constant 0 : i32
    %dma_start3A_13 = tpu.memref_slice %arg4[%arg1, %dma_start3A_11, %dma_start3A_12] : memref<16x80x128xi32, #tpu.memory_space<hbm>> -> memref<1x40x128xi32, #tpu.memory_space<hbm>>
    %dma_start3A_14 = tpu.memref_squeeze %dma_start3A_13 : memref<1x40x128xi32, #tpu.memory_space<hbm>> -> memref<40x128xi32, #tpu.memory_space<hbm>>
    tpu.enqueue_dma source(%dma_start3A_14 : memref<40x128xi32, #tpu.memory_space<hbm>>) target(%arg8 : memref<40x128xi32, #tpu.memory_space<vmem>>) target_semaphore(%arg12 : memref<!tpu.dma_semaphore, #tpu.memory_space<semaphore_mem>>)
    %dma_start3A_15 = arith.constant 0 : i32
    %dma_start3A_16 = arith.constant 0 : i32
    %dma_start3A_17 = tpu.memref_slice %arg5[%arg1, %dma_start3A_15, %dma_start3A_16] : memref<16x80x128xf32, #tpu.memory_space<hbm>> -> memref<1x40x128xf32, #tpu.memory_space<hbm>>
    %dma_start3A_18 = tpu.memref_squeeze %dma_start3A_17 : memref<1x40x128xf32, #tpu.memory_space<hbm>> -> memref<40x128xf32, #tpu.memory_space<hbm>>
    %dma_start3A_19 = arith.constant 0 : i32
    %dma_start3A_20 = arith.constant 0 : i32
    %dma_start3A_21 = tpu.memref_slice %arg5[%arg1, %dma_start3A_19, %dma_start3A_20] : memref<16x80x128xf32, #tpu.memory_space<hbm>> -> memref<1x40x128xf32, #tpu.memory_space<hbm>>
    %dma_start3A_22 = tpu.memref_squeeze %dma_start3A_21 : memref<1x40x128xf32, #tpu.memory_space<hbm>> -> memref<40x128xf32, #tpu.memory_space<hbm>>
    tpu.enqueue_dma source(%dma_start3A_22 : memref<40x128xf32, #tpu.memory_space<hbm>>) target(%arg9 : memref<40x128xf32, #tpu.memory_space<vmem>>) target_semaphore(%arg12 : memref<!tpu.dma_semaphore, #tpu.memory_space<semaphore_mem>>)
    %broadcast_in_dim3A = arith.constant 0.000000e+00 : f32
    %broadcast_in_dim3A_23 = vector.broadcast %broadcast_in_dim3A : f32 to vector<16xf32>
    %scan3A = arith.constant 0 : i32
    %scan3A_24 = arith.constant 0 : i32
    %scan3A_25 = arith.constant 128 : i32
    %scan3A_26 = arith.addi %scan3A_24, %scan3A_25 : i32
    %scan3A_27 = arith.constant 1 : i32
    %scan3A_28 = scf.for %scan3A_60 = %scan3A_24 to %scan3A_26 step %scan3A_27 iter_args(%scan3A_61 = %scan3A) -> (i32)  : i32 {
      %swap3A = arith.index_cast %scan3A_60 : i32 to index
      %swap3A_62 = arith.constant 0 : index
      %swap3A_63 = tpu.vector_load %arg10[%swap3A, %swap3A_62] {strides = array<i32>} : memref<128x128xf32, #tpu.memory_space<vmem>>, vector<1x16xf32>,
      %swap3A_64 = vector.shape_cast %swap3A_63 : vector<1x16xf32> to vector<16xf32>
      %swap3A_65 = vector.shape_cast %broadcast_in_dim3A_23 : vector<16xf32> to vector<1x16xf32>
      tpu.vector_store %arg10[%swap3A, %swap3A_62], %swap3A_65 {strides = array<i32>} : memref<128x128xf32, #tpu.memory_space<vmem>>, vector<1x16xf32>,
      %swap3A_66 = arith.index_cast %scan3A_60 : i32 to index
      %swap3A_67 = arith.constant 16 : index
      %swap3A_68 = tpu.vector_load %arg10[%swap3A_66, %swap3A_67] {strides = array<i32>} : memref<128x128xf32, #tpu.memory_space<vmem>>, vector<1x16xf32>,
      %swap3A_69 = vector.shape_cast %swap3A_68 : vector<1x16xf32> to vector<16xf32>
      %swap3A_70 = vector.shape_cast %broadcast_in_dim3A_23 : vector<16xf32> to vector<1x16xf32>
      tpu.vector_store %arg10[%swap3A_66, %swap3A_67], %swap3A_70 {strides = array<i32>} : memref<128x128xf32, #tpu.memory_space<vmem>>, vector<1x16xf32>,
      %swap3A_71 = arith.index_cast %scan3A_60 : i32 to index
      %swap3A_72 = arith.constant 32 : index
      %swap3A_73 = tpu.vector_load %arg10[%swap3A_71, %swap3A_72] {strides = array<i32>} : memref<128x128xf32, #tpu.memory_space<vmem>>, vector<1x16xf32>,
      %swap3A_74 = vector.shape_cast %swap3A_73 : vector<1x16xf32> to vector<16xf32>
      %swap3A_75 = vector.shape_cast %broadcast_in_dim3A_23 : vector<16xf32> to vector<1x16xf32>
      tpu.vector_store %arg10[%swap3A_71, %swap3A_72], %swap3A_75 {strides = array<i32>} : memref<128x128xf32, #tpu.memory_space<vmem>>, vector<1x16xf32>,
      %swap3A_76 = arith.index_cast %scan3A_60 : i32 to index
      %swap3A_77 = arith.constant 48 : index
      %swap3A_78 = tpu.vector_load %arg10[%swap3A_76, %swap3A_77] {strides = array<i32>} : memref<128x128xf32, #tpu.memory_space<vmem>>, vector<1x16xf32>,
      %swap3A_79 = vector.shape_cast %swap3A_78 : vector<1x16xf32> to vector<16xf32>
      %swap3A_80 = vector.shape_cast %broadcast_in_dim3A_23 : vector<16xf32> to vector<1x16xf32>
      tpu.vector_store %arg10[%swap3A_76, %swap3A_77], %swap3A_80 {strides = array<i32>} : memref<128x128xf32, #tpu.memory_space<vmem>>, vector<1x16xf32>,
      %swap3A_81 = arith.index_cast %scan3A_60 : i32 to index
      %swap3A_82 = arith.constant 64 : index
      %swap3A_83 = tpu.vector_load %arg10[%swap3A_81, %swap3A_82] {strides = array<i32>} : memref<128x128xf32, #tpu.memory_space<vmem>>, vector<1x16xf32>,
      %swap3A_84 = vector.shape_cast %swap3A_83 : vector<1x16xf32> to vector<16xf32>
      %swap3A_85 = vector.shape_cast %broadcast_in_dim3A_23 : vector<16xf32> to vector<1x16xf32>
      tpu.vector_store %arg10[%swap3A_81, %swap3A_82], %swap3A_85 {strides = array<i32>} : memref<128x128xf32, #tpu.memory_space<vmem>>, vector<1x16xf32>,
      %swap3A_86 = arith.index_cast %scan3A_60 : i32 to index
      %swap3A_87 = arith.constant 80 : index
      %swap3A_88 = tpu.vector_load %arg10[%swap3A_86, %swap3A_87] {strides = array<i32>} : memref<128x128xf32, #tpu.memory_space<vmem>>, vector<1x16xf32>,
      %swap3A_89 = vector.shape_cast %swap3A_88 : vector<1x16xf32> to vector<16xf32>
      %swap3A_90 = vector.shape_cast %broadcast_in_dim3A_23 : vector<16xf32> to vector<1x16xf32>
      tpu.vector_store %arg10[%swap3A_86, %swap3A_87], %swap3A_90 {strides = array<i32>} : memref<128x128xf32, #tpu.memory_space<vmem>>, vector<1x16xf32>,
      %swap3A_91 = arith.index_cast %scan3A_60 : i32 to index
      %swap3A_92 = arith.constant 96 : index
      %swap3A_93 = tpu.vector_load %arg10[%swap3A_91, %swap3A_92] {strides = array<i32>} : memref<128x128xf32, #tpu.memory_space<vmem>>, vector<1x16xf32>,
      %swap3A_94 = vector.shape_cast %swap3A_93 : vector<1x16xf32> to vector<16xf32>
      %swap3A_95 = vector.shape_cast %broadcast_in_dim3A_23 : vector<16xf32> to vector<1x16xf32>
      tpu.vector_store %arg10[%swap3A_91, %swap3A_92], %swap3A_95 {strides = array<i32>} : memref<128x128xf32, #tpu.memory_space<vmem>>, vector<1x16xf32>,
      %swap3A_96 = arith.index_cast %scan3A_60 : i32 to index
      %swap3A_97 = arith.constant 112 : index
      %swap3A_98 = tpu.vector_load %arg10[%swap3A_96, %swap3A_97] {strides = array<i32>} : memref<128x128xf32, #tpu.memory_space<vmem>>, vector<1x16xf32>,
      %swap3A_99 = vector.shape_cast %swap3A_98 : vector<1x16xf32> to vector<16xf32>
      %swap3A_100 = vector.shape_cast %broadcast_in_dim3A_23 : vector<16xf32> to vector<1x16xf32>
      tpu.vector_store %arg10[%swap3A_96, %swap3A_97], %swap3A_100 {strides = array<i32>} : memref<128x128xf32, #tpu.memory_space<vmem>>, vector<1x16xf32>,
      %scan3A_101 = arith.constant 0 : i32
      scf.yield %scan3A_101 : i32
    }
    %scan3A_29 = arith.constant 128 : i32
    %mul3A = arith.constant 640 : i32
    %mul3A_30 = arith.muli %arg1, %mul3A : i32
    %multiple_of3A = tpu.assume_multiple %mul3A_30, 8 : i32
    %lt3A = arith.constant 15 : i32
    %lt3A_31 = arith.cmpi slt, %arg1, %lt3A : i32
    %convert_element_type3A = arith.extui %lt3A_31 : i1 to i32
    %cond3A = arith.constant 0 : i32
    %cond3A_32 = arith.cmpi ne, %convert_element_type3A, %cond3A : i32
    scf.if %cond3A_32 {
      %add3A = arith.constant 0 : i32
      %add3A_60 = arith.addi %multiple_of3A, %add3A : i32
      %multiple_of3A_61 = tpu.assume_multiple %add3A_60, 8 : i32
      %dma_start3A_62 = arith.constant 0 : i32
      %dma_start3A_63 = tpu.memref_slice %arg16[%multiple_of3A_61, %dma_start3A_62] : memref<10000x128xf32, #tpu.memory_space<vmem_shared>> -> memref<128x128xf32, #tpu.memory_space<vmem_shared>>
      %dma_start3A_64 = arith.constant 0 : i32
      %dma_start3A_65 = tpu.memref_slice %arg16[%multiple_of3A_61, %dma_start3A_64] : memref<10000x128xf32, #tpu.memory_space<vmem_shared>> -> memref<128x128xf32, #tpu.memory_space<vmem_shared>>
      tpu.enqueue_dma source(%arg10 : memref<128x128xf32, #tpu.memory_space<vmem>>) target(%dma_start3A_65 : memref<128x128xf32, #tpu.memory_space<vmem_shared>>) target_semaphore(%arg14 : memref<!tpu.dma_semaphore, #tpu.memory_space<semaphore_mem>>)
      %add3A_66 = arith.constant 128 : i32
      %add3A_67 = arith.addi %multiple_of3A, %add3A_66 : i32
      %multiple_of3A_68 = tpu.assume_multiple %add3A_67, 8 : i32
      %dma_start3A_69 = arith.constant 0 : i32
      %dma_start3A_70 = tpu.memref_slice %arg16[%multiple_of3A_68, %dma_start3A_69] : memref<10000x128xf32, #tpu.memory_space<vmem_shared>> -> memref<128x128xf32, #tpu.memory_space<vmem_shared>>
      %dma_start3A_71 = arith.constant 0 : i32
      %dma_start3A_72 = tpu.memref_slice %arg16[%multiple_of3A_68, %dma_start3A_71] : memref<10000x128xf32, #tpu.memory_space<vmem_shared>> -> memref<128x128xf32, #tpu.memory_space<vmem_shared>>
      tpu.enqueue_dma source(%arg10 : memref<128x128xf32, #tpu.memory_space<vmem>>) target(%dma_start3A_72 : memref<128x128xf32, #tpu.memory_space<vmem_shared>>) target_semaphore(%arg14 : memref<!tpu.dma_semaphore, #tpu.memory_space<semaphore_mem>>)
      %add3A_73 = arith.constant 256 : i32
      %add3A_74 = arith.addi %multiple_of3A, %add3A_73 : i32
      %multiple_of3A_75 = tpu.assume_multiple %add3A_74, 8 : i32
      %dma_start3A_76 = arith.constant 0 : i32
      %dma_start3A_77 = tpu.memref_slice %arg16[%multiple_of3A_75, %dma_start3A_76] : memref<10000x128xf32, #tpu.memory_space<vmem_shared>> -> memref<128x128xf32, #tpu.memory_space<vmem_shared>>
      %dma_start3A_78 = arith.constant 0 : i32
      %dma_start3A_79 = tpu.memref_slice %arg16[%multiple_of3A_75, %dma_start3A_78] : memref<10000x128xf32, #tpu.memory_space<vmem_shared>> -> memref<128x128xf32, #tpu.memory_space<vmem_shared>>
      tpu.enqueue_dma source(%arg10 : memref<128x128xf32, #tpu.memory_space<vmem>>) target(%dma_start3A_79 : memref<128x128xf32, #tpu.memory_space<vmem_shared>>) target_semaphore(%arg14 : memref<!tpu.dma_semaphore, #tpu.memory_space<semaphore_mem>>)
      %add3A_80 = arith.constant 384 : i32
      %add3A_81 = arith.addi %multiple_of3A, %add3A_80 : i32
      %multiple_of3A_82 = tpu.assume_multiple %add3A_81, 8 : i32
      %dma_start3A_83 = arith.constant 0 : i32
      %dma_start3A_84 = tpu.memref_slice %arg16[%multiple_of3A_82, %dma_start3A_83] : memref<10000x128xf32, #tpu.memory_space<vmem_shared>> -> memref<128x128xf32, #tpu.memory_space<vmem_shared>>
      %dma_start3A_85 = arith.constant 0 : i32
      %dma_start3A_86 = tpu.memref_slice %arg16[%multiple_of3A_82, %dma_start3A_85] : memref<10000x128xf32, #tpu.memory_space<vmem_shared>> -> memref<128x128xf32, #tpu.memory_space<vmem_shared>>
      tpu.enqueue_dma source(%arg10 : memref<128x128xf32, #tpu.memory_space<vmem>>) target(%dma_start3A_86 : memref<128x128xf32, #tpu.memory_space<vmem_shared>>) target_semaphore(%arg14 : memref<!tpu.dma_semaphore, #tpu.memory_space<semaphore_mem>>)
      %add3A_87 = arith.constant 512 : i32
      %add3A_88 = arith.addi %multiple_of3A, %add3A_87 : i32
      %multiple_of3A_89 = tpu.assume_multiple %add3A_88, 8 : i32
      %dma_start3A_90 = arith.constant 0 : i32
      %dma_start3A_91 = tpu.memref_slice %arg16[%multiple_of3A_89, %dma_start3A_90] : memref<10000x128xf32, #tpu.memory_space<vmem_shared>> -> memref<128x128xf32, #tpu.memory_space<vmem_shared>>
      %dma_start3A_92 = arith.constant 0 : i32
      %dma_start3A_93 = tpu.memref_slice %arg16[%multiple_of3A_89, %dma_start3A_92] : memref<10000x128xf32, #tpu.memory_space<vmem_shared>> -> memref<128x128xf32, #tpu.memory_space<vmem_shared>>
      tpu.enqueue_dma source(%arg10 : memref<128x128xf32, #tpu.memory_space<vmem>>) target(%dma_start3A_93 : memref<128x128xf32, #tpu.memory_space<vmem_shared>>) target_semaphore(%arg14 : memref<!tpu.dma_semaphore, #tpu.memory_space<semaphore_mem>>)
      %add3A_94 = arith.constant 0 : i32
      %add3A_95 = arith.addi %multiple_of3A, %add3A_94 : i32
      %multiple_of3A_96 = tpu.assume_multiple %add3A_95, 8 : i32
      %dma_wait3A = arith.constant 0 : i32
      %dma_wait3A_97 = tpu.memref_slice %arg16[%multiple_of3A_96, %dma_wait3A] : memref<10000x128xf32, #tpu.memory_space<vmem_shared>> -> memref<128x128xf32, #tpu.memory_space<vmem_shared>>
      %dma_wait3A_98 = arith.constant 0 : i32
      %dma_wait3A_99 = tpu.memref_slice %arg16[%multiple_of3A_96, %dma_wait3A_98] : memref<10000x128xf32, #tpu.memory_space<vmem_shared>> -> memref<128x128xf32, #tpu.memory_space<vmem_shared>>
      tpu.wait_dma2 semaphore(%arg14 : memref<!tpu.dma_semaphore, #tpu.memory_space<semaphore_mem>>) src(%arg10 : memref<128x128xf32, #tpu.memory_space<vmem>>) dst(%dma_wait3A_99 : memref<128x128xf32, #tpu.memory_space<vmem_shared>>)
      %add3A_100 = arith.constant 128 : i32
      %add3A_101 = arith.addi %multiple_of3A, %add3A_100 : i32
      %multiple_of3A_102 = tpu.assume_multiple %add3A_101, 8 : i32
      %dma_wait3A_103 = arith.constant 0 : i32
      %dma_wait3A_104 = tpu.memref_slice %arg16[%multiple_of3A_102, %dma_wait3A_103] : memref<10000x128xf32, #tpu.memory_space<vmem_shared>> -> memref<128x128xf32, #tpu.memory_space<vmem_shared>>
      %dma_wait3A_105 = arith.constant 0 : i32
      %dma_wait3A_106 = tpu.memref_slice %arg16[%multiple_of3A_102, %dma_wait3A_105] : memref<10000x128xf32, #tpu.memory_space<vmem_shared>> -> memref<128x128xf32, #tpu.memory_space<vmem_shared>>
      tpu.wait_dma2 semaphore(%arg14 : memref<!tpu.dma_semaphore, #tpu.memory_space<semaphore_mem>>) src(%arg10 : memref<128x128xf32, #tpu.memory_space<vmem>>) dst(%dma_wait3A_106 : memref<128x128xf32, #tpu.memory_space<vmem_shared>>)
      %add3A_107 = arith.constant 256 : i32
      %add3A_108 = arith.addi %multiple_of3A, %add3A_107 : i32
      %multiple_of3A_109 = tpu.assume_multiple %add3A_108, 8 : i32
      %dma_wait3A_110 = arith.constant 0 : i32
      %dma_wait3A_111 = tpu.memref_slice %arg16[%multiple_of3A_109, %dma_wait3A_110] : memref<10000x128xf32, #tpu.memory_space<vmem_shared>> -> memref<128x128xf32, #tpu.memory_space<vmem_shared>>
      %dma_wait3A_112 = arith.constant 0 : i32
      %dma_wait3A_113 = tpu.memref_slice %arg16[%multiple_of3A_109, %dma_wait3A_112] : memref<10000x128xf32, #tpu.memory_space<vmem_shared>> -> memref<128x128xf32, #tpu.memory_space<vmem_shared>>
      tpu.wait_dma2 semaphore(%arg14 : memref<!tpu.dma_semaphore, #tpu.memory_space<semaphore_mem>>) src(%arg10 : memref<128x128xf32, #tpu.memory_space<vmem>>) dst(%dma_wait3A_113 : memref<128x128xf32, #tpu.memory_space<vmem_shared>>)
      %add3A_114 = arith.constant 384 : i32
      %add3A_115 = arith.addi %multiple_of3A, %add3A_114 : i32
      %multiple_of3A_116 = tpu.assume_multiple %add3A_115, 8 : i32
      %dma_wait3A_117 = arith.constant 0 : i32
      %dma_wait3A_118 = tpu.memref_slice %arg16[%multiple_of3A_116, %dma_wait3A_117] : memref<10000x128xf32, #tpu.memory_space<vmem_shared>> -> memref<128x128xf32, #tpu.memory_space<vmem_shared>>
      %dma_wait3A_119 = arith.constant 0 : i32
      %dma_wait3A_120 = tpu.memref_slice %arg16[%multiple_of3A_116, %dma_wait3A_119] : memref<10000x128xf32, #tpu.memory_space<vmem_shared>> -> memref<128x128xf32, #tpu.memory_space<vmem_shared>>
      tpu.wait_dma2 semaphore(%arg14 : memref<!tpu.dma_semaphore, #tpu.memory_space<semaphore_mem>>) src(%arg10 : memref<128x128xf32, #tpu.memory_space<vmem>>) dst(%dma_wait3A_120 : memref<128x128xf32, #tpu.memory_space<vmem_shared>>)
      %add3A_121 = arith.constant 512 : i32
      %add3A_122 = arith.addi %multiple_of3A, %add3A_121 : i32
      %multiple_of3A_123 = tpu.assume_multiple %add3A_122, 8 : i32
      %dma_wait3A_124 = arith.constant 0 : i32
      %dma_wait3A_125 = tpu.memref_slice %arg16[%multiple_of3A_123, %dma_wait3A_124] : memref<10000x128xf32, #tpu.memory_space<vmem_shared>> -> memref<128x128xf32, #tpu.memory_space<vmem_shared>>
      %dma_wait3A_126 = arith.constant 0 : i32
      %dma_wait3A_127 = tpu.memref_slice %arg16[%multiple_of3A_123, %dma_wait3A_126] : memref<10000x128xf32, #tpu.memory_space<vmem_shared>> -> memref<128x128xf32, #tpu.memory_space<vmem_shared>>
      tpu.wait_dma2 semaphore(%arg14 : memref<!tpu.dma_semaphore, #tpu.memory_space<semaphore_mem>>) src(%arg10 : memref<128x128xf32, #tpu.memory_space<vmem>>) dst(%dma_wait3A_127 : memref<128x128xf32, #tpu.memory_space<vmem_shared>>)
    } else {
    }
    %eq3A = arith.constant 15 : i32
    %eq3A_33 = arith.cmpi eq, %arg1, %eq3A : i32
    %convert_element_type3A_34 = arith.extui %eq3A_33 : i1 to i32
    %cond3A_35 = arith.constant 0 : i32
    %cond3A_36 = arith.cmpi ne, %convert_element_type3A_34, %cond3A_35 : i32
    scf.if %cond3A_36 {
      %add3A = arith.constant 0 : i32
      %add3A_60 = arith.addi %multiple_of3A, %add3A : i32
      %multiple_of3A_61 = tpu.assume_multiple %add3A_60, 8 : i32
      %dma_start3A_62 = arith.constant 0 : i32
      %dma_start3A_63 = tpu.memref_slice %arg16[%multiple_of3A_61, %dma_start3A_62] : memref<10000x128xf32, #tpu.memory_space<vmem_shared>> -> memref<128x128xf32, #tpu.memory_space<vmem_shared>>
      %dma_start3A_64 = arith.constant 0 : i32
      %dma_start3A_65 = tpu.memref_slice %arg16[%multiple_of3A_61, %dma_start3A_64] : memref<10000x128xf32, #tpu.memory_space<vmem_shared>> -> memref<128x128xf32, #tpu.memory_space<vmem_shared>>
      tpu.enqueue_dma source(%arg10 : memref<128x128xf32, #tpu.memory_space<vmem>>) target(%dma_start3A_65 : memref<128x128xf32, #tpu.memory_space<vmem_shared>>) target_semaphore(%arg14 : memref<!tpu.dma_semaphore, #tpu.memory_space<semaphore_mem>>)
      %add3A_66 = arith.constant 128 : i32
      %add3A_67 = arith.addi %multiple_of3A, %add3A_66 : i32
      %multiple_of3A_68 = tpu.assume_multiple %add3A_67, 8 : i32
      %dma_start3A_69 = arith.constant 0 : i32
      %dma_start3A_70 = tpu.memref_slice %arg16[%multiple_of3A_68, %dma_start3A_69] : memref<10000x128xf32, #tpu.memory_space<vmem_shared>> -> memref<128x128xf32, #tpu.memory_space<vmem_shared>>
      %dma_start3A_71 = arith.constant 0 : i32
      %dma_start3A_72 = tpu.memref_slice %arg16[%multiple_of3A_68, %dma_start3A_71] : memref<10000x128xf32, #tpu.memory_space<vmem_shared>> -> memref<128x128xf32, #tpu.memory_space<vmem_shared>>
      tpu.enqueue_dma source(%arg10 : memref<128x128xf32, #tpu.memory_space<vmem>>) target(%dma_start3A_72 : memref<128x128xf32, #tpu.memory_space<vmem_shared>>) target_semaphore(%arg14 : memref<!tpu.dma_semaphore, #tpu.memory_space<semaphore_mem>>)
      %add3A_73 = arith.constant 256 : i32
      %add3A_74 = arith.addi %multiple_of3A, %add3A_73 : i32
      %multiple_of3A_75 = tpu.assume_multiple %add3A_74, 8 : i32
      %dma_start3A_76 = arith.constant 0 : i32
      %dma_start3A_77 = tpu.memref_slice %arg16[%multiple_of3A_75, %dma_start3A_76] : memref<10000x128xf32, #tpu.memory_space<vmem_shared>> -> memref<128x128xf32, #tpu.memory_space<vmem_shared>>
      %dma_start3A_78 = arith.constant 0 : i32
      %dma_start3A_79 = tpu.memref_slice %arg16[%multiple_of3A_75, %dma_start3A_78] : memref<10000x128xf32, #tpu.memory_space<vmem_shared>> -> memref<128x128xf32, #tpu.memory_space<vmem_shared>>
      tpu.enqueue_dma source(%arg10 : memref<128x128xf32, #tpu.memory_space<vmem>>) target(%dma_start3A_79 : memref<128x128xf32, #tpu.memory_space<vmem_shared>>) target_semaphore(%arg14 : memref<!tpu.dma_semaphore, #tpu.memory_space<semaphore_mem>>)
      %add3A_80 = arith.constant 384 : i32
      %add3A_81 = arith.addi %multiple_of3A, %add3A_80 : i32
      %multiple_of3A_82 = tpu.assume_multiple %add3A_81, 8 : i32
      %dma_start3A_83 = arith.constant 0 : i32
      %dma_start3A_84 = arith.constant 0 : i32
      %dma_start3A_85 = tpu.memref_slice %arg10[%dma_start3A_83, %dma_start3A_84] : memref<128x128xf32, #tpu.memory_space<vmem>> -> memref<16x128xf32, #tpu.memory_space<vmem>>
      %dma_start3A_86 = arith.constant 0 : i32
      %dma_start3A_87 = tpu.memref_slice %arg16[%multiple_of3A_82, %dma_start3A_86] : memref<10000x128xf32, #tpu.memory_space<vmem_shared>> -> memref<16x128xf32, #tpu.memory_space<vmem_shared>>
      %dma_start3A_88 = arith.constant 0 : i32
      %dma_start3A_89 = tpu.memref_slice %arg16[%multiple_of3A_82, %dma_start3A_88] : memref<10000x128xf32, #tpu.memory_space<vmem_shared>> -> memref<16x128xf32, #tpu.memory_space<vmem_shared>>
      %dma_start3A_90 = arith.constant 0 : i32
      %dma_start3A_91 = arith.constant 0 : i32
      %dma_start3A_92 = tpu.memref_slice %arg10[%dma_start3A_90, %dma_start3A_91] : memref<128x128xf32, #tpu.memory_space<vmem>> -> memref<16x128xf32, #tpu.memory_space<vmem>>
      tpu.enqueue_dma source(%dma_start3A_92 : memref<16x128xf32, #tpu.memory_space<vmem>>) target(%dma_start3A_89 : memref<16x128xf32, #tpu.memory_space<vmem_shared>>) target_semaphore(%arg14 : memref<!tpu.dma_semaphore, #tpu.memory_space<semaphore_mem>>)
      %add3A_93 = arith.constant 0 : i32
      %add3A_94 = arith.addi %multiple_of3A, %add3A_93 : i32
      %multiple_of3A_95 = tpu.assume_multiple %add3A_94, 8 : i32
      %dma_wait3A = arith.constant 0 : i32
      %dma_wait3A_96 = tpu.memref_slice %arg16[%multiple_of3A_95, %dma_wait3A] : memref<10000x128xf32, #tpu.memory_space<vmem_shared>> -> memref<128x128xf32, #tpu.memory_space<vmem_shared>>
      %dma_wait3A_97 = arith.constant 0 : i32
      %dma_wait3A_98 = tpu.memref_slice %arg16[%multiple_of3A_95, %dma_wait3A_97] : memref<10000x128xf32, #tpu.memory_space<vmem_shared>> -> memref<128x128xf32, #tpu.memory_space<vmem_shared>>
      tpu.wait_dma2 semaphore(%arg14 : memref<!tpu.dma_semaphore, #tpu.memory_space<semaphore_mem>>) src(%arg10 : memref<128x128xf32, #tpu.memory_space<vmem>>) dst(%dma_wait3A_98 : memref<128x128xf32, #tpu.memory_space<vmem_shared>>)
      %add3A_99 = arith.constant 128 : i32
      %add3A_100 = arith.addi %multiple_of3A, %add3A_99 : i32
      %multiple_of3A_101 = tpu.assume_multiple %add3A_100, 8 : i32
      %dma_wait3A_102 = arith.constant 0 : i32
      %dma_wait3A_103 = tpu.memref_slice %arg16[%multiple_of3A_101, %dma_wait3A_102] : memref<10000x128xf32, #tpu.memory_space<vmem_shared>> -> memref<128x128xf32, #tpu.memory_space<vmem_shared>>
      %dma_wait3A_104 = arith.constant 0 : i32
      %dma_wait3A_105 = tpu.memref_slice %arg16[%multiple_of3A_101, %dma_wait3A_104] : memref<10000x128xf32, #tpu.memory_space<vmem_shared>> -> memref<128x128xf32, #tpu.memory_space<vmem_shared>>
      tpu.wait_dma2 semaphore(%arg14 : memref<!tpu.dma_semaphore, #tpu.memory_space<semaphore_mem>>) src(%arg10 : memref<128x128xf32, #tpu.memory_space<vmem>>) dst(%dma_wait3A_105 : memref<128x128xf32, #tpu.memory_space<vmem_shared>>)
      %add3A_106 = arith.constant 256 : i32
      %add3A_107 = arith.addi %multiple_of3A, %add3A_106 : i32
      %multiple_of3A_108 = tpu.assume_multiple %add3A_107, 8 : i32
      %dma_wait3A_109 = arith.constant 0 : i32
      %dma_wait3A_110 = tpu.memref_slice %arg16[%multiple_of3A_108, %dma_wait3A_109] : memref<10000x128xf32, #tpu.memory_space<vmem_shared>> -> memref<128x128xf32, #tpu.memory_space<vmem_shared>>
      %dma_wait3A_111 = arith.constant 0 : i32
      %dma_wait3A_112 = tpu.memref_slice %arg16[%multiple_of3A_108, %dma_wait3A_111] : memref<10000x128xf32, #tpu.memory_space<vmem_shared>> -> memref<128x128xf32, #tpu.memory_space<vmem_shared>>
      tpu.wait_dma2 semaphore(%arg14 : memref<!tpu.dma_semaphore, #tpu.memory_space<semaphore_mem>>) src(%arg10 : memref<128x128xf32, #tpu.memory_space<vmem>>) dst(%dma_wait3A_112 : memref<128x128xf32, #tpu.memory_space<vmem_shared>>)
      %dma_wait3A_113 = arith.constant 0 : i32
      %dma_wait3A_114 = arith.constant 0 : i32
      %dma_wait3A_115 = tpu.memref_slice %arg10[%dma_wait3A_113, %dma_wait3A_114] : memref<128x128xf32, #tpu.memory_space<vmem>> -> memref<16x128xf32, #tpu.memory_space<vmem>>
      %dma_wait3A_116 = arith.constant 0 : i32
      %dma_wait3A_117 = tpu.memref_slice %arg16[%multiple_of3A_82, %dma_wait3A_116] : memref<10000x128xf32, #tpu.memory_space<vmem_shared>> -> memref<16x128xf32, #tpu.memory_space<vmem_shared>>
      %dma_wait3A_118 = arith.constant 0 : i32
      %dma_wait3A_119 = tpu.memref_slice %arg16[%multiple_of3A_82, %dma_wait3A_118] : memref<10000x128xf32, #tpu.memory_space<vmem_shared>> -> memref<16x128xf32, #tpu.memory_space<vmem_shared>>
      %dma_wait3A_120 = arith.constant 0 : i32
      %dma_wait3A_121 = arith.constant 0 : i32
      %dma_wait3A_122 = tpu.memref_slice %arg10[%dma_wait3A_120, %dma_wait3A_121] : memref<128x128xf32, #tpu.memory_space<vmem>> -> memref<16x128xf32, #tpu.memory_space<vmem>>
      tpu.wait_dma2 semaphore(%arg14 : memref<!tpu.dma_semaphore, #tpu.memory_space<semaphore_mem>>) src(%dma_wait3A_122 : memref<16x128xf32, #tpu.memory_space<vmem>>) dst(%dma_wait3A_119 : memref<16x128xf32, #tpu.memory_space<vmem_shared>>)
    } else {
    }
    %barrier3A = arith.constant 0 : index
    tpu.barrier barrier_id(%barrier3A)
    %mul3A_37 = arith.constant 10000 : i32
    %mul3A_38 = arith.muli %arg0, %mul3A_37 : i32
    %scan3A_39 = arith.constant 0 : i32
    %scan3A_40 = arith.constant 0 : i32
    %scan3A_41 = arith.constant 2 : i32
    %scan3A_42 = arith.addi %scan3A_40, %scan3A_41 : i32
    %scan3A_43 = arith.constant 1 : i32
    %scan3A_44 = scf.for %scan3A_60 = %scan3A_40 to %scan3A_42 step %scan3A_43 iter_args(%scan3A_61 = %scan3A_39) -> (i32)  : i32 {
      %mul3A_62 = arith.constant 40 : i32
      %mul3A_63 = arith.muli %scan3A_60, %mul3A_62 : i32
      %multiple_of3A_64 = tpu.assume_multiple %mul3A_63, 8 : i32
      %gt3A = arith.constant 0 : i32
      %gt3A_65 = arith.cmpi sgt, %scan3A_60, %gt3A : i32
      %convert_element_type3A_66 = arith.extui %gt3A_65 : i1 to i32
      %cond3A_67 = arith.constant 0 : i32
      %cond3A_68 = arith.cmpi ne, %convert_element_type3A_66, %cond3A_67 : i32
      scf.if %cond3A_68 {
        %dma_start3A_115 = arith.constant 0 : i32
        %dma_start3A_116 = tpu.memref_slice %arg3[%arg1, %multiple_of3A_64, %dma_start3A_115] : memref<16x80x128xi32, #tpu.memory_space<hbm>> -> memref<1x40x128xi32, #tpu.memory_space<hbm>>
        %dma_start3A_117 = tpu.memref_squeeze %dma_start3A_116 : memref<1x40x128xi32, #tpu.memory_space<hbm>> -> memref<40x128xi32, #tpu.memory_space<hbm>>
        %dma_start3A_118 = arith.constant 0 : i32
        %dma_start3A_119 = tpu.memref_slice %arg3[%arg1, %multiple_of3A_64, %dma_start3A_118] : memref<16x80x128xi32, #tpu.memory_space<hbm>> -> memref<1x40x128xi32, #tpu.memory_space<hbm>>
        %dma_start3A_120 = tpu.memref_squeeze %dma_start3A_119 : memref<1x40x128xi32, #tpu.memory_space<hbm>> -> memref<40x128xi32, #tpu.memory_space<hbm>>
        tpu.enqueue_dma source(%dma_start3A_120 : memref<40x128xi32, #tpu.memory_space<hbm>>) target(%arg7 : memref<40x128xi32, #tpu.memory_space<vmem>>) target_semaphore(%arg12 : memref<!tpu.dma_semaphore, #tpu.memory_space<semaphore_mem>>)
        %dma_start3A_121 = arith.constant 0 : i32
        %dma_start3A_122 = tpu.memref_slice %arg4[%arg1, %multiple_of3A_64, %dma_start3A_121] : memref<16x80x128xi32, #tpu.memory_space<hbm>> -> memref<1x40x128xi32, #tpu.memory_space<hbm>>
        %dma_start3A_123 = tpu.memref_squeeze %dma_start3A_122 : memref<1x40x128xi32, #tpu.memory_space<hbm>> -> memref<40x128xi32, #tpu.memory_space<hbm>>
        %dma_start3A_124 = arith.constant 0 : i32
        %dma_start3A_125 = tpu.memref_slice %arg4[%arg1, %multiple_of3A_64, %dma_start3A_124] : memref<16x80x128xi32, #tpu.memory_space<hbm>> -> memref<1x40x128xi32, #tpu.memory_space<hbm>>
        %dma_start3A_126 = tpu.memref_squeeze %dma_start3A_125 : memref<1x40x128xi32, #tpu.memory_space<hbm>> -> memref<40x128xi32, #tpu.memory_space<hbm>>
        tpu.enqueue_dma source(%dma_start3A_126 : memref<40x128xi32, #tpu.memory_space<hbm>>) target(%arg8 : memref<40x128xi32, #tpu.memory_space<vmem>>) target_semaphore(%arg12 : memref<!tpu.dma_semaphore, #tpu.memory_space<semaphore_mem>>)
        %dma_start3A_127 = arith.constant 0 : i32
        %dma_start3A_128 = tpu.memref_slice %arg5[%arg1, %multiple_of3A_64, %dma_start3A_127] : memref<16x80x128xf32, #tpu.memory_space<hbm>> -> memref<1x40x128xf32, #tpu.memory_space<hbm>>
        %dma_start3A_129 = tpu.memref_squeeze %dma_start3A_128 : memref<1x40x128xf32, #tpu.memory_space<hbm>> -> memref<40x128xf32, #tpu.memory_space<hbm>>
        %dma_start3A_130 = arith.constant 0 : i32
        %dma_start3A_131 = tpu.memref_slice %arg5[%arg1, %multiple_of3A_64, %dma_start3A_130] : memref<16x80x128xf32, #tpu.memory_space<hbm>> -> memref<1x40x128xf32, #tpu.memory_space<hbm>>
        %dma_start3A_132 = tpu.memref_squeeze %dma_start3A_131 : memref<1x40x128xf32, #tpu.memory_space<hbm>> -> memref<40x128xf32, #tpu.memory_space<hbm>>
        tpu.enqueue_dma source(%dma_start3A_132 : memref<40x128xf32, #tpu.memory_space<hbm>>) target(%arg9 : memref<40x128xf32, #tpu.memory_space<vmem>>) target_semaphore(%arg12 : memref<!tpu.dma_semaphore, #tpu.memory_space<semaphore_mem>>)
      } else {
      }
      %dma_wait3A = arith.constant 0 : i32
      %dma_wait3A_69 = tpu.memref_slice %arg3[%arg1, %multiple_of3A_64, %dma_wait3A] : memref<16x80x128xi32, #tpu.memory_space<hbm>> -> memref<1x40x128xi32, #tpu.memory_space<hbm>>
      %dma_wait3A_70 = tpu.memref_squeeze %dma_wait3A_69 : memref<1x40x128xi32, #tpu.memory_space<hbm>> -> memref<40x128xi32, #tpu.memory_space<hbm>>
      %dma_wait3A_71 = arith.constant 0 : i32
      %dma_wait3A_72 = tpu.memref_slice %arg3[%arg1, %multiple_of3A_64, %dma_wait3A_71] : memref<16x80x128xi32, #tpu.memory_space<hbm>> -> memref<1x40x128xi32, #tpu.memory_space<hbm>>
      %dma_wait3A_73 = tpu.memref_squeeze %dma_wait3A_72 : memref<1x40x128xi32, #tpu.memory_space<hbm>> -> memref<40x128xi32, #tpu.memory_space<hbm>>
      tpu.wait_dma2 semaphore(%arg12 : memref<!tpu.dma_semaphore, #tpu.memory_space<semaphore_mem>>) src(%dma_wait3A_73 : memref<40x128xi32, #tpu.memory_space<hbm>>) dst(%arg7 : memref<40x128xi32, #tpu.memory_space<vmem>>)
      %dma_wait3A_74 = arith.constant 0 : i32
      %dma_wait3A_75 = tpu.memref_slice %arg4[%arg1, %multiple_of3A_64, %dma_wait3A_74] : memref<16x80x128xi32, #tpu.memory_space<hbm>> -> memref<1x40x128xi32, #tpu.memory_space<hbm>>
      %dma_wait3A_76 = tpu.memref_squeeze %dma_wait3A_75 : memref<1x40x128xi32, #tpu.memory_space<hbm>> -> memref<40x128xi32, #tpu.memory_space<hbm>>
      %dma_wait3A_77 = arith.constant 0 : i32
      %dma_wait3A_78 = tpu.memref_slice %arg4[%arg1, %multiple_of3A_64, %dma_wait3A_77] : memref<16x80x128xi32, #tpu.memory_space<hbm>> -> memref<1x40x128xi32, #tpu.memory_space<hbm>>
      %dma_wait3A_79 = tpu.memref_squeeze %dma_wait3A_78 : memref<1x40x128xi32, #tpu.memory_space<hbm>> -> memref<40x128xi32, #tpu.memory_space<hbm>>
      tpu.wait_dma2 semaphore(%arg12 : memref<!tpu.dma_semaphore, #tpu.memory_space<semaphore_mem>>) src(%dma_wait3A_79 : memref<40x128xi32, #tpu.memory_space<hbm>>) dst(%arg8 : memref<40x128xi32, #tpu.memory_space<vmem>>)
      %dma_wait3A_80 = arith.constant 0 : i32
      %dma_wait3A_81 = tpu.memref_slice %arg5[%arg1, %multiple_of3A_64, %dma_wait3A_80] : memref<16x80x128xf32, #tpu.memory_space<hbm>> -> memref<1x40x128xf32, #tpu.memory_space<hbm>>
      %dma_wait3A_82 = tpu.memref_squeeze %dma_wait3A_81 : memref<1x40x128xf32, #tpu.memory_space<hbm>> -> memref<40x128xf32, #tpu.memory_space<hbm>>
      %dma_wait3A_83 = arith.constant 0 : i32
      %dma_wait3A_84 = tpu.memref_slice %arg5[%arg1, %multiple_of3A_64, %dma_wait3A_83] : memref<16x80x128xf32, #tpu.memory_space<hbm>> -> memref<1x40x128xf32, #tpu.memory_space<hbm>>
      %dma_wait3A_85 = tpu.memref_squeeze %dma_wait3A_84 : memref<1x40x128xf32, #tpu.memory_space<hbm>> -> memref<40x128xf32, #tpu.memory_space<hbm>>
      tpu.wait_dma2 semaphore(%arg12 : memref<!tpu.dma_semaphore, #tpu.memory_space<semaphore_mem>>) src(%dma_wait3A_85 : memref<40x128xf32, #tpu.memory_space<hbm>>) dst(%arg9 : memref<40x128xf32, #tpu.memory_space<vmem>>)
      %scan3A_86 = arith.constant 0 : i32
      %scan3A_87 = arith.constant 0 : i32
      %scan3A_88 = arith.constant 40 : i32
      %scan3A_89 = arith.addi %scan3A_87, %scan3A_88 : i32
      %scan3A_90 = arith.constant 1 : i32
      %scan3A_91 = scf.for %scan3A_115 = %scan3A_87 to %scan3A_89 step %scan3A_90 iter_args(%scan3A_116 = %scan3A_86) -> (i32)  : i32 {
        %get3A = arith.index_cast %scan3A_115 : i32 to index
        %get3A_117 = arith.constant 0 : index
        %get3A_118 = tpu.vector_load %arg8[%get3A, %get3A_117] {strides = array<i32>} : memref<40x128xi32, #tpu.memory_space<vmem>>, vector<1x16xi32>,
        %get3A_119 = vector.shape_cast %get3A_118 : vector<1x16xi32> to vector<16xi32>
        %add3A = vector.broadcast %mul3A_38 : i32 to vector<16xi32>
        %add3A_120 = arith.addi %get3A_119, %add3A : vector<16xi32>
        %swap3A = arith.index_cast %scan3A_115 : i32 to index
        %swap3A_121 = arith.constant 0 : index
        %swap3A_122 = tpu.vector_load %arg8[%swap3A, %swap3A_121] {strides = array<i32>} : memref<40x128xi32, #tpu.memory_space<vmem>>, vector<1x16xi32>,
        %swap3A_123 = vector.shape_cast %swap3A_122 : vector<1x16xi32> to vector<16xi32>
        %swap3A_124 = vector.shape_cast %add3A_120 : vector<16xi32> to vector<1x16xi32>
        tpu.vector_store %arg8[%swap3A, %swap3A_121], %swap3A_124 {strides = array<i32>} : memref<40x128xi32, #tpu.memory_space<vmem>>, vector<1x16xi32>,
        %get3A_125 = arith.index_cast %scan3A_115 : i32 to index
        %get3A_126 = arith.constant 16 : index
        %get3A_127 = tpu.vector_load %arg8[%get3A_125, %get3A_126] {strides = array<i32>} : memref<40x128xi32, #tpu.memory_space<vmem>>, vector<1x16xi32>,
        %get3A_128 = vector.shape_cast %get3A_127 : vector<1x16xi32> to vector<16xi32>
        %add3A_129 = vector.broadcast %mul3A_38 : i32 to vector<16xi32>
        %add3A_130 = arith.addi %get3A_128, %add3A_129 : vector<16xi32>
        %swap3A_131 = arith.index_cast %scan3A_115 : i32 to index
        %swap3A_132 = arith.constant 16 : index
        %swap3A_133 = tpu.vector_load %arg8[%swap3A_131, %swap3A_132] {strides = array<i32>} : memref<40x128xi32, #tpu.memory_space<vmem>>, vector<1x16xi32>,
        %swap3A_134 = vector.shape_cast %swap3A_133 : vector<1x16xi32> to vector<16xi32>
        %swap3A_135 = vector.shape_cast %add3A_130 : vector<16xi32> to vector<1x16xi32>
        tpu.vector_store %arg8[%swap3A_131, %swap3A_132], %swap3A_135 {strides = array<i32>} : memref<40x128xi32, #tpu.memory_space<vmem>>, vector<1x16xi32>,
        %get3A_136 = arith.index_cast %scan3A_115 : i32 to index
        %get3A_137 = arith.constant 32 : index
        %get3A_138 = tpu.vector_load %arg8[%get3A_136, %get3A_137] {strides = array<i32>} : memref<40x128xi32, #tpu.memory_space<vmem>>, vector<1x16xi32>,
        %get3A_139 = vector.shape_cast %get3A_138 : vector<1x16xi32> to vector<16xi32>
        %add3A_140 = vector.broadcast %mul3A_38 : i32 to vector<16xi32>
        %add3A_141 = arith.addi %get3A_139, %add3A_140 : vector<16xi32>
        %swap3A_142 = arith.index_cast %scan3A_115 : i32 to index
        %swap3A_143 = arith.constant 32 : index
        %swap3A_144 = tpu.vector_load %arg8[%swap3A_142, %swap3A_143] {strides = array<i32>} : memref<40x128xi32, #tpu.memory_space<vmem>>, vector<1x16xi32>,
        %swap3A_145 = vector.shape_cast %swap3A_144 : vector<1x16xi32> to vector<16xi32>
        %swap3A_146 = vector.shape_cast %add3A_141 : vector<16xi32> to vector<1x16xi32>
        tpu.vector_store %arg8[%swap3A_142, %swap3A_143], %swap3A_146 {strides = array<i32>} : memref<40x128xi32, #tpu.memory_space<vmem>>, vector<1x16xi32>,
        %get3A_147 = arith.index_cast %scan3A_115 : i32 to index
        %get3A_148 = arith.constant 48 : index
        %get3A_149 = tpu.vector_load %arg8[%get3A_147, %get3A_148] {strides = array<i32>} : memref<40x128xi32, #tpu.memory_space<vmem>>, vector<1x16xi32>,
        %get3A_150 = vector.shape_cast %get3A_149 : vector<1x16xi32> to vector<16xi32>
        %add3A_151 = vector.broadcast %mul3A_38 : i32 to vector<16xi32>
        %add3A_152 = arith.addi %get3A_150, %add3A_151 : vector<16xi32>
        %swap3A_153 = arith.index_cast %scan3A_115 : i32 to index
        %swap3A_154 = arith.constant 48 : index
        %swap3A_155 = tpu.vector_load %arg8[%swap3A_153, %swap3A_154] {strides = array<i32>} : memref<40x128xi32, #tpu.memory_space<vmem>>, vector<1x16xi32>,
        %swap3A_156 = vector.shape_cast %swap3A_155 : vector<1x16xi32> to vector<16xi32>
        %swap3A_157 = vector.shape_cast %add3A_152 : vector<16xi32> to vector<1x16xi32>
        tpu.vector_store %arg8[%swap3A_153, %swap3A_154], %swap3A_157 {strides = array<i32>} : memref<40x128xi32, #tpu.memory_space<vmem>>, vector<1x16xi32>,
        %get3A_158 = arith.index_cast %scan3A_115 : i32 to index
        %get3A_159 = arith.constant 64 : index
        %get3A_160 = tpu.vector_load %arg8[%get3A_158, %get3A_159] {strides = array<i32>} : memref<40x128xi32, #tpu.memory_space<vmem>>, vector<1x16xi32>,
        %get3A_161 = vector.shape_cast %get3A_160 : vector<1x16xi32> to vector<16xi32>
        %add3A_162 = vector.broadcast %mul3A_38 : i32 to vector<16xi32>
        %add3A_163 = arith.addi %get3A_161, %add3A_162 : vector<16xi32>
        %swap3A_164 = arith.index_cast %scan3A_115 : i32 to index
        %swap3A_165 = arith.constant 64 : index
        %swap3A_166 = tpu.vector_load %arg8[%swap3A_164, %swap3A_165] {strides = array<i32>} : memref<40x128xi32, #tpu.memory_space<vmem>>, vector<1x16xi32>,
        %swap3A_167 = vector.shape_cast %swap3A_166 : vector<1x16xi32> to vector<16xi32>
        %swap3A_168 = vector.shape_cast %add3A_163 : vector<16xi32> to vector<1x16xi32>
        tpu.vector_store %arg8[%swap3A_164, %swap3A_165], %swap3A_168 {strides = array<i32>} : memref<40x128xi32, #tpu.memory_space<vmem>>, vector<1x16xi32>,
        %get3A_169 = arith.index_cast %scan3A_115 : i32 to index
        %get3A_170 = arith.constant 80 : index
        %get3A_171 = tpu.vector_load %arg8[%get3A_169, %get3A_170] {strides = array<i32>} : memref<40x128xi32, #tpu.memory_space<vmem>>, vector<1x16xi32>,
        %get3A_172 = vector.shape_cast %get3A_171 : vector<1x16xi32> to vector<16xi32>
        %add3A_173 = vector.broadcast %mul3A_38 : i32 to vector<16xi32>
        %add3A_174 = arith.addi %get3A_172, %add3A_173 : vector<16xi32>
        %swap3A_175 = arith.index_cast %scan3A_115 : i32 to index
        %swap3A_176 = arith.constant 80 : index
        %swap3A_177 = tpu.vector_load %arg8[%swap3A_175, %swap3A_176] {strides = array<i32>} : memref<40x128xi32, #tpu.memory_space<vmem>>, vector<1x16xi32>,
        %swap3A_178 = vector.shape_cast %swap3A_177 : vector<1x16xi32> to vector<16xi32>
        %swap3A_179 = vector.shape_cast %add3A_174 : vector<16xi32> to vector<1x16xi32>
        tpu.vector_store %arg8[%swap3A_175, %swap3A_176], %swap3A_179 {strides = array<i32>} : memref<40x128xi32, #tpu.memory_space<vmem>>, vector<1x16xi32>,
        %get3A_180 = arith.index_cast %scan3A_115 : i32 to index
        %get3A_181 = arith.constant 96 : index
        %get3A_182 = tpu.vector_load %arg8[%get3A_180, %get3A_181] {strides = array<i32>} : memref<40x128xi32, #tpu.memory_space<vmem>>, vector<1x16xi32>,
        %get3A_183 = vector.shape_cast %get3A_182 : vector<1x16xi32> to vector<16xi32>
        %add3A_184 = vector.broadcast %mul3A_38 : i32 to vector<16xi32>
        %add3A_185 = arith.addi %get3A_183, %add3A_184 : vector<16xi32>
        %swap3A_186 = arith.index_cast %scan3A_115 : i32 to index
        %swap3A_187 = arith.constant 96 : index
        %swap3A_188 = tpu.vector_load %arg8[%swap3A_186, %swap3A_187] {strides = array<i32>} : memref<40x128xi32, #tpu.memory_space<vmem>>, vector<1x16xi32>,
        %swap3A_189 = vector.shape_cast %swap3A_188 : vector<1x16xi32> to vector<16xi32>
        %swap3A_190 = vector.shape_cast %add3A_185 : vector<16xi32> to vector<1x16xi32>
        tpu.vector_store %arg8[%swap3A_186, %swap3A_187], %swap3A_190 {strides = array<i32>} : memref<40x128xi32, #tpu.memory_space<vmem>>, vector<1x16xi32>,
        %get3A_191 = arith.index_cast %scan3A_115 : i32 to index
        %get3A_192 = arith.constant 112 : index
        %get3A_193 = tpu.vector_load %arg8[%get3A_191, %get3A_192] {strides = array<i32>} : memref<40x128xi32, #tpu.memory_space<vmem>>, vector<1x16xi32>,
        %get3A_194 = vector.shape_cast %get3A_193 : vector<1x16xi32> to vector<16xi32>
        %add3A_195 = vector.broadcast %mul3A_38 : i32 to vector<16xi32>
        %add3A_196 = arith.addi %get3A_194, %add3A_195 : vector<16xi32>
        %swap3A_197 = arith.index_cast %scan3A_115 : i32 to index
        %swap3A_198 = arith.constant 112 : index
        %swap3A_199 = tpu.vector_load %arg8[%swap3A_197, %swap3A_198] {strides = array<i32>} : memref<40x128xi32, #tpu.memory_space<vmem>>, vector<1x16xi32>,
        %swap3A_200 = vector.shape_cast %swap3A_199 : vector<1x16xi32> to vector<16xi32>
        %swap3A_201 = vector.shape_cast %add3A_196 : vector<16xi32> to vector<1x16xi32>
        tpu.vector_store %arg8[%swap3A_197, %swap3A_198], %swap3A_201 {strides = array<i32>} : memref<40x128xi32, #tpu.memory_space<vmem>>, vector<1x16xi32>,
        %scan3A_202 = arith.constant 0 : i32
        scf.yield %scan3A_202 : i32
      }
      %scan3A_92 = arith.constant 40 : i32
      %dma_start3A_93 = arith.constant 0 : i32
      %dma_start3A_94 = arith.constant 0 : i32
      %dma_start3A_95 = tpu.memref_slice %arg8[%dma_start3A_93, %dma_start3A_94] : memref<40x128xi32, #tpu.memory_space<vmem>> -> memref<1x128xi32, #tpu.memory_space<vmem>>
      %dma_start3A_96 = tpu.memref_squeeze %dma_start3A_95 : memref<1x128xi32, #tpu.memory_space<vmem>> -> memref<128xi32, #tpu.memory_space<vmem>>
      %dma_start3A_97 = arith.constant 0 : i32
      %dma_start3A_98 = arith.constant 0 : i32
      %dma_start3A_99 = tpu.memref_slice %arg2[%dma_start3A_97, %dma_start3A_98] : memref<20000x128xf32, #tpu.memory_space<hbm>> -> memref<20000x128xf32, #tpu.memory_space<hbm>>
      tpu.enqueue_indirect_dma source(%dma_start3A_99 : memref<20000x128xf32, #tpu.memory_space<hbm>>) target(%arg10 : memref<128x128xf32, #tpu.memory_space<vmem>>) offsets(%dma_start3A_96 : memref<128xi32, #tpu.memory_space<vmem>>) semaphore(%arg12 : memref<!tpu.dma_semaphore, #tpu.memory_space<semaphore_mem>>)
      %scan3A_100 = arith.constant 0 : i32
      %scan3A_101 = arith.constant 0 : i32
      %scan3A_102 = arith.constant 20 : i32
      %scan3A_103 = arith.addi %scan3A_101, %scan3A_102 : i32
      %scan3A_104 = arith.constant 1 : i32
      %scan3A_105 = scf.for %scan3A_115 = %scan3A_101 to %scan3A_103 step %scan3A_104 iter_args(%scan3A_116 = %scan3A_100) -> (i32)  : i32 {
        %mul3A_117 = arith.constant 2 : i32
        %mul3A_118 = arith.muli %scan3A_115, %mul3A_117 : i32
        %add3A = arith.constant 0 : i32
        %add3A_119 = arith.addi %mul3A_118, %add3A : i32
        %dma_wait3A_120 = arith.constant 0 : i32
        %dma_wait3A_121 = arith.constant 0 : i32
        %dma_wait3A_122 = tpu.memref_slice %arg8[%dma_wait3A_120, %dma_wait3A_121] : memref<40x128xi32, #tpu.memory_space<vmem>> -> memref<1x128xi32, #tpu.memory_space<vmem>>
        %dma_wait3A_123 = tpu.memref_squeeze %dma_wait3A_122 : memref<1x128xi32, #tpu.memory_space<vmem>> -> memref<128xi32, #tpu.memory_space<vmem>>
        %dma_wait3A_124 = arith.constant 0 : i32
        %dma_wait3A_125 = arith.constant 0 : i32
        %dma_wait3A_126 = tpu.memref_slice %arg2[%dma_wait3A_124, %dma_wait3A_125] : memref<20000x128xf32, #tpu.memory_space<hbm>> -> memref<20000x128xf32, #tpu.memory_space<hbm>>
        tpu.wait_indirect_dma semaphore(%arg12 : memref<!tpu.dma_semaphore, #tpu.memory_space<semaphore_mem>>) src(%dma_wait3A_126 : memref<20000x128xf32, #tpu.memory_space<hbm>>) dst(%arg10 : memref<128x128xf32, #tpu.memory_space<vmem>>)
        %ge3A = arith.constant 1 : i32
        %ge3A_127 = arith.cmpi sge, %add3A_119, %ge3A : i32
        %convert_element_type3A_128 = arith.extui %ge3A_127 : i1 to i32
        %cond3A_129 = arith.constant 0 : i32
        %cond3A_130 = arith.cmpi ne, %convert_element_type3A_128, %cond3A_129 : i32
        scf.if %cond3A_130 {
          %dma_wait3A_179 = arith.constant 0 : i32
          %dma_wait3A_180 = arith.constant 0 : i32
          %dma_wait3A_181 = tpu.memref_slice %arg7[%dma_wait3A_179, %dma_wait3A_180] : memref<40x128xi32, #tpu.memory_space<vmem>> -> memref<1x128xi32, #tpu.memory_space<vmem>>
          %dma_wait3A_182 = tpu.memref_squeeze %dma_wait3A_181 : memref<1x128xi32, #tpu.memory_space<vmem>> -> memref<128xi32, #tpu.memory_space<vmem>>
          %dma_wait3A_183 = arith.constant 0 : i32
          %dma_wait3A_184 = arith.constant 0 : i32
          %dma_wait3A_185 = tpu.memref_slice %arg16[%dma_wait3A_183, %dma_wait3A_184] : memref<10000x128xf32, #tpu.memory_space<vmem_shared>> -> memref<10000x128xf32, #tpu.memory_space<vmem_shared>>
          tpu.wait_indirect_dma semaphore(%arg15 : memref<!tpu.dma_semaphore, #tpu.memory_space<semaphore_mem>>) src(%arg11 : memref<128x128xf32, #tpu.memory_space<vmem>>) dst(%dma_wait3A_185 : memref<10000x128xf32, #tpu.memory_space<vmem_shared>>)
        } else {
        }
        %add3A_131 = arith.constant 1 : i32
        %add3A_132 = arith.addi %add3A_119, %add3A_131 : i32
        %lt3A_133 = arith.constant 40 : i32
        %lt3A_134 = arith.cmpi slt, %add3A_132, %lt3A_133 : i32
        %convert_element_type3A_135 = arith.extui %lt3A_134 : i1 to i32
        %cond3A_136 = arith.constant 0 : i32
        %cond3A_137 = arith.cmpi ne, %convert_element_type3A_135, %cond3A_136 : i32
        scf.if %cond3A_137 {
          %add3A_179 = arith.constant 1 : i32
          %add3A_180 = arith.addi %add3A_119, %add3A_179 : i32
          %dma_start3A_181 = arith.constant 0 : i32
          %dma_start3A_182 = tpu.memref_slice %arg8[%add3A_180, %dma_start3A_181] : memref<40x128xi32, #tpu.memory_space<vmem>> -> memref<1x128xi32, #tpu.memory_space<vmem>>
          %dma_start3A_183 = tpu.memref_squeeze %dma_start3A_182 : memref<1x128xi32, #tpu.memory_space<vmem>> -> memref<128xi32, #tpu.memory_space<vmem>>
          %dma_start3A_184 = arith.constant 0 : i32
          %dma_start3A_185 = arith.constant 0 : i32
          %dma_start3A_186 = tpu.memref_slice %arg2[%dma_start3A_184, %dma_start3A_185] : memref<20000x128xf32, #tpu.memory_space<hbm>> -> memref<20000x128xf32, #tpu.memory_space<hbm>>
          tpu.enqueue_indirect_dma source(%dma_start3A_186 : memref<20000x128xf32, #tpu.memory_space<hbm>>) target(%arg11 : memref<128x128xf32, #tpu.memory_space<vmem>>) offsets(%dma_start3A_183 : memref<128xi32, #tpu.memory_space<vmem>>) semaphore(%arg13 : memref<!tpu.dma_semaphore, #tpu.memory_space<semaphore_mem>>)
        } else {
        }
        %parallel_loop3A = arith.constant 0 : i32
        %parallel_loop3A_138 = arith.constant 8 : i32
        %parallel_loop3A_139 = arith.constant 1 : i32
        scf.for %parallel_loop3A_179 = %parallel_loop3A to %parallel_loop3A_138 step %parallel_loop3A_139  : i32 {
          %parallel_loop3A_180 = arith.constant 16 : i32
          %parallel_loop3A_181 = arith.muli %parallel_loop3A_179, %parallel_loop3A_180 : i32
          %parallel_loop3A_182 = tpu.assume_multiple %parallel_loop3A_181, 8 : i32
          %parallel_loop3A_183 = arith.index_cast %add3A_119 : i32 to index
          %parallel_loop3A_184 = arith.index_cast %parallel_loop3A_182 : i32 to index
          %parallel_loop3A_185 = tpu.vector_load %arg9[%parallel_loop3A_183, %parallel_loop3A_184] {strides = array<i32>} : memref<40x128xf32, #tpu.memory_space<vmem>>, vector<1x16xf32>,
          %parallel_loop3A_186 = vector.shape_cast %parallel_loop3A_185 : vector<1x16xf32> to vector<16xf32>
          %parallel_loop3A_187 = arith.constant 0 : i32
          %parallel_loop3A_188 = vector.broadcast %parallel_loop3A_187 : i32 to vector<16xi32>
          %parallel_loop3A_189 = vector.shape_cast %parallel_loop3A_188 : vector<16xi32> to vector<16x1xi32>
          %parallel_loop3A_190 = vector.shape_cast %parallel_loop3A_189 : vector<16x1xi32> to vector<16xi32>
          %parallel_loop3A_191 = tpu.dynamic_gather %parallel_loop3A_186[%parallel_loop3A_190] in [0] : vector<16xf32>, vector<16xi32> -> vector<16xf32>
          %parallel_loop3A_192 = arith.constant 1 : i32
          %parallel_loop3A_193 = vector.broadcast %parallel_loop3A_192 : i32 to vector<16xi32>
          %parallel_loop3A_194 = vector.shape_cast %parallel_loop3A_193 : vector<16xi32> to vector<16x1xi32>
          %parallel_loop3A_195 = vector.shape_cast %parallel_loop3A_194 : vector<16x1xi32> to vector<16xi32>
          %parallel_loop3A_196 = tpu.dynamic_gather %parallel_loop3A_186[%parallel_loop3A_195] in [0] : vector<16xf32>, vector<16xi32> -> vector<16xf32>
          %parallel_loop3A_197 = arith.constant 2 : i32
          %parallel_loop3A_198 = vector.broadcast %parallel_loop3A_197 : i32 to vector<16xi32>
          %parallel_loop3A_199 = vector.shape_cast %parallel_loop3A_198 : vector<16xi32> to vector<16x1xi32>
          %parallel_loop3A_200 = vector.shape_cast %parallel_loop3A_199 : vector<16x1xi32> to vector<16xi32>
          %parallel_loop3A_201 = tpu.dynamic_gather %parallel_loop3A_186[%parallel_loop3A_200] in [0] : vector<16xf32>, vector<16xi32> -> vector<16xf32>
          %parallel_loop3A_202 = arith.constant 3 : i32
          %parallel_loop3A_203 = vector.broadcast %parallel_loop3A_202 : i32 to vector<16xi32>
          %parallel_loop3A_204 = vector.shape_cast %parallel_loop3A_203 : vector<16xi32> to vector<16x1xi32>
          %parallel_loop3A_205 = vector.shape_cast %parallel_loop3A_204 : vector<16x1xi32> to vector<16xi32>
          %parallel_loop3A_206 = tpu.dynamic_gather %parallel_loop3A_186[%parallel_loop3A_205] in [0] : vector<16xf32>, vector<16xi32> -> vector<16xf32>
          %parallel_loop3A_207 = arith.constant 4 : i32
          %parallel_loop3A_208 = vector.broadcast %parallel_loop3A_207 : i32 to vector<16xi32>
          %parallel_loop3A_209 = vector.shape_cast %parallel_loop3A_208 : vector<16xi32> to vector<16x1xi32>
          %parallel_loop3A_210 = vector.shape_cast %parallel_loop3A_209 : vector<16x1xi32> to vector<16xi32>
          %parallel_loop3A_211 = tpu.dynamic_gather %parallel_loop3A_186[%parallel_loop3A_210] in [0] : vector<16xf32>, vector<16xi32> -> vector<16xf32>
          %parallel_loop3A_212 = arith.constant 5 : i32
          %parallel_loop3A_213 = vector.broadcast %parallel_loop3A_212 : i32 to vector<16xi32>
          %parallel_loop3A_214 = vector.shape_cast %parallel_loop3A_213 : vector<16xi32> to vector<16x1xi32>
          %parallel_loop3A_215 = vector.shape_cast %parallel_loop3A_214 : vector<16x1xi32> to vector<16xi32>
          %parallel_loop3A_216 = tpu.dynamic_gather %parallel_loop3A_186[%parallel_loop3A_215] in [0] : vector<16xf32>, vector<16xi32> -> vector<16xf32>
          %parallel_loop3A_217 = arith.constant 6 : i32
          %parallel_loop3A_218 = vector.broadcast %parallel_loop3A_217 : i32 to vector<16xi32>
          %parallel_loop3A_219 = vector.shape_cast %parallel_loop3A_218 : vector<16xi32> to vector<16x1xi32>
          %parallel_loop3A_220 = vector.shape_cast %parallel_loop3A_219 : vector<16x1xi32> to vector<16xi32>
          %parallel_loop3A_221 = tpu.dynamic_gather %parallel_loop3A_186[%parallel_loop3A_220] in [0] : vector<16xf32>, vector<16xi32> -> vector<16xf32>
          %parallel_loop3A_222 = arith.constant 7 : i32
          %parallel_loop3A_223 = vector.broadcast %parallel_loop3A_222 : i32 to vector<16xi32>
          %parallel_loop3A_224 = vector.shape_cast %parallel_loop3A_223 : vector<16xi32> to vector<16x1xi32>
          %parallel_loop3A_225 = vector.shape_cast %parallel_loop3A_224 : vector<16x1xi32> to vector<16xi32>
          %parallel_loop3A_226 = tpu.dynamic_gather %parallel_loop3A_186[%parallel_loop3A_225] in [0] : vector<16xf32>, vector<16xi32> -> vector<16xf32>
          %parallel_loop3A_227 = arith.constant 8 : i32
          %parallel_loop3A_228 = vector.broadcast %parallel_loop3A_227 : i32 to vector<16xi32>
          %parallel_loop3A_229 = vector.shape_cast %parallel_loop3A_228 : vector<16xi32> to vector<16x1xi32>
          %parallel_loop3A_230 = vector.shape_cast %parallel_loop3A_229 : vector<16x1xi32> to vector<16xi32>
          %parallel_loop3A_231 = tpu.dynamic_gather %parallel_loop3A_186[%parallel_loop3A_230] in [0] : vector<16xf32>, vector<16xi32> -> vector<16xf32>
          %parallel_loop3A_232 = arith.constant 9 : i32
          %parallel_loop3A_233 = vector.broadcast %parallel_loop3A_232 : i32 to vector<16xi32>
          %parallel_loop3A_234 = vector.shape_cast %parallel_loop3A_233 : vector<16xi32> to vector<16x1xi32>
          %parallel_loop3A_235 = vector.shape_cast %parallel_loop3A_234 : vector<16x1xi32> to vector<16xi32>
          %parallel_loop3A_236 = tpu.dynamic_gather %parallel_loop3A_186[%parallel_loop3A_235] in [0] : vector<16xf32>, vector<16xi32> -> vector<16xf32>
          %parallel_loop3A_237 = arith.constant 10 : i32
          %parallel_loop3A_238 = vector.broadcast %parallel_loop3A_237 : i32 to vector<16xi32>
          %parallel_loop3A_239 = vector.shape_cast %parallel_loop3A_238 : vector<16xi32> to vector<16x1xi32>
          %parallel_loop3A_240 = vector.shape_cast %parallel_loop3A_239 : vector<16x1xi32> to vector<16xi32>
          %parallel_loop3A_241 = tpu.dynamic_gather %parallel_loop3A_186[%parallel_loop3A_240] in [0] : vector<16xf32>, vector<16xi32> -> vector<16xf32>
          %parallel_loop3A_242 = arith.constant 11 : i32
          %parallel_loop3A_243 = vector.broadcast %parallel_loop3A_242 : i32 to vector<16xi32>
          %parallel_loop3A_244 = vector.shape_cast %parallel_loop3A_243 : vector<16xi32> to vector<16x1xi32>
          %parallel_loop3A_245 = vector.shape_cast %parallel_loop3A_244 : vector<16x1xi32> to vector<16xi32>
          %parallel_loop3A_246 = tpu.dynamic_gather %parallel_loop3A_186[%parallel_loop3A_245] in [0] : vector<16xf32>, vector<16xi32> -> vector<16xf32>
          %parallel_loop3A_247 = arith.constant 12 : i32
          %parallel_loop3A_248 = vector.broadcast %parallel_loop3A_247 : i32 to vector<16xi32>
          %parallel_loop3A_249 = vector.shape_cast %parallel_loop3A_248 : vector<16xi32> to vector<16x1xi32>
          %parallel_loop3A_250 = vector.shape_cast %parallel_loop3A_249 : vector<16x1xi32> to vector<16xi32>
          %parallel_loop3A_251 = tpu.dynamic_gather %parallel_loop3A_186[%parallel_loop3A_250] in [0] : vector<16xf32>, vector<16xi32> -> vector<16xf32>
          %parallel_loop3A_252 = arith.constant 13 : i32
          %parallel_loop3A_253 = vector.broadcast %parallel_loop3A_252 : i32 to vector<16xi32>
          %parallel_loop3A_254 = vector.shape_cast %parallel_loop3A_253 : vector<16xi32> to vector<16x1xi32>
          %parallel_loop3A_255 = vector.shape_cast %parallel_loop3A_254 : vector<16x1xi32> to vector<16xi32>
          %parallel_loop3A_256 = tpu.dynamic_gather %parallel_loop3A_186[%parallel_loop3A_255] in [0] : vector<16xf32>, vector<16xi32> -> vector<16xf32>
          %parallel_loop3A_257 = arith.constant 14 : i32
          %parallel_loop3A_258 = vector.broadcast %parallel_loop3A_257 : i32 to vector<16xi32>
          %parallel_loop3A_259 = vector.shape_cast %parallel_loop3A_258 : vector<16xi32> to vector<16x1xi32>
          %parallel_loop3A_260 = vector.shape_cast %parallel_loop3A_259 : vector<16x1xi32> to vector<16xi32>
          %parallel_loop3A_261 = tpu.dynamic_gather %parallel_loop3A_186[%parallel_loop3A_260] in [0] : vector<16xf32>, vector<16xi32> -> vector<16xf32>
          %parallel_loop3A_262 = arith.constant 15 : i32
          %parallel_loop3A_263 = vector.broadcast %parallel_loop3A_262 : i32 to vector<16xi32>
          %parallel_loop3A_264 = vector.shape_cast %parallel_loop3A_263 : vector<16xi32> to vector<16x1xi32>
          %parallel_loop3A_265 = vector.shape_cast %parallel_loop3A_264 : vector<16x1xi32> to vector<16xi32>
          %parallel_loop3A_266 = tpu.dynamic_gather %parallel_loop3A_186[%parallel_loop3A_265] in [0] : vector<16xf32>, vector<16xi32> -> vector<16xf32>
          %parallel_loop3A_267 = arith.constant 0 : i32
          %parallel_loop3A_268 = arith.addi %parallel_loop3A_182, %parallel_loop3A_267 : i32
          %parallel_loop3A_269 = arith.index_cast %parallel_loop3A_268 : i32 to index
          %parallel_loop3A_270 = arith.constant 0 : index
          %parallel_loop3A_271 = tpu.vector_load %arg10[%parallel_loop3A_269, %parallel_loop3A_270] {strides = array<i32>} : memref<128x128xf32, #tpu.memory_space<vmem>>, vector<1x16xf32>,
          %parallel_loop3A_272 = vector.shape_cast %parallel_loop3A_271 : vector<1x16xf32> to vector<16xf32>
          %parallel_loop3A_273 = arith.mulf %parallel_loop3A_272, %parallel_loop3A_191 : vector<16xf32>
          %parallel_loop3A_274 = arith.index_cast %parallel_loop3A_268 : i32 to index
          %parallel_loop3A_275 = arith.constant 0 : index
          %parallel_loop3A_276 = tpu.vector_load %arg10[%parallel_loop3A_274, %parallel_loop3A_275] {strides = array<i32>} : memref<128x128xf32, #tpu.memory_space<vmem>>, vector<1x16xf32>,
          %parallel_loop3A_277 = vector.shape_cast %parallel_loop3A_276 : vector<1x16xf32> to vector<16xf32>
          %parallel_loop3A_278 = vector.shape_cast %parallel_loop3A_273 : vector<16xf32> to vector<1x16xf32>
          tpu.vector_store %arg10[%parallel_loop3A_274, %parallel_loop3A_275], %parallel_loop3A_278 {strides = array<i32>} : memref<128x128xf32, #tpu.memory_space<vmem>>, vector<1x16xf32>,
          %parallel_loop3A_279 = arith.index_cast %parallel_loop3A_268 : i32 to index
          %parallel_loop3A_280 = arith.constant 16 : index
          %parallel_loop3A_281 = tpu.vector_load %arg10[%parallel_loop3A_279, %parallel_loop3A_280] {strides = array<i32>} : memref<128x128xf32, #tpu.memory_space<vmem>>, vector<1x16xf32>,
          %parallel_loop3A_282 = vector.shape_cast %parallel_loop3A_281 : vector<1x16xf32> to vector<16xf32>
          %parallel_loop3A_283 = arith.mulf %parallel_loop3A_282, %parallel_loop3A_191 : vector<16xf32>
          %parallel_loop3A_284 = arith.index_cast %parallel_loop3A_268 : i32 to index
          %parallel_loop3A_285 = arith.constant 16 : index
          %parallel_loop3A_286 = tpu.vector_load %arg10[%parallel_loop3A_284, %parallel_loop3A_285] {strides = array<i32>} : memref<128x128xf32, #tpu.memory_space<vmem>>, vector<1x16xf32>,
          %parallel_loop3A_287 = vector.shape_cast %parallel_loop3A_286 : vector<1x16xf32> to vector<16xf32>
          %parallel_loop3A_288 = vector.shape_cast %parallel_loop3A_283 : vector<16xf32> to vector<1x16xf32>
          tpu.vector_store %arg10[%parallel_loop3A_284, %parallel_loop3A_285], %parallel_loop3A_288 {strides = array<i32>} : memref<128x128xf32, #tpu.memory_space<vmem>>, vector<1x16xf32>,
          %parallel_loop3A_289 = arith.index_cast %parallel_loop3A_268 : i32 to index
          %parallel_loop3A_290 = arith.constant 32 : index
          %parallel_loop3A_291 = tpu.vector_load %arg10[%parallel_loop3A_289, %parallel_loop3A_290] {strides = array<i32>} : memref<128x128xf32, #tpu.memory_space<vmem>>, vector<1x16xf32>,
          %parallel_loop3A_292 = vector.shape_cast %parallel_loop3A_291 : vector<1x16xf32> to vector<16xf32>
          %parallel_loop3A_293 = arith.mulf %parallel_loop3A_292, %parallel_loop3A_191 : vector<16xf32>
          %parallel_loop3A_294 = arith.index_cast %parallel_loop3A_268 : i32 to index
          %parallel_loop3A_295 = arith.constant 32 : index
          %parallel_loop3A_296 = tpu.vector_load %arg10[%parallel_loop3A_294, %parallel_loop3A_295] {strides = array<i32>} : memref<128x128xf32, #tpu.memory_space<vmem>>, vector<1x16xf32>,
          %parallel_loop3A_297 = vector.shape_cast %parallel_loop3A_296 : vector<1x16xf32> to vector<16xf32>
          %parallel_loop3A_298 = vector.shape_cast %parallel_loop3A_293 : vector<16xf32> to vector<1x16xf32>
          tpu.vector_store %arg10[%parallel_loop3A_294, %parallel_loop3A_295], %parallel_loop3A_298 {strides = array<i32>} : memref<128x128xf32, #tpu.memory_space<vmem>>, vector<1x16xf32>,
          %parallel_loop3A_299 = arith.index_cast %parallel_loop3A_268 : i32 to index
          %parallel_loop3A_300 = arith.constant 48 : index
          %parallel_loop3A_301 = tpu.vector_load %arg10[%parallel_loop3A_299, %parallel_loop3A_300] {strides = array<i32>} : memref<128x128xf32, #tpu.memory_space<vmem>>, vector<1x16xf32>,
          %parallel_loop3A_302 = vector.shape_cast %parallel_loop3A_301 : vector<1x16xf32> to vector<16xf32>
          %parallel_loop3A_303 = arith.mulf %parallel_loop3A_302, %parallel_loop3A_191 : vector<16xf32>
          %parallel_loop3A_304 = arith.index_cast %parallel_loop3A_268 : i32 to index
          %parallel_loop3A_305 = arith.constant 48 : index
          %parallel_loop3A_306 = tpu.vector_load %arg10[%parallel_loop3A_304, %parallel_loop3A_305] {strides = array<i32>} : memref<128x128xf32, #tpu.memory_space<vmem>>, vector<1x16xf32>,
          %parallel_loop3A_307 = vector.shape_cast %parallel_loop3A_306 : vector<1x16xf32> to vector<16xf32>
          %parallel_loop3A_308 = vector.shape_cast %parallel_loop3A_303 : vector<16xf32> to vector<1x16xf32>
          tpu.vector_store %arg10[%parallel_loop3A_304, %parallel_loop3A_305], %parallel_loop3A_308 {strides = array<i32>} : memref<128x128xf32, #tpu.memory_space<vmem>>, vector<1x16xf32>,
          %parallel_loop3A_309 = arith.index_cast %parallel_loop3A_268 : i32 to index
          %parallel_loop3A_310 = arith.constant 64 : index
          %parallel_loop3A_311 = tpu.vector_load %arg10[%parallel_loop3A_309, %parallel_loop3A_310] {strides = array<i32>} : memref<128x128xf32, #tpu.memory_space<vmem>>, vector<1x16xf32>,
          %parallel_loop3A_312 = vector.shape_cast %parallel_loop3A_311 : vector<1x16xf32> to vector<16xf32>
          %parallel_loop3A_313 = arith.mulf %parallel_loop3A_312, %parallel_loop3A_191 : vector<16xf32>
          %parallel_loop3A_314 = arith.index_cast %parallel_loop3A_268 : i32 to index
          %parallel_loop3A_315 = arith.constant 64 : index
          %parallel_loop3A_316 = tpu.vector_load %arg10[%parallel_loop3A_314, %parallel_loop3A_315] {strides = array<i32>} : memref<128x128xf32, #tpu.memory_space<vmem>>, vector<1x16xf32>,
          %parallel_loop3A_317 = vector.shape_cast %parallel_loop3A_316 : vector<1x16xf32> to vector<16xf32>
          %parallel_loop3A_318 = vector.shape_cast %parallel_loop3A_313 : vector<16xf32> to vector<1x16xf32>
          tpu.vector_store %arg10[%parallel_loop3A_314, %parallel_loop3A_315], %parallel_loop3A_318 {strides = array<i32>} : memref<128x128xf32, #tpu.memory_space<vmem>>, vector<1x16xf32>,
          %parallel_loop3A_319 = arith.index_cast %parallel_loop3A_268 : i32 to index
          %parallel_loop3A_320 = arith.constant 80 : index
          %parallel_loop3A_321 = tpu.vector_load %arg10[%parallel_loop3A_319, %parallel_loop3A_320] {strides = array<i32>} : memref<128x128xf32, #tpu.memory_space<vmem>>, vector<1x16xf32>,
          %parallel_loop3A_322 = vector.shape_cast %parallel_loop3A_321 : vector<1x16xf32> to vector<16xf32>
          %parallel_loop3A_323 = arith.mulf %parallel_loop3A_322, %parallel_loop3A_191 : vector<16xf32>
          %parallel_loop3A_324 = arith.index_cast %parallel_loop3A_268 : i32 to index
          %parallel_loop3A_325 = arith.constant 80 : index
          %parallel_loop3A_326 = tpu.vector_load %arg10[%parallel_loop3A_324, %parallel_loop3A_325] {strides = array<i32>} : memref<128x128xf32, #tpu.memory_space<vmem>>, vector<1x16xf32>,
          %parallel_loop3A_327 = vector.shape_cast %parallel_loop3A_326 : vector<1x16xf32> to vector<16xf32>
          %parallel_loop3A_328 = vector.shape_cast %parallel_loop3A_323 : vector<16xf32> to vector<1x16xf32>
          tpu.vector_store %arg10[%parallel_loop3A_324, %parallel_loop3A_325], %parallel_loop3A_328 {strides = array<i32>} : memref<128x128xf32, #tpu.memory_space<vmem>>, vector<1x16xf32>,
          %parallel_loop3A_329 = arith.index_cast %parallel_loop3A_268 : i32 to index
          %parallel_loop3A_330 = arith.constant 96 : index
          %parallel_loop3A_331 = tpu.vector_load %arg10[%parallel_loop3A_329, %parallel_loop3A_330] {strides = array<i32>} : memref<128x128xf32, #tpu.memory_space<vmem>>, vector<1x16xf32>,
          %parallel_loop3A_332 = vector.shape_cast %parallel_loop3A_331 : vector<1x16xf32> to vector<16xf32>
          %parallel_loop3A_333 = arith.mulf %parallel_loop3A_332, %parallel_loop3A_191 : vector<16xf32>
          %parallel_loop3A_334 = arith.index_cast %parallel_loop3A_268 : i32 to index
          %parallel_loop3A_335 = arith.constant 96 : index
          %parallel_loop3A_336 = tpu.vector_load %arg10[%parallel_loop3A_334, %parallel_loop3A_335] {strides = array<i32>} : memref<128x128xf32, #tpu.memory_space<vmem>>, vector<1x16xf32>,
          %parallel_loop3A_337 = vector.shape_cast %parallel_loop3A_336 : vector<1x16xf32> to vector<16xf32>
          %parallel_loop3A_338 = vector.shape_cast %parallel_loop3A_333 : vector<16xf32> to vector<1x16xf32>
          tpu.vector_store %arg10[%parallel_loop3A_334, %parallel_loop3A_335], %parallel_loop3A_338 {strides = array<i32>} : memref<128x128xf32, #tpu.memory_space<vmem>>, vector<1x16xf32>,
          %parallel_loop3A_339 = arith.index_cast %parallel_loop3A_268 : i32 to index
          %parallel_loop3A_340 = arith.constant 112 : index
          %parallel_loop3A_341 = tpu.vector_load %arg10[%parallel_loop3A_339, %parallel_loop3A_340] {strides = array<i32>} : memref<128x128xf32, #tpu.memory_space<vmem>>, vector<1x16xf32>,
          %parallel_loop3A_342 = vector.shape_cast %parallel_loop3A_341 : vector<1x16xf32> to vector<16xf32>
          %parallel_loop3A_343 = arith.mulf %parallel_loop3A_342, %parallel_loop3A_191 : vector<16xf32>
          %parallel_loop3A_344 = arith.index_cast %parallel_loop3A_268 : i32 to index
          %parallel_loop3A_345 = arith.constant 112 : index
          %parallel_loop3A_346 = tpu.vector_load %arg10[%parallel_loop3A_344, %parallel_loop3A_345] {strides = array<i32>} : memref<128x128xf32, #tpu.memory_space<vmem>>, vector<1x16xf32>,
          %parallel_loop3A_347 = vector.shape_cast %parallel_loop3A_346 : vector<1x16xf32> to vector<16xf32>
          %parallel_loop3A_348 = vector.shape_cast %parallel_loop3A_343 : vector<16xf32> to vector<1x16xf32>
          tpu.vector_store %arg10[%parallel_loop3A_344, %parallel_loop3A_345], %parallel_loop3A_348 {strides = array<i32>} : memref<128x128xf32, #tpu.memory_space<vmem>>, vector<1x16xf32>,
          %parallel_loop3A_349 = arith.constant 1 : i32
          %parallel_loop3A_350 = arith.addi %parallel_loop3A_182, %parallel_loop3A_349 : i32
          %parallel_loop3A_351 = arith.index_cast %parallel_loop3A_350 : i32 to index
          %parallel_loop3A_352 = arith.constant 0 : index
          %parallel_loop3A_353 = tpu.vector_load %arg10[%parallel_loop3A_351, %parallel_loop3A_352] {strides = array<i32>} : memref<128x128xf32, #tpu.memory_space<vmem>>, vector<1x16xf32>,
          %parallel_loop3A_354 = vector.shape_cast %parallel_loop3A_353 : vector<1x16xf32> to vector<16xf32>
          %parallel_loop3A_355 = arith.mulf %parallel_loop3A_354, %parallel_loop3A_196 : vector<16xf32>
          %parallel_loop3A_356 = arith.index_cast %parallel_loop3A_350 : i32 to index
          %parallel_loop3A_357 = arith.constant 0 : index
          %parallel_loop3A_358 = tpu.vector_load %arg10[%parallel_loop3A_356, %parallel_loop3A_357] {strides = array<i32>} : memref<128x128xf32, #tpu.memory_space<vmem>>, vector<1x16xf32>,
          %parallel_loop3A_359 = vector.shape_cast %parallel_loop3A_358 : vector<1x16xf32> to vector<16xf32>
          %parallel_loop3A_360 = vector.shape_cast %parallel_loop3A_355 : vector<16xf32> to vector<1x16xf32>
          tpu.vector_store %arg10[%parallel_loop3A_356, %parallel_loop3A_357], %parallel_loop3A_360 {strides = array<i32>} : memref<128x128xf32, #tpu.memory_space<vmem>>, vector<1x16xf32>,
          %parallel_loop3A_361 = arith.index_cast %parallel_loop3A_350 : i32 to index
          %parallel_loop3A_362 = arith.constant 16 : index
          %parallel_loop3A_363 = tpu.vector_load %arg10[%parallel_loop3A_361, %parallel_loop3A_362] {strides = array<i32>} : memref<128x128xf32, #tpu.memory_space<vmem>>, vector<1x16xf32>,
          %parallel_loop3A_364 = vector.shape_cast %parallel_loop3A_363 : vector<1x16xf32> to vector<16xf32>
          %parallel_loop3A_365 = arith.mulf %parallel_loop3A_364, %parallel_loop3A_196 : vector<16xf32>
          %parallel_loop3A_366 = arith.index_cast %parallel_loop3A_350 : i32 to index
          %parallel_loop3A_367 = arith.constant 16 : index
          %parallel_loop3A_368 = tpu.vector_load %arg10[%parallel_loop3A_366, %parallel_loop3A_367] {strides = array<i32>} : memref<128x128xf32, #tpu.memory_space<vmem>>, vector<1x16xf32>,
          %parallel_loop3A_369 = vector.shape_cast %parallel_loop3A_368 : vector<1x16xf32> to vector<16xf32>
          %parallel_loop3A_370 = vector.shape_cast %parallel_loop3A_365 : vector<16xf32> to vector<1x16xf32>
          tpu.vector_store %arg10[%parallel_loop3A_366, %parallel_loop3A_367], %parallel_loop3A_370 {strides = array<i32>} : memref<128x128xf32, #tpu.memory_space<vmem>>, vector<1x16xf32>,
          %parallel_loop3A_371 = arith.index_cast %parallel_loop3A_350 : i32 to index
          %parallel_loop3A_372 = arith.constant 32 : index
          %parallel_loop3A_373 = tpu.vector_load %arg10[%parallel_loop3A_371, %parallel_loop3A_372] {strides = array<i32>} : memref<128x128xf32, #tpu.memory_space<vmem>>, vector<1x16xf32>,
          %parallel_loop3A_374 = vector.shape_cast %parallel_loop3A_373 : vector<1x16xf32> to vector<16xf32>
          %parallel_loop3A_375 = arith.mulf %parallel_loop3A_374, %parallel_loop3A_196 : vector<16xf32>
          %parallel_loop3A_376 = arith.index_cast %parallel_loop3A_350 : i32 to index
          %parallel_loop3A_377 = arith.constant 32 : index
          %parallel_loop3A_378 = tpu.vector_load %arg10[%parallel_loop3A_376, %parallel_loop3A_377] {strides = array<i32>} : memref<128x128xf32, #tpu.memory_space<vmem>>, vector<1x16xf32>,
          %parallel_loop3A_379 = vector.shape_cast %parallel_loop3A_378 : vector<1x16xf32> to vector<16xf32>
          %parallel_loop3A_380 = vector.shape_cast %parallel_loop3A_375 : vector<16xf32> to vector<1x16xf32>
          tpu.vector_store %arg10[%parallel_loop3A_376, %parallel_loop3A_377], %parallel_loop3A_380 {strides = array<i32>} : memref<128x128xf32, #tpu.memory_space<vmem>>, vector<1x16xf32>,
          %parallel_loop3A_381 = arith.index_cast %parallel_loop3A_350 : i32 to index
          %parallel_loop3A_382 = arith.constant 48 : index
          %parallel_loop3A_383 = tpu.vector_load %arg10[%parallel_loop3A_381, %parallel_loop3A_382] {strides = array<i32>} : memref<128x128xf32, #tpu.memory_space<vmem>>, vector<1x16xf32>,
          %parallel_loop3A_384 = vector.shape_cast %parallel_loop3A_383 : vector<1x16xf32> to vector<16xf32>
          %parallel_loop3A_385 = arith.mulf %parallel_loop3A_384, %parallel_loop3A_196 : vector<16xf32>
          %parallel_loop3A_386 = arith.index_cast %parallel_loop3A_350 : i32 to index
          %parallel_loop3A_387 = arith.constant 48 : index
          %parallel_loop3A_388 = tpu.vector_load %arg10[%parallel_loop3A_386, %parallel_loop3A_387] {strides = array<i32>} : memref<128x128xf32, #tpu.memory_space<vmem>>, vector<1x16xf32>,
          %parallel_loop3A_389 = vector.shape_cast %parallel_loop3A_388 : vector<1x16xf32> to vector<16xf32>
          %parallel_loop3A_390 = vector.shape_cast %parallel_loop3A_385 : vector<16xf32> to vector<1x16xf32>
          tpu.vector_store %arg10[%parallel_loop3A_386, %parallel_loop3A_387], %parallel_loop3A_390 {strides = array<i32>} : memref<128x128xf32, #tpu.memory_space<vmem>>, vector<1x16xf32>,
          %parallel_loop3A_391 = arith.index_cast %parallel_loop3A_350 : i32 to index
          %parallel_loop3A_392 = arith.constant 64 : index
          %parallel_loop3A_393 = tpu.vector_load %arg10[%parallel_loop3A_391, %parallel_loop3A_392] {strides = array<i32>} : memref<128x128xf32, #tpu.memory_space<vmem>>, vector<1x16xf32>,
          %parallel_loop3A_394 = vector.shape_cast %parallel_loop3A_393 : vector<1x16xf32> to vector<16xf32>
          %parallel_loop3A_395 = arith.mulf %parallel_loop3A_394, %parallel_loop3A_196 : vector<16xf32>
          %parallel_loop3A_396 = arith.index_cast %parallel_loop3A_350 : i32 to index
          %parallel_loop3A_397 = arith.constant 64 : index
          %parallel_loop3A_398 = tpu.vector_load %arg10[%parallel_loop3A_396, %parallel_loop3A_397] {strides = array<i32>} : memref<128x128xf32, #tpu.memory_space<vmem>>, vector<1x16xf32>,
          %parallel_loop3A_399 = vector.shape_cast %parallel_loop3A_398 : vector<1x16xf32> to vector<16xf32>
          %parallel_loop3A_400 = vector.shape_cast %parallel_loop3A_395 : vector<16xf32> to vector<1x16xf32>
          tpu.vector_store %arg10[%parallel_loop3A_396, %parallel_loop3A_397], %parallel_loop3A_400 {strides = array<i32>} : memref<128x128xf32, #tpu.memory_space<vmem>>, vector<1x16xf32>,
          %parallel_loop3A_401 = arith.index_cast %parallel_loop3A_350 : i32 to index
          %parallel_loop3A_402 = arith.constant 80 : index
          %parallel_loop3A_403 = tpu.vector_load %arg10[%parallel_loop3A_401, %parallel_loop3A_402] {strides = array<i32>} : memref<128x128xf32, #tpu.memory_space<vmem>>, vector<1x16xf32>,
          %parallel_loop3A_404 = vector.shape_cast %parallel_loop3A_403 : vector<1x16xf32> to vector<16xf32>
          %parallel_loop3A_405 = arith.mulf %parallel_loop3A_404, %parallel_loop3A_196 : vector<16xf32>
          %parallel_loop3A_406 = arith.index_cast %parallel_loop3A_350 : i32 to index
          %parallel_loop3A_407 = arith.constant 80 : index
          %parallel_loop3A_408 = tpu.vector_load %arg10[%parallel_loop3A_406, %parallel_loop3A_407] {strides = array<i32>} : memref<128x128xf32, #tpu.memory_space<vmem>>, vector<1x16xf32>,
          %parallel_loop3A_409 = vector.shape_cast %parallel_loop3A_408 : vector<1x16xf32> to vector<16xf32>
          %parallel_loop3A_410 = vector.shape_cast %parallel_loop3A_405 : vector<16xf32> to vector<1x16xf32>
          tpu.vector_store %arg10[%parallel_loop3A_406, %parallel_loop3A_407], %parallel_loop3A_410 {strides = array<i32>} : memref<128x128xf32, #tpu.memory_space<vmem>>, vector<1x16xf32>,
          %parallel_loop3A_411 = arith.index_cast %parallel_loop3A_350 : i32 to index
          %parallel_loop3A_412 = arith.constant 96 : index
          %parallel_loop3A_413 = tpu.vector_load %arg10[%parallel_loop3A_411, %parallel_loop3A_412] {strides = array<i32>} : memref<128x128xf32, #tpu.memory_space<vmem>>, vector<1x16xf32>,
          %parallel_loop3A_414 = vector.shape_cast %parallel_loop3A_413 : vector<1x16xf32> to vector<16xf32>
          %parallel_loop3A_415 = arith.mulf %parallel_loop3A_414, %parallel_loop3A_196 : vector<16xf32>
          %parallel_loop3A_416 = arith.index_cast %parallel_loop3A_350 : i32 to index
          %parallel_loop3A_417 = arith.constant 96 : index
          %parallel_loop3A_418 = tpu.vector_load %arg10[%parallel_loop3A_416, %parallel_loop3A_417] {strides = array<i32>} : memref<128x128xf32, #tpu.memory_space<vmem>>, vector<1x16xf32>,
          %parallel_loop3A_419 = vector.shape_cast %parallel_loop3A_418 : vector<1x16xf32> to vector<16xf32>
          %parallel_loop3A_420 = vector.shape_cast %parallel_loop3A_415 : vector<16xf32> to vector<1x16xf32>
          tpu.vector_store %arg10[%parallel_loop3A_416, %parallel_loop3A_417], %parallel_loop3A_420 {strides = array<i32>} : memref<128x128xf32, #tpu.memory_space<vmem>>, vector<1x16xf32>,
          %parallel_loop3A_421 = arith.index_cast %parallel_loop3A_350 : i32 to index
          %parallel_loop3A_422 = arith.constant 112 : index
          %parallel_loop3A_423 = tpu.vector_load %arg10[%parallel_loop3A_421, %parallel_loop3A_422] {strides = array<i32>} : memref<128x128xf32, #tpu.memory_space<vmem>>, vector<1x16xf32>,
          %parallel_loop3A_424 = vector.shape_cast %parallel_loop3A_423 : vector<1x16xf32> to vector<16xf32>
          %parallel_loop3A_425 = arith.mulf %parallel_loop3A_424, %parallel_loop3A_196 : vector<16xf32>
          %parallel_loop3A_426 = arith.index_cast %parallel_loop3A_350 : i32 to index
          %parallel_loop3A_427 = arith.constant 112 : index
          %parallel_loop3A_428 = tpu.vector_load %arg10[%parallel_loop3A_426, %parallel_loop3A_427] {strides = array<i32>} : memref<128x128xf32, #tpu.memory_space<vmem>>, vector<1x16xf32>,
          %parallel_loop3A_429 = vector.shape_cast %parallel_loop3A_428 : vector<1x16xf32> to vector<16xf32>
          %parallel_loop3A_430 = vector.shape_cast %parallel_loop3A_425 : vector<16xf32> to vector<1x16xf32>
          tpu.vector_store %arg10[%parallel_loop3A_426, %parallel_loop3A_427], %parallel_loop3A_430 {strides = array<i32>} : memref<128x128xf32, #tpu.memory_space<vmem>>, vector<1x16xf32>,
          %parallel_loop3A_431 = arith.constant 2 : i32
          %parallel_loop3A_432 = arith.addi %parallel_loop3A_182, %parallel_loop3A_431 : i32
          %parallel_loop3A_433 = arith.index_cast %parallel_loop3A_432 : i32 to index
          %parallel_loop3A_434 = arith.constant 0 : index
          %parallel_loop3A_435 = tpu.vector_load %arg10[%parallel_loop3A_433, %parallel_loop3A_434] {strides = array<i32>} : memref<128x128xf32, #tpu.memory_space<vmem>>, vector<1x16xf32>,
          %parallel_loop3A_436 = vector.shape_cast %parallel_loop3A_435 : vector<1x16xf32> to vector<16xf32>
          %parallel_loop3A_437 = arith.mulf %parallel_loop3A_436, %parallel_loop3A_201 : vector<16xf32>
          %parallel_loop3A_438 = arith.index_cast %parallel_loop3A_432 : i32 to index
          %parallel_loop3A_439 = arith.constant 0 : index
          %parallel_loop3A_440 = tpu.vector_load %arg10[%parallel_loop3A_438, %parallel_loop3A_439] {strides = array<i32>} : memref<128x128xf32, #tpu.memory_space<vmem>>, vector<1x16xf32>,
          %parallel_loop3A_441 = vector.shape_cast %parallel_loop3A_440 : vector<1x16xf32> to vector<16xf32>
          %parallel_loop3A_442 = vector.shape_cast %parallel_loop3A_437 : vector<16xf32> to vector<1x16xf32>
          tpu.vector_store %arg10[%parallel_loop3A_438, %parallel_loop3A_439], %parallel_loop3A_442 {strides = array<i32>} : memref<128x128xf32, #tpu.memory_space<vmem>>, vector<1x16xf32>,
          %parallel_loop3A_443 = arith.index_cast %parallel_loop3A_432 : i32 to index
          %parallel_loop3A_444 = arith.constant 16 : index
          %parallel_loop3A_445 = tpu.vector_load %arg10[%parallel_loop3A_443, %parallel_loop3A_444] {strides = array<i32>} : memref<128x128xf32, #tpu.memory_space<vmem>>, vector<1x16xf32>,
          %parallel_loop3A_446 = vector.shape_cast %parallel_loop3A_445 : vector<1x16xf32> to vector<16xf32>
          %parallel_loop3A_447 = arith.mulf %parallel_loop3A_446, %parallel_loop3A_201 : vector<16xf32>
          %parallel_loop3A_448 = arith.index_cast %parallel_loop3A_432 : i32 to index
          %parallel_loop3A_449 = arith.constant 16 : index
          %parallel_loop3A_450 = tpu.vector_load %arg10[%parallel_loop3A_448, %parallel_loop3A_449] {strides = array<i32>} : memref<128x128xf32, #tpu.memory_space<vmem>>, vector<1x16xf32>,
          %parallel_loop3A_451 = vector.shape_cast %parallel_loop3A_450 : vector<1x16xf32> to vector<16xf32>
          %parallel_loop3A_452 = vector.shape_cast %parallel_loop3A_447 : vector<16xf32> to vector<1x16xf32>
          tpu.vector_store %arg10[%parallel_loop3A_448, %parallel_loop3A_449], %parallel_loop3A_452 {strides = array<i32>} : memref<128x128xf32, #tpu.memory_space<vmem>>, vector<1x16xf32>,
          %parallel_loop3A_453 = arith.index_cast %parallel_loop3A_432 : i32 to index
          %parallel_loop3A_454 = arith.constant 32 : index
          %parallel_loop3A_455 = tpu.vector_load %arg10[%parallel_loop3A_453, %parallel_loop3A_454] {strides = array<i32>} : memref<128x128xf32, #tpu.memory_space<vmem>>, vector<1x16xf32>,
          %parallel_loop3A_456 = vector.shape_cast %parallel_loop3A_455 : vector<1x16xf32> to vector<16xf32>
          %parallel_loop3A_457 = arith.mulf %parallel_loop3A_456, %parallel_loop3A_201 : vector<16xf32>
          %parallel_loop3A_458 = arith.index_cast %parallel_loop3A_432 : i32 to index
          %parallel_loop3A_459 = arith.constant 32 : index
          %parallel_loop3A_460 = tpu.vector_load %arg10[%parallel_loop3A_458, %parallel_loop3A_459] {strides = array<i32>} : memref<128x128xf32, #tpu.memory_space<vmem>>, vector<1x16xf32>,
          %parallel_loop3A_461 = vector.shape_cast %parallel_loop3A_460 : vector<1x16xf32> to vector<16xf32>
          %parallel_loop3A_462 = vector.shape_cast %parallel_loop3A_457 : vector<16xf32> to vector<1x16xf32>
          tpu.vector_store %arg10[%parallel_loop3A_458, %parallel_loop3A_459], %parallel_loop3A_462 {strides = array<i32>} : memref<128x128xf32, #tpu.memory_space<vmem>>, vector<1x16xf32>,
          %parallel_loop3A_463 = arith.index_cast %parallel_loop3A_432 : i32 to index
          %parallel_loop3A_464 = arith.constant 48 : index
          %parallel_loop3A_465 = tpu.vector_load %arg10[%parallel_loop3A_463, %parallel_loop3A_464] {strides = array<i32>} : memref<128x128xf32, #tpu.memory_space<vmem>>, vector<1x16xf32>,
          %parallel_loop3A_466 = vector.shape_cast %parallel_loop3A_465 : vector<1x16xf32> to vector<16xf32>
          %parallel_loop3A_467 = arith.mulf %parallel_loop3A_466, %parallel_loop3A_201 : vector<16xf32>
          %parallel_loop3A_468 = arith.index_cast %parallel_loop3A_432 : i32 to index
          %parallel_loop3A_469 = arith.constant 48 : index
          %parallel_loop3A_470 = tpu.vector_load %arg10[%parallel_loop3A_468, %parallel_loop3A_469] {strides = array<i32>} : memref<128x128xf32, #tpu.memory_space<vmem>>, vector<1x16xf32>,
          %parallel_loop3A_471 = vector.shape_cast %parallel_loop3A_470 : vector<1x16xf32> to vector<16xf32>
          %parallel_loop3A_472 = vector.shape_cast %parallel_loop3A_467 : vector<16xf32> to vector<1x16xf32>
          tpu.vector_store %arg10[%parallel_loop3A_468, %parallel_loop3A_469], %parallel_loop3A_472 {strides = array<i32>} : memref<128x128xf32, #tpu.memory_space<vmem>>, vector<1x16xf32>,
          %parallel_loop3A_473 = arith.index_cast %parallel_loop3A_432 : i32 to index
          %parallel_loop3A_474 = arith.constant 64 : index
          %parallel_loop3A_475 = tpu.vector_load %arg10[%parallel_loop3A_473, %parallel_loop3A_474] {strides = array<i32>} : memref<128x128xf32, #tpu.memory_space<vmem>>, vector<1x16xf32>,
          %parallel_loop3A_476 = vector.shape_cast %parallel_loop3A_475 : vector<1x16xf32> to vector<16xf32>
          %parallel_loop3A_477 = arith.mulf %parallel_loop3A_476, %parallel_loop3A_201 : vector<16xf32>
          %parallel_loop3A_478 = arith.index_cast %parallel_loop3A_432 : i32 to index
          %parallel_loop3A_479 = arith.constant 64 : index
          %parallel_loop3A_480 = tpu.vector_load %arg10[%parallel_loop3A_478, %parallel_loop3A_479] {strides = array<i32>} : memref<128x128xf32, #tpu.memory_space<vmem>>, vector<1x16xf32>,
          %parallel_loop3A_481 = vector.shape_cast %parallel_loop3A_480 : vector<1x16xf32> to vector<16xf32>
          %parallel_loop3A_482 = vector.shape_cast %parallel_loop3A_477 : vector<16xf32> to vector<1x16xf32>
          tpu.vector_store %arg10[%parallel_loop3A_478, %parallel_loop3A_479], %parallel_loop3A_482 {strides = array<i32>} : memref<128x128xf32, #tpu.memory_space<vmem>>, vector<1x16xf32>,
          %parallel_loop3A_483 = arith.index_cast %parallel_loop3A_432 : i32 to index
          %parallel_loop3A_484 = arith.constant 80 : index
          %parallel_loop3A_485 = tpu.vector_load %arg10[%parallel_loop3A_483, %parallel_loop3A_484] {strides = array<i32>} : memref<128x128xf32, #tpu.memory_space<vmem>>, vector<1x16xf32>,
          %parallel_loop3A_486 = vector.shape_cast %parallel_loop3A_485 : vector<1x16xf32> to vector<16xf32>
          %parallel_loop3A_487 = arith.mulf %parallel_loop3A_486, %parallel_loop3A_201 : vector<16xf32>
          %parallel_loop3A_488 = arith.index_cast %parallel_loop3A_432 : i32 to index
          %parallel_loop3A_489 = arith.constant 80 : index
          %parallel_loop3A_490 = tpu.vector_load %arg10[%parallel_loop3A_488, %parallel_loop3A_489] {strides = array<i32>} : memref<128x128xf32, #tpu.memory_space<vmem>>, vector<1x16xf32>,
          %parallel_loop3A_491 = vector.shape_cast %parallel_loop3A_490 : vector<1x16xf32> to vector<16xf32>
          %parallel_loop3A_492 = vector.shape_cast %parallel_loop3A_487 : vector<16xf32> to vector<1x16xf32>
          tpu.vector_store %arg10[%parallel_loop3A_488, %parallel_loop3A_489], %parallel_loop3A_492 {strides = array<i32>} : memref<128x128xf32, #tpu.memory_space<vmem>>, vector<1x16xf32>,
          %parallel_loop3A_493 = arith.index_cast %parallel_loop3A_432 : i32 to index
          %parallel_loop3A_494 = arith.constant 96 : index
          %parallel_loop3A_495 = tpu.vector_load %arg10[%parallel_loop3A_493, %parallel_loop3A_494] {strides = array<i32>} : memref<128x128xf32, #tpu.memory_space<vmem>>, vector<1x16xf32>,
          %parallel_loop3A_496 = vector.shape_cast %parallel_loop3A_495 : vector<1x16xf32> to vector<16xf32>
          %parallel_loop3A_497 = arith.mulf %parallel_loop3A_496, %parallel_loop3A_201 : vector<16xf32>
          %parallel_loop3A_498 = arith.index_cast %parallel_loop3A_432 : i32 to index
          %parallel_loop3A_499 = arith.constant 96 : index
          %parallel_loop3A_500 = tpu.vector_load %arg10[%parallel_loop3A_498, %parallel_loop3A_499] {strides = array<i32>} : memref<128x128xf32, #tpu.memory_space<vmem>>, vector<1x16xf32>,
          %parallel_loop3A_501 = vector.shape_cast %parallel_loop3A_500 : vector<1x16xf32> to vector<16xf32>
          %parallel_loop3A_502 = vector.shape_cast %parallel_loop3A_497 : vector<16xf32> to vector<1x16xf32>
          tpu.vector_store %arg10[%parallel_loop3A_498, %parallel_loop3A_499], %parallel_loop3A_502 {strides = array<i32>} : memref<128x128xf32, #tpu.memory_space<vmem>>, vector<1x16xf32>,
          %parallel_loop3A_503 = arith.index_cast %parallel_loop3A_432 : i32 to index
          %parallel_loop3A_504 = arith.constant 112 : index
          %parallel_loop3A_505 = tpu.vector_load %arg10[%parallel_loop3A_503, %parallel_loop3A_504] {strides = array<i32>} : memref<128x128xf32, #tpu.memory_space<vmem>>, vector<1x16xf32>,
          %parallel_loop3A_506 = vector.shape_cast %parallel_loop3A_505 : vector<1x16xf32> to vector<16xf32>
          %parallel_loop3A_507 = arith.mulf %parallel_loop3A_506, %parallel_loop3A_201 : vector<16xf32>
          %parallel_loop3A_508 = arith.index_cast %parallel_loop3A_432 : i32 to index
          %parallel_loop3A_509 = arith.constant 112 : index
          %parallel_loop3A_510 = tpu.vector_load %arg10[%parallel_loop3A_508, %parallel_loop3A_509] {strides = array<i32>} : memref<128x128xf32, #tpu.memory_space<vmem>>, vector<1x16xf32>,
          %parallel_loop3A_511 = vector.shape_cast %parallel_loop3A_510 : vector<1x16xf32> to vector<16xf32>
          %parallel_loop3A_512 = vector.shape_cast %parallel_loop3A_507 : vector<16xf32> to vector<1x16xf32>
          tpu.vector_store %arg10[%parallel_loop3A_508, %parallel_loop3A_509], %parallel_loop3A_512 {strides = array<i32>} : memref<128x128xf32, #tpu.memory_space<vmem>>, vector<1x16xf32>,
          %parallel_loop3A_513 = arith.constant 3 : i32
          %parallel_loop3A_514 = arith.addi %parallel_loop3A_182, %parallel_loop3A_513 : i32
          %parallel_loop3A_515 = arith.index_cast %parallel_loop3A_514 : i32 to index
          %parallel_loop3A_516 = arith.constant 0 : index
          %parallel_loop3A_517 = tpu.vector_load %arg10[%parallel_loop3A_515, %parallel_loop3A_516] {strides = array<i32>} : memref<128x128xf32, #tpu.memory_space<vmem>>, vector<1x16xf32>,
          %parallel_loop3A_518 = vector.shape_cast %parallel_loop3A_517 : vector<1x16xf32> to vector<16xf32>
          %parallel_loop3A_519 = arith.mulf %parallel_loop3A_518, %parallel_loop3A_206 : vector<16xf32>
          %parallel_loop3A_520 = arith.index_cast %parallel_loop3A_514 : i32 to index
          %parallel_loop3A_521 = arith.constant 0 : index
          %parallel_loop3A_522 = tpu.vector_load %arg10[%parallel_loop3A_520, %parallel_loop3A_521] {strides = array<i32>} : memref<128x128xf32, #tpu.memory_space<vmem>>, vector<1x16xf32>,
          %parallel_loop3A_523 = vector.shape_cast %parallel_loop3A_522 : vector<1x16xf32> to vector<16xf32>
          %parallel_loop3A_524 = vector.shape_cast %parallel_loop3A_519 : vector<16xf32> to vector<1x16xf32>
          tpu.vector_store %arg10[%parallel_loop3A_520, %parallel_loop3A_521], %parallel_loop3A_524 {strides = array<i32>} : memref<128x128xf32, #tpu.memory_space<vmem>>, vector<1x16xf32>,
          %parallel_loop3A_525 = arith.index_cast %parallel_loop3A_514 : i32 to index
          %parallel_loop3A_526 = arith.constant 16 : index
          %parallel_loop3A_527 = tpu.vector_load %arg10[%parallel_loop3A_525, %parallel_loop3A_526] {strides = array<i32>} : memref<128x128xf32, #tpu.memory_space<vmem>>, vector<1x16xf32>,
          %parallel_loop3A_528 = vector.shape_cast %parallel_loop3A_527 : vector<1x16xf32> to vector<16xf32>
          %parallel_loop3A_529 = arith.mulf %parallel_loop3A_528, %parallel_loop3A_206 : vector<16xf32>
          %parallel_loop3A_530 = arith.index_cast %parallel_loop3A_514 : i32 to index
          %parallel_loop3A_531 = arith.constant 16 : index
          %parallel_loop3A_532 = tpu.vector_load %arg10[%parallel_loop3A_530, %parallel_loop3A_531] {strides = array<i32>} : memref<128x128xf32, #tpu.memory_space<vmem>>, vector<1x16xf32>,
          %parallel_loop3A_533 = vector.shape_cast %parallel_loop3A_532 : vector<1x16xf32> to vector<16xf32>
          %parallel_loop3A_534 = vector.shape_cast %parallel_loop3A_529 : vector<16xf32> to vector<1x16xf32>
          tpu.vector_store %arg10[%parallel_loop3A_530, %parallel_loop3A_531], %parallel_loop3A_534 {strides = array<i32>} : memref<128x128xf32, #tpu.memory_space<vmem>>, vector<1x16xf32>,
          %parallel_loop3A_535 = arith.index_cast %parallel_loop3A_514 : i32 to index
          %parallel_loop3A_536 = arith.constant 32 : index
          %parallel_loop3A_537 = tpu.vector_load %arg10[%parallel_loop3A_535, %parallel_loop3A_536] {strides = array<i32>} : memref<128x128xf32, #tpu.memory_space<vmem>>, vector<1x16xf32>,
          %parallel_loop3A_538 = vector.shape_cast %parallel_loop3A_537 : vector<1x16xf32> to vector<16xf32>
          %parallel_loop3A_539 = arith.mulf %parallel_loop3A_538, %parallel_loop3A_206 : vector<16xf32>
          %parallel_loop3A_540 = arith.index_cast %parallel_loop3A_514 : i32 to index
          %parallel_loop3A_541 = arith.constant 32 : index
          %parallel_loop3A_542 = tpu.vector_load %arg10[%parallel_loop3A_540, %parallel_loop3A_541] {strides = array<i32>} : memref<128x128xf32, #tpu.memory_space<vmem>>, vector<1x16xf32>,
          %parallel_loop3A_543 = vector.shape_cast %parallel_loop3A_542 : vector<1x16xf32> to vector<16xf32>
          %parallel_loop3A_544 = vector.shape_cast %parallel_loop3A_539 : vector<16xf32> to vector<1x16xf32>
          tpu.vector_store %arg10[%parallel_loop3A_540, %parallel_loop3A_541], %parallel_loop3A_544 {strides = array<i32>} : memref<128x128xf32, #tpu.memory_space<vmem>>, vector<1x16xf32>,
          %parallel_loop3A_545 = arith.index_cast %parallel_loop3A_514 : i32 to index
          %parallel_loop3A_546 = arith.constant 48 : index
          %parallel_loop3A_547 = tpu.vector_load %arg10[%parallel_loop3A_545, %parallel_loop3A_546] {strides = array<i32>} : memref<128x128xf32, #tpu.memory_space<vmem>>, vector<1x16xf32>,
          %parallel_loop3A_548 = vector.shape_cast %parallel_loop3A_547 : vector<1x16xf32> to vector<16xf32>
          %parallel_loop3A_549 = arith.mulf %parallel_loop3A_548, %parallel_loop3A_206 : vector<16xf32>
          %parallel_loop3A_550 = arith.index_cast %parallel_loop3A_514 : i32 to index
          %parallel_loop3A_551 = arith.constant 48 : index
          %parallel_loop3A_552 = tpu.vector_load %arg10[%parallel_loop3A_550, %parallel_loop3A_551] {strides = array<i32>} : memref<128x128xf32, #tpu.memory_space<vmem>>, vector<1x16xf32>,
          %parallel_loop3A_553 = vector.shape_cast %parallel_loop3A_552 : vector<1x16xf32> to vector<16xf32>
          %parallel_loop3A_554 = vector.shape_cast %parallel_loop3A_549 : vector<16xf32> to vector<1x16xf32>
          tpu.vector_store %arg10[%parallel_loop3A_550, %parallel_loop3A_551], %parallel_loop3A_554 {strides = array<i32>} : memref<128x128xf32, #tpu.memory_space<vmem>>, vector<1x16xf32>,
          %parallel_loop3A_555 = arith.index_cast %parallel_loop3A_514 : i32 to index
          %parallel_loop3A_556 = arith.constant 64 : index
          %parallel_loop3A_557 = tpu.vector_load %arg10[%parallel_loop3A_555, %parallel_loop3A_556] {strides = array<i32>} : memref<128x128xf32, #tpu.memory_space<vmem>>, vector<1x16xf32>,
          %parallel_loop3A_558 = vector.shape_cast %parallel_loop3A_557 : vector<1x16xf32> to vector<16xf32>
          %parallel_loop3A_559 = arith.mulf %parallel_loop3A_558, %parallel_loop3A_206 : vector<16xf32>
          %parallel_loop3A_560 = arith.index_cast %parallel_loop3A_514 : i32 to index
          %parallel_loop3A_561 = arith.constant 64 : index
          %parallel_loop3A_562 = tpu.vector_load %arg10[%parallel_loop3A_560, %parallel_loop3A_561] {strides = array<i32>} : memref<128x128xf32, #tpu.memory_space<vmem>>, vector<1x16xf32>,
          %parallel_loop3A_563 = vector.shape_cast %parallel_loop3A_562 : vector<1x16xf32> to vector<16xf32>
          %parallel_loop3A_564 = vector.shape_cast %parallel_loop3A_559 : vector<16xf32> to vector<1x16xf32>
          tpu.vector_store %arg10[%parallel_loop3A_560, %parallel_loop3A_561], %parallel_loop3A_564 {strides = array<i32>} : memref<128x128xf32, #tpu.memory_space<vmem>>, vector<1x16xf32>,
          %parallel_loop3A_565 = arith.index_cast %parallel_loop3A_514 : i32 to index
          %parallel_loop3A_566 = arith.constant 80 : index
          %parallel_loop3A_567 = tpu.vector_load %arg10[%parallel_loop3A_565, %parallel_loop3A_566] {strides = array<i32>} : memref<128x128xf32, #tpu.memory_space<vmem>>, vector<1x16xf32>,
          %parallel_loop3A_568 = vector.shape_cast %parallel_loop3A_567 : vector<1x16xf32> to vector<16xf32>
          %parallel_loop3A_569 = arith.mulf %parallel_loop3A_568, %parallel_loop3A_206 : vector<16xf32>
          %parallel_loop3A_570 = arith.index_cast %parallel_loop3A_514 : i32 to index
          %parallel_loop3A_571 = arith.constant 80 : index
          %parallel_loop3A_572 = tpu.vector_load %arg10[%parallel_loop3A_570, %parallel_loop3A_571] {strides = array<i32>} : memref<128x128xf32, #tpu.memory_space<vmem>>, vector<1x16xf32>,
          %parallel_loop3A_573 = vector.shape_cast %parallel_loop3A_572 : vector<1x16xf32> to vector<16xf32>
          %parallel_loop3A_574 = vector.shape_cast %parallel_loop3A_569 : vector<16xf32> to vector<1x16xf32>
          tpu.vector_store %arg10[%parallel_loop3A_570, %parallel_loop3A_571], %parallel_loop3A_574 {strides = array<i32>} : memref<128x128xf32, #tpu.memory_space<vmem>>, vector<1x16xf32>,
          %parallel_loop3A_575 = arith.index_cast %parallel_loop3A_514 : i32 to index
          %parallel_loop3A_576 = arith.constant 96 : index
          %parallel_loop3A_577 = tpu.vector_load %arg10[%parallel_loop3A_575, %parallel_loop3A_576] {strides = array<i32>} : memref<128x128xf32, #tpu.memory_space<vmem>>, vector<1x16xf32>,
          %parallel_loop3A_578 = vector.shape_cast %parallel_loop3A_577 : vector<1x16xf32> to vector<16xf32>
          %parallel_loop3A_579 = arith.mulf %parallel_loop3A_578, %parallel_loop3A_206 : vector<16xf32>
          %parallel_loop3A_580 = arith.index_cast %parallel_loop3A_514 : i32 to index
          %parallel_loop3A_581 = arith.constant 96 : index
          %parallel_loop3A_582 = tpu.vector_load %arg10[%parallel_loop3A_580, %parallel_loop3A_581] {strides = array<i32>} : memref<128x128xf32, #tpu.memory_space<vmem>>, vector<1x16xf32>,
          %parallel_loop3A_583 = vector.shape_cast %parallel_loop3A_582 : vector<1x16xf32> to vector<16xf32>
          %parallel_loop3A_584 = vector.shape_cast %parallel_loop3A_579 : vector<16xf32> to vector<1x16xf32>
          tpu.vector_store %arg10[%parallel_loop3A_580, %parallel_loop3A_581], %parallel_loop3A_584 {strides = array<i32>} : memref<128x128xf32, #tpu.memory_space<vmem>>, vector<1x16xf32>,
          %parallel_loop3A_585 = arith.index_cast %parallel_loop3A_514 : i32 to index
          %parallel_loop3A_586 = arith.constant 112 : index
          %parallel_loop3A_587 = tpu.vector_load %arg10[%parallel_loop3A_585, %parallel_loop3A_586] {strides = array<i32>} : memref<128x128xf32, #tpu.memory_space<vmem>>, vector<1x16xf32>,
          %parallel_loop3A_588 = vector.shape_cast %parallel_loop3A_587 : vector<1x16xf32> to vector<16xf32>
          %parallel_loop3A_589 = arith.mulf %parallel_loop3A_588, %parallel_loop3A_206 : vector<16xf32>
          %parallel_loop3A_590 = arith.index_cast %parallel_loop3A_514 : i32 to index
          %parallel_loop3A_591 = arith.constant 112 : index
          %parallel_loop3A_592 = tpu.vector_load %arg10[%parallel_loop3A_590, %parallel_loop3A_591] {strides = array<i32>} : memref<128x128xf32, #tpu.memory_space<vmem>>, vector<1x16xf32>,
          %parallel_loop3A_593 = vector.shape_cast %parallel_loop3A_592 : vector<1x16xf32> to vector<16xf32>
          %parallel_loop3A_594 = vector.shape_cast %parallel_loop3A_589 : vector<16xf32> to vector<1x16xf32>
          tpu.vector_store %arg10[%parallel_loop3A_590, %parallel_loop3A_591], %parallel_loop3A_594 {strides = array<i32>} : memref<128x128xf32, #tpu.memory_space<vmem>>, vector<1x16xf32>,
          %parallel_loop3A_595 = arith.constant 4 : i32
          %parallel_loop3A_596 = arith.addi %parallel_loop3A_182, %parallel_loop3A_595 : i32
          %parallel_loop3A_597 = arith.index_cast %parallel_loop3A_596 : i32 to index
          %parallel_loop3A_598 = arith.constant 0 : index
          %parallel_loop3A_599 = tpu.vector_load %arg10[%parallel_loop3A_597, %parallel_loop3A_598] {strides = array<i32>} : memref<128x128xf32, #tpu.memory_space<vmem>>, vector<1x16xf32>,
          %parallel_loop3A_600 = vector.shape_cast %parallel_loop3A_599 : vector<1x16xf32> to vector<16xf32>
          %parallel_loop3A_601 = arith.mulf %parallel_loop3A_600, %parallel_loop3A_211 : vector<16xf32>
          %parallel_loop3A_602 = arith.index_cast %parallel_loop3A_596 : i32 to index
          %parallel_loop3A_603 = arith.constant 0 : index
          %parallel_loop3A_604 = tpu.vector_load %arg10[%parallel_loop3A_602, %parallel_loop3A_603] {strides = array<i32>} : memref<128x128xf32, #tpu.memory_space<vmem>>, vector<1x16xf32>,
          %parallel_loop3A_605 = vector.shape_cast %parallel_loop3A_604 : vector<1x16xf32> to vector<16xf32>
          %parallel_loop3A_606 = vector.shape_cast %parallel_loop3A_601 : vector<16xf32> to vector<1x16xf32>
          tpu.vector_store %arg10[%parallel_loop3A_602, %parallel_loop3A_603], %parallel_loop3A_606 {strides = array<i32>} : memref<128x128xf32, #tpu.memory_space<vmem>>, vector<1x16xf32>,
          %parallel_loop3A_607 = arith.index_cast %parallel_loop3A_596 : i32 to index
          %parallel_loop3A_608 = arith.constant 16 : index
          %parallel_loop3A_609 = tpu.vector_load %arg10[%parallel_loop3A_607, %parallel_loop3A_608] {strides = array<i32>} : memref<128x128xf32, #tpu.memory_space<vmem>>, vector<1x16xf32>,
          %parallel_loop3A_610 = vector.shape_cast %parallel_loop3A_609 : vector<1x16xf32> to vector<16xf32>
          %parallel_loop3A_611 = arith.mulf %parallel_loop3A_610, %parallel_loop3A_211 : vector<16xf32>
          %parallel_loop3A_612 = arith.index_cast %parallel_loop3A_596 : i32 to index
          %parallel_loop3A_613 = arith.constant 16 : index
          %parallel_loop3A_614 = tpu.vector_load %arg10[%parallel_loop3A_612, %parallel_loop3A_613] {strides = array<i32>} : memref<128x128xf32, #tpu.memory_space<vmem>>, vector<1x16xf32>,
          %parallel_loop3A_615 = vector.shape_cast %parallel_loop3A_614 : vector<1x16xf32> to vector<16xf32>
          %parallel_loop3A_616 = vector.shape_cast %parallel_loop3A_611 : vector<16xf32> to vector<1x16xf32>
          tpu.vector_store %arg10[%parallel_loop3A_612, %parallel_loop3A_613], %parallel_loop3A_616 {strides = array<i32>} : memref<128x128xf32, #tpu.memory_space<vmem>>, vector<1x16xf32>,
          %parallel_loop3A_617 = arith.index_cast %parallel_loop3A_596 : i32 to index
          %parallel_loop3A_618 = arith.constant 32 : index
          %parallel_loop3A_619 = tpu.vector_load %arg10[%parallel_loop3A_617, %parallel_loop3A_618] {strides = array<i32>} : memref<128x128xf32, #tpu.memory_space<vmem>>, vector<1x16xf32>,
          %parallel_loop3A_620 = vector.shape_cast %parallel_loop3A_619 : vector<1x16xf32> to vector<16xf32>
          %parallel_loop3A_621 = arith.mulf %parallel_loop3A_620, %parallel_loop3A_211 : vector<16xf32>
          %parallel_loop3A_622 = arith.index_cast %parallel_loop3A_596 : i32 to index
          %parallel_loop3A_623 = arith.constant 32 : index
          %parallel_loop3A_624 = tpu.vector_load %arg10[%parallel_loop3A_622, %parallel_loop3A_623] {strides = array<i32>} : memref<128x128xf32, #tpu.memory_space<vmem>>, vector<1x16xf32>,
          %parallel_loop3A_625 = vector.shape_cast %parallel_loop3A_624 : vector<1x16xf32> to vector<16xf32>
          %parallel_loop3A_626 = vector.shape_cast %parallel_loop3A_621 : vector<16xf32> to vector<1x16xf32>
          tpu.vector_store %arg10[%parallel_loop3A_622, %parallel_loop3A_623], %parallel_loop3A_626 {strides = array<i32>} : memref<128x128xf32, #tpu.memory_space<vmem>>, vector<1x16xf32>,
          %parallel_loop3A_627 = arith.index_cast %parallel_loop3A_596 : i32 to index
          %parallel_loop3A_628 = arith.constant 48 : index
          %parallel_loop3A_629 = tpu.vector_load %arg10[%parallel_loop3A_627, %parallel_loop3A_628] {strides = array<i32>} : memref<128x128xf32, #tpu.memory_space<vmem>>, vector<1x16xf32>,
          %parallel_loop3A_630 = vector.shape_cast %parallel_loop3A_629 : vector<1x16xf32> to vector<16xf32>
          %parallel_loop3A_631 = arith.mulf %parallel_loop3A_630, %parallel_loop3A_211 : vector<16xf32>
          %parallel_loop3A_632 = arith.index_cast %parallel_loop3A_596 : i32 to index
          %parallel_loop3A_633 = arith.constant 48 : index
          %parallel_loop3A_634 = tpu.vector_load %arg10[%parallel_loop3A_632, %parallel_loop3A_633] {strides = array<i32>} : memref<128x128xf32, #tpu.memory_space<vmem>>, vector<1x16xf32>,
          %parallel_loop3A_635 = vector.shape_cast %parallel_loop3A_634 : vector<1x16xf32> to vector<16xf32>
          %parallel_loop3A_636 = vector.shape_cast %parallel_loop3A_631 : vector<16xf32> to vector<1x16xf32>
          tpu.vector_store %arg10[%parallel_loop3A_632, %parallel_loop3A_633], %parallel_loop3A_636 {strides = array<i32>} : memref<128x128xf32, #tpu.memory_space<vmem>>, vector<1x16xf32>,
          %parallel_loop3A_637 = arith.index_cast %parallel_loop3A_596 : i32 to index
          %parallel_loop3A_638 = arith.constant 64 : index
          %parallel_loop3A_639 = tpu.vector_load %arg10[%parallel_loop3A_637, %parallel_loop3A_638] {strides = array<i32>} : memref<128x128xf32, #tpu.memory_space<vmem>>, vector<1x16xf32>,
          %parallel_loop3A_640 = vector.shape_cast %parallel_loop3A_639 : vector<1x16xf32> to vector<16xf32>
          %parallel_loop3A_641 = arith.mulf %parallel_loop3A_640, %parallel_loop3A_211 : vector<16xf32>
          %parallel_loop3A_642 = arith.index_cast %parallel_loop3A_596 : i32 to index
          %parallel_loop3A_643 = arith.constant 64 : index
          %parallel_loop3A_644 = tpu.vector_load %arg10[%parallel_loop3A_642, %parallel_loop3A_643] {strides = array<i32>} : memref<128x128xf32, #tpu.memory_space<vmem>>, vector<1x16xf32>,
          %parallel_loop3A_645 = vector.shape_cast %parallel_loop3A_644 : vector<1x16xf32> to vector<16xf32>
          %parallel_loop3A_646 = vector.shape_cast %parallel_loop3A_641 : vector<16xf32> to vector<1x16xf32>
          tpu.vector_store %arg10[%parallel_loop3A_642, %parallel_loop3A_643], %parallel_loop3A_646 {strides = array<i32>} : memref<128x128xf32, #tpu.memory_space<vmem>>, vector<1x16xf32>,
          %parallel_loop3A_647 = arith.index_cast %parallel_loop3A_596 : i32 to index
          %parallel_loop3A_648 = arith.constant 80 : index
          %parallel_loop3A_649 = tpu.vector_load %arg10[%parallel_loop3A_647, %parallel_loop3A_648] {strides = array<i32>} : memref<128x128xf32, #tpu.memory_space<vmem>>, vector<1x16xf32>,
          %parallel_loop3A_650 = vector.shape_cast %parallel_loop3A_649 : vector<1x16xf32> to vector<16xf32>
          %parallel_loop3A_651 = arith.mulf %parallel_loop3A_650, %parallel_loop3A_211 : vector<16xf32>
          %parallel_loop3A_652 = arith.index_cast %parallel_loop3A_596 : i32 to index
          %parallel_loop3A_653 = arith.constant 80 : index
          %parallel_loop3A_654 = tpu.vector_load %arg10[%parallel_loop3A_652, %parallel_loop3A_653] {strides = array<i32>} : memref<128x128xf32, #tpu.memory_space<vmem>>, vector<1x16xf32>,
          %parallel_loop3A_655 = vector.shape_cast %parallel_loop3A_654 : vector<1x16xf32> to vector<16xf32>
          %parallel_loop3A_656 = vector.shape_cast %parallel_loop3A_651 : vector<16xf32> to vector<1x16xf32>
          tpu.vector_store %arg10[%parallel_loop3A_652, %parallel_loop3A_653], %parallel_loop3A_656 {strides = array<i32>} : memref<128x128xf32, #tpu.memory_space<vmem>>, vector<1x16xf32>,
          %parallel_loop3A_657 = arith.index_cast %parallel_loop3A_596 : i32 to index
          %parallel_loop3A_658 = arith.constant 96 : index
          %parallel_loop3A_659 = tpu.vector_load %arg10[%parallel_loop3A_657, %parallel_loop3A_658] {strides = array<i32>} : memref<128x128xf32, #tpu.memory_space<vmem>>, vector<1x16xf32>,
          %parallel_loop3A_660 = vector.shape_cast %parallel_loop3A_659 : vector<1x16xf32> to vector<16xf32>
          %parallel_loop3A_661 = arith.mulf %parallel_loop3A_660, %parallel_loop3A_211 : vector<16xf32>
          %parallel_loop3A_662 = arith.index_cast %parallel_loop3A_596 : i32 to index
          %parallel_loop3A_663 = arith.constant 96 : index
          %parallel_loop3A_664 = tpu.vector_load %arg10[%parallel_loop3A_662, %parallel_loop3A_663] {strides = array<i32>} : memref<128x128xf32, #tpu.memory_space<vmem>>, vector<1x16xf32>,
          %parallel_loop3A_665 = vector.shape_cast %parallel_loop3A_664 : vector<1x16xf32> to vector<16xf32>
          %parallel_loop3A_666 = vector.shape_cast %parallel_loop3A_661 : vector<16xf32> to vector<1x16xf32>
          tpu.vector_store %arg10[%parallel_loop3A_662, %parallel_loop3A_663], %parallel_loop3A_666 {strides = array<i32>} : memref<128x128xf32, #tpu.memory_space<vmem>>, vector<1x16xf32>,
          %parallel_loop3A_667 = arith.index_cast %parallel_loop3A_596 : i32 to index
          %parallel_loop3A_668 = arith.constant 112 : index
          %parallel_loop3A_669 = tpu.vector_load %arg10[%parallel_loop3A_667, %parallel_loop3A_668] {strides = array<i32>} : memref<128x128xf32, #tpu.memory_space<vmem>>, vector<1x16xf32>,
          %parallel_loop3A_670 = vector.shape_cast %parallel_loop3A_669 : vector<1x16xf32> to vector<16xf32>
          %parallel_loop3A_671 = arith.mulf %parallel_loop3A_670, %parallel_loop3A_211 : vector<16xf32>
          %parallel_loop3A_672 = arith.index_cast %parallel_loop3A_596 : i32 to index
          %parallel_loop3A_673 = arith.constant 112 : index
          %parallel_loop3A_674 = tpu.vector_load %arg10[%parallel_loop3A_672, %parallel_loop3A_673] {strides = array<i32>} : memref<128x128xf32, #tpu.memory_space<vmem>>, vector<1x16xf32>,
          %parallel_loop3A_675 = vector.shape_cast %parallel_loop3A_674 : vector<1x16xf32> to vector<16xf32>
          %parallel_loop3A_676 = vector.shape_cast %parallel_loop3A_671 : vector<16xf32> to vector<1x16xf32>
          tpu.vector_store %arg10[%parallel_loop3A_672, %parallel_loop3A_673], %parallel_loop3A_676 {strides = array<i32>} : memref<128x128xf32, #tpu.memory_space<vmem>>, vector<1x16xf32>,
          %parallel_loop3A_677 = arith.constant 5 : i32
          %parallel_loop3A_678 = arith.addi %parallel_loop3A_182, %parallel_loop3A_677 : i32
          %parallel_loop3A_679 = arith.index_cast %parallel_loop3A_678 : i32 to index
          %parallel_loop3A_680 = arith.constant 0 : index
          %parallel_loop3A_681 = tpu.vector_load %arg10[%parallel_loop3A_679, %parallel_loop3A_680] {strides = array<i32>} : memref<128x128xf32, #tpu.memory_space<vmem>>, vector<1x16xf32>,
          %parallel_loop3A_682 = vector.shape_cast %parallel_loop3A_681 : vector<1x16xf32> to vector<16xf32>
          %parallel_loop3A_683 = arith.mulf %parallel_loop3A_682, %parallel_loop3A_216 : vector<16xf32>
          %parallel_loop3A_684 = arith.index_cast %parallel_loop3A_678 : i32 to index
          %parallel_loop3A_685 = arith.constant 0 : index
          %parallel_loop3A_686 = tpu.vector_load %arg10[%parallel_loop3A_684, %parallel_loop3A_685] {strides = array<i32>} : memref<128x128xf32, #tpu.memory_space<vmem>>, vector<1x16xf32>,
          %parallel_loop3A_687 = vector.shape_cast %parallel_loop3A_686 : vector<1x16xf32> to vector<16xf32>
          %parallel_loop3A_688 = vector.shape_cast %parallel_loop3A_683 : vector<16xf32> to vector<1x16xf32>
          tpu.vector_store %arg10[%parallel_loop3A_684, %parallel_loop3A_685], %parallel_loop3A_688 {strides = array<i32>} : memref<128x128xf32, #tpu.memory_space<vmem>>, vector<1x16xf32>,
          %parallel_loop3A_689 = arith.index_cast %parallel_loop3A_678 : i32 to index
          %parallel_loop3A_690 = arith.constant 16 : index
          %parallel_loop3A_691 = tpu.vector_load %arg10[%parallel_loop3A_689, %parallel_loop3A_690] {strides = array<i32>} : memref<128x128xf32, #tpu.memory_space<vmem>>, vector<1x16xf32>,
          %parallel_loop3A_692 = vector.shape_cast %parallel_loop3A_691 : vector<1x16xf32> to vector<16xf32>
          %parallel_loop3A_693 = arith.mulf %parallel_loop3A_692, %parallel_loop3A_216 : vector<16xf32>
          %parallel_loop3A_694 = arith.index_cast %parallel_loop3A_678 : i32 to index
          %parallel_loop3A_695 = arith.constant 16 : index
          %parallel_loop3A_696 = tpu.vector_load %arg10[%parallel_loop3A_694, %parallel_loop3A_695] {strides = array<i32>} : memref<128x128xf32, #tpu.memory_space<vmem>>, vector<1x16xf32>,
          %parallel_loop3A_697 = vector.shape_cast %parallel_loop3A_696 : vector<1x16xf32> to vector<16xf32>
          %parallel_loop3A_698 = vector.shape_cast %parallel_loop3A_693 : vector<16xf32> to vector<1x16xf32>
          tpu.vector_store %arg10[%parallel_loop3A_694, %parallel_loop3A_695], %parallel_loop3A_698 {strides = array<i32>} : memref<128x128xf32, #tpu.memory_space<vmem>>, vector<1x16xf32>,
          %parallel_loop3A_699 = arith.index_cast %parallel_loop3A_678 : i32 to index
          %parallel_loop3A_700 = arith.constant 32 : index
          %parallel_loop3A_701 = tpu.vector_load %arg10[%parallel_loop3A_699, %parallel_loop3A_700] {strides = array<i32>} : memref<128x128xf32, #tpu.memory_space<vmem>>, vector<1x16xf32>,
          %parallel_loop3A_702 = vector.shape_cast %parallel_loop3A_701 : vector<1x16xf32> to vector<16xf32>
          %parallel_loop3A_703 = arith.mulf %parallel_loop3A_702, %parallel_loop3A_216 : vector<16xf32>
          %parallel_loop3A_704 = arith.index_cast %parallel_loop3A_678 : i32 to index
          %parallel_loop3A_705 = arith.constant 32 : index
          %parallel_loop3A_706 = tpu.vector_load %arg10[%parallel_loop3A_704, %parallel_loop3A_705] {strides = array<i32>} : memref<128x128xf32, #tpu.memory_space<vmem>>, vector<1x16xf32>,
          %parallel_loop3A_707 = vector.shape_cast %parallel_loop3A_706 : vector<1x16xf32> to vector<16xf32>
          %parallel_loop3A_708 = vector.shape_cast %parallel_loop3A_703 : vector<16xf32> to vector<1x16xf32>
          tpu.vector_store %arg10[%parallel_loop3A_704, %parallel_loop3A_705], %parallel_loop3A_708 {strides = array<i32>} : memref<128x128xf32, #tpu.memory_space<vmem>>, vector<1x16xf32>,
          %parallel_loop3A_709 = arith.index_cast %parallel_loop3A_678 : i32 to index
          %parallel_loop3A_710 = arith.constant 48 : index
          %parallel_loop3A_711 = tpu.vector_load %arg10[%parallel_loop3A_709, %parallel_loop3A_710] {strides = array<i32>} : memref<128x128xf32, #tpu.memory_space<vmem>>, vector<1x16xf32>,
          %parallel_loop3A_712 = vector.shape_cast %parallel_loop3A_711 : vector<1x16xf32> to vector<16xf32>
          %parallel_loop3A_713 = arith.mulf %parallel_loop3A_712, %parallel_loop3A_216 : vector<16xf32>
          %parallel_loop3A_714 = arith.index_cast %parallel_loop3A_678 : i32 to index
          %parallel_loop3A_715 = arith.constant 48 : index
          %parallel_loop3A_716 = tpu.vector_load %arg10[%parallel_loop3A_714, %parallel_loop3A_715] {strides = array<i32>} : memref<128x128xf32, #tpu.memory_space<vmem>>, vector<1x16xf32>,
          %parallel_loop3A_717 = vector.shape_cast %parallel_loop3A_716 : vector<1x16xf32> to vector<16xf32>
          %parallel_loop3A_718 = vector.shape_cast %parallel_loop3A_713 : vector<16xf32> to vector<1x16xf32>
          tpu.vector_store %arg10[%parallel_loop3A_714, %parallel_loop3A_715], %parallel_loop3A_718 {strides = array<i32>} : memref<128x128xf32, #tpu.memory_space<vmem>>, vector<1x16xf32>,
          %parallel_loop3A_719 = arith.index_cast %parallel_loop3A_678 : i32 to index
          %parallel_loop3A_720 = arith.constant 64 : index
          %parallel_loop3A_721 = tpu.vector_load %arg10[%parallel_loop3A_719, %parallel_loop3A_720] {strides = array<i32>} : memref<128x128xf32, #tpu.memory_space<vmem>>, vector<1x16xf32>,
          %parallel_loop3A_722 = vector.shape_cast %parallel_loop3A_721 : vector<1x16xf32> to vector<16xf32>
          %parallel_loop3A_723 = arith.mulf %parallel_loop3A_722, %parallel_loop3A_216 : vector<16xf32>
          %parallel_loop3A_724 = arith.index_cast %parallel_loop3A_678 : i32 to index
          %parallel_loop3A_725 = arith.constant 64 : index
          %parallel_loop3A_726 = tpu.vector_load %arg10[%parallel_loop3A_724, %parallel_loop3A_725] {strides = array<i32>} : memref<128x128xf32, #tpu.memory_space<vmem>>, vector<1x16xf32>,
          %parallel_loop3A_727 = vector.shape_cast %parallel_loop3A_726 : vector<1x16xf32> to vector<16xf32>
          %parallel_loop3A_728 = vector.shape_cast %parallel_loop3A_723 : vector<16xf32> to vector<1x16xf32>
          tpu.vector_store %arg10[%parallel_loop3A_724, %parallel_loop3A_725], %parallel_loop3A_728 {strides = array<i32>} : memref<128x128xf32, #tpu.memory_space<vmem>>, vector<1x16xf32>,
          %parallel_loop3A_729 = arith.index_cast %parallel_loop3A_678 : i32 to index
          %parallel_loop3A_730 = arith.constant 80 : index
          %parallel_loop3A_731 = tpu.vector_load %arg10[%parallel_loop3A_729, %parallel_loop3A_730] {strides = array<i32>} : memref<128x128xf32, #tpu.memory_space<vmem>>, vector<1x16xf32>,
          %parallel_loop3A_732 = vector.shape_cast %parallel_loop3A_731 : vector<1x16xf32> to vector<16xf32>
          %parallel_loop3A_733 = arith.mulf %parallel_loop3A_732, %parallel_loop3A_216 : vector<16xf32>
          %parallel_loop3A_734 = arith.index_cast %parallel_loop3A_678 : i32 to index
          %parallel_loop3A_735 = arith.constant 80 : index
          %parallel_loop3A_736 = tpu.vector_load %arg10[%parallel_loop3A_734, %parallel_loop3A_735] {strides = array<i32>} : memref<128x128xf32, #tpu.memory_space<vmem>>, vector<1x16xf32>,
          %parallel_loop3A_737 = vector.shape_cast %parallel_loop3A_736 : vector<1x16xf32> to vector<16xf32>
          %parallel_loop3A_738 = vector.shape_cast %parallel_loop3A_733 : vector<16xf32> to vector<1x16xf32>
          tpu.vector_store %arg10[%parallel_loop3A_734, %parallel_loop3A_735], %parallel_loop3A_738 {strides = array<i32>} : memref<128x128xf32, #tpu.memory_space<vmem>>, vector<1x16xf32>,
          %parallel_loop3A_739 = arith.index_cast %parallel_loop3A_678 : i32 to index
          %parallel_loop3A_740 = arith.constant 96 : index
          %parallel_loop3A_741 = tpu.vector_load %arg10[%parallel_loop3A_739, %parallel_loop3A_740] {strides = array<i32>} : memref<128x128xf32, #tpu.memory_space<vmem>>, vector<1x16xf32>,
          %parallel_loop3A_742 = vector.shape_cast %parallel_loop3A_741 : vector<1x16xf32> to vector<16xf32>
          %parallel_loop3A_743 = arith.mulf %parallel_loop3A_742, %parallel_loop3A_216 : vector<16xf32>
          %parallel_loop3A_744 = arith.index_cast %parallel_loop3A_678 : i32 to index
          %parallel_loop3A_745 = arith.constant 96 : index
          %parallel_loop3A_746 = tpu.vector_load %arg10[%parallel_loop3A_744, %parallel_loop3A_745] {strides = array<i32>} : memref<128x128xf32, #tpu.memory_space<vmem>>, vector<1x16xf32>,
          %parallel_loop3A_747 = vector.shape_cast %parallel_loop3A_746 : vector<1x16xf32> to vector<16xf32>
          %parallel_loop3A_748 = vector.shape_cast %parallel_loop3A_743 : vector<16xf32> to vector<1x16xf32>
          tpu.vector_store %arg10[%parallel_loop3A_744, %parallel_loop3A_745], %parallel_loop3A_748 {strides = array<i32>} : memref<128x128xf32, #tpu.memory_space<vmem>>, vector<1x16xf32>,
          %parallel_loop3A_749 = arith.index_cast %parallel_loop3A_678 : i32 to index
          %parallel_loop3A_750 = arith.constant 112 : index
          %parallel_loop3A_751 = tpu.vector_load %arg10[%parallel_loop3A_749, %parallel_loop3A_750] {strides = array<i32>} : memref<128x128xf32, #tpu.memory_space<vmem>>, vector<1x16xf32>,
          %parallel_loop3A_752 = vector.shape_cast %parallel_loop3A_751 : vector<1x16xf32> to vector<16xf32>
          %parallel_loop3A_753 = arith.mulf %parallel_loop3A_752, %parallel_loop3A_216 : vector<16xf32>
          %parallel_loop3A_754 = arith.index_cast %parallel_loop3A_678 : i32 to index
          %parallel_loop3A_755 = arith.constant 112 : index
          %parallel_loop3A_756 = tpu.vector_load %arg10[%parallel_loop3A_754, %parallel_loop3A_755] {strides = array<i32>} : memref<128x128xf32, #tpu.memory_space<vmem>>, vector<1x16xf32>,
          %parallel_loop3A_757 = vector.shape_cast %parallel_loop3A_756 : vector<1x16xf32> to vector<16xf32>
          %parallel_loop3A_758 = vector.shape_cast %parallel_loop3A_753 : vector<16xf32> to vector<1x16xf32>
          tpu.vector_store %arg10[%parallel_loop3A_754, %parallel_loop3A_755], %parallel_loop3A_758 {strides = array<i32>} : memref<128x128xf32, #tpu.memory_space<vmem>>, vector<1x16xf32>,
          %parallel_loop3A_759 = arith.constant 6 : i32
          %parallel_loop3A_760 = arith.addi %parallel_loop3A_182, %parallel_loop3A_759 : i32
          %parallel_loop3A_761 = arith.index_cast %parallel_loop3A_760 : i32 to index
          %parallel_loop3A_762 = arith.constant 0 : index
          %parallel_loop3A_763 = tpu.vector_load %arg10[%parallel_loop3A_761, %parallel_loop3A_762] {strides = array<i32>} : memref<128x128xf32, #tpu.memory_space<vmem>>, vector<1x16xf32>,
          %parallel_loop3A_764 = vector.shape_cast %parallel_loop3A_763 : vector<1x16xf32> to vector<16xf32>
          %parallel_loop3A_765 = arith.mulf %parallel_loop3A_764, %parallel_loop3A_221 : vector<16xf32>
          %parallel_loop3A_766 = arith.index_cast %parallel_loop3A_760 : i32 to index
          %parallel_loop3A_767 = arith.constant 0 : index
          %parallel_loop3A_768 = tpu.vector_load %arg10[%parallel_loop3A_766, %parallel_loop3A_767] {strides = array<i32>} : memref<128x128xf32, #tpu.memory_space<vmem>>, vector<1x16xf32>,
          %parallel_loop3A_769 = vector.shape_cast %parallel_loop3A_768 : vector<1x16xf32> to vector<16xf32>
          %parallel_loop3A_770 = vector.shape_cast %parallel_loop3A_765 : vector<16xf32> to vector<1x16xf32>
          tpu.vector_store %arg10[%parallel_loop3A_766, %parallel_loop3A_767], %parallel_loop3A_770 {strides = array<i32>} : memref<128x128xf32, #tpu.memory_space<vmem>>, vector<1x16xf32>,
          %parallel_loop3A_771 = arith.index_cast %parallel_loop3A_760 : i32 to index
          %parallel_loop3A_772 = arith.constant 16 : index
          %parallel_loop3A_773 = tpu.vector_load %arg10[%parallel_loop3A_771, %parallel_loop3A_772] {strides = array<i32>} : memref<128x128xf32, #tpu.memory_space<vmem>>, vector<1x16xf32>,
          %parallel_loop3A_774 = vector.shape_cast %parallel_loop3A_773 : vector<1x16xf32> to vector<16xf32>
          %parallel_loop3A_775 = arith.mulf %parallel_loop3A_774, %parallel_loop3A_221 : vector<16xf32>
          %parallel_loop3A_776 = arith.index_cast %parallel_loop3A_760 : i32 to index
          %parallel_loop3A_777 = arith.constant 16 : index
          %parallel_loop3A_778 = tpu.vector_load %arg10[%parallel_loop3A_776, %parallel_loop3A_777] {strides = array<i32>} : memref<128x128xf32, #tpu.memory_space<vmem>>, vector<1x16xf32>,
          %parallel_loop3A_779 = vector.shape_cast %parallel_loop3A_778 : vector<1x16xf32> to vector<16xf32>
          %parallel_loop3A_780 = vector.shape_cast %parallel_loop3A_775 : vector<16xf32> to vector<1x16xf32>
          tpu.vector_store %arg10[%parallel_loop3A_776, %parallel_loop3A_777], %parallel_loop3A_780 {strides = array<i32>} : memref<128x128xf32, #tpu.memory_space<vmem>>, vector<1x16xf32>,
          %parallel_loop3A_781 = arith.index_cast %parallel_loop3A_760 : i32 to index
          %parallel_loop3A_782 = arith.constant 32 : index
          %parallel_loop3A_783 = tpu.vector_load %arg10[%parallel_loop3A_781, %parallel_loop3A_782] {strides = array<i32>} : memref<128x128xf32, #tpu.memory_space<vmem>>, vector<1x16xf32>,
          %parallel_loop3A_784 = vector.shape_cast %parallel_loop3A_783 : vector<1x16xf32> to vector<16xf32>
          %parallel_loop3A_785 = arith.mulf %parallel_loop3A_784, %parallel_loop3A_221 : vector<16xf32>
          %parallel_loop3A_786 = arith.index_cast %parallel_loop3A_760 : i32 to index
          %parallel_loop3A_787 = arith.constant 32 : index
          %parallel_loop3A_788 = tpu.vector_load %arg10[%parallel_loop3A_786, %parallel_loop3A_787] {strides = array<i32>} : memref<128x128xf32, #tpu.memory_space<vmem>>, vector<1x16xf32>,
          %parallel_loop3A_789 = vector.shape_cast %parallel_loop3A_788 : vector<1x16xf32> to vector<16xf32>
          %parallel_loop3A_790 = vector.shape_cast %parallel_loop3A_785 : vector<16xf32> to vector<1x16xf32>
          tpu.vector_store %arg10[%parallel_loop3A_786, %parallel_loop3A_787], %parallel_loop3A_790 {strides = array<i32>} : memref<128x128xf32, #tpu.memory_space<vmem>>, vector<1x16xf32>,
          %parallel_loop3A_791 = arith.index_cast %parallel_loop3A_760 : i32 to index
          %parallel_loop3A_792 = arith.constant 48 : index
          %parallel_loop3A_793 = tpu.vector_load %arg10[%parallel_loop3A_791, %parallel_loop3A_792] {strides = array<i32>} : memref<128x128xf32, #tpu.memory_space<vmem>>, vector<1x16xf32>,
          %parallel_loop3A_794 = vector.shape_cast %parallel_loop3A_793 : vector<1x16xf32> to vector<16xf32>
          %parallel_loop3A_795 = arith.mulf %parallel_loop3A_794, %parallel_loop3A_221 : vector<16xf32>
          %parallel_loop3A_796 = arith.index_cast %parallel_loop3A_760 : i32 to index
          %parallel_loop3A_797 = arith.constant 48 : index
          %parallel_loop3A_798 = tpu.vector_load %arg10[%parallel_loop3A_796, %parallel_loop3A_797] {strides = array<i32>} : memref<128x128xf32, #tpu.memory_space<vmem>>, vector<1x16xf32>,
          %parallel_loop3A_799 = vector.shape_cast %parallel_loop3A_798 : vector<1x16xf32> to vector<16xf32>
          %parallel_loop3A_800 = vector.shape_cast %parallel_loop3A_795 : vector<16xf32> to vector<1x16xf32>
          tpu.vector_store %arg10[%parallel_loop3A_796, %parallel_loop3A_797], %parallel_loop3A_800 {strides = array<i32>} : memref<128x128xf32, #tpu.memory_space<vmem>>, vector<1x16xf32>,
          %parallel_loop3A_801 = arith.index_cast %parallel_loop3A_760 : i32 to index
          %parallel_loop3A_802 = arith.constant 64 : index
          %parallel_loop3A_803 = tpu.vector_load %arg10[%parallel_loop3A_801, %parallel_loop3A_802] {strides = array<i32>} : memref<128x128xf32, #tpu.memory_space<vmem>>, vector<1x16xf32>,
          %parallel_loop3A_804 = vector.shape_cast %parallel_loop3A_803 : vector<1x16xf32> to vector<16xf32>
          %parallel_loop3A_805 = arith.mulf %parallel_loop3A_804, %parallel_loop3A_221 : vector<16xf32>
          %parallel_loop3A_806 = arith.index_cast %parallel_loop3A_760 : i32 to index
          %parallel_loop3A_807 = arith.constant 64 : index
          %parallel_loop3A_808 = tpu.vector_load %arg10[%parallel_loop3A_806, %parallel_loop3A_807] {strides = array<i32>} : memref<128x128xf32, #tpu.memory_space<vmem>>, vector<1x16xf32>,
          %parallel_loop3A_809 = vector.shape_cast %parallel_loop3A_808 : vector<1x16xf32> to vector<16xf32>
          %parallel_loop3A_810 = vector.shape_cast %parallel_loop3A_805 : vector<16xf32> to vector<1x16xf32>
          tpu.vector_store %arg10[%parallel_loop3A_806, %parallel_loop3A_807], %parallel_loop3A_810 {strides = array<i32>} : memref<128x128xf32, #tpu.memory_space<vmem>>, vector<1x16xf32>,
          %parallel_loop3A_811 = arith.index_cast %parallel_loop3A_760 : i32 to index
          %parallel_loop3A_812 = arith.constant 80 : index
          %parallel_loop3A_813 = tpu.vector_load %arg10[%parallel_loop3A_811, %parallel_loop3A_812] {strides = array<i32>} : memref<128x128xf32, #tpu.memory_space<vmem>>, vector<1x16xf32>,
          %parallel_loop3A_814 = vector.shape_cast %parallel_loop3A_813 : vector<1x16xf32> to vector<16xf32>
          %parallel_loop3A_815 = arith.mulf %parallel_loop3A_814, %parallel_loop3A_221 : vector<16xf32>
          %parallel_loop3A_816 = arith.index_cast %parallel_loop3A_760 : i32 to index
          %parallel_loop3A_817 = arith.constant 80 : index
          %parallel_loop3A_818 = tpu.vector_load %arg10[%parallel_loop3A_816, %parallel_loop3A_817] {strides = array<i32>} : memref<128x128xf32, #tpu.memory_space<vmem>>, vector<1x16xf32>,
          %parallel_loop3A_819 = vector.shape_cast %parallel_loop3A_818 : vector<1x16xf32> to vector<16xf32>
          %parallel_loop3A_820 = vector.shape_cast %parallel_loop3A_815 : vector<16xf32> to vector<1x16xf32>
          tpu.vector_store %arg10[%parallel_loop3A_816, %parallel_loop3A_817], %parallel_loop3A_820 {strides = array<i32>} : memref<128x128xf32, #tpu.memory_space<vmem>>, vector<1x16xf32>,
          %parallel_loop3A_821 = arith.index_cast %parallel_loop3A_760 : i32 to index
          %parallel_loop3A_822 = arith.constant 96 : index
          %parallel_loop3A_823 = tpu.vector_load %arg10[%parallel_loop3A_821, %parallel_loop3A_822] {strides = array<i32>} : memref<128x128xf32, #tpu.memory_space<vmem>>, vector<1x16xf32>,
          %parallel_loop3A_824 = vector.shape_cast %parallel_loop3A_823 : vector<1x16xf32> to vector<16xf32>
          %parallel_loop3A_825 = arith.mulf %parallel_loop3A_824, %parallel_loop3A_221 : vector<16xf32>
          %parallel_loop3A_826 = arith.index_cast %parallel_loop3A_760 : i32 to index
          %parallel_loop3A_827 = arith.constant 96 : index
          %parallel_loop3A_828 = tpu.vector_load %arg10[%parallel_loop3A_826, %parallel_loop3A_827] {strides = array<i32>} : memref<128x128xf32, #tpu.memory_space<vmem>>, vector<1x16xf32>,
          %parallel_loop3A_829 = vector.shape_cast %parallel_loop3A_828 : vector<1x16xf32> to vector<16xf32>
          %parallel_loop3A_830 = vector.shape_cast %parallel_loop3A_825 : vector<16xf32> to vector<1x16xf32>
          tpu.vector_store %arg10[%parallel_loop3A_826, %parallel_loop3A_827], %parallel_loop3A_830 {strides = array<i32>} : memref<128x128xf32, #tpu.memory_space<vmem>>, vector<1x16xf32>,
          %parallel_loop3A_831 = arith.index_cast %parallel_loop3A_760 : i32 to index
          %parallel_loop3A_832 = arith.constant 112 : index
          %parallel_loop3A_833 = tpu.vector_load %arg10[%parallel_loop3A_831, %parallel_loop3A_832] {strides = array<i32>} : memref<128x128xf32, #tpu.memory_space<vmem>>, vector<1x16xf32>,
          %parallel_loop3A_834 = vector.shape_cast %parallel_loop3A_833 : vector<1x16xf32> to vector<16xf32>
          %parallel_loop3A_835 = arith.mulf %parallel_loop3A_834, %parallel_loop3A_221 : vector<16xf32>
          %parallel_loop3A_836 = arith.index_cast %parallel_loop3A_760 : i32 to index
          %parallel_loop3A_837 = arith.constant 112 : index
          %parallel_loop3A_838 = tpu.vector_load %arg10[%parallel_loop3A_836, %parallel_loop3A_837] {strides = array<i32>} : memref<128x128xf32, #tpu.memory_space<vmem>>, vector<1x16xf32>,
          %parallel_loop3A_839 = vector.shape_cast %parallel_loop3A_838 : vector<1x16xf32> to vector<16xf32>
          %parallel_loop3A_840 = vector.shape_cast %parallel_loop3A_835 : vector<16xf32> to vector<1x16xf32>
          tpu.vector_store %arg10[%parallel_loop3A_836, %parallel_loop3A_837], %parallel_loop3A_840 {strides = array<i32>} : memref<128x128xf32, #tpu.memory_space<vmem>>, vector<1x16xf32>,
          %parallel_loop3A_841 = arith.constant 7 : i32
          %parallel_loop3A_842 = arith.addi %parallel_loop3A_182, %parallel_loop3A_841 : i32
          %parallel_loop3A_843 = arith.index_cast %parallel_loop3A_842 : i32 to index
          %parallel_loop3A_844 = arith.constant 0 : index
          %parallel_loop3A_845 = tpu.vector_load %arg10[%parallel_loop3A_843, %parallel_loop3A_844] {strides = array<i32>} : memref<128x128xf32, #tpu.memory_space<vmem>>, vector<1x16xf32>,
          %parallel_loop3A_846 = vector.shape_cast %parallel_loop3A_845 : vector<1x16xf32> to vector<16xf32>
          %parallel_loop3A_847 = arith.mulf %parallel_loop3A_846, %parallel_loop3A_226 : vector<16xf32>
          %parallel_loop3A_848 = arith.index_cast %parallel_loop3A_842 : i32 to index
          %parallel_loop3A_849 = arith.constant 0 : index
          %parallel_loop3A_850 = tpu.vector_load %arg10[%parallel_loop3A_848, %parallel_loop3A_849] {strides = array<i32>} : memref<128x128xf32, #tpu.memory_space<vmem>>, vector<1x16xf32>,
          %parallel_loop3A_851 = vector.shape_cast %parallel_loop3A_850 : vector<1x16xf32> to vector<16xf32>
          %parallel_loop3A_852 = vector.shape_cast %parallel_loop3A_847 : vector<16xf32> to vector<1x16xf32>
          tpu.vector_store %arg10[%parallel_loop3A_848, %parallel_loop3A_849], %parallel_loop3A_852 {strides = array<i32>} : memref<128x128xf32, #tpu.memory_space<vmem>>, vector<1x16xf32>,
          %parallel_loop3A_853 = arith.index_cast %parallel_loop3A_842 : i32 to index
          %parallel_loop3A_854 = arith.constant 16 : index
          %parallel_loop3A_855 = tpu.vector_load %arg10[%parallel_loop3A_853, %parallel_loop3A_854] {strides = array<i32>} : memref<128x128xf32, #tpu.memory_space<vmem>>, vector<1x16xf32>,
          %parallel_loop3A_856 = vector.shape_cast %parallel_loop3A_855 : vector<1x16xf32> to vector<16xf32>
          %parallel_loop3A_857 = arith.mulf %parallel_loop3A_856, %parallel_loop3A_226 : vector<16xf32>
          %parallel_loop3A_858 = arith.index_cast %parallel_loop3A_842 : i32 to index
          %parallel_loop3A_859 = arith.constant 16 : index
          %parallel_loop3A_860 = tpu.vector_load %arg10[%parallel_loop3A_858, %parallel_loop3A_859] {strides = array<i32>} : memref<128x128xf32, #tpu.memory_space<vmem>>, vector<1x16xf32>,
          %parallel_loop3A_861 = vector.shape_cast %parallel_loop3A_860 : vector<1x16xf32> to vector<16xf32>
          %parallel_loop3A_862 = vector.shape_cast %parallel_loop3A_857 : vector<16xf32> to vector<1x16xf32>
          tpu.vector_store %arg10[%parallel_loop3A_858, %parallel_loop3A_859], %parallel_loop3A_862 {strides = array<i32>} : memref<128x128xf32, #tpu.memory_space<vmem>>, vector<1x16xf32>,
          %parallel_loop3A_863 = arith.index_cast %parallel_loop3A_842 : i32 to index
          %parallel_loop3A_864 = arith.constant 32 : index
          %parallel_loop3A_865 = tpu.vector_load %arg10[%parallel_loop3A_863, %parallel_loop3A_864] {strides = array<i32>} : memref<128x128xf32, #tpu.memory_space<vmem>>, vector<1x16xf32>,
          %parallel_loop3A_866 = vector.shape_cast %parallel_loop3A_865 : vector<1x16xf32> to vector<16xf32>
          %parallel_loop3A_867 = arith.mulf %parallel_loop3A_866, %parallel_loop3A_226 : vector<16xf32>
          %parallel_loop3A_868 = arith.index_cast %parallel_loop3A_842 : i32 to index
          %parallel_loop3A_869 = arith.constant 32 : index
          %parallel_loop3A_870 = tpu.vector_load %arg10[%parallel_loop3A_868, %parallel_loop3A_869] {strides = array<i32>} : memref<128x128xf32, #tpu.memory_space<vmem>>, vector<1x16xf32>,
          %parallel_loop3A_871 = vector.shape_cast %parallel_loop3A_870 : vector<1x16xf32> to vector<16xf32>
          %parallel_loop3A_872 = vector.shape_cast %parallel_loop3A_867 : vector<16xf32> to vector<1x16xf32>
          tpu.vector_store %arg10[%parallel_loop3A_868, %parallel_loop3A_869], %parallel_loop3A_872 {strides = array<i32>} : memref<128x128xf32, #tpu.memory_space<vmem>>, vector<1x16xf32>,
          %parallel_loop3A_873 = arith.index_cast %parallel_loop3A_842 : i32 to index
          %parallel_loop3A_874 = arith.constant 48 : index
          %parallel_loop3A_875 = tpu.vector_load %arg10[%parallel_loop3A_873, %parallel_loop3A_874] {strides = array<i32>} : memref<128x128xf32, #tpu.memory_space<vmem>>, vector<1x16xf32>,
          %parallel_loop3A_876 = vector.shape_cast %parallel_loop3A_875 : vector<1x16xf32> to vector<16xf32>
          %parallel_loop3A_877 = arith.mulf %parallel_loop3A_876, %parallel_loop3A_226 : vector<16xf32>
          %parallel_loop3A_878 = arith.index_cast %parallel_loop3A_842 : i32 to index
          %parallel_loop3A_879 = arith.constant 48 : index
          %parallel_loop3A_880 = tpu.vector_load %arg10[%parallel_loop3A_878, %parallel_loop3A_879] {strides = array<i32>} : memref<128x128xf32, #tpu.memory_space<vmem>>, vector<1x16xf32>,
          %parallel_loop3A_881 = vector.shape_cast %parallel_loop3A_880 : vector<1x16xf32> to vector<16xf32>
          %parallel_loop3A_882 = vector.shape_cast %parallel_loop3A_877 : vector<16xf32> to vector<1x16xf32>
          tpu.vector_store %arg10[%parallel_loop3A_878, %parallel_loop3A_879], %parallel_loop3A_882 {strides = array<i32>} : memref<128x128xf32, #tpu.memory_space<vmem>>, vector<1x16xf32>,
          %parallel_loop3A_883 = arith.index_cast %parallel_loop3A_842 : i32 to index
          %parallel_loop3A_884 = arith.constant 64 : index
          %parallel_loop3A_885 = tpu.vector_load %arg10[%parallel_loop3A_883, %parallel_loop3A_884] {strides = array<i32>} : memref<128x128xf32, #tpu.memory_space<vmem>>, vector<1x16xf32>,
          %parallel_loop3A_886 = vector.shape_cast %parallel_loop3A_885 : vector<1x16xf32> to vector<16xf32>
          %parallel_loop3A_887 = arith.mulf %parallel_loop3A_886, %parallel_loop3A_226 : vector<16xf32>
          %parallel_loop3A_888 = arith.index_cast %parallel_loop3A_842 : i32 to index
          %parallel_loop3A_889 = arith.constant 64 : index
          %parallel_loop3A_890 = tpu.vector_load %arg10[%parallel_loop3A_888, %parallel_loop3A_889] {strides = array<i32>} : memref<128x128xf32, #tpu.memory_space<vmem>>, vector<1x16xf32>,
          %parallel_loop3A_891 = vector.shape_cast %parallel_loop3A_890 : vector<1x16xf32> to vector<16xf32>
          %parallel_loop3A_892 = vector.shape_cast %parallel_loop3A_887 : vector<16xf32> to vector<1x16xf32>
          tpu.vector_store %arg10[%parallel_loop3A_888, %parallel_loop3A_889], %parallel_loop3A_892 {strides = array<i32>} : memref<128x128xf32, #tpu.memory_space<vmem>>, vector<1x16xf32>,
          %parallel_loop3A_893 = arith.index_cast %parallel_loop3A_842 : i32 to index
          %parallel_loop3A_894 = arith.constant 80 : index
          %parallel_loop3A_895 = tpu.vector_load %arg10[%parallel_loop3A_893, %parallel_loop3A_894] {strides = array<i32>} : memref<128x128xf32, #tpu.memory_space<vmem>>, vector<1x16xf32>,
          %parallel_loop3A_896 = vector.shape_cast %parallel_loop3A_895 : vector<1x16xf32> to vector<16xf32>
          %parallel_loop3A_897 = arith.mulf %parallel_loop3A_896, %parallel_loop3A_226 : vector<16xf32>
          %parallel_loop3A_898 = arith.index_cast %parallel_loop3A_842 : i32 to index
          %parallel_loop3A_899 = arith.constant 80 : index
          %parallel_loop3A_900 = tpu.vector_load %arg10[%parallel_loop3A_898, %parallel_loop3A_899] {strides = array<i32>} : memref<128x128xf32, #tpu.memory_space<vmem>>, vector<1x16xf32>,
          %parallel_loop3A_901 = vector.shape_cast %parallel_loop3A_900 : vector<1x16xf32> to vector<16xf32>
          %parallel_loop3A_902 = vector.shape_cast %parallel_loop3A_897 : vector<16xf32> to vector<1x16xf32>
          tpu.vector_store %arg10[%parallel_loop3A_898, %parallel_loop3A_899], %parallel_loop3A_902 {strides = array<i32>} : memref<128x128xf32, #tpu.memory_space<vmem>>, vector<1x16xf32>,
          %parallel_loop3A_903 = arith.index_cast %parallel_loop3A_842 : i32 to index
          %parallel_loop3A_904 = arith.constant 96 : index
          %parallel_loop3A_905 = tpu.vector_load %arg10[%parallel_loop3A_903, %parallel_loop3A_904] {strides = array<i32>} : memref<128x128xf32, #tpu.memory_space<vmem>>, vector<1x16xf32>,
          %parallel_loop3A_906 = vector.shape_cast %parallel_loop3A_905 : vector<1x16xf32> to vector<16xf32>
          %parallel_loop3A_907 = arith.mulf %parallel_loop3A_906, %parallel_loop3A_226 : vector<16xf32>
          %parallel_loop3A_908 = arith.index_cast %parallel_loop3A_842 : i32 to index
          %parallel_loop3A_909 = arith.constant 96 : index
          %parallel_loop3A_910 = tpu.vector_load %arg10[%parallel_loop3A_908, %parallel_loop3A_909] {strides = array<i32>} : memref<128x128xf32, #tpu.memory_space<vmem>>, vector<1x16xf32>,
          %parallel_loop3A_911 = vector.shape_cast %parallel_loop3A_910 : vector<1x16xf32> to vector<16xf32>
          %parallel_loop3A_912 = vector.shape_cast %parallel_loop3A_907 : vector<16xf32> to vector<1x16xf32>
          tpu.vector_store %arg10[%parallel_loop3A_908, %parallel_loop3A_909], %parallel_loop3A_912 {strides = array<i32>} : memref<128x128xf32, #tpu.memory_space<vmem>>, vector<1x16xf32>,
          %parallel_loop3A_913 = arith.index_cast %parallel_loop3A_842 : i32 to index
          %parallel_loop3A_914 = arith.constant 112 : index
          %parallel_loop3A_915 = tpu.vector_load %arg10[%parallel_loop3A_913, %parallel_loop3A_914] {strides = array<i32>} : memref<128x128xf32, #tpu.memory_space<vmem>>, vector<1x16xf32>,
          %parallel_loop3A_916 = vector.shape_cast %parallel_loop3A_915 : vector<1x16xf32> to vector<16xf32>
          %parallel_loop3A_917 = arith.mulf %parallel_loop3A_916, %parallel_loop3A_226 : vector<16xf32>
          %parallel_loop3A_918 = arith.index_cast %parallel_loop3A_842 : i32 to index
          %parallel_loop3A_919 = arith.constant 112 : index
          %parallel_loop3A_920 = tpu.vector_load %arg10[%parallel_loop3A_918, %parallel_loop3A_919] {strides = array<i32>} : memref<128x128xf32, #tpu.memory_space<vmem>>, vector<1x16xf32>,
          %parallel_loop3A_921 = vector.shape_cast %parallel_loop3A_920 : vector<1x16xf32> to vector<16xf32>
          %parallel_loop3A_922 = vector.shape_cast %parallel_loop3A_917 : vector<16xf32> to vector<1x16xf32>
          tpu.vector_store %arg10[%parallel_loop3A_918, %parallel_loop3A_919], %parallel_loop3A_922 {strides = array<i32>} : memref<128x128xf32, #tpu.memory_space<vmem>>, vector<1x16xf32>,
          %parallel_loop3A_923 = arith.constant 8 : i32
          %parallel_loop3A_924 = arith.addi %parallel_loop3A_182, %parallel_loop3A_923 : i32
          %parallel_loop3A_925 = arith.index_cast %parallel_loop3A_924 : i32 to index
          %parallel_loop3A_926 = arith.constant 0 : index
          %parallel_loop3A_927 = tpu.vector_load %arg10[%parallel_loop3A_925, %parallel_loop3A_926] {strides = array<i32>} : memref<128x128xf32, #tpu.memory_space<vmem>>, vector<1x16xf32>,
          %parallel_loop3A_928 = vector.shape_cast %parallel_loop3A_927 : vector<1x16xf32> to vector<16xf32>
          %parallel_loop3A_929 = arith.mulf %parallel_loop3A_928, %parallel_loop3A_231 : vector<16xf32>
          %parallel_loop3A_930 = arith.index_cast %parallel_loop3A_924 : i32 to index
          %parallel_loop3A_931 = arith.constant 0 : index
          %parallel_loop3A_932 = tpu.vector_load %arg10[%parallel_loop3A_930, %parallel_loop3A_931] {strides = array<i32>} : memref<128x128xf32, #tpu.memory_space<vmem>>, vector<1x16xf32>,
          %parallel_loop3A_933 = vector.shape_cast %parallel_loop3A_932 : vector<1x16xf32> to vector<16xf32>
          %parallel_loop3A_934 = vector.shape_cast %parallel_loop3A_929 : vector<16xf32> to vector<1x16xf32>
          tpu.vector_store %arg10[%parallel_loop3A_930, %parallel_loop3A_931], %parallel_loop3A_934 {strides = array<i32>} : memref<128x128xf32, #tpu.memory_space<vmem>>, vector<1x16xf32>,
          %parallel_loop3A_935 = arith.index_cast %parallel_loop3A_924 : i32 to index
          %parallel_loop3A_936 = arith.constant 16 : index
          %parallel_loop3A_937 = tpu.vector_load %arg10[%parallel_loop3A_935, %parallel_loop3A_936] {strides = array<i32>} : memref<128x128xf32, #tpu.memory_space<vmem>>, vector<1x16xf32>,
          %parallel_loop3A_938 = vector.shape_cast %parallel_loop3A_937 : vector<1x16xf32> to vector<16xf32>
          %parallel_loop3A_939 = arith.mulf %parallel_loop3A_938, %parallel_loop3A_231 : vector<16xf32>
          %parallel_loop3A_940 = arith.index_cast %parallel_loop3A_924 : i32 to index
          %parallel_loop3A_941 = arith.constant 16 : index
          %parallel_loop3A_942 = tpu.vector_load %arg10[%parallel_loop3A_940, %parallel_loop3A_941] {strides = array<i32>} : memref<128x128xf32, #tpu.memory_space<vmem>>, vector<1x16xf32>,
          %parallel_loop3A_943 = vector.shape_cast %parallel_loop3A_942 : vector<1x16xf32> to vector<16xf32>
          %parallel_loop3A_944 = vector.shape_cast %parallel_loop3A_939 : vector<16xf32> to vector<1x16xf32>
          tpu.vector_store %arg10[%parallel_loop3A_940, %parallel_loop3A_941], %parallel_loop3A_944 {strides = array<i32>} : memref<128x128xf32, #tpu.memory_space<vmem>>, vector<1x16xf32>,
          %parallel_loop3A_945 = arith.index_cast %parallel_loop3A_924 : i32 to index
          %parallel_loop3A_946 = arith.constant 32 : index
          %parallel_loop3A_947 = tpu.vector_load %arg10[%parallel_loop3A_945, %parallel_loop3A_946] {strides = array<i32>} : memref<128x128xf32, #tpu.memory_space<vmem>>, vector<1x16xf32>,
          %parallel_loop3A_948 = vector.shape_cast %parallel_loop3A_947 : vector<1x16xf32> to vector<16xf32>
          %parallel_loop3A_949 = arith.mulf %parallel_loop3A_948, %parallel_loop3A_231 : vector<16xf32>
          %parallel_loop3A_950 = arith.index_cast %parallel_loop3A_924 : i32 to index
          %parallel_loop3A_951 = arith.constant 32 : index
          %parallel_loop3A_952 = tpu.vector_load %arg10[%parallel_loop3A_950, %parallel_loop3A_951] {strides = array<i32>} : memref<128x128xf32, #tpu.memory_space<vmem>>, vector<1x16xf32>,
          %parallel_loop3A_953 = vector.shape_cast %parallel_loop3A_952 : vector<1x16xf32> to vector<16xf32>
          %parallel_loop3A_954 = vector.shape_cast %parallel_loop3A_949 : vector<16xf32> to vector<1x16xf32>
          tpu.vector_store %arg10[%parallel_loop3A_950, %parallel_loop3A_951], %parallel_loop3A_954 {strides = array<i32>} : memref<128x128xf32, #tpu.memory_space<vmem>>, vector<1x16xf32>,
          %parallel_loop3A_955 = arith.index_cast %parallel_loop3A_924 : i32 to index
          %parallel_loop3A_956 = arith.constant 48 : index
          %parallel_loop3A_957 = tpu.vector_load %arg10[%parallel_loop3A_955, %parallel_loop3A_956] {strides = array<i32>} : memref<128x128xf32, #tpu.memory_space<vmem>>, vector<1x16xf32>,
          %parallel_loop3A_958 = vector.shape_cast %parallel_loop3A_957 : vector<1x16xf32> to vector<16xf32>
          %parallel_loop3A_959 = arith.mulf %parallel_loop3A_958, %parallel_loop3A_231 : vector<16xf32>
          %parallel_loop3A_960 = arith.index_cast %parallel_loop3A_924 : i32 to index
          %parallel_loop3A_961 = arith.constant 48 : index
          %parallel_loop3A_962 = tpu.vector_load %arg10[%parallel_loop3A_960, %parallel_loop3A_961] {strides = array<i32>} : memref<128x128xf32, #tpu.memory_space<vmem>>, vector<1x16xf32>,
          %parallel_loop3A_963 = vector.shape_cast %parallel_loop3A_962 : vector<1x16xf32> to vector<16xf32>
          %parallel_loop3A_964 = vector.shape_cast %parallel_loop3A_959 : vector<16xf32> to vector<1x16xf32>
          tpu.vector_store %arg10[%parallel_loop3A_960, %parallel_loop3A_961], %parallel_loop3A_964 {strides = array<i32>} : memref<128x128xf32, #tpu.memory_space<vmem>>, vector<1x16xf32>,
          %parallel_loop3A_965 = arith.index_cast %parallel_loop3A_924 : i32 to index
          %parallel_loop3A_966 = arith.constant 64 : index
          %parallel_loop3A_967 = tpu.vector_load %arg10[%parallel_loop3A_965, %parallel_loop3A_966] {strides = array<i32>} : memref<128x128xf32, #tpu.memory_space<vmem>>, vector<1x16xf32>,
          %parallel_loop3A_968 = vector.shape_cast %parallel_loop3A_967 : vector<1x16xf32> to vector<16xf32>
          %parallel_loop3A_969 = arith.mulf %parallel_loop3A_968, %parallel_loop3A_231 : vector<16xf32>
          %parallel_loop3A_970 = arith.index_cast %parallel_loop3A_924 : i32 to index
          %parallel_loop3A_971 = arith.constant 64 : index
          %parallel_loop3A_972 = tpu.vector_load %arg10[%parallel_loop3A_970, %parallel_loop3A_971] {strides = array<i32>} : memref<128x128xf32, #tpu.memory_space<vmem>>, vector<1x16xf32>,
          %parallel_loop3A_973 = vector.shape_cast %parallel_loop3A_972 : vector<1x16xf32> to vector<16xf32>
          %parallel_loop3A_974 = vector.shape_cast %parallel_loop3A_969 : vector<16xf32> to vector<1x16xf32>
          tpu.vector_store %arg10[%parallel_loop3A_970, %parallel_loop3A_971], %parallel_loop3A_974 {strides = array<i32>} : memref<128x128xf32, #tpu.memory_space<vmem>>, vector<1x16xf32>,
          %parallel_loop3A_975 = arith.index_cast %parallel_loop3A_924 : i32 to index
          %parallel_loop3A_976 = arith.constant 80 : index
          %parallel_loop3A_977 = tpu.vector_load %arg10[%parallel_loop3A_975, %parallel_loop3A_976] {strides = array<i32>} : memref<128x128xf32, #tpu.memory_space<vmem>>, vector<1x16xf32>,
          %parallel_loop3A_978 = vector.shape_cast %parallel_loop3A_977 : vector<1x16xf32> to vector<16xf32>
          %parallel_loop3A_979 = arith.mulf %parallel_loop3A_978, %parallel_loop3A_231 : vector<16xf32>
          %parallel_loop3A_980 = arith.index_cast %parallel_loop3A_924 : i32 to index
          %parallel_loop3A_981 = arith.constant 80 : index
          %parallel_loop3A_982 = tpu.vector_load %arg10[%parallel_loop3A_980, %parallel_loop3A_981] {strides = array<i32>} : memref<128x128xf32, #tpu.memory_space<vmem>>, vector<1x16xf32>,
          %parallel_loop3A_983 = vector.shape_cast %parallel_loop3A_982 : vector<1x16xf32> to vector<16xf32>
          %parallel_loop3A_984 = vector.shape_cast %parallel_loop3A_979 : vector<16xf32> to vector<1x16xf32>
          tpu.vector_store %arg10[%parallel_loop3A_980, %parallel_loop3A_981], %parallel_loop3A_984 {strides = array<i32>} : memref<128x128xf32, #tpu.memory_space<vmem>>, vector<1x16xf32>,
          %parallel_loop3A_985 = arith.index_cast %parallel_loop3A_924 : i32 to index
          %parallel_loop3A_986 = arith.constant 96 : index
          %parallel_loop3A_987 = tpu.vector_load %arg10[%parallel_loop3A_985, %parallel_loop3A_986] {strides = array<i32>} : memref<128x128xf32, #tpu.memory_space<vmem>>, vector<1x16xf32>,
          %parallel_loop3A_988 = vector.shape_cast %parallel_loop3A_987 : vector<1x16xf32> to vector<16xf32>
          %parallel_loop3A_989 = arith.mulf %parallel_loop3A_988, %parallel_loop3A_231 : vector<16xf32>
          %parallel_loop3A_990 = arith.index_cast %parallel_loop3A_924 : i32 to index
          %parallel_loop3A_991 = arith.constant 96 : index
          %parallel_loop3A_992 = tpu.vector_load %arg10[%parallel_loop3A_990, %parallel_loop3A_991] {strides = array<i32>} : memref<128x128xf32, #tpu.memory_space<vmem>>, vector<1x16xf32>,
          %parallel_loop3A_993 = vector.shape_cast %parallel_loop3A_992 : vector<1x16xf32> to vector<16xf32>
          %parallel_loop3A_994 = vector.shape_cast %parallel_loop3A_989 : vector<16xf32> to vector<1x16xf32>
          tpu.vector_store %arg10[%parallel_loop3A_990, %parallel_loop3A_991], %parallel_loop3A_994 {strides = array<i32>} : memref<128x128xf32, #tpu.memory_space<vmem>>, vector<1x16xf32>,
          %parallel_loop3A_995 = arith.index_cast %parallel_loop3A_924 : i32 to index
          %parallel_loop3A_996 = arith.constant 112 : index
          %parallel_loop3A_997 = tpu.vector_load %arg10[%parallel_loop3A_995, %parallel_loop3A_996] {strides = array<i32>} : memref<128x128xf32, #tpu.memory_space<vmem>>, vector<1x16xf32>,
          %parallel_loop3A_998 = vector.shape_cast %parallel_loop3A_997 : vector<1x16xf32> to vector<16xf32>
          %parallel_loop3A_999 = arith.mulf %parallel_loop3A_998, %parallel_loop3A_231 : vector<16xf32>
          %parallel_loop3A_1000 = arith.index_cast %parallel_loop3A_924 : i32 to index
          %parallel_loop3A_1001 = arith.constant 112 : index
          %parallel_loop3A_1002 = tpu.vector_load %arg10[%parallel_loop3A_1000, %parallel_loop3A_1001] {strides = array<i32>} : memref<128x128xf32, #tpu.memory_space<vmem>>, vector<1x16xf32>,
          %parallel_loop3A_1003 = vector.shape_cast %parallel_loop3A_1002 : vector<1x16xf32> to vector<16xf32>
          %parallel_loop3A_1004 = vector.shape_cast %parallel_loop3A_999 : vector<16xf32> to vector<1x16xf32>
          tpu.vector_store %arg10[%parallel_loop3A_1000, %parallel_loop3A_1001], %parallel_loop3A_1004 {strides = array<i32>} : memref<128x128xf32, #tpu.memory_space<vmem>>, vector<1x16xf32>,
          %parallel_loop3A_1005 = arith.constant 9 : i32
          %parallel_loop3A_1006 = arith.addi %parallel_loop3A_182, %parallel_loop3A_1005 : i32
          %parallel_loop3A_1007 = arith.index_cast %parallel_loop3A_1006 : i32 to index
          %parallel_loop3A_1008 = arith.constant 0 : index
          %parallel_loop3A_1009 = tpu.vector_load %arg10[%parallel_loop3A_1007, %parallel_loop3A_1008] {strides = array<i32>} : memref<128x128xf32, #tpu.memory_space<vmem>>, vector<1x16xf32>,
          %parallel_loop3A_1010 = vector.shape_cast %parallel_loop3A_1009 : vector<1x16xf32> to vector<16xf32>
          %parallel_loop3A_1011 = arith.mulf %parallel_loop3A_1010, %parallel_loop3A_236 : vector<16xf32>
          %parallel_loop3A_1012 = arith.index_cast %parallel_loop3A_1006 : i32 to index
          %parallel_loop3A_1013 = arith.constant 0 : index
          %parallel_loop3A_1014 = tpu.vector_load %arg10[%parallel_loop3A_1012, %parallel_loop3A_1013] {strides = array<i32>} : memref<128x128xf32, #tpu.memory_space<vmem>>, vector<1x16xf32>,
          %parallel_loop3A_1015 = vector.shape_cast %parallel_loop3A_1014 : vector<1x16xf32> to vector<16xf32>
          %parallel_loop3A_1016 = vector.shape_cast %parallel_loop3A_1011 : vector<16xf32> to vector<1x16xf32>
          tpu.vector_store %arg10[%parallel_loop3A_1012, %parallel_loop3A_1013], %parallel_loop3A_1016 {strides = array<i32>} : memref<128x128xf32, #tpu.memory_space<vmem>>, vector<1x16xf32>,
          %parallel_loop3A_1017 = arith.index_cast %parallel_loop3A_1006 : i32 to index
          %parallel_loop3A_1018 = arith.constant 16 : index
          %parallel_loop3A_1019 = tpu.vector_load %arg10[%parallel_loop3A_1017, %parallel_loop3A_1018] {strides = array<i32>} : memref<128x128xf32, #tpu.memory_space<vmem>>, vector<1x16xf32>,
          %parallel_loop3A_1020 = vector.shape_cast %parallel_loop3A_1019 : vector<1x16xf32> to vector<16xf32>
          %parallel_loop3A_1021 = arith.mulf %parallel_loop3A_1020, %parallel_loop3A_236 : vector<16xf32>
          %parallel_loop3A_1022 = arith.index_cast %parallel_loop3A_1006 : i32 to index
          %parallel_loop3A_1023 = arith.constant 16 : index
          %parallel_loop3A_1024 = tpu.vector_load %arg10[%parallel_loop3A_1022, %parallel_loop3A_1023] {strides = array<i32>} : memref<128x128xf32, #tpu.memory_space<vmem>>, vector<1x16xf32>,
          %parallel_loop3A_1025 = vector.shape_cast %parallel_loop3A_1024 : vector<1x16xf32> to vector<16xf32>
          %parallel_loop3A_1026 = vector.shape_cast %parallel_loop3A_1021 : vector<16xf32> to vector<1x16xf32>
          tpu.vector_store %arg10[%parallel_loop3A_1022, %parallel_loop3A_1023], %parallel_loop3A_1026 {strides = array<i32>} : memref<128x128xf32, #tpu.memory_space<vmem>>, vector<1x16xf32>,
          %parallel_loop3A_1027 = arith.index_cast %parallel_loop3A_1006 : i32 to index
          %parallel_loop3A_1028 = arith.constant 32 : index
          %parallel_loop3A_1029 = tpu.vector_load %arg10[%parallel_loop3A_1027, %parallel_loop3A_1028] {strides = array<i32>} : memref<128x128xf32, #tpu.memory_space<vmem>>, vector<1x16xf32>,
          %parallel_loop3A_1030 = vector.shape_cast %parallel_loop3A_1029 : vector<1x16xf32> to vector<16xf32>
          %parallel_loop3A_1031 = arith.mulf %parallel_loop3A_1030, %parallel_loop3A_236 : vector<16xf32>
          %parallel_loop3A_1032 = arith.index_cast %parallel_loop3A_1006 : i32 to index
          %parallel_loop3A_1033 = arith.constant 32 : index
          %parallel_loop3A_1034 = tpu.vector_load %arg10[%parallel_loop3A_1032, %parallel_loop3A_1033] {strides = array<i32>} : memref<128x128xf32, #tpu.memory_space<vmem>>, vector<1x16xf32>,
          %parallel_loop3A_1035 = vector.shape_cast %parallel_loop3A_1034 : vector<1x16xf32> to vector<16xf32>
          %parallel_loop3A_1036 = vector.shape_cast %parallel_loop3A_1031 : vector<16xf32> to vector<1x16xf32>
          tpu.vector_store %arg10[%parallel_loop3A_1032, %parallel_loop3A_1033], %parallel_loop3A_1036 {strides = array<i32>} : memref<128x128xf32, #tpu.memory_space<vmem>>, vector<1x16xf32>,
          %parallel_loop3A_1037 = arith.index_cast %parallel_loop3A_1006 : i32 to index
          %parallel_loop3A_1038 = arith.constant 48 : index
          %parallel_loop3A_1039 = tpu.vector_load %arg10[%parallel_loop3A_1037, %parallel_loop3A_1038] {strides = array<i32>} : memref<128x128xf32, #tpu.memory_space<vmem>>, vector<1x16xf32>,
          %parallel_loop3A_1040 = vector.shape_cast %parallel_loop3A_1039 : vector<1x16xf32> to vector<16xf32>
          %parallel_loop3A_1041 = arith.mulf %parallel_loop3A_1040, %parallel_loop3A_236 : vector<16xf32>
          %parallel_loop3A_1042 = arith.index_cast %parallel_loop3A_1006 : i32 to index
          %parallel_loop3A_1043 = arith.constant 48 : index
          %parallel_loop3A_1044 = tpu.vector_load %arg10[%parallel_loop3A_1042, %parallel_loop3A_1043] {strides = array<i32>} : memref<128x128xf32, #tpu.memory_space<vmem>>, vector<1x16xf32>,
          %parallel_loop3A_1045 = vector.shape_cast %parallel_loop3A_1044 : vector<1x16xf32> to vector<16xf32>
          %parallel_loop3A_1046 = vector.shape_cast %parallel_loop3A_1041 : vector<16xf32> to vector<1x16xf32>
          tpu.vector_store %arg10[%parallel_loop3A_1042, %parallel_loop3A_1043], %parallel_loop3A_1046 {strides = array<i32>} : memref<128x128xf32, #tpu.memory_space<vmem>>, vector<1x16xf32>,
          %parallel_loop3A_1047 = arith.index_cast %parallel_loop3A_1006 : i32 to index
          %parallel_loop3A_1048 = arith.constant 64 : index
          %parallel_loop3A_1049 = tpu.vector_load %arg10[%parallel_loop3A_1047, %parallel_loop3A_1048] {strides = array<i32>} : memref<128x128xf32, #tpu.memory_space<vmem>>, vector<1x16xf32>,
          %parallel_loop3A_1050 = vector.shape_cast %parallel_loop3A_1049 : vector<1x16xf32> to vector<16xf32>
          %parallel_loop3A_1051 = arith.mulf %parallel_loop3A_1050, %parallel_loop3A_236 : vector<16xf32>
          %parallel_loop3A_1052 = arith.index_cast %parallel_loop3A_1006 : i32 to index
          %parallel_loop3A_1053 = arith.constant 64 : index
          %parallel_loop3A_1054 = tpu.vector_load %arg10[%parallel_loop3A_1052, %parallel_loop3A_1053] {strides = array<i32>} : memref<128x128xf32, #tpu.memory_space<vmem>>, vector<1x16xf32>,
          %parallel_loop3A_1055 = vector.shape_cast %parallel_loop3A_1054 : vector<1x16xf32> to vector<16xf32>
          %parallel_loop3A_1056 = vector.shape_cast %parallel_loop3A_1051 : vector<16xf32> to vector<1x16xf32>
          tpu.vector_store %arg10[%parallel_loop3A_1052, %parallel_loop3A_1053], %parallel_loop3A_1056 {strides = array<i32>} : memref<128x128xf32, #tpu.memory_space<vmem>>, vector<1x16xf32>,
          %parallel_loop3A_1057 = arith.index_cast %parallel_loop3A_1006 : i32 to index
          %parallel_loop3A_1058 = arith.constant 80 : index
          %parallel_loop3A_1059 = tpu.vector_load %arg10[%parallel_loop3A_1057, %parallel_loop3A_1058] {strides = array<i32>} : memref<128x128xf32, #tpu.memory_space<vmem>>, vector<1x16xf32>,
          %parallel_loop3A_1060 = vector.shape_cast %parallel_loop3A_1059 : vector<1x16xf32> to vector<16xf32>
          %parallel_loop3A_1061 = arith.mulf %parallel_loop3A_1060, %parallel_loop3A_236 : vector<16xf32>
          %parallel_loop3A_1062 = arith.index_cast %parallel_loop3A_1006 : i32 to index
          %parallel_loop3A_1063 = arith.constant 80 : index
          %parallel_loop3A_1064 = tpu.vector_load %arg10[%parallel_loop3A_1062, %parallel_loop3A_1063] {strides = array<i32>} : memref<128x128xf32, #tpu.memory_space<vmem>>, vector<1x16xf32>,
          %parallel_loop3A_1065 = vector.shape_cast %parallel_loop3A_1064 : vector<1x16xf32> to vector<16xf32>
          %parallel_loop3A_1066 = vector.shape_cast %parallel_loop3A_1061 : vector<16xf32> to vector<1x16xf32>
          tpu.vector_store %arg10[%parallel_loop3A_1062, %parallel_loop3A_1063], %parallel_loop3A_1066 {strides = array<i32>} : memref<128x128xf32, #tpu.memory_space<vmem>>, vector<1x16xf32>,
          %parallel_loop3A_1067 = arith.index_cast %parallel_loop3A_1006 : i32 to index
          %parallel_loop3A_1068 = arith.constant 96 : index
          %parallel_loop3A_1069 = tpu.vector_load %arg10[%parallel_loop3A_1067, %parallel_loop3A_1068] {strides = array<i32>} : memref<128x128xf32, #tpu.memory_space<vmem>>, vector<1x16xf32>,
          %parallel_loop3A_1070 = vector.shape_cast %parallel_loop3A_1069 : vector<1x16xf32> to vector<16xf32>
          %parallel_loop3A_1071 = arith.mulf %parallel_loop3A_1070, %parallel_loop3A_236 : vector<16xf32>
          %parallel_loop3A_1072 = arith.index_cast %parallel_loop3A_1006 : i32 to index
          %parallel_loop3A_1073 = arith.constant 96 : index
          %parallel_loop3A_1074 = tpu.vector_load %arg10[%parallel_loop3A_1072, %parallel_loop3A_1073] {strides = array<i32>} : memref<128x128xf32, #tpu.memory_space<vmem>>, vector<1x16xf32>,
          %parallel_loop3A_1075 = vector.shape_cast %parallel_loop3A_1074 : vector<1x16xf32> to vector<16xf32>
          %parallel_loop3A_1076 = vector.shape_cast %parallel_loop3A_1071 : vector<16xf32> to vector<1x16xf32>
          tpu.vector_store %arg10[%parallel_loop3A_1072, %parallel_loop3A_1073], %parallel_loop3A_1076 {strides = array<i32>} : memref<128x128xf32, #tpu.memory_space<vmem>>, vector<1x16xf32>,
          %parallel_loop3A_1077 = arith.index_cast %parallel_loop3A_1006 : i32 to index
          %parallel_loop3A_1078 = arith.constant 112 : index
          %parallel_loop3A_1079 = tpu.vector_load %arg10[%parallel_loop3A_1077, %parallel_loop3A_1078] {strides = array<i32>} : memref<128x128xf32, #tpu.memory_space<vmem>>, vector<1x16xf32>,
          %parallel_loop3A_1080 = vector.shape_cast %parallel_loop3A_1079 : vector<1x16xf32> to vector<16xf32>
          %parallel_loop3A_1081 = arith.mulf %parallel_loop3A_1080, %parallel_loop3A_236 : vector<16xf32>
          %parallel_loop3A_1082 = arith.index_cast %parallel_loop3A_1006 : i32 to index
          %parallel_loop3A_1083 = arith.constant 112 : index
          %parallel_loop3A_1084 = tpu.vector_load %arg10[%parallel_loop3A_1082, %parallel_loop3A_1083] {strides = array<i32>} : memref<128x128xf32, #tpu.memory_space<vmem>>, vector<1x16xf32>,
          %parallel_loop3A_1085 = vector.shape_cast %parallel_loop3A_1084 : vector<1x16xf32> to vector<16xf32>
          %parallel_loop3A_1086 = vector.shape_cast %parallel_loop3A_1081 : vector<16xf32> to vector<1x16xf32>
          tpu.vector_store %arg10[%parallel_loop3A_1082, %parallel_loop3A_1083], %parallel_loop3A_1086 {strides = array<i32>} : memref<128x128xf32, #tpu.memory_space<vmem>>, vector<1x16xf32>,
          %parallel_loop3A_1087 = arith.constant 10 : i32
          %parallel_loop3A_1088 = arith.addi %parallel_loop3A_182, %parallel_loop3A_1087 : i32
          %parallel_loop3A_1089 = arith.index_cast %parallel_loop3A_1088 : i32 to index
          %parallel_loop3A_1090 = arith.constant 0 : index
          %parallel_loop3A_1091 = tpu.vector_load %arg10[%parallel_loop3A_1089, %parallel_loop3A_1090] {strides = array<i32>} : memref<128x128xf32, #tpu.memory_space<vmem>>, vector<1x16xf32>,
          %parallel_loop3A_1092 = vector.shape_cast %parallel_loop3A_1091 : vector<1x16xf32> to vector<16xf32>
          %parallel_loop3A_1093 = arith.mulf %parallel_loop3A_1092, %parallel_loop3A_241 : vector<16xf32>
          %parallel_loop3A_1094 = arith.index_cast %parallel_loop3A_1088 : i32 to index
          %parallel_loop3A_1095 = arith.constant 0 : index
          %parallel_loop3A_1096 = tpu.vector_load %arg10[%parallel_loop3A_1094, %parallel_loop3A_1095] {strides = array<i32>} : memref<128x128xf32, #tpu.memory_space<vmem>>, vector<1x16xf32>,
          %parallel_loop3A_1097 = vector.shape_cast %parallel_loop3A_1096 : vector<1x16xf32> to vector<16xf32>
          %parallel_loop3A_1098 = vector.shape_cast %parallel_loop3A_1093 : vector<16xf32> to vector<1x16xf32>
          tpu.vector_store %arg10[%parallel_loop3A_1094, %parallel_loop3A_1095], %parallel_loop3A_1098 {strides = array<i32>} : memref<128x128xf32, #tpu.memory_space<vmem>>, vector<1x16xf32>,
          %parallel_loop3A_1099 = arith.index_cast %parallel_loop3A_1088 : i32 to index
          %parallel_loop3A_1100 = arith.constant 16 : index
          %parallel_loop3A_1101 = tpu.vector_load %arg10[%parallel_loop3A_1099, %parallel_loop3A_1100] {strides = array<i32>} : memref<128x128xf32, #tpu.memory_space<vmem>>, vector<1x16xf32>,
          %parallel_loop3A_1102 = vector.shape_cast %parallel_loop3A_1101 : vector<1x16xf32> to vector<16xf32>
          %parallel_loop3A_1103 = arith.mulf %parallel_loop3A_1102, %parallel_loop3A_241 : vector<16xf32>
          %parallel_loop3A_1104 = arith.index_cast %parallel_loop3A_1088 : i32 to index
          %parallel_loop3A_1105 = arith.constant 16 : index
          %parallel_loop3A_1106 = tpu.vector_load %arg10[%parallel_loop3A_1104, %parallel_loop3A_1105] {strides = array<i32>} : memref<128x128xf32, #tpu.memory_space<vmem>>, vector<1x16xf32>,
          %parallel_loop3A_1107 = vector.shape_cast %parallel_loop3A_1106 : vector<1x16xf32> to vector<16xf32>
          %parallel_loop3A_1108 = vector.shape_cast %parallel_loop3A_1103 : vector<16xf32> to vector<1x16xf32>
          tpu.vector_store %arg10[%parallel_loop3A_1104, %parallel_loop3A_1105], %parallel_loop3A_1108 {strides = array<i32>} : memref<128x128xf32, #tpu.memory_space<vmem>>, vector<1x16xf32>,
          %parallel_loop3A_1109 = arith.index_cast %parallel_loop3A_1088 : i32 to index
          %parallel_loop3A_1110 = arith.constant 32 : index
          %parallel_loop3A_1111 = tpu.vector_load %arg10[%parallel_loop3A_1109, %parallel_loop3A_1110] {strides = array<i32>} : memref<128x128xf32, #tpu.memory_space<vmem>>, vector<1x16xf32>,
          %parallel_loop3A_1112 = vector.shape_cast %parallel_loop3A_1111 : vector<1x16xf32> to vector<16xf32>
          %parallel_loop3A_1113 = arith.mulf %parallel_loop3A_1112, %parallel_loop3A_241 : vector<16xf32>
          %parallel_loop3A_1114 = arith.index_cast %parallel_loop3A_1088 : i32 to index
          %parallel_loop3A_1115 = arith.constant 32 : index
          %parallel_loop3A_1116 = tpu.vector_load %arg10[%parallel_loop3A_1114, %parallel_loop3A_1115] {strides = array<i32>} : memref<128x128xf32, #tpu.memory_space<vmem>>, vector<1x16xf32>,
          %parallel_loop3A_1117 = vector.shape_cast %parallel_loop3A_1116 : vector<1x16xf32> to vector<16xf32>
          %parallel_loop3A_1118 = vector.shape_cast %parallel_loop3A_1113 : vector<16xf32> to vector<1x16xf32>
          tpu.vector_store %arg10[%parallel_loop3A_1114, %parallel_loop3A_1115], %parallel_loop3A_1118 {strides = array<i32>} : memref<128x128xf32, #tpu.memory_space<vmem>>, vector<1x16xf32>,
          %parallel_loop3A_1119 = arith.index_cast %parallel_loop3A_1088 : i32 to index
          %parallel_loop3A_1120 = arith.constant 48 : index
          %parallel_loop3A_1121 = tpu.vector_load %arg10[%parallel_loop3A_1119, %parallel_loop3A_1120] {strides = array<i32>} : memref<128x128xf32, #tpu.memory_space<vmem>>, vector<1x16xf32>,
          %parallel_loop3A_1122 = vector.shape_cast %parallel_loop3A_1121 : vector<1x16xf32> to vector<16xf32>
          %parallel_loop3A_1123 = arith.mulf %parallel_loop3A_1122, %parallel_loop3A_241 : vector<16xf32>
          %parallel_loop3A_1124 = arith.index_cast %parallel_loop3A_1088 : i32 to index
          %parallel_loop3A_1125 = arith.constant 48 : index
          %parallel_loop3A_1126 = tpu.vector_load %arg10[%parallel_loop3A_1124, %parallel_loop3A_1125] {strides = array<i32>} : memref<128x128xf32, #tpu.memory_space<vmem>>, vector<1x16xf32>,
          %parallel_loop3A_1127 = vector.shape_cast %parallel_loop3A_1126 : vector<1x16xf32> to vector<16xf32>
          %parallel_loop3A_1128 = vector.shape_cast %parallel_loop3A_1123 : vector<16xf32> to vector<1x16xf32>
          tpu.vector_store %arg10[%parallel_loop3A_1124, %parallel_loop3A_1125], %parallel_loop3A_1128 {strides = array<i32>} : memref<128x128xf32, #tpu.memory_space<vmem>>, vector<1x16xf32>,
          %parallel_loop3A_1129 = arith.index_cast %parallel_loop3A_1088 : i32 to index
          %parallel_loop3A_1130 = arith.constant 64 : index
          %parallel_loop3A_1131 = tpu.vector_load %arg10[%parallel_loop3A_1129, %parallel_loop3A_1130] {strides = array<i32>} : memref<128x128xf32, #tpu.memory_space<vmem>>, vector<1x16xf32>,
          %parallel_loop3A_1132 = vector.shape_cast %parallel_loop3A_1131 : vector<1x16xf32> to vector<16xf32>
          %parallel_loop3A_1133 = arith.mulf %parallel_loop3A_1132, %parallel_loop3A_241 : vector<16xf32>
          %parallel_loop3A_1134 = arith.index_cast %parallel_loop3A_1088 : i32 to index
          %parallel_loop3A_1135 = arith.constant 64 : index
          %parallel_loop3A_1136 = tpu.vector_load %arg10[%parallel_loop3A_1134, %parallel_loop3A_1135] {strides = array<i32>} : memref<128x128xf32, #tpu.memory_space<vmem>>, vector<1x16xf32>,
          %parallel_loop3A_1137 = vector.shape_cast %parallel_loop3A_1136 : vector<1x16xf32> to vector<16xf32>
          %parallel_loop3A_1138 = vector.shape_cast %parallel_loop3A_1133 : vector<16xf32> to vector<1x16xf32>
          tpu.vector_store %arg10[%parallel_loop3A_1134, %parallel_loop3A_1135], %parallel_loop3A_1138 {strides = array<i32>} : memref<128x128xf32, #tpu.memory_space<vmem>>, vector<1x16xf32>,
          %parallel_loop3A_1139 = arith.index_cast %parallel_loop3A_1088 : i32 to index
          %parallel_loop3A_1140 = arith.constant 80 : index
          %parallel_loop3A_1141 = tpu.vector_load %arg10[%parallel_loop3A_1139, %parallel_loop3A_1140] {strides = array<i32>} : memref<128x128xf32, #tpu.memory_space<vmem>>, vector<1x16xf32>,
          %parallel_loop3A_1142 = vector.shape_cast %parallel_loop3A_1141 : vector<1x16xf32> to vector<16xf32>
          %parallel_loop3A_1143 = arith.mulf %parallel_loop3A_1142, %parallel_loop3A_241 : vector<16xf32>
          %parallel_loop3A_1144 = arith.index_cast %parallel_loop3A_1088 : i32 to index
          %parallel_loop3A_1145 = arith.constant 80 : index
          %parallel_loop3A_1146 = tpu.vector_load %arg10[%parallel_loop3A_1144, %parallel_loop3A_1145] {strides = array<i32>} : memref<128x128xf32, #tpu.memory_space<vmem>>, vector<1x16xf32>,
          %parallel_loop3A_1147 = vector.shape_cast %parallel_loop3A_1146 : vector<1x16xf32> to vector<16xf32>
          %parallel_loop3A_1148 = vector.shape_cast %parallel_loop3A_1143 : vector<16xf32> to vector<1x16xf32>
          tpu.vector_store %arg10[%parallel_loop3A_1144, %parallel_loop3A_1145], %parallel_loop3A_1148 {strides = array<i32>} : memref<128x128xf32, #tpu.memory_space<vmem>>, vector<1x16xf32>,
          %parallel_loop3A_1149 = arith.index_cast %parallel_loop3A_1088 : i32 to index
          %parallel_loop3A_1150 = arith.constant 96 : index
          %parallel_loop3A_1151 = tpu.vector_load %arg10[%parallel_loop3A_1149, %parallel_loop3A_1150] {strides = array<i32>} : memref<128x128xf32, #tpu.memory_space<vmem>>, vector<1x16xf32>,
          %parallel_loop3A_1152 = vector.shape_cast %parallel_loop3A_1151 : vector<1x16xf32> to vector<16xf32>
          %parallel_loop3A_1153 = arith.mulf %parallel_loop3A_1152, %parallel_loop3A_241 : vector<16xf32>
          %parallel_loop3A_1154 = arith.index_cast %parallel_loop3A_1088 : i32 to index
          %parallel_loop3A_1155 = arith.constant 96 : index
          %parallel_loop3A_1156 = tpu.vector_load %arg10[%parallel_loop3A_1154, %parallel_loop3A_1155] {strides = array<i32>} : memref<128x128xf32, #tpu.memory_space<vmem>>, vector<1x16xf32>,
          %parallel_loop3A_1157 = vector.shape_cast %parallel_loop3A_1156 : vector<1x16xf32> to vector<16xf32>
          %parallel_loop3A_1158 = vector.shape_cast %parallel_loop3A_1153 : vector<16xf32> to vector<1x16xf32>
          tpu.vector_store %arg10[%parallel_loop3A_1154, %parallel_loop3A_1155], %parallel_loop3A_1158 {strides = array<i32>} : memref<128x128xf32, #tpu.memory_space<vmem>>, vector<1x16xf32>,
          %parallel_loop3A_1159 = arith.index_cast %parallel_loop3A_1088 : i32 to index
          %parallel_loop3A_1160 = arith.constant 112 : index
          %parallel_loop3A_1161 = tpu.vector_load %arg10[%parallel_loop3A_1159, %parallel_loop3A_1160] {strides = array<i32>} : memref<128x128xf32, #tpu.memory_space<vmem>>, vector<1x16xf32>,
          %parallel_loop3A_1162 = vector.shape_cast %parallel_loop3A_1161 : vector<1x16xf32> to vector<16xf32>
          %parallel_loop3A_1163 = arith.mulf %parallel_loop3A_1162, %parallel_loop3A_241 : vector<16xf32>
          %parallel_loop3A_1164 = arith.index_cast %parallel_loop3A_1088 : i32 to index
          %parallel_loop3A_1165 = arith.constant 112 : index
          %parallel_loop3A_1166 = tpu.vector_load %arg10[%parallel_loop3A_1164, %parallel_loop3A_1165] {strides = array<i32>} : memref<128x128xf32, #tpu.memory_space<vmem>>, vector<1x16xf32>,
          %parallel_loop3A_1167 = vector.shape_cast %parallel_loop3A_1166 : vector<1x16xf32> to vector<16xf32>
          %parallel_loop3A_1168 = vector.shape_cast %parallel_loop3A_1163 : vector<16xf32> to vector<1x16xf32>
          tpu.vector_store %arg10[%parallel_loop3A_1164, %parallel_loop3A_1165], %parallel_loop3A_1168 {strides = array<i32>} : memref<128x128xf32, #tpu.memory_space<vmem>>, vector<1x16xf32>,
          %parallel_loop3A_1169 = arith.constant 11 : i32
          %parallel_loop3A_1170 = arith.addi %parallel_loop3A_182, %parallel_loop3A_1169 : i32
          %parallel_loop3A_1171 = arith.index_cast %parallel_loop3A_1170 : i32 to index
          %parallel_loop3A_1172 = arith.constant 0 : index
          %parallel_loop3A_1173 = tpu.vector_load %arg10[%parallel_loop3A_1171, %parallel_loop3A_1172] {strides = array<i32>} : memref<128x128xf32, #tpu.memory_space<vmem>>, vector<1x16xf32>,
          %parallel_loop3A_1174 = vector.shape_cast %parallel_loop3A_1173 : vector<1x16xf32> to vector<16xf32>
          %parallel_loop3A_1175 = arith.mulf %parallel_loop3A_1174, %parallel_loop3A_246 : vector<16xf32>
          %parallel_loop3A_1176 = arith.index_cast %parallel_loop3A_1170 : i32 to index
          %parallel_loop3A_1177 = arith.constant 0 : index
          %parallel_loop3A_1178 = tpu.vector_load %arg10[%parallel_loop3A_1176, %parallel_loop3A_1177] {strides = array<i32>} : memref<128x128xf32, #tpu.memory_space<vmem>>, vector<1x16xf32>,
          %parallel_loop3A_1179 = vector.shape_cast %parallel_loop3A_1178 : vector<1x16xf32> to vector<16xf32>
          %parallel_loop3A_1180 = vector.shape_cast %parallel_loop3A_1175 : vector<16xf32> to vector<1x16xf32>
          tpu.vector_store %arg10[%parallel_loop3A_1176, %parallel_loop3A_1177], %parallel_loop3A_1180 {strides = array<i32>} : memref<128x128xf32, #tpu.memory_space<vmem>>, vector<1x16xf32>,
          %parallel_loop3A_1181 = arith.index_cast %parallel_loop3A_1170 : i32 to index
          %parallel_loop3A_1182 = arith.constant 16 : index
          %parallel_loop3A_1183 = tpu.vector_load %arg10[%parallel_loop3A_1181, %parallel_loop3A_1182] {strides = array<i32>} : memref<128x128xf32, #tpu.memory_space<vmem>>, vector<1x16xf32>,
          %parallel_loop3A_1184 = vector.shape_cast %parallel_loop3A_1183 : vector<1x16xf32> to vector<16xf32>
          %parallel_loop3A_1185 = arith.mulf %parallel_loop3A_1184, %parallel_loop3A_246 : vector<16xf32>
          %parallel_loop3A_1186 = arith.index_cast %parallel_loop3A_1170 : i32 to index
          %parallel_loop3A_1187 = arith.constant 16 : index
          %parallel_loop3A_1188 = tpu.vector_load %arg10[%parallel_loop3A_1186, %parallel_loop3A_1187] {strides = array<i32>} : memref<128x128xf32, #tpu.memory_space<vmem>>, vector<1x16xf32>,
          %parallel_loop3A_1189 = vector.shape_cast %parallel_loop3A_1188 : vector<1x16xf32> to vector<16xf32>
          %parallel_loop3A_1190 = vector.shape_cast %parallel_loop3A_1185 : vector<16xf32> to vector<1x16xf32>
          tpu.vector_store %arg10[%parallel_loop3A_1186, %parallel_loop3A_1187], %parallel_loop3A_1190 {strides = array<i32>} : memref<128x128xf32, #tpu.memory_space<vmem>>, vector<1x16xf32>,
          %parallel_loop3A_1191 = arith.index_cast %parallel_loop3A_1170 : i32 to index
          %parallel_loop3A_1192 = arith.constant 32 : index
          %parallel_loop3A_1193 = tpu.vector_load %arg10[%parallel_loop3A_1191, %parallel_loop3A_1192] {strides = array<i32>} : memref<128x128xf32, #tpu.memory_space<vmem>>, vector<1x16xf32>,
          %parallel_loop3A_1194 = vector.shape_cast %parallel_loop3A_1193 : vector<1x16xf32> to vector<16xf32>
          %parallel_loop3A_1195 = arith.mulf %parallel_loop3A_1194, %parallel_loop3A_246 : vector<16xf32>
          %parallel_loop3A_1196 = arith.index_cast %parallel_loop3A_1170 : i32 to index
          %parallel_loop3A_1197 = arith.constant 32 : index
          %parallel_loop3A_1198 = tpu.vector_load %arg10[%parallel_loop3A_1196, %parallel_loop3A_1197] {strides = array<i32>} : memref<128x128xf32, #tpu.memory_space<vmem>>, vector<1x16xf32>,
          %parallel_loop3A_1199 = vector.shape_cast %parallel_loop3A_1198 : vector<1x16xf32> to vector<16xf32>
          %parallel_loop3A_1200 = vector.shape_cast %parallel_loop3A_1195 : vector<16xf32> to vector<1x16xf32>
          tpu.vector_store %arg10[%parallel_loop3A_1196, %parallel_loop3A_1197], %parallel_loop3A_1200 {strides = array<i32>} : memref<128x128xf32, #tpu.memory_space<vmem>>, vector<1x16xf32>,
          %parallel_loop3A_1201 = arith.index_cast %parallel_loop3A_1170 : i32 to index
          %parallel_loop3A_1202 = arith.constant 48 : index
          %parallel_loop3A_1203 = tpu.vector_load %arg10[%parallel_loop3A_1201, %parallel_loop3A_1202] {strides = array<i32>} : memref<128x128xf32, #tpu.memory_space<vmem>>, vector<1x16xf32>,
          %parallel_loop3A_1204 = vector.shape_cast %parallel_loop3A_1203 : vector<1x16xf32> to vector<16xf32>
          %parallel_loop3A_1205 = arith.mulf %parallel_loop3A_1204, %parallel_loop3A_246 : vector<16xf32>
          %parallel_loop3A_1206 = arith.index_cast %parallel_loop3A_1170 : i32 to index
          %parallel_loop3A_1207 = arith.constant 48 : index
          %parallel_loop3A_1208 = tpu.vector_load %arg10[%parallel_loop3A_1206, %parallel_loop3A_1207] {strides = array<i32>} : memref<128x128xf32, #tpu.memory_space<vmem>>, vector<1x16xf32>,
          %parallel_loop3A_1209 = vector.shape_cast %parallel_loop3A_1208 : vector<1x16xf32> to vector<16xf32>
          %parallel_loop3A_1210 = vector.shape_cast %parallel_loop3A_1205 : vector<16xf32> to vector<1x16xf32>
          tpu.vector_store %arg10[%parallel_loop3A_1206, %parallel_loop3A_1207], %parallel_loop3A_1210 {strides = array<i32>} : memref<128x128xf32, #tpu.memory_space<vmem>>, vector<1x16xf32>,
          %parallel_loop3A_1211 = arith.index_cast %parallel_loop3A_1170 : i32 to index
          %parallel_loop3A_1212 = arith.constant 64 : index
          %parallel_loop3A_1213 = tpu.vector_load %arg10[%parallel_loop3A_1211, %parallel_loop3A_1212] {strides = array<i32>} : memref<128x128xf32, #tpu.memory_space<vmem>>, vector<1x16xf32>,
          %parallel_loop3A_1214 = vector.shape_cast %parallel_loop3A_1213 : vector<1x16xf32> to vector<16xf32>
          %parallel_loop3A_1215 = arith.mulf %parallel_loop3A_1214, %parallel_loop3A_246 : vector<16xf32>
          %parallel_loop3A_1216 = arith.index_cast %parallel_loop3A_1170 : i32 to index
          %parallel_loop3A_1217 = arith.constant 64 : index
          %parallel_loop3A_1218 = tpu.vector_load %arg10[%parallel_loop3A_1216, %parallel_loop3A_1217] {strides = array<i32>} : memref<128x128xf32, #tpu.memory_space<vmem>>, vector<1x16xf32>,
          %parallel_loop3A_1219 = vector.shape_cast %parallel_loop3A_1218 : vector<1x16xf32> to vector<16xf32>
          %parallel_loop3A_1220 = vector.shape_cast %parallel_loop3A_1215 : vector<16xf32> to vector<1x16xf32>
          tpu.vector_store %arg10[%parallel_loop3A_1216, %parallel_loop3A_1217], %parallel_loop3A_1220 {strides = array<i32>} : memref<128x128xf32, #tpu.memory_space<vmem>>, vector<1x16xf32>,
          %parallel_loop3A_1221 = arith.index_cast %parallel_loop3A_1170 : i32 to index
          %parallel_loop3A_1222 = arith.constant 80 : index
          %parallel_loop3A_1223 = tpu.vector_load %arg10[%parallel_loop3A_1221, %parallel_loop3A_1222] {strides = array<i32>} : memref<128x128xf32, #tpu.memory_space<vmem>>, vector<1x16xf32>,
          %parallel_loop3A_1224 = vector.shape_cast %parallel_loop3A_1223 : vector<1x16xf32> to vector<16xf32>
          %parallel_loop3A_1225 = arith.mulf %parallel_loop3A_1224, %parallel_loop3A_246 : vector<16xf32>
          %parallel_loop3A_1226 = arith.index_cast %parallel_loop3A_1170 : i32 to index
          %parallel_loop3A_1227 = arith.constant 80 : index
          %parallel_loop3A_1228 = tpu.vector_load %arg10[%parallel_loop3A_1226, %parallel_loop3A_1227] {strides = array<i32>} : memref<128x128xf32, #tpu.memory_space<vmem>>, vector<1x16xf32>,
          %parallel_loop3A_1229 = vector.shape_cast %parallel_loop3A_1228 : vector<1x16xf32> to vector<16xf32>
          %parallel_loop3A_1230 = vector.shape_cast %parallel_loop3A_1225 : vector<16xf32> to vector<1x16xf32>
          tpu.vector_store %arg10[%parallel_loop3A_1226, %parallel_loop3A_1227], %parallel_loop3A_1230 {strides = array<i32>} : memref<128x128xf32, #tpu.memory_space<vmem>>, vector<1x16xf32>,
          %parallel_loop3A_1231 = arith.index_cast %parallel_loop3A_1170 : i32 to index
          %parallel_loop3A_1232 = arith.constant 96 : index
          %parallel_loop3A_1233 = tpu.vector_load %arg10[%parallel_loop3A_1231, %parallel_loop3A_1232] {strides = array<i32>} : memref<128x128xf32, #tpu.memory_space<vmem>>, vector<1x16xf32>,
          %parallel_loop3A_1234 = vector.shape_cast %parallel_loop3A_1233 : vector<1x16xf32> to vector<16xf32>
          %parallel_loop3A_1235 = arith.mulf %parallel_loop3A_1234, %parallel_loop3A_246 : vector<16xf32>
          %parallel_loop3A_1236 = arith.index_cast %parallel_loop3A_1170 : i32 to index
          %parallel_loop3A_1237 = arith.constant 96 : index
          %parallel_loop3A_1238 = tpu.vector_load %arg10[%parallel_loop3A_1236, %parallel_loop3A_1237] {strides = array<i32>} : memref<128x128xf32, #tpu.memory_space<vmem>>, vector<1x16xf32>,
          %parallel_loop3A_1239 = vector.shape_cast %parallel_loop3A_1238 : vector<1x16xf32> to vector<16xf32>
          %parallel_loop3A_1240 = vector.shape_cast %parallel_loop3A_1235 : vector<16xf32> to vector<1x16xf32>
          tpu.vector_store %arg10[%parallel_loop3A_1236, %parallel_loop3A_1237], %parallel_loop3A_1240 {strides = array<i32>} : memref<128x128xf32, #tpu.memory_space<vmem>>, vector<1x16xf32>,
          %parallel_loop3A_1241 = arith.index_cast %parallel_loop3A_1170 : i32 to index
          %parallel_loop3A_1242 = arith.constant 112 : index
          %parallel_loop3A_1243 = tpu.vector_load %arg10[%parallel_loop3A_1241, %parallel_loop3A_1242] {strides = array<i32>} : memref<128x128xf32, #tpu.memory_space<vmem>>, vector<1x16xf32>,
          %parallel_loop3A_1244 = vector.shape_cast %parallel_loop3A_1243 : vector<1x16xf32> to vector<16xf32>
          %parallel_loop3A_1245 = arith.mulf %parallel_loop3A_1244, %parallel_loop3A_246 : vector<16xf32>
          %parallel_loop3A_1246 = arith.index_cast %parallel_loop3A_1170 : i32 to index
          %parallel_loop3A_1247 = arith.constant 112 : index
          %parallel_loop3A_1248 = tpu.vector_load %arg10[%parallel_loop3A_1246, %parallel_loop3A_1247] {strides = array<i32>} : memref<128x128xf32, #tpu.memory_space<vmem>>, vector<1x16xf32>,
          %parallel_loop3A_1249 = vector.shape_cast %parallel_loop3A_1248 : vector<1x16xf32> to vector<16xf32>
          %parallel_loop3A_1250 = vector.shape_cast %parallel_loop3A_1245 : vector<16xf32> to vector<1x16xf32>
          tpu.vector_store %arg10[%parallel_loop3A_1246, %parallel_loop3A_1247], %parallel_loop3A_1250 {strides = array<i32>} : memref<128x128xf32, #tpu.memory_space<vmem>>, vector<1x16xf32>,
          %parallel_loop3A_1251 = arith.constant 12 : i32
          %parallel_loop3A_1252 = arith.addi %parallel_loop3A_182, %parallel_loop3A_1251 : i32
          %parallel_loop3A_1253 = arith.index_cast %parallel_loop3A_1252 : i32 to index
          %parallel_loop3A_1254 = arith.constant 0 : index
          %parallel_loop3A_1255 = tpu.vector_load %arg10[%parallel_loop3A_1253, %parallel_loop3A_1254] {strides = array<i32>} : memref<128x128xf32, #tpu.memory_space<vmem>>, vector<1x16xf32>,
          %parallel_loop3A_1256 = vector.shape_cast %parallel_loop3A_1255 : vector<1x16xf32> to vector<16xf32>
          %parallel_loop3A_1257 = arith.mulf %parallel_loop3A_1256, %parallel_loop3A_251 : vector<16xf32>
          %parallel_loop3A_1258 = arith.index_cast %parallel_loop3A_1252 : i32 to index
          %parallel_loop3A_1259 = arith.constant 0 : index
          %parallel_loop3A_1260 = tpu.vector_load %arg10[%parallel_loop3A_1258, %parallel_loop3A_1259] {strides = array<i32>} : memref<128x128xf32, #tpu.memory_space<vmem>>, vector<1x16xf32>,
          %parallel_loop3A_1261 = vector.shape_cast %parallel_loop3A_1260 : vector<1x16xf32> to vector<16xf32>
          %parallel_loop3A_1262 = vector.shape_cast %parallel_loop3A_1257 : vector<16xf32> to vector<1x16xf32>
          tpu.vector_store %arg10[%parallel_loop3A_1258, %parallel_loop3A_1259], %parallel_loop3A_1262 {strides = array<i32>} : memref<128x128xf32, #tpu.memory_space<vmem>>, vector<1x16xf32>,
          %parallel_loop3A_1263 = arith.index_cast %parallel_loop3A_1252 : i32 to index
          %parallel_loop3A_1264 = arith.constant 16 : index
          %parallel_loop3A_1265 = tpu.vector_load %arg10[%parallel_loop3A_1263, %parallel_loop3A_1264] {strides = array<i32>} : memref<128x128xf32, #tpu.memory_space<vmem>>, vector<1x16xf32>,
          %parallel_loop3A_1266 = vector.shape_cast %parallel_loop3A_1265 : vector<1x16xf32> to vector<16xf32>
          %parallel_loop3A_1267 = arith.mulf %parallel_loop3A_1266, %parallel_loop3A_251 : vector<16xf32>
          %parallel_loop3A_1268 = arith.index_cast %parallel_loop3A_1252 : i32 to index
          %parallel_loop3A_1269 = arith.constant 16 : index
          %parallel_loop3A_1270 = tpu.vector_load %arg10[%parallel_loop3A_1268, %parallel_loop3A_1269] {strides = array<i32>} : memref<128x128xf32, #tpu.memory_space<vmem>>, vector<1x16xf32>,
          %parallel_loop3A_1271 = vector.shape_cast %parallel_loop3A_1270 : vector<1x16xf32> to vector<16xf32>
          %parallel_loop3A_1272 = vector.shape_cast %parallel_loop3A_1267 : vector<16xf32> to vector<1x16xf32>
          tpu.vector_store %arg10[%parallel_loop3A_1268, %parallel_loop3A_1269], %parallel_loop3A_1272 {strides = array<i32>} : memref<128x128xf32, #tpu.memory_space<vmem>>, vector<1x16xf32>,
          %parallel_loop3A_1273 = arith.index_cast %parallel_loop3A_1252 : i32 to index
          %parallel_loop3A_1274 = arith.constant 32 : index
          %parallel_loop3A_1275 = tpu.vector_load %arg10[%parallel_loop3A_1273, %parallel_loop3A_1274] {strides = array<i32>} : memref<128x128xf32, #tpu.memory_space<vmem>>, vector<1x16xf32>,
          %parallel_loop3A_1276 = vector.shape_cast %parallel_loop3A_1275 : vector<1x16xf32> to vector<16xf32>
          %parallel_loop3A_1277 = arith.mulf %parallel_loop3A_1276, %parallel_loop3A_251 : vector<16xf32>
          %parallel_loop3A_1278 = arith.index_cast %parallel_loop3A_1252 : i32 to index
          %parallel_loop3A_1279 = arith.constant 32 : index
          %parallel_loop3A_1280 = tpu.vector_load %arg10[%parallel_loop3A_1278, %parallel_loop3A_1279] {strides = array<i32>} : memref<128x128xf32, #tpu.memory_space<vmem>>, vector<1x16xf32>,
          %parallel_loop3A_1281 = vector.shape_cast %parallel_loop3A_1280 : vector<1x16xf32> to vector<16xf32>
          %parallel_loop3A_1282 = vector.shape_cast %parallel_loop3A_1277 : vector<16xf32> to vector<1x16xf32>
          tpu.vector_store %arg10[%parallel_loop3A_1278, %parallel_loop3A_1279], %parallel_loop3A_1282 {strides = array<i32>} : memref<128x128xf32, #tpu.memory_space<vmem>>, vector<1x16xf32>,
          %parallel_loop3A_1283 = arith.index_cast %parallel_loop3A_1252 : i32 to index
          %parallel_loop3A_1284 = arith.constant 48 : index
          %parallel_loop3A_1285 = tpu.vector_load %arg10[%parallel_loop3A_1283, %parallel_loop3A_1284] {strides = array<i32>} : memref<128x128xf32, #tpu.memory_space<vmem>>, vector<1x16xf32>,
          %parallel_loop3A_1286 = vector.shape_cast %parallel_loop3A_1285 : vector<1x16xf32> to vector<16xf32>
          %parallel_loop3A_1287 = arith.mulf %parallel_loop3A_1286, %parallel_loop3A_251 : vector<16xf32>
          %parallel_loop3A_1288 = arith.index_cast %parallel_loop3A_1252 : i32 to index
          %parallel_loop3A_1289 = arith.constant 48 : index
          %parallel_loop3A_1290 = tpu.vector_load %arg10[%parallel_loop3A_1288, %parallel_loop3A_1289] {strides = array<i32>} : memref<128x128xf32, #tpu.memory_space<vmem>>, vector<1x16xf32>,
          %parallel_loop3A_1291 = vector.shape_cast %parallel_loop3A_1290 : vector<1x16xf32> to vector<16xf32>
          %parallel_loop3A_1292 = vector.shape_cast %parallel_loop3A_1287 : vector<16xf32> to vector<1x16xf32>
          tpu.vector_store %arg10[%parallel_loop3A_1288, %parallel_loop3A_1289], %parallel_loop3A_1292 {strides = array<i32>} : memref<128x128xf32, #tpu.memory_space<vmem>>, vector<1x16xf32>,
          %parallel_loop3A_1293 = arith.index_cast %parallel_loop3A_1252 : i32 to index
          %parallel_loop3A_1294 = arith.constant 64 : index
          %parallel_loop3A_1295 = tpu.vector_load %arg10[%parallel_loop3A_1293, %parallel_loop3A_1294] {strides = array<i32>} : memref<128x128xf32, #tpu.memory_space<vmem>>, vector<1x16xf32>,
          %parallel_loop3A_1296 = vector.shape_cast %parallel_loop3A_1295 : vector<1x16xf32> to vector<16xf32>
          %parallel_loop3A_1297 = arith.mulf %parallel_loop3A_1296, %parallel_loop3A_251 : vector<16xf32>
          %parallel_loop3A_1298 = arith.index_cast %parallel_loop3A_1252 : i32 to index
          %parallel_loop3A_1299 = arith.constant 64 : index
          %parallel_loop3A_1300 = tpu.vector_load %arg10[%parallel_loop3A_1298, %parallel_loop3A_1299] {strides = array<i32>} : memref<128x128xf32, #tpu.memory_space<vmem>>, vector<1x16xf32>,
          %parallel_loop3A_1301 = vector.shape_cast %parallel_loop3A_1300 : vector<1x16xf32> to vector<16xf32>
          %parallel_loop3A_1302 = vector.shape_cast %parallel_loop3A_1297 : vector<16xf32> to vector<1x16xf32>
          tpu.vector_store %arg10[%parallel_loop3A_1298, %parallel_loop3A_1299], %parallel_loop3A_1302 {strides = array<i32>} : memref<128x128xf32, #tpu.memory_space<vmem>>, vector<1x16xf32>,
          %parallel_loop3A_1303 = arith.index_cast %parallel_loop3A_1252 : i32 to index
          %parallel_loop3A_1304 = arith.constant 80 : index
          %parallel_loop3A_1305 = tpu.vector_load %arg10[%parallel_loop3A_1303, %parallel_loop3A_1304] {strides = array<i32>} : memref<128x128xf32, #tpu.memory_space<vmem>>, vector<1x16xf32>,
          %parallel_loop3A_1306 = vector.shape_cast %parallel_loop3A_1305 : vector<1x16xf32> to vector<16xf32>
          %parallel_loop3A_1307 = arith.mulf %parallel_loop3A_1306, %parallel_loop3A_251 : vector<16xf32>
          %parallel_loop3A_1308 = arith.index_cast %parallel_loop3A_1252 : i32 to index
          %parallel_loop3A_1309 = arith.constant 80 : index
          %parallel_loop3A_1310 = tpu.vector_load %arg10[%parallel_loop3A_1308, %parallel_loop3A_1309] {strides = array<i32>} : memref<128x128xf32, #tpu.memory_space<vmem>>, vector<1x16xf32>,
          %parallel_loop3A_1311 = vector.shape_cast %parallel_loop3A_1310 : vector<1x16xf32> to vector<16xf32>
          %parallel_loop3A_1312 = vector.shape_cast %parallel_loop3A_1307 : vector<16xf32> to vector<1x16xf32>
          tpu.vector_store %arg10[%parallel_loop3A_1308, %parallel_loop3A_1309], %parallel_loop3A_1312 {strides = array<i32>} : memref<128x128xf32, #tpu.memory_space<vmem>>, vector<1x16xf32>,
          %parallel_loop3A_1313 = arith.index_cast %parallel_loop3A_1252 : i32 to index
          %parallel_loop3A_1314 = arith.constant 96 : index
          %parallel_loop3A_1315 = tpu.vector_load %arg10[%parallel_loop3A_1313, %parallel_loop3A_1314] {strides = array<i32>} : memref<128x128xf32, #tpu.memory_space<vmem>>, vector<1x16xf32>,
          %parallel_loop3A_1316 = vector.shape_cast %parallel_loop3A_1315 : vector<1x16xf32> to vector<16xf32>
          %parallel_loop3A_1317 = arith.mulf %parallel_loop3A_1316, %parallel_loop3A_251 : vector<16xf32>
          %parallel_loop3A_1318 = arith.index_cast %parallel_loop3A_1252 : i32 to index
          %parallel_loop3A_1319 = arith.constant 96 : index
          %parallel_loop3A_1320 = tpu.vector_load %arg10[%parallel_loop3A_1318, %parallel_loop3A_1319] {strides = array<i32>} : memref<128x128xf32, #tpu.memory_space<vmem>>, vector<1x16xf32>,
          %parallel_loop3A_1321 = vector.shape_cast %parallel_loop3A_1320 : vector<1x16xf32> to vector<16xf32>
          %parallel_loop3A_1322 = vector.shape_cast %parallel_loop3A_1317 : vector<16xf32> to vector<1x16xf32>
          tpu.vector_store %arg10[%parallel_loop3A_1318, %parallel_loop3A_1319], %parallel_loop3A_1322 {strides = array<i32>} : memref<128x128xf32, #tpu.memory_space<vmem>>, vector<1x16xf32>,
          %parallel_loop3A_1323 = arith.index_cast %parallel_loop3A_1252 : i32 to index
          %parallel_loop3A_1324 = arith.constant 112 : index
          %parallel_loop3A_1325 = tpu.vector_load %arg10[%parallel_loop3A_1323, %parallel_loop3A_1324] {strides = array<i32>} : memref<128x128xf32, #tpu.memory_space<vmem>>, vector<1x16xf32>,
          %parallel_loop3A_1326 = vector.shape_cast %parallel_loop3A_1325 : vector<1x16xf32> to vector<16xf32>
          %parallel_loop3A_1327 = arith.mulf %parallel_loop3A_1326, %parallel_loop3A_251 : vector<16xf32>
          %parallel_loop3A_1328 = arith.index_cast %parallel_loop3A_1252 : i32 to index
          %parallel_loop3A_1329 = arith.constant 112 : index
          %parallel_loop3A_1330 = tpu.vector_load %arg10[%parallel_loop3A_1328, %parallel_loop3A_1329] {strides = array<i32>} : memref<128x128xf32, #tpu.memory_space<vmem>>, vector<1x16xf32>,
          %parallel_loop3A_1331 = vector.shape_cast %parallel_loop3A_1330 : vector<1x16xf32> to vector<16xf32>
          %parallel_loop3A_1332 = vector.shape_cast %parallel_loop3A_1327 : vector<16xf32> to vector<1x16xf32>
          tpu.vector_store %arg10[%parallel_loop3A_1328, %parallel_loop3A_1329], %parallel_loop3A_1332 {strides = array<i32>} : memref<128x128xf32, #tpu.memory_space<vmem>>, vector<1x16xf32>,
          %parallel_loop3A_1333 = arith.constant 13 : i32
          %parallel_loop3A_1334 = arith.addi %parallel_loop3A_182, %parallel_loop3A_1333 : i32
          %parallel_loop3A_1335 = arith.index_cast %parallel_loop3A_1334 : i32 to index
          %parallel_loop3A_1336 = arith.constant 0 : index
          %parallel_loop3A_1337 = tpu.vector_load %arg10[%parallel_loop3A_1335, %parallel_loop3A_1336] {strides = array<i32>} : memref<128x128xf32, #tpu.memory_space<vmem>>, vector<1x16xf32>,
          %parallel_loop3A_1338 = vector.shape_cast %parallel_loop3A_1337 : vector<1x16xf32> to vector<16xf32>
          %parallel_loop3A_1339 = arith.mulf %parallel_loop3A_1338, %parallel_loop3A_256 : vector<16xf32>
          %parallel_loop3A_1340 = arith.index_cast %parallel_loop3A_1334 : i32 to index
          %parallel_loop3A_1341 = arith.constant 0 : index
          %parallel_loop3A_1342 = tpu.vector_load %arg10[%parallel_loop3A_1340, %parallel_loop3A_1341] {strides = array<i32>} : memref<128x128xf32, #tpu.memory_space<vmem>>, vector<1x16xf32>,
          %parallel_loop3A_1343 = vector.shape_cast %parallel_loop3A_1342 : vector<1x16xf32> to vector<16xf32>
          %parallel_loop3A_1344 = vector.shape_cast %parallel_loop3A_1339 : vector<16xf32> to vector<1x16xf32>
          tpu.vector_store %arg10[%parallel_loop3A_1340, %parallel_loop3A_1341], %parallel_loop3A_1344 {strides = array<i32>} : memref<128x128xf32, #tpu.memory_space<vmem>>, vector<1x16xf32>,
          %parallel_loop3A_1345 = arith.index_cast %parallel_loop3A_1334 : i32 to index
          %parallel_loop3A_1346 = arith.constant 16 : index
          %parallel_loop3A_1347 = tpu.vector_load %arg10[%parallel_loop3A_1345, %parallel_loop3A_1346] {strides = array<i32>} : memref<128x128xf32, #tpu.memory_space<vmem>>, vector<1x16xf32>,
          %parallel_loop3A_1348 = vector.shape_cast %parallel_loop3A_1347 : vector<1x16xf32> to vector<16xf32>
          %parallel_loop3A_1349 = arith.mulf %parallel_loop3A_1348, %parallel_loop3A_256 : vector<16xf32>
          %parallel_loop3A_1350 = arith.index_cast %parallel_loop3A_1334 : i32 to index
          %parallel_loop3A_1351 = arith.constant 16 : index
          %parallel_loop3A_1352 = tpu.vector_load %arg10[%parallel_loop3A_1350, %parallel_loop3A_1351] {strides = array<i32>} : memref<128x128xf32, #tpu.memory_space<vmem>>, vector<1x16xf32>,
          %parallel_loop3A_1353 = vector.shape_cast %parallel_loop3A_1352 : vector<1x16xf32> to vector<16xf32>
          %parallel_loop3A_1354 = vector.shape_cast %parallel_loop3A_1349 : vector<16xf32> to vector<1x16xf32>
          tpu.vector_store %arg10[%parallel_loop3A_1350, %parallel_loop3A_1351], %parallel_loop3A_1354 {strides = array<i32>} : memref<128x128xf32, #tpu.memory_space<vmem>>, vector<1x16xf32>,
          %parallel_loop3A_1355 = arith.index_cast %parallel_loop3A_1334 : i32 to index
          %parallel_loop3A_1356 = arith.constant 32 : index
          %parallel_loop3A_1357 = tpu.vector_load %arg10[%parallel_loop3A_1355, %parallel_loop3A_1356] {strides = array<i32>} : memref<128x128xf32, #tpu.memory_space<vmem>>, vector<1x16xf32>,
          %parallel_loop3A_1358 = vector.shape_cast %parallel_loop3A_1357 : vector<1x16xf32> to vector<16xf32>
          %parallel_loop3A_1359 = arith.mulf %parallel_loop3A_1358, %parallel_loop3A_256 : vector<16xf32>
          %parallel_loop3A_1360 = arith.index_cast %parallel_loop3A_1334 : i32 to index
          %parallel_loop3A_1361 = arith.constant 32 : index
          %parallel_loop3A_1362 = tpu.vector_load %arg10[%parallel_loop3A_1360, %parallel_loop3A_1361] {strides = array<i32>} : memref<128x128xf32, #tpu.memory_space<vmem>>, vector<1x16xf32>,
          %parallel_loop3A_1363 = vector.shape_cast %parallel_loop3A_1362 : vector<1x16xf32> to vector<16xf32>
          %parallel_loop3A_1364 = vector.shape_cast %parallel_loop3A_1359 : vector<16xf32> to vector<1x16xf32>
          tpu.vector_store %arg10[%parallel_loop3A_1360, %parallel_loop3A_1361], %parallel_loop3A_1364 {strides = array<i32>} : memref<128x128xf32, #tpu.memory_space<vmem>>, vector<1x16xf32>,
          %parallel_loop3A_1365 = arith.index_cast %parallel_loop3A_1334 : i32 to index
          %parallel_loop3A_1366 = arith.constant 48 : index
          %parallel_loop3A_1367 = tpu.vector_load %arg10[%parallel_loop3A_1365, %parallel_loop3A_1366] {strides = array<i32>} : memref<128x128xf32, #tpu.memory_space<vmem>>, vector<1x16xf32>,
          %parallel_loop3A_1368 = vector.shape_cast %parallel_loop3A_1367 : vector<1x16xf32> to vector<16xf32>
          %parallel_loop3A_1369 = arith.mulf %parallel_loop3A_1368, %parallel_loop3A_256 : vector<16xf32>
          %parallel_loop3A_1370 = arith.index_cast %parallel_loop3A_1334 : i32 to index
          %parallel_loop3A_1371 = arith.constant 48 : index
          %parallel_loop3A_1372 = tpu.vector_load %arg10[%parallel_loop3A_1370, %parallel_loop3A_1371] {strides = array<i32>} : memref<128x128xf32, #tpu.memory_space<vmem>>, vector<1x16xf32>,
          %parallel_loop3A_1373 = vector.shape_cast %parallel_loop3A_1372 : vector<1x16xf32> to vector<16xf32>
          %parallel_loop3A_1374 = vector.shape_cast %parallel_loop3A_1369 : vector<16xf32> to vector<1x16xf32>
          tpu.vector_store %arg10[%parallel_loop3A_1370, %parallel_loop3A_1371], %parallel_loop3A_1374 {strides = array<i32>} : memref<128x128xf32, #tpu.memory_space<vmem>>, vector<1x16xf32>,
          %parallel_loop3A_1375 = arith.index_cast %parallel_loop3A_1334 : i32 to index
          %parallel_loop3A_1376 = arith.constant 64 : index
          %parallel_loop3A_1377 = tpu.vector_load %arg10[%parallel_loop3A_1375, %parallel_loop3A_1376] {strides = array<i32>} : memref<128x128xf32, #tpu.memory_space<vmem>>, vector<1x16xf32>,
          %parallel_loop3A_1378 = vector.shape_cast %parallel_loop3A_1377 : vector<1x16xf32> to vector<16xf32>
          %parallel_loop3A_1379 = arith.mulf %parallel_loop3A_1378, %parallel_loop3A_256 : vector<16xf32>
          %parallel_loop3A_1380 = arith.index_cast %parallel_loop3A_1334 : i32 to index
          %parallel_loop3A_1381 = arith.constant 64 : index
          %parallel_loop3A_1382 = tpu.vector_load %arg10[%parallel_loop3A_1380, %parallel_loop3A_1381] {strides = array<i32>} : memref<128x128xf32, #tpu.memory_space<vmem>>, vector<1x16xf32>,
          %parallel_loop3A_1383 = vector.shape_cast %parallel_loop3A_1382 : vector<1x16xf32> to vector<16xf32>
          %parallel_loop3A_1384 = vector.shape_cast %parallel_loop3A_1379 : vector<16xf32> to vector<1x16xf32>
          tpu.vector_store %arg10[%parallel_loop3A_1380, %parallel_loop3A_1381], %parallel_loop3A_1384 {strides = array<i32>} : memref<128x128xf32, #tpu.memory_space<vmem>>, vector<1x16xf32>,
          %parallel_loop3A_1385 = arith.index_cast %parallel_loop3A_1334 : i32 to index
          %parallel_loop3A_1386 = arith.constant 80 : index
          %parallel_loop3A_1387 = tpu.vector_load %arg10[%parallel_loop3A_1385, %parallel_loop3A_1386] {strides = array<i32>} : memref<128x128xf32, #tpu.memory_space<vmem>>, vector<1x16xf32>,
          %parallel_loop3A_1388 = vector.shape_cast %parallel_loop3A_1387 : vector<1x16xf32> to vector<16xf32>
          %parallel_loop3A_1389 = arith.mulf %parallel_loop3A_1388, %parallel_loop3A_256 : vector<16xf32>
          %parallel_loop3A_1390 = arith.index_cast %parallel_loop3A_1334 : i32 to index
          %parallel_loop3A_1391 = arith.constant 80 : index
          %parallel_loop3A_1392 = tpu.vector_load %arg10[%parallel_loop3A_1390, %parallel_loop3A_1391] {strides = array<i32>} : memref<128x128xf32, #tpu.memory_space<vmem>>, vector<1x16xf32>,
          %parallel_loop3A_1393 = vector.shape_cast %parallel_loop3A_1392 : vector<1x16xf32> to vector<16xf32>
          %parallel_loop3A_1394 = vector.shape_cast %parallel_loop3A_1389 : vector<16xf32> to vector<1x16xf32>
          tpu.vector_store %arg10[%parallel_loop3A_1390, %parallel_loop3A_1391], %parallel_loop3A_1394 {strides = array<i32>} : memref<128x128xf32, #tpu.memory_space<vmem>>, vector<1x16xf32>,
          %parallel_loop3A_1395 = arith.index_cast %parallel_loop3A_1334 : i32 to index
          %parallel_loop3A_1396 = arith.constant 96 : index
          %parallel_loop3A_1397 = tpu.vector_load %arg10[%parallel_loop3A_1395, %parallel_loop3A_1396] {strides = array<i32>} : memref<128x128xf32, #tpu.memory_space<vmem>>, vector<1x16xf32>,
          %parallel_loop3A_1398 = vector.shape_cast %parallel_loop3A_1397 : vector<1x16xf32> to vector<16xf32>
          %parallel_loop3A_1399 = arith.mulf %parallel_loop3A_1398, %parallel_loop3A_256 : vector<16xf32>
          %parallel_loop3A_1400 = arith.index_cast %parallel_loop3A_1334 : i32 to index
          %parallel_loop3A_1401 = arith.constant 96 : index
          %parallel_loop3A_1402 = tpu.vector_load %arg10[%parallel_loop3A_1400, %parallel_loop3A_1401] {strides = array<i32>} : memref<128x128xf32, #tpu.memory_space<vmem>>, vector<1x16xf32>,
          %parallel_loop3A_1403 = vector.shape_cast %parallel_loop3A_1402 : vector<1x16xf32> to vector<16xf32>
          %parallel_loop3A_1404 = vector.shape_cast %parallel_loop3A_1399 : vector<16xf32> to vector<1x16xf32>
          tpu.vector_store %arg10[%parallel_loop3A_1400, %parallel_loop3A_1401], %parallel_loop3A_1404 {strides = array<i32>} : memref<128x128xf32, #tpu.memory_space<vmem>>, vector<1x16xf32>,
          %parallel_loop3A_1405 = arith.index_cast %parallel_loop3A_1334 : i32 to index
          %parallel_loop3A_1406 = arith.constant 112 : index
          %parallel_loop3A_1407 = tpu.vector_load %arg10[%parallel_loop3A_1405, %parallel_loop3A_1406] {strides = array<i32>} : memref<128x128xf32, #tpu.memory_space<vmem>>, vector<1x16xf32>,
          %parallel_loop3A_1408 = vector.shape_cast %parallel_loop3A_1407 : vector<1x16xf32> to vector<16xf32>
          %parallel_loop3A_1409 = arith.mulf %parallel_loop3A_1408, %parallel_loop3A_256 : vector<16xf32>
          %parallel_loop3A_1410 = arith.index_cast %parallel_loop3A_1334 : i32 to index
          %parallel_loop3A_1411 = arith.constant 112 : index
          %parallel_loop3A_1412 = tpu.vector_load %arg10[%parallel_loop3A_1410, %parallel_loop3A_1411] {strides = array<i32>} : memref<128x128xf32, #tpu.memory_space<vmem>>, vector<1x16xf32>,
          %parallel_loop3A_1413 = vector.shape_cast %parallel_loop3A_1412 : vector<1x16xf32> to vector<16xf32>
          %parallel_loop3A_1414 = vector.shape_cast %parallel_loop3A_1409 : vector<16xf32> to vector<1x16xf32>
          tpu.vector_store %arg10[%parallel_loop3A_1410, %parallel_loop3A_1411], %parallel_loop3A_1414 {strides = array<i32>} : memref<128x128xf32, #tpu.memory_space<vmem>>, vector<1x16xf32>,
          %parallel_loop3A_1415 = arith.constant 14 : i32
          %parallel_loop3A_1416 = arith.addi %parallel_loop3A_182, %parallel_loop3A_1415 : i32
          %parallel_loop3A_1417 = arith.index_cast %parallel_loop3A_1416 : i32 to index
          %parallel_loop3A_1418 = arith.constant 0 : index
          %parallel_loop3A_1419 = tpu.vector_load %arg10[%parallel_loop3A_1417, %parallel_loop3A_1418] {strides = array<i32>} : memref<128x128xf32, #tpu.memory_space<vmem>>, vector<1x16xf32>,
          %parallel_loop3A_1420 = vector.shape_cast %parallel_loop3A_1419 : vector<1x16xf32> to vector<16xf32>
          %parallel_loop3A_1421 = arith.mulf %parallel_loop3A_1420, %parallel_loop3A_261 : vector<16xf32>
          %parallel_loop3A_1422 = arith.index_cast %parallel_loop3A_1416 : i32 to index
          %parallel_loop3A_1423 = arith.constant 0 : index
          %parallel_loop3A_1424 = tpu.vector_load %arg10[%parallel_loop3A_1422, %parallel_loop3A_1423] {strides = array<i32>} : memref<128x128xf32, #tpu.memory_space<vmem>>, vector<1x16xf32>,
          %parallel_loop3A_1425 = vector.shape_cast %parallel_loop3A_1424 : vector<1x16xf32> to vector<16xf32>
          %parallel_loop3A_1426 = vector.shape_cast %parallel_loop3A_1421 : vector<16xf32> to vector<1x16xf32>
          tpu.vector_store %arg10[%parallel_loop3A_1422, %parallel_loop3A_1423], %parallel_loop3A_1426 {strides = array<i32>} : memref<128x128xf32, #tpu.memory_space<vmem>>, vector<1x16xf32>,
          %parallel_loop3A_1427 = arith.index_cast %parallel_loop3A_1416 : i32 to index
          %parallel_loop3A_1428 = arith.constant 16 : index
          %parallel_loop3A_1429 = tpu.vector_load %arg10[%parallel_loop3A_1427, %parallel_loop3A_1428] {strides = array<i32>} : memref<128x128xf32, #tpu.memory_space<vmem>>, vector<1x16xf32>,
          %parallel_loop3A_1430 = vector.shape_cast %parallel_loop3A_1429 : vector<1x16xf32> to vector<16xf32>
          %parallel_loop3A_1431 = arith.mulf %parallel_loop3A_1430, %parallel_loop3A_261 : vector<16xf32>
          %parallel_loop3A_1432 = arith.index_cast %parallel_loop3A_1416 : i32 to index
          %parallel_loop3A_1433 = arith.constant 16 : index
          %parallel_loop3A_1434 = tpu.vector_load %arg10[%parallel_loop3A_1432, %parallel_loop3A_1433] {strides = array<i32>} : memref<128x128xf32, #tpu.memory_space<vmem>>, vector<1x16xf32>,
          %parallel_loop3A_1435 = vector.shape_cast %parallel_loop3A_1434 : vector<1x16xf32> to vector<16xf32>
          %parallel_loop3A_1436 = vector.shape_cast %parallel_loop3A_1431 : vector<16xf32> to vector<1x16xf32>
          tpu.vector_store %arg10[%parallel_loop3A_1432, %parallel_loop3A_1433], %parallel_loop3A_1436 {strides = array<i32>} : memref<128x128xf32, #tpu.memory_space<vmem>>, vector<1x16xf32>,
          %parallel_loop3A_1437 = arith.index_cast %parallel_loop3A_1416 : i32 to index
          %parallel_loop3A_1438 = arith.constant 32 : index
          %parallel_loop3A_1439 = tpu.vector_load %arg10[%parallel_loop3A_1437, %parallel_loop3A_1438] {strides = array<i32>} : memref<128x128xf32, #tpu.memory_space<vmem>>, vector<1x16xf32>,
          %parallel_loop3A_1440 = vector.shape_cast %parallel_loop3A_1439 : vector<1x16xf32> to vector<16xf32>
          %parallel_loop3A_1441 = arith.mulf %parallel_loop3A_1440, %parallel_loop3A_261 : vector<16xf32>
          %parallel_loop3A_1442 = arith.index_cast %parallel_loop3A_1416 : i32 to index
          %parallel_loop3A_1443 = arith.constant 32 : index
          %parallel_loop3A_1444 = tpu.vector_load %arg10[%parallel_loop3A_1442, %parallel_loop3A_1443] {strides = array<i32>} : memref<128x128xf32, #tpu.memory_space<vmem>>, vector<1x16xf32>,
          %parallel_loop3A_1445 = vector.shape_cast %parallel_loop3A_1444 : vector<1x16xf32> to vector<16xf32>
          %parallel_loop3A_1446 = vector.shape_cast %parallel_loop3A_1441 : vector<16xf32> to vector<1x16xf32>
          tpu.vector_store %arg10[%parallel_loop3A_1442, %parallel_loop3A_1443], %parallel_loop3A_1446 {strides = array<i32>} : memref<128x128xf32, #tpu.memory_space<vmem>>, vector<1x16xf32>,
          %parallel_loop3A_1447 = arith.index_cast %parallel_loop3A_1416 : i32 to index
          %parallel_loop3A_1448 = arith.constant 48 : index
          %parallel_loop3A_1449 = tpu.vector_load %arg10[%parallel_loop3A_1447, %parallel_loop3A_1448] {strides = array<i32>} : memref<128x128xf32, #tpu.memory_space<vmem>>, vector<1x16xf32>,
          %parallel_loop3A_1450 = vector.shape_cast %parallel_loop3A_1449 : vector<1x16xf32> to vector<16xf32>
          %parallel_loop3A_1451 = arith.mulf %parallel_loop3A_1450, %parallel_loop3A_261 : vector<16xf32>
          %parallel_loop3A_1452 = arith.index_cast %parallel_loop3A_1416 : i32 to index
          %parallel_loop3A_1453 = arith.constant 48 : index
          %parallel_loop3A_1454 = tpu.vector_load %arg10[%parallel_loop3A_1452, %parallel_loop3A_1453] {strides = array<i32>} : memref<128x128xf32, #tpu.memory_space<vmem>>, vector<1x16xf32>,
          %parallel_loop3A_1455 = vector.shape_cast %parallel_loop3A_1454 : vector<1x16xf32> to vector<16xf32>
          %parallel_loop3A_1456 = vector.shape_cast %parallel_loop3A_1451 : vector<16xf32> to vector<1x16xf32>
          tpu.vector_store %arg10[%parallel_loop3A_1452, %parallel_loop3A_1453], %parallel_loop3A_1456 {strides = array<i32>} : memref<128x128xf32, #tpu.memory_space<vmem>>, vector<1x16xf32>,
          %parallel_loop3A_1457 = arith.index_cast %parallel_loop3A_1416 : i32 to index
          %parallel_loop3A_1458 = arith.constant 64 : index
          %parallel_loop3A_1459 = tpu.vector_load %arg10[%parallel_loop3A_1457, %parallel_loop3A_1458] {strides = array<i32>} : memref<128x128xf32, #tpu.memory_space<vmem>>, vector<1x16xf32>,
          %parallel_loop3A_1460 = vector.shape_cast %parallel_loop3A_1459 : vector<1x16xf32> to vector<16xf32>
          %parallel_loop3A_1461 = arith.mulf %parallel_loop3A_1460, %parallel_loop3A_261 : vector<16xf32>
          %parallel_loop3A_1462 = arith.index_cast %parallel_loop3A_1416 : i32 to index
          %parallel_loop3A_1463 = arith.constant 64 : index
          %parallel_loop3A_1464 = tpu.vector_load %arg10[%parallel_loop3A_1462, %parallel_loop3A_1463] {strides = array<i32>} : memref<128x128xf32, #tpu.memory_space<vmem>>, vector<1x16xf32>,
          %parallel_loop3A_1465 = vector.shape_cast %parallel_loop3A_1464 : vector<1x16xf32> to vector<16xf32>
          %parallel_loop3A_1466 = vector.shape_cast %parallel_loop3A_1461 : vector<16xf32> to vector<1x16xf32>
          tpu.vector_store %arg10[%parallel_loop3A_1462, %parallel_loop3A_1463], %parallel_loop3A_1466 {strides = array<i32>} : memref<128x128xf32, #tpu.memory_space<vmem>>, vector<1x16xf32>,
          %parallel_loop3A_1467 = arith.index_cast %parallel_loop3A_1416 : i32 to index
          %parallel_loop3A_1468 = arith.constant 80 : index
          %parallel_loop3A_1469 = tpu.vector_load %arg10[%parallel_loop3A_1467, %parallel_loop3A_1468] {strides = array<i32>} : memref<128x128xf32, #tpu.memory_space<vmem>>, vector<1x16xf32>,
          %parallel_loop3A_1470 = vector.shape_cast %parallel_loop3A_1469 : vector<1x16xf32> to vector<16xf32>
          %parallel_loop3A_1471 = arith.mulf %parallel_loop3A_1470, %parallel_loop3A_261 : vector<16xf32>
          %parallel_loop3A_1472 = arith.index_cast %parallel_loop3A_1416 : i32 to index
          %parallel_loop3A_1473 = arith.constant 80 : index
          %parallel_loop3A_1474 = tpu.vector_load %arg10[%parallel_loop3A_1472, %parallel_loop3A_1473] {strides = array<i32>} : memref<128x128xf32, #tpu.memory_space<vmem>>, vector<1x16xf32>,
          %parallel_loop3A_1475 = vector.shape_cast %parallel_loop3A_1474 : vector<1x16xf32> to vector<16xf32>
          %parallel_loop3A_1476 = vector.shape_cast %parallel_loop3A_1471 : vector<16xf32> to vector<1x16xf32>
          tpu.vector_store %arg10[%parallel_loop3A_1472, %parallel_loop3A_1473], %parallel_loop3A_1476 {strides = array<i32>} : memref<128x128xf32, #tpu.memory_space<vmem>>, vector<1x16xf32>,
          %parallel_loop3A_1477 = arith.index_cast %parallel_loop3A_1416 : i32 to index
          %parallel_loop3A_1478 = arith.constant 96 : index
          %parallel_loop3A_1479 = tpu.vector_load %arg10[%parallel_loop3A_1477, %parallel_loop3A_1478] {strides = array<i32>} : memref<128x128xf32, #tpu.memory_space<vmem>>, vector<1x16xf32>,
          %parallel_loop3A_1480 = vector.shape_cast %parallel_loop3A_1479 : vector<1x16xf32> to vector<16xf32>
          %parallel_loop3A_1481 = arith.mulf %parallel_loop3A_1480, %parallel_loop3A_261 : vector<16xf32>
          %parallel_loop3A_1482 = arith.index_cast %parallel_loop3A_1416 : i32 to index
          %parallel_loop3A_1483 = arith.constant 96 : index
          %parallel_loop3A_1484 = tpu.vector_load %arg10[%parallel_loop3A_1482, %parallel_loop3A_1483] {strides = array<i32>} : memref<128x128xf32, #tpu.memory_space<vmem>>, vector<1x16xf32>,
          %parallel_loop3A_1485 = vector.shape_cast %parallel_loop3A_1484 : vector<1x16xf32> to vector<16xf32>
          %parallel_loop3A_1486 = vector.shape_cast %parallel_loop3A_1481 : vector<16xf32> to vector<1x16xf32>
          tpu.vector_store %arg10[%parallel_loop3A_1482, %parallel_loop3A_1483], %parallel_loop3A_1486 {strides = array<i32>} : memref<128x128xf32, #tpu.memory_space<vmem>>, vector<1x16xf32>,
          %parallel_loop3A_1487 = arith.index_cast %parallel_loop3A_1416 : i32 to index
          %parallel_loop3A_1488 = arith.constant 112 : index
          %parallel_loop3A_1489 = tpu.vector_load %arg10[%parallel_loop3A_1487, %parallel_loop3A_1488] {strides = array<i32>} : memref<128x128xf32, #tpu.memory_space<vmem>>, vector<1x16xf32>,
          %parallel_loop3A_1490 = vector.shape_cast %parallel_loop3A_1489 : vector<1x16xf32> to vector<16xf32>
          %parallel_loop3A_1491 = arith.mulf %parallel_loop3A_1490, %parallel_loop3A_261 : vector<16xf32>
          %parallel_loop3A_1492 = arith.index_cast %parallel_loop3A_1416 : i32 to index
          %parallel_loop3A_1493 = arith.constant 112 : index
          %parallel_loop3A_1494 = tpu.vector_load %arg10[%parallel_loop3A_1492, %parallel_loop3A_1493] {strides = array<i32>} : memref<128x128xf32, #tpu.memory_space<vmem>>, vector<1x16xf32>,
          %parallel_loop3A_1495 = vector.shape_cast %parallel_loop3A_1494 : vector<1x16xf32> to vector<16xf32>
          %parallel_loop3A_1496 = vector.shape_cast %parallel_loop3A_1491 : vector<16xf32> to vector<1x16xf32>
          tpu.vector_store %arg10[%parallel_loop3A_1492, %parallel_loop3A_1493], %parallel_loop3A_1496 {strides = array<i32>} : memref<128x128xf32, #tpu.memory_space<vmem>>, vector<1x16xf32>,
          %parallel_loop3A_1497 = arith.constant 15 : i32
          %parallel_loop3A_1498 = arith.addi %parallel_loop3A_182, %parallel_loop3A_1497 : i32
          %parallel_loop3A_1499 = arith.index_cast %parallel_loop3A_1498 : i32 to index
          %parallel_loop3A_1500 = arith.constant 0 : index
          %parallel_loop3A_1501 = tpu.vector_load %arg10[%parallel_loop3A_1499, %parallel_loop3A_1500] {strides = array<i32>} : memref<128x128xf32, #tpu.memory_space<vmem>>, vector<1x16xf32>,
          %parallel_loop3A_1502 = vector.shape_cast %parallel_loop3A_1501 : vector<1x16xf32> to vector<16xf32>
          %parallel_loop3A_1503 = arith.mulf %parallel_loop3A_1502, %parallel_loop3A_266 : vector<16xf32>
          %parallel_loop3A_1504 = arith.index_cast %parallel_loop3A_1498 : i32 to index
          %parallel_loop3A_1505 = arith.constant 0 : index
          %parallel_loop3A_1506 = tpu.vector_load %arg10[%parallel_loop3A_1504, %parallel_loop3A_1505] {strides = array<i32>} : memref<128x128xf32, #tpu.memory_space<vmem>>, vector<1x16xf32>,
          %parallel_loop3A_1507 = vector.shape_cast %parallel_loop3A_1506 : vector<1x16xf32> to vector<16xf32>
          %parallel_loop3A_1508 = vector.shape_cast %parallel_loop3A_1503 : vector<16xf32> to vector<1x16xf32>
          tpu.vector_store %arg10[%parallel_loop3A_1504, %parallel_loop3A_1505], %parallel_loop3A_1508 {strides = array<i32>} : memref<128x128xf32, #tpu.memory_space<vmem>>, vector<1x16xf32>,
          %parallel_loop3A_1509 = arith.index_cast %parallel_loop3A_1498 : i32 to index
          %parallel_loop3A_1510 = arith.constant 16 : index
          %parallel_loop3A_1511 = tpu.vector_load %arg10[%parallel_loop3A_1509, %parallel_loop3A_1510] {strides = array<i32>} : memref<128x128xf32, #tpu.memory_space<vmem>>, vector<1x16xf32>,
          %parallel_loop3A_1512 = vector.shape_cast %parallel_loop3A_1511 : vector<1x16xf32> to vector<16xf32>
          %parallel_loop3A_1513 = arith.mulf %parallel_loop3A_1512, %parallel_loop3A_266 : vector<16xf32>
          %parallel_loop3A_1514 = arith.index_cast %parallel_loop3A_1498 : i32 to index
          %parallel_loop3A_1515 = arith.constant 16 : index
          %parallel_loop3A_1516 = tpu.vector_load %arg10[%parallel_loop3A_1514, %parallel_loop3A_1515] {strides = array<i32>} : memref<128x128xf32, #tpu.memory_space<vmem>>, vector<1x16xf32>,
          %parallel_loop3A_1517 = vector.shape_cast %parallel_loop3A_1516 : vector<1x16xf32> to vector<16xf32>
          %parallel_loop3A_1518 = vector.shape_cast %parallel_loop3A_1513 : vector<16xf32> to vector<1x16xf32>
          tpu.vector_store %arg10[%parallel_loop3A_1514, %parallel_loop3A_1515], %parallel_loop3A_1518 {strides = array<i32>} : memref<128x128xf32, #tpu.memory_space<vmem>>, vector<1x16xf32>,
          %parallel_loop3A_1519 = arith.index_cast %parallel_loop3A_1498 : i32 to index
          %parallel_loop3A_1520 = arith.constant 32 : index
          %parallel_loop3A_1521 = tpu.vector_load %arg10[%parallel_loop3A_1519, %parallel_loop3A_1520] {strides = array<i32>} : memref<128x128xf32, #tpu.memory_space<vmem>>, vector<1x16xf32>,
          %parallel_loop3A_1522 = vector.shape_cast %parallel_loop3A_1521 : vector<1x16xf32> to vector<16xf32>
          %parallel_loop3A_1523 = arith.mulf %parallel_loop3A_1522, %parallel_loop3A_266 : vector<16xf32>
          %parallel_loop3A_1524 = arith.index_cast %parallel_loop3A_1498 : i32 to index
          %parallel_loop3A_1525 = arith.constant 32 : index
          %parallel_loop3A_1526 = tpu.vector_load %arg10[%parallel_loop3A_1524, %parallel_loop3A_1525] {strides = array<i32>} : memref<128x128xf32, #tpu.memory_space<vmem>>, vector<1x16xf32>,
          %parallel_loop3A_1527 = vector.shape_cast %parallel_loop3A_1526 : vector<1x16xf32> to vector<16xf32>
          %parallel_loop3A_1528 = vector.shape_cast %parallel_loop3A_1523 : vector<16xf32> to vector<1x16xf32>
          tpu.vector_store %arg10[%parallel_loop3A_1524, %parallel_loop3A_1525], %parallel_loop3A_1528 {strides = array<i32>} : memref<128x128xf32, #tpu.memory_space<vmem>>, vector<1x16xf32>,
          %parallel_loop3A_1529 = arith.index_cast %parallel_loop3A_1498 : i32 to index
          %parallel_loop3A_1530 = arith.constant 48 : index
          %parallel_loop3A_1531 = tpu.vector_load %arg10[%parallel_loop3A_1529, %parallel_loop3A_1530] {strides = array<i32>} : memref<128x128xf32, #tpu.memory_space<vmem>>, vector<1x16xf32>,
          %parallel_loop3A_1532 = vector.shape_cast %parallel_loop3A_1531 : vector<1x16xf32> to vector<16xf32>
          %parallel_loop3A_1533 = arith.mulf %parallel_loop3A_1532, %parallel_loop3A_266 : vector<16xf32>
          %parallel_loop3A_1534 = arith.index_cast %parallel_loop3A_1498 : i32 to index
          %parallel_loop3A_1535 = arith.constant 48 : index
          %parallel_loop3A_1536 = tpu.vector_load %arg10[%parallel_loop3A_1534, %parallel_loop3A_1535] {strides = array<i32>} : memref<128x128xf32, #tpu.memory_space<vmem>>, vector<1x16xf32>,
          %parallel_loop3A_1537 = vector.shape_cast %parallel_loop3A_1536 : vector<1x16xf32> to vector<16xf32>
          %parallel_loop3A_1538 = vector.shape_cast %parallel_loop3A_1533 : vector<16xf32> to vector<1x16xf32>
          tpu.vector_store %arg10[%parallel_loop3A_1534, %parallel_loop3A_1535], %parallel_loop3A_1538 {strides = array<i32>} : memref<128x128xf32, #tpu.memory_space<vmem>>, vector<1x16xf32>,
          %parallel_loop3A_1539 = arith.index_cast %parallel_loop3A_1498 : i32 to index
          %parallel_loop3A_1540 = arith.constant 64 : index
          %parallel_loop3A_1541 = tpu.vector_load %arg10[%parallel_loop3A_1539, %parallel_loop3A_1540] {strides = array<i32>} : memref<128x128xf32, #tpu.memory_space<vmem>>, vector<1x16xf32>,
          %parallel_loop3A_1542 = vector.shape_cast %parallel_loop3A_1541 : vector<1x16xf32> to vector<16xf32>
          %parallel_loop3A_1543 = arith.mulf %parallel_loop3A_1542, %parallel_loop3A_266 : vector<16xf32>
          %parallel_loop3A_1544 = arith.index_cast %parallel_loop3A_1498 : i32 to index
          %parallel_loop3A_1545 = arith.constant 64 : index
          %parallel_loop3A_1546 = tpu.vector_load %arg10[%parallel_loop3A_1544, %parallel_loop3A_1545] {strides = array<i32>} : memref<128x128xf32, #tpu.memory_space<vmem>>, vector<1x16xf32>,
          %parallel_loop3A_1547 = vector.shape_cast %parallel_loop3A_1546 : vector<1x16xf32> to vector<16xf32>
          %parallel_loop3A_1548 = vector.shape_cast %parallel_loop3A_1543 : vector<16xf32> to vector<1x16xf32>
          tpu.vector_store %arg10[%parallel_loop3A_1544, %parallel_loop3A_1545], %parallel_loop3A_1548 {strides = array<i32>} : memref<128x128xf32, #tpu.memory_space<vmem>>, vector<1x16xf32>,
          %parallel_loop3A_1549 = arith.index_cast %parallel_loop3A_1498 : i32 to index
          %parallel_loop3A_1550 = arith.constant 80 : index
          %parallel_loop3A_1551 = tpu.vector_load %arg10[%parallel_loop3A_1549, %parallel_loop3A_1550] {strides = array<i32>} : memref<128x128xf32, #tpu.memory_space<vmem>>, vector<1x16xf32>,
          %parallel_loop3A_1552 = vector.shape_cast %parallel_loop3A_1551 : vector<1x16xf32> to vector<16xf32>
          %parallel_loop3A_1553 = arith.mulf %parallel_loop3A_1552, %parallel_loop3A_266 : vector<16xf32>
          %parallel_loop3A_1554 = arith.index_cast %parallel_loop3A_1498 : i32 to index
          %parallel_loop3A_1555 = arith.constant 80 : index
          %parallel_loop3A_1556 = tpu.vector_load %arg10[%parallel_loop3A_1554, %parallel_loop3A_1555] {strides = array<i32>} : memref<128x128xf32, #tpu.memory_space<vmem>>, vector<1x16xf32>,
          %parallel_loop3A_1557 = vector.shape_cast %parallel_loop3A_1556 : vector<1x16xf32> to vector<16xf32>
          %parallel_loop3A_1558 = vector.shape_cast %parallel_loop3A_1553 : vector<16xf32> to vector<1x16xf32>
          tpu.vector_store %arg10[%parallel_loop3A_1554, %parallel_loop3A_1555], %parallel_loop3A_1558 {strides = array<i32>} : memref<128x128xf32, #tpu.memory_space<vmem>>, vector<1x16xf32>,
          %parallel_loop3A_1559 = arith.index_cast %parallel_loop3A_1498 : i32 to index
          %parallel_loop3A_1560 = arith.constant 96 : index
          %parallel_loop3A_1561 = tpu.vector_load %arg10[%parallel_loop3A_1559, %parallel_loop3A_1560] {strides = array<i32>} : memref<128x128xf32, #tpu.memory_space<vmem>>, vector<1x16xf32>,
          %parallel_loop3A_1562 = vector.shape_cast %parallel_loop3A_1561 : vector<1x16xf32> to vector<16xf32>
          %parallel_loop3A_1563 = arith.mulf %parallel_loop3A_1562, %parallel_loop3A_266 : vector<16xf32>
          %parallel_loop3A_1564 = arith.index_cast %parallel_loop3A_1498 : i32 to index
          %parallel_loop3A_1565 = arith.constant 96 : index
          %parallel_loop3A_1566 = tpu.vector_load %arg10[%parallel_loop3A_1564, %parallel_loop3A_1565] {strides = array<i32>} : memref<128x128xf32, #tpu.memory_space<vmem>>, vector<1x16xf32>,
          %parallel_loop3A_1567 = vector.shape_cast %parallel_loop3A_1566 : vector<1x16xf32> to vector<16xf32>
          %parallel_loop3A_1568 = vector.shape_cast %parallel_loop3A_1563 : vector<16xf32> to vector<1x16xf32>
          tpu.vector_store %arg10[%parallel_loop3A_1564, %parallel_loop3A_1565], %parallel_loop3A_1568 {strides = array<i32>} : memref<128x128xf32, #tpu.memory_space<vmem>>, vector<1x16xf32>,
          %parallel_loop3A_1569 = arith.index_cast %parallel_loop3A_1498 : i32 to index
          %parallel_loop3A_1570 = arith.constant 112 : index
          %parallel_loop3A_1571 = tpu.vector_load %arg10[%parallel_loop3A_1569, %parallel_loop3A_1570] {strides = array<i32>} : memref<128x128xf32, #tpu.memory_space<vmem>>, vector<1x16xf32>,
          %parallel_loop3A_1572 = vector.shape_cast %parallel_loop3A_1571 : vector<1x16xf32> to vector<16xf32>
          %parallel_loop3A_1573 = arith.mulf %parallel_loop3A_1572, %parallel_loop3A_266 : vector<16xf32>
          %parallel_loop3A_1574 = arith.index_cast %parallel_loop3A_1498 : i32 to index
          %parallel_loop3A_1575 = arith.constant 112 : index
          %parallel_loop3A_1576 = tpu.vector_load %arg10[%parallel_loop3A_1574, %parallel_loop3A_1575] {strides = array<i32>} : memref<128x128xf32, #tpu.memory_space<vmem>>, vector<1x16xf32>,
          %parallel_loop3A_1577 = vector.shape_cast %parallel_loop3A_1576 : vector<1x16xf32> to vector<16xf32>
          %parallel_loop3A_1578 = vector.shape_cast %parallel_loop3A_1573 : vector<16xf32> to vector<1x16xf32>
          tpu.vector_store %arg10[%parallel_loop3A_1574, %parallel_loop3A_1575], %parallel_loop3A_1578 {strides = array<i32>} : memref<128x128xf32, #tpu.memory_space<vmem>>, vector<1x16xf32>,
        } {sc.loop_unroll_factor = 2 : i64, sc.parallel_access}
        %dma_start3A_140 = arith.constant 0 : i32
        %dma_start3A_141 = tpu.memref_slice %arg7[%add3A_119, %dma_start3A_140] : memref<40x128xi32, #tpu.memory_space<vmem>> -> memref<1x128xi32, #tpu.memory_space<vmem>>
        %dma_start3A_142 = tpu.memref_squeeze %dma_start3A_141 : memref<1x128xi32, #tpu.memory_space<vmem>> -> memref<128xi32, #tpu.memory_space<vmem>>
        %dma_start3A_143 = arith.constant 0 : i32
        %dma_start3A_144 = arith.constant 0 : i32
        %dma_start3A_145 = tpu.memref_slice %arg16[%dma_start3A_143, %dma_start3A_144] : memref<10000x128xf32, #tpu.memory_space<vmem_shared>> -> memref<10000x128xf32, #tpu.memory_space<vmem_shared>>
        tpu.enqueue_indirect_dma source(%arg10 : memref<128x128xf32, #tpu.memory_space<vmem>>) target(%dma_start3A_145 : memref<10000x128xf32, #tpu.memory_space<vmem_shared>>) offsets(%dma_start3A_142 : memref<128xi32, #tpu.memory_space<vmem>>) semaphore(%arg14 : memref<!tpu.dma_semaphore, #tpu.memory_space<semaphore_mem>>) {add = true}
        %mul3A_146 = arith.constant 2 : i32
        %mul3A_147 = arith.muli %scan3A_115, %mul3A_146 : i32
        %add3A_148 = arith.constant 1 : i32
        %add3A_149 = arith.addi %mul3A_147, %add3A_148 : i32
        %dma_wait3A_150 = arith.constant 0 : i32
        %dma_wait3A_151 = arith.constant 0 : i32
        %dma_wait3A_152 = tpu.memref_slice %arg8[%dma_wait3A_150, %dma_wait3A_151] : memref<40x128xi32, #tpu.memory_space<vmem>> -> memref<1x128xi32, #tpu.memory_space<vmem>>
        %dma_wait3A_153 = tpu.memref_squeeze %dma_wait3A_152 : memref<1x128xi32, #tpu.memory_space<vmem>> -> memref<128xi32, #tpu.memory_space<vmem>>
        %dma_wait3A_154 = arith.constant 0 : i32
        %dma_wait3A_155 = arith.constant 0 : i32
        %dma_wait3A_156 = tpu.memref_slice %arg2[%dma_wait3A_154, %dma_wait3A_155] : memref<20000x128xf32, #tpu.memory_space<hbm>> -> memref<20000x128xf32, #tpu.memory_space<hbm>>
        tpu.wait_indirect_dma semaphore(%arg13 : memref<!tpu.dma_semaphore, #tpu.memory_space<semaphore_mem>>) src(%dma_wait3A_156 : memref<20000x128xf32, #tpu.memory_space<hbm>>) dst(%arg11 : memref<128x128xf32, #tpu.memory_space<vmem>>)
        %ge3A_157 = arith.constant 1 : i32
        %ge3A_158 = arith.cmpi sge, %add3A_149, %ge3A_157 : i32
        %convert_element_type3A_159 = arith.extui %ge3A_158 : i1 to i32
        %cond3A_160 = arith.constant 0 : i32
        %cond3A_161 = arith.cmpi ne, %convert_element_type3A_159, %cond3A_160 : i32
        scf.if %cond3A_161 {
          %dma_wait3A_179 = arith.constant 0 : i32
          %dma_wait3A_180 = arith.constant 0 : i32
          %dma_wait3A_181 = tpu.memref_slice %arg7[%dma_wait3A_179, %dma_wait3A_180] : memref<40x128xi32, #tpu.memory_space<vmem>> -> memref<1x128xi32, #tpu.memory_space<vmem>>
          %dma_wait3A_182 = tpu.memref_squeeze %dma_wait3A_181 : memref<1x128xi32, #tpu.memory_space<vmem>> -> memref<128xi32, #tpu.memory_space<vmem>>
          %dma_wait3A_183 = arith.constant 0 : i32
          %dma_wait3A_184 = arith.constant 0 : i32
          %dma_wait3A_185 = tpu.memref_slice %arg16[%dma_wait3A_183, %dma_wait3A_184] : memref<10000x128xf32, #tpu.memory_space<vmem_shared>> -> memref<10000x128xf32, #tpu.memory_space<vmem_shared>>
          tpu.wait_indirect_dma semaphore(%arg14 : memref<!tpu.dma_semaphore, #tpu.memory_space<semaphore_mem>>) src(%arg10 : memref<128x128xf32, #tpu.memory_space<vmem>>) dst(%dma_wait3A_185 : memref<10000x128xf32, #tpu.memory_space<vmem_shared>>)
        } else {
        }
        %add3A_162 = arith.constant 1 : i32
        %add3A_163 = arith.addi %add3A_149, %add3A_162 : i32
        %lt3A_164 = arith.constant 40 : i32
        %lt3A_165 = arith.cmpi slt, %add3A_163, %lt3A_164 : i32
        %convert_element_type3A_166 = arith.extui %lt3A_165 : i1 to i32
        %cond3A_167 = arith.constant 0 : i32
        %cond3A_168 = arith.cmpi ne, %convert_element_type3A_166, %cond3A_167 : i32
        scf.if %cond3A_168 {
          %add3A_179 = arith.constant 1 : i32
          %add3A_180 = arith.addi %add3A_149, %add3A_179 : i32
          %dma_start3A_181 = arith.constant 0 : i32
          %dma_start3A_182 = tpu.memref_slice %arg8[%add3A_180, %dma_start3A_181] : memref<40x128xi32, #tpu.memory_space<vmem>> -> memref<1x128xi32, #tpu.memory_space<vmem>>
          %dma_start3A_183 = tpu.memref_squeeze %dma_start3A_182 : memref<1x128xi32, #tpu.memory_space<vmem>> -> memref<128xi32, #tpu.memory_space<vmem>>
          %dma_start3A_184 = arith.constant 0 : i32
          %dma_start3A_185 = arith.constant 0 : i32
          %dma_start3A_186 = tpu.memref_slice %arg2[%dma_start3A_184, %dma_start3A_185] : memref<20000x128xf32, #tpu.memory_space<hbm>> -> memref<20000x128xf32, #tpu.memory_space<hbm>>
          tpu.enqueue_indirect_dma source(%dma_start3A_186 : memref<20000x128xf32, #tpu.memory_space<hbm>>) target(%arg10 : memref<128x128xf32, #tpu.memory_space<vmem>>) offsets(%dma_start3A_183 : memref<128xi32, #tpu.memory_space<vmem>>) semaphore(%arg12 : memref<!tpu.dma_semaphore, #tpu.memory_space<semaphore_mem>>)
        } else {
        }
        %parallel_loop3A_169 = arith.constant 0 : i32
        %parallel_loop3A_170 = arith.constant 8 : i32
        %parallel_loop3A_171 = arith.constant 1 : i32
        scf.for %parallel_loop3A_179 = %parallel_loop3A_169 to %parallel_loop3A_170 step %parallel_loop3A_171  : i32 {
          %parallel_loop3A_180 = arith.constant 16 : i32
          %parallel_loop3A_181 = arith.muli %parallel_loop3A_179, %parallel_loop3A_180 : i32
          %parallel_loop3A_182 = tpu.assume_multiple %parallel_loop3A_181, 8 : i32
          %parallel_loop3A_183 = arith.index_cast %add3A_149 : i32 to index
          %parallel_loop3A_184 = arith.index_cast %parallel_loop3A_182 : i32 to index
          %parallel_loop3A_185 = tpu.vector_load %arg9[%parallel_loop3A_183, %parallel_loop3A_184] {strides = array<i32>} : memref<40x128xf32, #tpu.memory_space<vmem>>, vector<1x16xf32>,
          %parallel_loop3A_186 = vector.shape_cast %parallel_loop3A_185 : vector<1x16xf32> to vector<16xf32>
          %parallel_loop3A_187 = arith.constant 0 : i32
          %parallel_loop3A_188 = vector.broadcast %parallel_loop3A_187 : i32 to vector<16xi32>
          %parallel_loop3A_189 = vector.shape_cast %parallel_loop3A_188 : vector<16xi32> to vector<16x1xi32>
          %parallel_loop3A_190 = vector.shape_cast %parallel_loop3A_189 : vector<16x1xi32> to vector<16xi32>
          %parallel_loop3A_191 = tpu.dynamic_gather %parallel_loop3A_186[%parallel_loop3A_190] in [0] : vector<16xf32>, vector<16xi32> -> vector<16xf32>
          %parallel_loop3A_192 = arith.constant 1 : i32
          %parallel_loop3A_193 = vector.broadcast %parallel_loop3A_192 : i32 to vector<16xi32>
          %parallel_loop3A_194 = vector.shape_cast %parallel_loop3A_193 : vector<16xi32> to vector<16x1xi32>
          %parallel_loop3A_195 = vector.shape_cast %parallel_loop3A_194 : vector<16x1xi32> to vector<16xi32>
          %parallel_loop3A_196 = tpu.dynamic_gather %parallel_loop3A_186[%parallel_loop3A_195] in [0] : vector<16xf32>, vector<16xi32> -> vector<16xf32>
          %parallel_loop3A_197 = arith.constant 2 : i32
          %parallel_loop3A_198 = vector.broadcast %parallel_loop3A_197 : i32 to vector<16xi32>
          %parallel_loop3A_199 = vector.shape_cast %parallel_loop3A_198 : vector<16xi32> to vector<16x1xi32>
          %parallel_loop3A_200 = vector.shape_cast %parallel_loop3A_199 : vector<16x1xi32> to vector<16xi32>
          %parallel_loop3A_201 = tpu.dynamic_gather %parallel_loop3A_186[%parallel_loop3A_200] in [0] : vector<16xf32>, vector<16xi32> -> vector<16xf32>
          %parallel_loop3A_202 = arith.constant 3 : i32
          %parallel_loop3A_203 = vector.broadcast %parallel_loop3A_202 : i32 to vector<16xi32>
          %parallel_loop3A_204 = vector.shape_cast %parallel_loop3A_203 : vector<16xi32> to vector<16x1xi32>
          %parallel_loop3A_205 = vector.shape_cast %parallel_loop3A_204 : vector<16x1xi32> to vector<16xi32>
          %parallel_loop3A_206 = tpu.dynamic_gather %parallel_loop3A_186[%parallel_loop3A_205] in [0] : vector<16xf32>, vector<16xi32> -> vector<16xf32>
          %parallel_loop3A_207 = arith.constant 4 : i32
          %parallel_loop3A_208 = vector.broadcast %parallel_loop3A_207 : i32 to vector<16xi32>
          %parallel_loop3A_209 = vector.shape_cast %parallel_loop3A_208 : vector<16xi32> to vector<16x1xi32>
          %parallel_loop3A_210 = vector.shape_cast %parallel_loop3A_209 : vector<16x1xi32> to vector<16xi32>
          %parallel_loop3A_211 = tpu.dynamic_gather %parallel_loop3A_186[%parallel_loop3A_210] in [0] : vector<16xf32>, vector<16xi32> -> vector<16xf32>
          %parallel_loop3A_212 = arith.constant 5 : i32
          %parallel_loop3A_213 = vector.broadcast %parallel_loop3A_212 : i32 to vector<16xi32>
          %parallel_loop3A_214 = vector.shape_cast %parallel_loop3A_213 : vector<16xi32> to vector<16x1xi32>
          %parallel_loop3A_215 = vector.shape_cast %parallel_loop3A_214 : vector<16x1xi32> to vector<16xi32>
          %parallel_loop3A_216 = tpu.dynamic_gather %parallel_loop3A_186[%parallel_loop3A_215] in [0] : vector<16xf32>, vector<16xi32> -> vector<16xf32>
          %parallel_loop3A_217 = arith.constant 6 : i32
          %parallel_loop3A_218 = vector.broadcast %parallel_loop3A_217 : i32 to vector<16xi32>
          %parallel_loop3A_219 = vector.shape_cast %parallel_loop3A_218 : vector<16xi32> to vector<16x1xi32>
          %parallel_loop3A_220 = vector.shape_cast %parallel_loop3A_219 : vector<16x1xi32> to vector<16xi32>
          %parallel_loop3A_221 = tpu.dynamic_gather %parallel_loop3A_186[%parallel_loop3A_220] in [0] : vector<16xf32>, vector<16xi32> -> vector<16xf32>
          %parallel_loop3A_222 = arith.constant 7 : i32
          %parallel_loop3A_223 = vector.broadcast %parallel_loop3A_222 : i32 to vector<16xi32>
          %parallel_loop3A_224 = vector.shape_cast %parallel_loop3A_223 : vector<16xi32> to vector<16x1xi32>
          %parallel_loop3A_225 = vector.shape_cast %parallel_loop3A_224 : vector<16x1xi32> to vector<16xi32>
          %parallel_loop3A_226 = tpu.dynamic_gather %parallel_loop3A_186[%parallel_loop3A_225] in [0] : vector<16xf32>, vector<16xi32> -> vector<16xf32>
          %parallel_loop3A_227 = arith.constant 8 : i32
          %parallel_loop3A_228 = vector.broadcast %parallel_loop3A_227 : i32 to vector<16xi32>
          %parallel_loop3A_229 = vector.shape_cast %parallel_loop3A_228 : vector<16xi32> to vector<16x1xi32>
          %parallel_loop3A_230 = vector.shape_cast %parallel_loop3A_229 : vector<16x1xi32> to vector<16xi32>
          %parallel_loop3A_231 = tpu.dynamic_gather %parallel_loop3A_186[%parallel_loop3A_230] in [0] : vector<16xf32>, vector<16xi32> -> vector<16xf32>
          %parallel_loop3A_232 = arith.constant 9 : i32
          %parallel_loop3A_233 = vector.broadcast %parallel_loop3A_232 : i32 to vector<16xi32>
          %parallel_loop3A_234 = vector.shape_cast %parallel_loop3A_233 : vector<16xi32> to vector<16x1xi32>
          %parallel_loop3A_235 = vector.shape_cast %parallel_loop3A_234 : vector<16x1xi32> to vector<16xi32>
          %parallel_loop3A_236 = tpu.dynamic_gather %parallel_loop3A_186[%parallel_loop3A_235] in [0] : vector<16xf32>, vector<16xi32> -> vector<16xf32>
          %parallel_loop3A_237 = arith.constant 10 : i32
          %parallel_loop3A_238 = vector.broadcast %parallel_loop3A_237 : i32 to vector<16xi32>
          %parallel_loop3A_239 = vector.shape_cast %parallel_loop3A_238 : vector<16xi32> to vector<16x1xi32>
          %parallel_loop3A_240 = vector.shape_cast %parallel_loop3A_239 : vector<16x1xi32> to vector<16xi32>
          %parallel_loop3A_241 = tpu.dynamic_gather %parallel_loop3A_186[%parallel_loop3A_240] in [0] : vector<16xf32>, vector<16xi32> -> vector<16xf32>
          %parallel_loop3A_242 = arith.constant 11 : i32
          %parallel_loop3A_243 = vector.broadcast %parallel_loop3A_242 : i32 to vector<16xi32>
          %parallel_loop3A_244 = vector.shape_cast %parallel_loop3A_243 : vector<16xi32> to vector<16x1xi32>
          %parallel_loop3A_245 = vector.shape_cast %parallel_loop3A_244 : vector<16x1xi32> to vector<16xi32>
          %parallel_loop3A_246 = tpu.dynamic_gather %parallel_loop3A_186[%parallel_loop3A_245] in [0] : vector<16xf32>, vector<16xi32> -> vector<16xf32>
          %parallel_loop3A_247 = arith.constant 12 : i32
          %parallel_loop3A_248 = vector.broadcast %parallel_loop3A_247 : i32 to vector<16xi32>
          %parallel_loop3A_249 = vector.shape_cast %parallel_loop3A_248 : vector<16xi32> to vector<16x1xi32>
          %parallel_loop3A_250 = vector.shape_cast %parallel_loop3A_249 : vector<16x1xi32> to vector<16xi32>
          %parallel_loop3A_251 = tpu.dynamic_gather %parallel_loop3A_186[%parallel_loop3A_250] in [0] : vector<16xf32>, vector<16xi32> -> vector<16xf32>
          %parallel_loop3A_252 = arith.constant 13 : i32
          %parallel_loop3A_253 = vector.broadcast %parallel_loop3A_252 : i32 to vector<16xi32>
          %parallel_loop3A_254 = vector.shape_cast %parallel_loop3A_253 : vector<16xi32> to vector<16x1xi32>
          %parallel_loop3A_255 = vector.shape_cast %parallel_loop3A_254 : vector<16x1xi32> to vector<16xi32>
          %parallel_loop3A_256 = tpu.dynamic_gather %parallel_loop3A_186[%parallel_loop3A_255] in [0] : vector<16xf32>, vector<16xi32> -> vector<16xf32>
          %parallel_loop3A_257 = arith.constant 14 : i32
          %parallel_loop3A_258 = vector.broadcast %parallel_loop3A_257 : i32 to vector<16xi32>
          %parallel_loop3A_259 = vector.shape_cast %parallel_loop3A_258 : vector<16xi32> to vector<16x1xi32>
          %parallel_loop3A_260 = vector.shape_cast %parallel_loop3A_259 : vector<16x1xi32> to vector<16xi32>
          %parallel_loop3A_261 = tpu.dynamic_gather %parallel_loop3A_186[%parallel_loop3A_260] in [0] : vector<16xf32>, vector<16xi32> -> vector<16xf32>
          %parallel_loop3A_262 = arith.constant 15 : i32
          %parallel_loop3A_263 = vector.broadcast %parallel_loop3A_262 : i32 to vector<16xi32>
          %parallel_loop3A_264 = vector.shape_cast %parallel_loop3A_263 : vector<16xi32> to vector<16x1xi32>
          %parallel_loop3A_265 = vector.shape_cast %parallel_loop3A_264 : vector<16x1xi32> to vector<16xi32>
          %parallel_loop3A_266 = tpu.dynamic_gather %parallel_loop3A_186[%parallel_loop3A_265] in [0] : vector<16xf32>, vector<16xi32> -> vector<16xf32>
          %parallel_loop3A_267 = arith.constant 0 : i32
          %parallel_loop3A_268 = arith.addi %parallel_loop3A_182, %parallel_loop3A_267 : i32
          %parallel_loop3A_269 = arith.index_cast %parallel_loop3A_268 : i32 to index
          %parallel_loop3A_270 = arith.constant 0 : index
          %parallel_loop3A_271 = tpu.vector_load %arg11[%parallel_loop3A_269, %parallel_loop3A_270] {strides = array<i32>} : memref<128x128xf32, #tpu.memory_space<vmem>>, vector<1x16xf32>,
          %parallel_loop3A_272 = vector.shape_cast %parallel_loop3A_271 : vector<1x16xf32> to vector<16xf32>
          %parallel_loop3A_273 = arith.mulf %parallel_loop3A_272, %parallel_loop3A_191 : vector<16xf32>
          %parallel_loop3A_274 = arith.index_cast %parallel_loop3A_268 : i32 to index
          %parallel_loop3A_275 = arith.constant 0 : index
          %parallel_loop3A_276 = tpu.vector_load %arg11[%parallel_loop3A_274, %parallel_loop3A_275] {strides = array<i32>} : memref<128x128xf32, #tpu.memory_space<vmem>>, vector<1x16xf32>,
          %parallel_loop3A_277 = vector.shape_cast %parallel_loop3A_276 : vector<1x16xf32> to vector<16xf32>
          %parallel_loop3A_278 = vector.shape_cast %parallel_loop3A_273 : vector<16xf32> to vector<1x16xf32>
          tpu.vector_store %arg11[%parallel_loop3A_274, %parallel_loop3A_275], %parallel_loop3A_278 {strides = array<i32>} : memref<128x128xf32, #tpu.memory_space<vmem>>, vector<1x16xf32>,
          %parallel_loop3A_279 = arith.index_cast %parallel_loop3A_268 : i32 to index
          %parallel_loop3A_280 = arith.constant 16 : index
          %parallel_loop3A_281 = tpu.vector_load %arg11[%parallel_loop3A_279, %parallel_loop3A_280] {strides = array<i32>} : memref<128x128xf32, #tpu.memory_space<vmem>>, vector<1x16xf32>,
          %parallel_loop3A_282 = vector.shape_cast %parallel_loop3A_281 : vector<1x16xf32> to vector<16xf32>
          %parallel_loop3A_283 = arith.mulf %parallel_loop3A_282, %parallel_loop3A_191 : vector<16xf32>
          %parallel_loop3A_284 = arith.index_cast %parallel_loop3A_268 : i32 to index
          %parallel_loop3A_285 = arith.constant 16 : index
          %parallel_loop3A_286 = tpu.vector_load %arg11[%parallel_loop3A_284, %parallel_loop3A_285] {strides = array<i32>} : memref<128x128xf32, #tpu.memory_space<vmem>>, vector<1x16xf32>,
          %parallel_loop3A_287 = vector.shape_cast %parallel_loop3A_286 : vector<1x16xf32> to vector<16xf32>
          %parallel_loop3A_288 = vector.shape_cast %parallel_loop3A_283 : vector<16xf32> to vector<1x16xf32>
          tpu.vector_store %arg11[%parallel_loop3A_284, %parallel_loop3A_285], %parallel_loop3A_288 {strides = array<i32>} : memref<128x128xf32, #tpu.memory_space<vmem>>, vector<1x16xf32>,
          %parallel_loop3A_289 = arith.index_cast %parallel_loop3A_268 : i32 to index
          %parallel_loop3A_290 = arith.constant 32 : index
          %parallel_loop3A_291 = tpu.vector_load %arg11[%parallel_loop3A_289, %parallel_loop3A_290] {strides = array<i32>} : memref<128x128xf32, #tpu.memory_space<vmem>>, vector<1x16xf32>,
          %parallel_loop3A_292 = vector.shape_cast %parallel_loop3A_291 : vector<1x16xf32> to vector<16xf32>
          %parallel_loop3A_293 = arith.mulf %parallel_loop3A_292, %parallel_loop3A_191 : vector<16xf32>
          %parallel_loop3A_294 = arith.index_cast %parallel_loop3A_268 : i32 to index
          %parallel_loop3A_295 = arith.constant 32 : index
          %parallel_loop3A_296 = tpu.vector_load %arg11[%parallel_loop3A_294, %parallel_loop3A_295] {strides = array<i32>} : memref<128x128xf32, #tpu.memory_space<vmem>>, vector<1x16xf32>,
          %parallel_loop3A_297 = vector.shape_cast %parallel_loop3A_296 : vector<1x16xf32> to vector<16xf32>
          %parallel_loop3A_298 = vector.shape_cast %parallel_loop3A_293 : vector<16xf32> to vector<1x16xf32>
          tpu.vector_store %arg11[%parallel_loop3A_294, %parallel_loop3A_295], %parallel_loop3A_298 {strides = array<i32>} : memref<128x128xf32, #tpu.memory_space<vmem>>, vector<1x16xf32>,
          %parallel_loop3A_299 = arith.index_cast %parallel_loop3A_268 : i32 to index
          %parallel_loop3A_300 = arith.constant 48 : index
          %parallel_loop3A_301 = tpu.vector_load %arg11[%parallel_loop3A_299, %parallel_loop3A_300] {strides = array<i32>} : memref<128x128xf32, #tpu.memory_space<vmem>>, vector<1x16xf32>,
          %parallel_loop3A_302 = vector.shape_cast %parallel_loop3A_301 : vector<1x16xf32> to vector<16xf32>
          %parallel_loop3A_303 = arith.mulf %parallel_loop3A_302, %parallel_loop3A_191 : vector<16xf32>
          %parallel_loop3A_304 = arith.index_cast %parallel_loop3A_268 : i32 to index
          %parallel_loop3A_305 = arith.constant 48 : index
          %parallel_loop3A_306 = tpu.vector_load %arg11[%parallel_loop3A_304, %parallel_loop3A_305] {strides = array<i32>} : memref<128x128xf32, #tpu.memory_space<vmem>>, vector<1x16xf32>,
          %parallel_loop3A_307 = vector.shape_cast %parallel_loop3A_306 : vector<1x16xf32> to vector<16xf32>
          %parallel_loop3A_308 = vector.shape_cast %parallel_loop3A_303 : vector<16xf32> to vector<1x16xf32>
          tpu.vector_store %arg11[%parallel_loop3A_304, %parallel_loop3A_305], %parallel_loop3A_308 {strides = array<i32>} : memref<128x128xf32, #tpu.memory_space<vmem>>, vector<1x16xf32>,
          %parallel_loop3A_309 = arith.index_cast %parallel_loop3A_268 : i32 to index
          %parallel_loop3A_310 = arith.constant 64 : index
          %parallel_loop3A_311 = tpu.vector_load %arg11[%parallel_loop3A_309, %parallel_loop3A_310] {strides = array<i32>} : memref<128x128xf32, #tpu.memory_space<vmem>>, vector<1x16xf32>,
          %parallel_loop3A_312 = vector.shape_cast %parallel_loop3A_311 : vector<1x16xf32> to vector<16xf32>
          %parallel_loop3A_313 = arith.mulf %parallel_loop3A_312, %parallel_loop3A_191 : vector<16xf32>
          %parallel_loop3A_314 = arith.index_cast %parallel_loop3A_268 : i32 to index
          %parallel_loop3A_315 = arith.constant 64 : index
          %parallel_loop3A_316 = tpu.vector_load %arg11[%parallel_loop3A_314, %parallel_loop3A_315] {strides = array<i32>} : memref<128x128xf32, #tpu.memory_space<vmem>>, vector<1x16xf32>,
          %parallel_loop3A_317 = vector.shape_cast %parallel_loop3A_316 : vector<1x16xf32> to vector<16xf32>
          %parallel_loop3A_318 = vector.shape_cast %parallel_loop3A_313 : vector<16xf32> to vector<1x16xf32>
          tpu.vector_store %arg11[%parallel_loop3A_314, %parallel_loop3A_315], %parallel_loop3A_318 {strides = array<i32>} : memref<128x128xf32, #tpu.memory_space<vmem>>, vector<1x16xf32>,
          %parallel_loop3A_319 = arith.index_cast %parallel_loop3A_268 : i32 to index
          %parallel_loop3A_320 = arith.constant 80 : index
          %parallel_loop3A_321 = tpu.vector_load %arg11[%parallel_loop3A_319, %parallel_loop3A_320] {strides = array<i32>} : memref<128x128xf32, #tpu.memory_space<vmem>>, vector<1x16xf32>,
          %parallel_loop3A_322 = vector.shape_cast %parallel_loop3A_321 : vector<1x16xf32> to vector<16xf32>
          %parallel_loop3A_323 = arith.mulf %parallel_loop3A_322, %parallel_loop3A_191 : vector<16xf32>
          %parallel_loop3A_324 = arith.index_cast %parallel_loop3A_268 : i32 to index
          %parallel_loop3A_325 = arith.constant 80 : index
          %parallel_loop3A_326 = tpu.vector_load %arg11[%parallel_loop3A_324, %parallel_loop3A_325] {strides = array<i32>} : memref<128x128xf32, #tpu.memory_space<vmem>>, vector<1x16xf32>,
          %parallel_loop3A_327 = vector.shape_cast %parallel_loop3A_326 : vector<1x16xf32> to vector<16xf32>
          %parallel_loop3A_328 = vector.shape_cast %parallel_loop3A_323 : vector<16xf32> to vector<1x16xf32>
          tpu.vector_store %arg11[%parallel_loop3A_324, %parallel_loop3A_325], %parallel_loop3A_328 {strides = array<i32>} : memref<128x128xf32, #tpu.memory_space<vmem>>, vector<1x16xf32>,
          %parallel_loop3A_329 = arith.index_cast %parallel_loop3A_268 : i32 to index
          %parallel_loop3A_330 = arith.constant 96 : index
          %parallel_loop3A_331 = tpu.vector_load %arg11[%parallel_loop3A_329, %parallel_loop3A_330] {strides = array<i32>} : memref<128x128xf32, #tpu.memory_space<vmem>>, vector<1x16xf32>,
          %parallel_loop3A_332 = vector.shape_cast %parallel_loop3A_331 : vector<1x16xf32> to vector<16xf32>
          %parallel_loop3A_333 = arith.mulf %parallel_loop3A_332, %parallel_loop3A_191 : vector<16xf32>
          %parallel_loop3A_334 = arith.index_cast %parallel_loop3A_268 : i32 to index
          %parallel_loop3A_335 = arith.constant 96 : index
          %parallel_loop3A_336 = tpu.vector_load %arg11[%parallel_loop3A_334, %parallel_loop3A_335] {strides = array<i32>} : memref<128x128xf32, #tpu.memory_space<vmem>>, vector<1x16xf32>,
          %parallel_loop3A_337 = vector.shape_cast %parallel_loop3A_336 : vector<1x16xf32> to vector<16xf32>
          %parallel_loop3A_338 = vector.shape_cast %parallel_loop3A_333 : vector<16xf32> to vector<1x16xf32>
          tpu.vector_store %arg11[%parallel_loop3A_334, %parallel_loop3A_335], %parallel_loop3A_338 {strides = array<i32>} : memref<128x128xf32, #tpu.memory_space<vmem>>, vector<1x16xf32>,
          %parallel_loop3A_339 = arith.index_cast %parallel_loop3A_268 : i32 to index
          %parallel_loop3A_340 = arith.constant 112 : index
          %parallel_loop3A_341 = tpu.vector_load %arg11[%parallel_loop3A_339, %parallel_loop3A_340] {strides = array<i32>} : memref<128x128xf32, #tpu.memory_space<vmem>>, vector<1x16xf32>,
          %parallel_loop3A_342 = vector.shape_cast %parallel_loop3A_341 : vector<1x16xf32> to vector<16xf32>
          %parallel_loop3A_343 = arith.mulf %parallel_loop3A_342, %parallel_loop3A_191 : vector<16xf32>
          %parallel_loop3A_344 = arith.index_cast %parallel_loop3A_268 : i32 to index
          %parallel_loop3A_345 = arith.constant 112 : index
          %parallel_loop3A_346 = tpu.vector_load %arg11[%parallel_loop3A_344, %parallel_loop3A_345] {strides = array<i32>} : memref<128x128xf32, #tpu.memory_space<vmem>>, vector<1x16xf32>,
          %parallel_loop3A_347 = vector.shape_cast %parallel_loop3A_346 : vector<1x16xf32> to vector<16xf32>
          %parallel_loop3A_348 = vector.shape_cast %parallel_loop3A_343 : vector<16xf32> to vector<1x16xf32>
          tpu.vector_store %arg11[%parallel_loop3A_344, %parallel_loop3A_345], %parallel_loop3A_348 {strides = array<i32>} : memref<128x128xf32, #tpu.memory_space<vmem>>, vector<1x16xf32>,
          %parallel_loop3A_349 = arith.constant 1 : i32
          %parallel_loop3A_350 = arith.addi %parallel_loop3A_182, %parallel_loop3A_349 : i32
          %parallel_loop3A_351 = arith.index_cast %parallel_loop3A_350 : i32 to index
          %parallel_loop3A_352 = arith.constant 0 : index
          %parallel_loop3A_353 = tpu.vector_load %arg11[%parallel_loop3A_351, %parallel_loop3A_352] {strides = array<i32>} : memref<128x128xf32, #tpu.memory_space<vmem>>, vector<1x16xf32>,
          %parallel_loop3A_354 = vector.shape_cast %parallel_loop3A_353 : vector<1x16xf32> to vector<16xf32>
          %parallel_loop3A_355 = arith.mulf %parallel_loop3A_354, %parallel_loop3A_196 : vector<16xf32>
          %parallel_loop3A_356 = arith.index_cast %parallel_loop3A_350 : i32 to index
          %parallel_loop3A_357 = arith.constant 0 : index
          %parallel_loop3A_358 = tpu.vector_load %arg11[%parallel_loop3A_356, %parallel_loop3A_357] {strides = array<i32>} : memref<128x128xf32, #tpu.memory_space<vmem>>, vector<1x16xf32>,
          %parallel_loop3A_359 = vector.shape_cast %parallel_loop3A_358 : vector<1x16xf32> to vector<16xf32>
          %parallel_loop3A_360 = vector.shape_cast %parallel_loop3A_355 : vector<16xf32> to vector<1x16xf32>
          tpu.vector_store %arg11[%parallel_loop3A_356, %parallel_loop3A_357], %parallel_loop3A_360 {strides = array<i32>} : memref<128x128xf32, #tpu.memory_space<vmem>>, vector<1x16xf32>,
          %parallel_loop3A_361 = arith.index_cast %parallel_loop3A_350 : i32 to index
          %parallel_loop3A_362 = arith.constant 16 : index
          %parallel_loop3A_363 = tpu.vector_load %arg11[%parallel_loop3A_361, %parallel_loop3A_362] {strides = array<i32>} : memref<128x128xf32, #tpu.memory_space<vmem>>, vector<1x16xf32>,
          %parallel_loop3A_364 = vector.shape_cast %parallel_loop3A_363 : vector<1x16xf32> to vector<16xf32>
          %parallel_loop3A_365 = arith.mulf %parallel_loop3A_364, %parallel_loop3A_196 : vector<16xf32>
          %parallel_loop3A_366 = arith.index_cast %parallel_loop3A_350 : i32 to index
          %parallel_loop3A_367 = arith.constant 16 : index
          %parallel_loop3A_368 = tpu.vector_load %arg11[%parallel_loop3A_366, %parallel_loop3A_367] {strides = array<i32>} : memref<128x128xf32, #tpu.memory_space<vmem>>, vector<1x16xf32>,
          %parallel_loop3A_369 = vector.shape_cast %parallel_loop3A_368 : vector<1x16xf32> to vector<16xf32>
          %parallel_loop3A_370 = vector.shape_cast %parallel_loop3A_365 : vector<16xf32> to vector<1x16xf32>
          tpu.vector_store %arg11[%parallel_loop3A_366, %parallel_loop3A_367], %parallel_loop3A_370 {strides = array<i32>} : memref<128x128xf32, #tpu.memory_space<vmem>>, vector<1x16xf32>,
          %parallel_loop3A_371 = arith.index_cast %parallel_loop3A_350 : i32 to index
          %parallel_loop3A_372 = arith.constant 32 : index
          %parallel_loop3A_373 = tpu.vector_load %arg11[%parallel_loop3A_371, %parallel_loop3A_372] {strides = array<i32>} : memref<128x128xf32, #tpu.memory_space<vmem>>, vector<1x16xf32>,
          %parallel_loop3A_374 = vector.shape_cast %parallel_loop3A_373 : vector<1x16xf32> to vector<16xf32>
          %parallel_loop3A_375 = arith.mulf %parallel_loop3A_374, %parallel_loop3A_196 : vector<16xf32>
          %parallel_loop3A_376 = arith.index_cast %parallel_loop3A_350 : i32 to index
          %parallel_loop3A_377 = arith.constant 32 : index
          %parallel_loop3A_378 = tpu.vector_load %arg11[%parallel_loop3A_376, %parallel_loop3A_377] {strides = array<i32>} : memref<128x128xf32, #tpu.memory_space<vmem>>, vector<1x16xf32>,
          %parallel_loop3A_379 = vector.shape_cast %parallel_loop3A_378 : vector<1x16xf32> to vector<16xf32>
          %parallel_loop3A_380 = vector.shape_cast %parallel_loop3A_375 : vector<16xf32> to vector<1x16xf32>
          tpu.vector_store %arg11[%parallel_loop3A_376, %parallel_loop3A_377], %parallel_loop3A_380 {strides = array<i32>} : memref<128x128xf32, #tpu.memory_space<vmem>>, vector<1x16xf32>,
          %parallel_loop3A_381 = arith.index_cast %parallel_loop3A_350 : i32 to index
          %parallel_loop3A_382 = arith.constant 48 : index
          %parallel_loop3A_383 = tpu.vector_load %arg11[%parallel_loop3A_381, %parallel_loop3A_382] {strides = array<i32>} : memref<128x128xf32, #tpu.memory_space<vmem>>, vector<1x16xf32>,
          %parallel_loop3A_384 = vector.shape_cast %parallel_loop3A_383 : vector<1x16xf32> to vector<16xf32>
          %parallel_loop3A_385 = arith.mulf %parallel_loop3A_384, %parallel_loop3A_196 : vector<16xf32>
          %parallel_loop3A_386 = arith.index_cast %parallel_loop3A_350 : i32 to index
          %parallel_loop3A_387 = arith.constant 48 : index
          %parallel_loop3A_388 = tpu.vector_load %arg11[%parallel_loop3A_386, %parallel_loop3A_387] {strides = array<i32>} : memref<128x128xf32, #tpu.memory_space<vmem>>, vector<1x16xf32>,
          %parallel_loop3A_389 = vector.shape_cast %parallel_loop3A_388 : vector<1x16xf32> to vector<16xf32>
          %parallel_loop3A_390 = vector.shape_cast %parallel_loop3A_385 : vector<16xf32> to vector<1x16xf32>
          tpu.vector_store %arg11[%parallel_loop3A_386, %parallel_loop3A_387], %parallel_loop3A_390 {strides = array<i32>} : memref<128x128xf32, #tpu.memory_space<vmem>>, vector<1x16xf32>,
          %parallel_loop3A_391 = arith.index_cast %parallel_loop3A_350 : i32 to index
          %parallel_loop3A_392 = arith.constant 64 : index
          %parallel_loop3A_393 = tpu.vector_load %arg11[%parallel_loop3A_391, %parallel_loop3A_392] {strides = array<i32>} : memref<128x128xf32, #tpu.memory_space<vmem>>, vector<1x16xf32>,
          %parallel_loop3A_394 = vector.shape_cast %parallel_loop3A_393 : vector<1x16xf32> to vector<16xf32>
          %parallel_loop3A_395 = arith.mulf %parallel_loop3A_394, %parallel_loop3A_196 : vector<16xf32>
          %parallel_loop3A_396 = arith.index_cast %parallel_loop3A_350 : i32 to index
          %parallel_loop3A_397 = arith.constant 64 : index
          %parallel_loop3A_398 = tpu.vector_load %arg11[%parallel_loop3A_396, %parallel_loop3A_397] {strides = array<i32>} : memref<128x128xf32, #tpu.memory_space<vmem>>, vector<1x16xf32>,
          %parallel_loop3A_399 = vector.shape_cast %parallel_loop3A_398 : vector<1x16xf32> to vector<16xf32>
          %parallel_loop3A_400 = vector.shape_cast %parallel_loop3A_395 : vector<16xf32> to vector<1x16xf32>
          tpu.vector_store %arg11[%parallel_loop3A_396, %parallel_loop3A_397], %parallel_loop3A_400 {strides = array<i32>} : memref<128x128xf32, #tpu.memory_space<vmem>>, vector<1x16xf32>,
          %parallel_loop3A_401 = arith.index_cast %parallel_loop3A_350 : i32 to index
          %parallel_loop3A_402 = arith.constant 80 : index
          %parallel_loop3A_403 = tpu.vector_load %arg11[%parallel_loop3A_401, %parallel_loop3A_402] {strides = array<i32>} : memref<128x128xf32, #tpu.memory_space<vmem>>, vector<1x16xf32>,
          %parallel_loop3A_404 = vector.shape_cast %parallel_loop3A_403 : vector<1x16xf32> to vector<16xf32>
          %parallel_loop3A_405 = arith.mulf %parallel_loop3A_404, %parallel_loop3A_196 : vector<16xf32>
          %parallel_loop3A_406 = arith.index_cast %parallel_loop3A_350 : i32 to index
          %parallel_loop3A_407 = arith.constant 80 : index
          %parallel_loop3A_408 = tpu.vector_load %arg11[%parallel_loop3A_406, %parallel_loop3A_407] {strides = array<i32>} : memref<128x128xf32, #tpu.memory_space<vmem>>, vector<1x16xf32>,
          %parallel_loop3A_409 = vector.shape_cast %parallel_loop3A_408 : vector<1x16xf32> to vector<16xf32>
          %parallel_loop3A_410 = vector.shape_cast %parallel_loop3A_405 : vector<16xf32> to vector<1x16xf32>
          tpu.vector_store %arg11[%parallel_loop3A_406, %parallel_loop3A_407], %parallel_loop3A_410 {strides = array<i32>} : memref<128x128xf32, #tpu.memory_space<vmem>>, vector<1x16xf32>,
          %parallel_loop3A_411 = arith.index_cast %parallel_loop3A_350 : i32 to index
          %parallel_loop3A_412 = arith.constant 96 : index
          %parallel_loop3A_413 = tpu.vector_load %arg11[%parallel_loop3A_411, %parallel_loop3A_412] {strides = array<i32>} : memref<128x128xf32, #tpu.memory_space<vmem>>, vector<1x16xf32>,
          %parallel_loop3A_414 = vector.shape_cast %parallel_loop3A_413 : vector<1x16xf32> to vector<16xf32>
          %parallel_loop3A_415 = arith.mulf %parallel_loop3A_414, %parallel_loop3A_196 : vector<16xf32>
          %parallel_loop3A_416 = arith.index_cast %parallel_loop3A_350 : i32 to index
          %parallel_loop3A_417 = arith.constant 96 : index
          %parallel_loop3A_418 = tpu.vector_load %arg11[%parallel_loop3A_416, %parallel_loop3A_417] {strides = array<i32>} : memref<128x128xf32, #tpu.memory_space<vmem>>, vector<1x16xf32>,
          %parallel_loop3A_419 = vector.shape_cast %parallel_loop3A_418 : vector<1x16xf32> to vector<16xf32>
          %parallel_loop3A_420 = vector.shape_cast %parallel_loop3A_415 : vector<16xf32> to vector<1x16xf32>
          tpu.vector_store %arg11[%parallel_loop3A_416, %parallel_loop3A_417], %parallel_loop3A_420 {strides = array<i32>} : memref<128x128xf32, #tpu.memory_space<vmem>>, vector<1x16xf32>,
          %parallel_loop3A_421 = arith.index_cast %parallel_loop3A_350 : i32 to index
          %parallel_loop3A_422 = arith.constant 112 : index
          %parallel_loop3A_423 = tpu.vector_load %arg11[%parallel_loop3A_421, %parallel_loop3A_422] {strides = array<i32>} : memref<128x128xf32, #tpu.memory_space<vmem>>, vector<1x16xf32>,
          %parallel_loop3A_424 = vector.shape_cast %parallel_loop3A_423 : vector<1x16xf32> to vector<16xf32>
          %parallel_loop3A_425 = arith.mulf %parallel_loop3A_424, %parallel_loop3A_196 : vector<16xf32>
          %parallel_loop3A_426 = arith.index_cast %parallel_loop3A_350 : i32 to index
          %parallel_loop3A_427 = arith.constant 112 : index
          %parallel_loop3A_428 = tpu.vector_load %arg11[%parallel_loop3A_426, %parallel_loop3A_427] {strides = array<i32>} : memref<128x128xf32, #tpu.memory_space<vmem>>, vector<1x16xf32>,
          %parallel_loop3A_429 = vector.shape_cast %parallel_loop3A_428 : vector<1x16xf32> to vector<16xf32>
          %parallel_loop3A_430 = vector.shape_cast %parallel_loop3A_425 : vector<16xf32> to vector<1x16xf32>
          tpu.vector_store %arg11[%parallel_loop3A_426, %parallel_loop3A_427], %parallel_loop3A_430 {strides = array<i32>} : memref<128x128xf32, #tpu.memory_space<vmem>>, vector<1x16xf32>,
          %parallel_loop3A_431 = arith.constant 2 : i32
          %parallel_loop3A_432 = arith.addi %parallel_loop3A_182, %parallel_loop3A_431 : i32
          %parallel_loop3A_433 = arith.index_cast %parallel_loop3A_432 : i32 to index
          %parallel_loop3A_434 = arith.constant 0 : index
          %parallel_loop3A_435 = tpu.vector_load %arg11[%parallel_loop3A_433, %parallel_loop3A_434] {strides = array<i32>} : memref<128x128xf32, #tpu.memory_space<vmem>>, vector<1x16xf32>,
          %parallel_loop3A_436 = vector.shape_cast %parallel_loop3A_435 : vector<1x16xf32> to vector<16xf32>
          %parallel_loop3A_437 = arith.mulf %parallel_loop3A_436, %parallel_loop3A_201 : vector<16xf32>
          %parallel_loop3A_438 = arith.index_cast %parallel_loop3A_432 : i32 to index
          %parallel_loop3A_439 = arith.constant 0 : index
          %parallel_loop3A_440 = tpu.vector_load %arg11[%parallel_loop3A_438, %parallel_loop3A_439] {strides = array<i32>} : memref<128x128xf32, #tpu.memory_space<vmem>>, vector<1x16xf32>,
          %parallel_loop3A_441 = vector.shape_cast %parallel_loop3A_440 : vector<1x16xf32> to vector<16xf32>
          %parallel_loop3A_442 = vector.shape_cast %parallel_loop3A_437 : vector<16xf32> to vector<1x16xf32>
          tpu.vector_store %arg11[%parallel_loop3A_438, %parallel_loop3A_439], %parallel_loop3A_442 {strides = array<i32>} : memref<128x128xf32, #tpu.memory_space<vmem>>, vector<1x16xf32>,
          %parallel_loop3A_443 = arith.index_cast %parallel_loop3A_432 : i32 to index
          %parallel_loop3A_444 = arith.constant 16 : index
          %parallel_loop3A_445 = tpu.vector_load %arg11[%parallel_loop3A_443, %parallel_loop3A_444] {strides = array<i32>} : memref<128x128xf32, #tpu.memory_space<vmem>>, vector<1x16xf32>,
          %parallel_loop3A_446 = vector.shape_cast %parallel_loop3A_445 : vector<1x16xf32> to vector<16xf32>
          %parallel_loop3A_447 = arith.mulf %parallel_loop3A_446, %parallel_loop3A_201 : vector<16xf32>
          %parallel_loop3A_448 = arith.index_cast %parallel_loop3A_432 : i32 to index
          %parallel_loop3A_449 = arith.constant 16 : index
          %parallel_loop3A_450 = tpu.vector_load %arg11[%parallel_loop3A_448, %parallel_loop3A_449] {strides = array<i32>} : memref<128x128xf32, #tpu.memory_space<vmem>>, vector<1x16xf32>,
          %parallel_loop3A_451 = vector.shape_cast %parallel_loop3A_450 : vector<1x16xf32> to vector<16xf32>
          %parallel_loop3A_452 = vector.shape_cast %parallel_loop3A_447 : vector<16xf32> to vector<1x16xf32>
          tpu.vector_store %arg11[%parallel_loop3A_448, %parallel_loop3A_449], %parallel_loop3A_452 {strides = array<i32>} : memref<128x128xf32, #tpu.memory_space<vmem>>, vector<1x16xf32>,
          %parallel_loop3A_453 = arith.index_cast %parallel_loop3A_432 : i32 to index
          %parallel_loop3A_454 = arith.constant 32 : index
          %parallel_loop3A_455 = tpu.vector_load %arg11[%parallel_loop3A_453, %parallel_loop3A_454] {strides = array<i32>} : memref<128x128xf32, #tpu.memory_space<vmem>>, vector<1x16xf32>,
          %parallel_loop3A_456 = vector.shape_cast %parallel_loop3A_455 : vector<1x16xf32> to vector<16xf32>
          %parallel_loop3A_457 = arith.mulf %parallel_loop3A_456, %parallel_loop3A_201 : vector<16xf32>
          %parallel_loop3A_458 = arith.index_cast %parallel_loop3A_432 : i32 to index
          %parallel_loop3A_459 = arith.constant 32 : index
          %parallel_loop3A_460 = tpu.vector_load %arg11[%parallel_loop3A_458, %parallel_loop3A_459] {strides = array<i32>} : memref<128x128xf32, #tpu.memory_space<vmem>>, vector<1x16xf32>,
          %parallel_loop3A_461 = vector.shape_cast %parallel_loop3A_460 : vector<1x16xf32> to vector<16xf32>
          %parallel_loop3A_462 = vector.shape_cast %parallel_loop3A_457 : vector<16xf32> to vector<1x16xf32>
          tpu.vector_store %arg11[%parallel_loop3A_458, %parallel_loop3A_459], %parallel_loop3A_462 {strides = array<i32>} : memref<128x128xf32, #tpu.memory_space<vmem>>, vector<1x16xf32>,
          %parallel_loop3A_463 = arith.index_cast %parallel_loop3A_432 : i32 to index
          %parallel_loop3A_464 = arith.constant 48 : index
          %parallel_loop3A_465 = tpu.vector_load %arg11[%parallel_loop3A_463, %parallel_loop3A_464] {strides = array<i32>} : memref<128x128xf32, #tpu.memory_space<vmem>>, vector<1x16xf32>,
          %parallel_loop3A_466 = vector.shape_cast %parallel_loop3A_465 : vector<1x16xf32> to vector<16xf32>
          %parallel_loop3A_467 = arith.mulf %parallel_loop3A_466, %parallel_loop3A_201 : vector<16xf32>
          %parallel_loop3A_468 = arith.index_cast %parallel_loop3A_432 : i32 to index
          %parallel_loop3A_469 = arith.constant 48 : index
          %parallel_loop3A_470 = tpu.vector_load %arg11[%parallel_loop3A_468, %parallel_loop3A_469] {strides = array<i32>} : memref<128x128xf32, #tpu.memory_space<vmem>>, vector<1x16xf32>,
          %parallel_loop3A_471 = vector.shape_cast %parallel_loop3A_470 : vector<1x16xf32> to vector<16xf32>
          %parallel_loop3A_472 = vector.shape_cast %parallel_loop3A_467 : vector<16xf32> to vector<1x16xf32>
          tpu.vector_store %arg11[%parallel_loop3A_468, %parallel_loop3A_469], %parallel_loop3A_472 {strides = array<i32>} : memref<128x128xf32, #tpu.memory_space<vmem>>, vector<1x16xf32>,
          %parallel_loop3A_473 = arith.index_cast %parallel_loop3A_432 : i32 to index
          %parallel_loop3A_474 = arith.constant 64 : index
          %parallel_loop3A_475 = tpu.vector_load %arg11[%parallel_loop3A_473, %parallel_loop3A_474] {strides = array<i32>} : memref<128x128xf32, #tpu.memory_space<vmem>>, vector<1x16xf32>,
          %parallel_loop3A_476 = vector.shape_cast %parallel_loop3A_475 : vector<1x16xf32> to vector<16xf32>
          %parallel_loop3A_477 = arith.mulf %parallel_loop3A_476, %parallel_loop3A_201 : vector<16xf32>
          %parallel_loop3A_478 = arith.index_cast %parallel_loop3A_432 : i32 to index
          %parallel_loop3A_479 = arith.constant 64 : index
          %parallel_loop3A_480 = tpu.vector_load %arg11[%parallel_loop3A_478, %parallel_loop3A_479] {strides = array<i32>} : memref<128x128xf32, #tpu.memory_space<vmem>>, vector<1x16xf32>,
          %parallel_loop3A_481 = vector.shape_cast %parallel_loop3A_480 : vector<1x16xf32> to vector<16xf32>
          %parallel_loop3A_482 = vector.shape_cast %parallel_loop3A_477 : vector<16xf32> to vector<1x16xf32>
          tpu.vector_store %arg11[%parallel_loop3A_478, %parallel_loop3A_479], %parallel_loop3A_482 {strides = array<i32>} : memref<128x128xf32, #tpu.memory_space<vmem>>, vector<1x16xf32>,
          %parallel_loop3A_483 = arith.index_cast %parallel_loop3A_432 : i32 to index
          %parallel_loop3A_484 = arith.constant 80 : index
          %parallel_loop3A_485 = tpu.vector_load %arg11[%parallel_loop3A_483, %parallel_loop3A_484] {strides = array<i32>} : memref<128x128xf32, #tpu.memory_space<vmem>>, vector<1x16xf32>,
          %parallel_loop3A_486 = vector.shape_cast %parallel_loop3A_485 : vector<1x16xf32> to vector<16xf32>
          %parallel_loop3A_487 = arith.mulf %parallel_loop3A_486, %parallel_loop3A_201 : vector<16xf32>
          %parallel_loop3A_488 = arith.index_cast %parallel_loop3A_432 : i32 to index
          %parallel_loop3A_489 = arith.constant 80 : index
          %parallel_loop3A_490 = tpu.vector_load %arg11[%parallel_loop3A_488, %parallel_loop3A_489] {strides = array<i32>} : memref<128x128xf32, #tpu.memory_space<vmem>>, vector<1x16xf32>,
          %parallel_loop3A_491 = vector.shape_cast %parallel_loop3A_490 : vector<1x16xf32> to vector<16xf32>
          %parallel_loop3A_492 = vector.shape_cast %parallel_loop3A_487 : vector<16xf32> to vector<1x16xf32>
          tpu.vector_store %arg11[%parallel_loop3A_488, %parallel_loop3A_489], %parallel_loop3A_492 {strides = array<i32>} : memref<128x128xf32, #tpu.memory_space<vmem>>, vector<1x16xf32>,
          %parallel_loop3A_493 = arith.index_cast %parallel_loop3A_432 : i32 to index
          %parallel_loop3A_494 = arith.constant 96 : index
          %parallel_loop3A_495 = tpu.vector_load %arg11[%parallel_loop3A_493, %parallel_loop3A_494] {strides = array<i32>} : memref<128x128xf32, #tpu.memory_space<vmem>>, vector<1x16xf32>,
          %parallel_loop3A_496 = vector.shape_cast %parallel_loop3A_495 : vector<1x16xf32> to vector<16xf32>
          %parallel_loop3A_497 = arith.mulf %parallel_loop3A_496, %parallel_loop3A_201 : vector<16xf32>
          %parallel_loop3A_498 = arith.index_cast %parallel_loop3A_432 : i32 to index
          %parallel_loop3A_499 = arith.constant 96 : index
          %parallel_loop3A_500 = tpu.vector_load %arg11[%parallel_loop3A_498, %parallel_loop3A_499] {strides = array<i32>} : memref<128x128xf32, #tpu.memory_space<vmem>>, vector<1x16xf32>,
          %parallel_loop3A_501 = vector.shape_cast %parallel_loop3A_500 : vector<1x16xf32> to vector<16xf32>
          %parallel_loop3A_502 = vector.shape_cast %parallel_loop3A_497 : vector<16xf32> to vector<1x16xf32>
          tpu.vector_store %arg11[%parallel_loop3A_498, %parallel_loop3A_499], %parallel_loop3A_502 {strides = array<i32>} : memref<128x128xf32, #tpu.memory_space<vmem>>, vector<1x16xf32>,
          %parallel_loop3A_503 = arith.index_cast %parallel_loop3A_432 : i32 to index
          %parallel_loop3A_504 = arith.constant 112 : index
          %parallel_loop3A_505 = tpu.vector_load %arg11[%parallel_loop3A_503, %parallel_loop3A_504] {strides = array<i32>} : memref<128x128xf32, #tpu.memory_space<vmem>>, vector<1x16xf32>,
          %parallel_loop3A_506 = vector.shape_cast %parallel_loop3A_505 : vector<1x16xf32> to vector<16xf32>
          %parallel_loop3A_507 = arith.mulf %parallel_loop3A_506, %parallel_loop3A_201 : vector<16xf32>
          %parallel_loop3A_508 = arith.index_cast %parallel_loop3A_432 : i32 to index
          %parallel_loop3A_509 = arith.constant 112 : index
          %parallel_loop3A_510 = tpu.vector_load %arg11[%parallel_loop3A_508, %parallel_loop3A_509] {strides = array<i32>} : memref<128x128xf32, #tpu.memory_space<vmem>>, vector<1x16xf32>,
          %parallel_loop3A_511 = vector.shape_cast %parallel_loop3A_510 : vector<1x16xf32> to vector<16xf32>
          %parallel_loop3A_512 = vector.shape_cast %parallel_loop3A_507 : vector<16xf32> to vector<1x16xf32>
          tpu.vector_store %arg11[%parallel_loop3A_508, %parallel_loop3A_509], %parallel_loop3A_512 {strides = array<i32>} : memref<128x128xf32, #tpu.memory_space<vmem>>, vector<1x16xf32>,
          %parallel_loop3A_513 = arith.constant 3 : i32
          %parallel_loop3A_514 = arith.addi %parallel_loop3A_182, %parallel_loop3A_513 : i32
          %parallel_loop3A_515 = arith.index_cast %parallel_loop3A_514 : i32 to index
          %parallel_loop3A_516 = arith.constant 0 : index
          %parallel_loop3A_517 = tpu.vector_load %arg11[%parallel_loop3A_515, %parallel_loop3A_516] {strides = array<i32>} : memref<128x128xf32, #tpu.memory_space<vmem>>, vector<1x16xf32>,
          %parallel_loop3A_518 = vector.shape_cast %parallel_loop3A_517 : vector<1x16xf32> to vector<16xf32>
          %parallel_loop3A_519 = arith.mulf %parallel_loop3A_518, %parallel_loop3A_206 : vector<16xf32>
          %parallel_loop3A_520 = arith.index_cast %parallel_loop3A_514 : i32 to index
          %parallel_loop3A_521 = arith.constant 0 : index
          %parallel_loop3A_522 = tpu.vector_load %arg11[%parallel_loop3A_520, %parallel_loop3A_521] {strides = array<i32>} : memref<128x128xf32, #tpu.memory_space<vmem>>, vector<1x16xf32>,
          %parallel_loop3A_523 = vector.shape_cast %parallel_loop3A_522 : vector<1x16xf32> to vector<16xf32>
          %parallel_loop3A_524 = vector.shape_cast %parallel_loop3A_519 : vector<16xf32> to vector<1x16xf32>
          tpu.vector_store %arg11[%parallel_loop3A_520, %parallel_loop3A_521], %parallel_loop3A_524 {strides = array<i32>} : memref<128x128xf32, #tpu.memory_space<vmem>>, vector<1x16xf32>,
          %parallel_loop3A_525 = arith.index_cast %parallel_loop3A_514 : i32 to index
          %parallel_loop3A_526 = arith.constant 16 : index
          %parallel_loop3A_527 = tpu.vector_load %arg11[%parallel_loop3A_525, %parallel_loop3A_526] {strides = array<i32>} : memref<128x128xf32, #tpu.memory_space<vmem>>, vector<1x16xf32>,
          %parallel_loop3A_528 = vector.shape_cast %parallel_loop3A_527 : vector<1x16xf32> to vector<16xf32>
          %parallel_loop3A_529 = arith.mulf %parallel_loop3A_528, %parallel_loop3A_206 : vector<16xf32>
          %parallel_loop3A_530 = arith.index_cast %parallel_loop3A_514 : i32 to index
          %parallel_loop3A_531 = arith.constant 16 : index
          %parallel_loop3A_532 = tpu.vector_load %arg11[%parallel_loop3A_530, %parallel_loop3A_531] {strides = array<i32>} : memref<128x128xf32, #tpu.memory_space<vmem>>, vector<1x16xf32>,
          %parallel_loop3A_533 = vector.shape_cast %parallel_loop3A_532 : vector<1x16xf32> to vector<16xf32>
          %parallel_loop3A_534 = vector.shape_cast %parallel_loop3A_529 : vector<16xf32> to vector<1x16xf32>
          tpu.vector_store %arg11[%parallel_loop3A_530, %parallel_loop3A_531], %parallel_loop3A_534 {strides = array<i32>} : memref<128x128xf32, #tpu.memory_space<vmem>>, vector<1x16xf32>,
          %parallel_loop3A_535 = arith.index_cast %parallel_loop3A_514 : i32 to index
          %parallel_loop3A_536 = arith.constant 32 : index
          %parallel_loop3A_537 = tpu.vector_load %arg11[%parallel_loop3A_535, %parallel_loop3A_536] {strides = array<i32>} : memref<128x128xf32, #tpu.memory_space<vmem>>, vector<1x16xf32>,
          %parallel_loop3A_538 = vector.shape_cast %parallel_loop3A_537 : vector<1x16xf32> to vector<16xf32>
          %parallel_loop3A_539 = arith.mulf %parallel_loop3A_538, %parallel_loop3A_206 : vector<16xf32>
          %parallel_loop3A_540 = arith.index_cast %parallel_loop3A_514 : i32 to index
          %parallel_loop3A_541 = arith.constant 32 : index
          %parallel_loop3A_542 = tpu.vector_load %arg11[%parallel_loop3A_540, %parallel_loop3A_541] {strides = array<i32>} : memref<128x128xf32, #tpu.memory_space<vmem>>, vector<1x16xf32>,
          %parallel_loop3A_543 = vector.shape_cast %parallel_loop3A_542 : vector<1x16xf32> to vector<16xf32>
          %parallel_loop3A_544 = vector.shape_cast %parallel_loop3A_539 : vector<16xf32> to vector<1x16xf32>
          tpu.vector_store %arg11[%parallel_loop3A_540, %parallel_loop3A_541], %parallel_loop3A_544 {strides = array<i32>} : memref<128x128xf32, #tpu.memory_space<vmem>>, vector<1x16xf32>,
          %parallel_loop3A_545 = arith.index_cast %parallel_loop3A_514 : i32 to index
          %parallel_loop3A_546 = arith.constant 48 : index
          %parallel_loop3A_547 = tpu.vector_load %arg11[%parallel_loop3A_545, %parallel_loop3A_546] {strides = array<i32>} : memref<128x128xf32, #tpu.memory_space<vmem>>, vector<1x16xf32>,
          %parallel_loop3A_548 = vector.shape_cast %parallel_loop3A_547 : vector<1x16xf32> to vector<16xf32>
          %parallel_loop3A_549 = arith.mulf %parallel_loop3A_548, %parallel_loop3A_206 : vector<16xf32>
          %parallel_loop3A_550 = arith.index_cast %parallel_loop3A_514 : i32 to index
          %parallel_loop3A_551 = arith.constant 48 : index
          %parallel_loop3A_552 = tpu.vector_load %arg11[%parallel_loop3A_550, %parallel_loop3A_551] {strides = array<i32>} : memref<128x128xf32, #tpu.memory_space<vmem>>, vector<1x16xf32>,
          %parallel_loop3A_553 = vector.shape_cast %parallel_loop3A_552 : vector<1x16xf32> to vector<16xf32>
          %parallel_loop3A_554 = vector.shape_cast %parallel_loop3A_549 : vector<16xf32> to vector<1x16xf32>
          tpu.vector_store %arg11[%parallel_loop3A_550, %parallel_loop3A_551], %parallel_loop3A_554 {strides = array<i32>} : memref<128x128xf32, #tpu.memory_space<vmem>>, vector<1x16xf32>,
          %parallel_loop3A_555 = arith.index_cast %parallel_loop3A_514 : i32 to index
          %parallel_loop3A_556 = arith.constant 64 : index
          %parallel_loop3A_557 = tpu.vector_load %arg11[%parallel_loop3A_555, %parallel_loop3A_556] {strides = array<i32>} : memref<128x128xf32, #tpu.memory_space<vmem>>, vector<1x16xf32>,
          %parallel_loop3A_558 = vector.shape_cast %parallel_loop3A_557 : vector<1x16xf32> to vector<16xf32>
          %parallel_loop3A_559 = arith.mulf %parallel_loop3A_558, %parallel_loop3A_206 : vector<16xf32>
          %parallel_loop3A_560 = arith.index_cast %parallel_loop3A_514 : i32 to index
          %parallel_loop3A_561 = arith.constant 64 : index
          %parallel_loop3A_562 = tpu.vector_load %arg11[%parallel_loop3A_560, %parallel_loop3A_561] {strides = array<i32>} : memref<128x128xf32, #tpu.memory_space<vmem>>, vector<1x16xf32>,
          %parallel_loop3A_563 = vector.shape_cast %parallel_loop3A_562 : vector<1x16xf32> to vector<16xf32>
          %parallel_loop3A_564 = vector.shape_cast %parallel_loop3A_559 : vector<16xf32> to vector<1x16xf32>
          tpu.vector_store %arg11[%parallel_loop3A_560, %parallel_loop3A_561], %parallel_loop3A_564 {strides = array<i32>} : memref<128x128xf32, #tpu.memory_space<vmem>>, vector<1x16xf32>,
          %parallel_loop3A_565 = arith.index_cast %parallel_loop3A_514 : i32 to index
          %parallel_loop3A_566 = arith.constant 80 : index
          %parallel_loop3A_567 = tpu.vector_load %arg11[%parallel_loop3A_565, %parallel_loop3A_566] {strides = array<i32>} : memref<128x128xf32, #tpu.memory_space<vmem>>, vector<1x16xf32>,
          %parallel_loop3A_568 = vector.shape_cast %parallel_loop3A_567 : vector<1x16xf32> to vector<16xf32>
          %parallel_loop3A_569 = arith.mulf %parallel_loop3A_568, %parallel_loop3A_206 : vector<16xf32>
          %parallel_loop3A_570 = arith.index_cast %parallel_loop3A_514 : i32 to index
          %parallel_loop3A_571 = arith.constant 80 : index
          %parallel_loop3A_572 = tpu.vector_load %arg11[%parallel_loop3A_570, %parallel_loop3A_571] {strides = array<i32>} : memref<128x128xf32, #tpu.memory_space<vmem>>, vector<1x16xf32>,
          %parallel_loop3A_573 = vector.shape_cast %parallel_loop3A_572 : vector<1x16xf32> to vector<16xf32>
          %parallel_loop3A_574 = vector.shape_cast %parallel_loop3A_569 : vector<16xf32> to vector<1x16xf32>
          tpu.vector_store %arg11[%parallel_loop3A_570, %parallel_loop3A_571], %parallel_loop3A_574 {strides = array<i32>} : memref<128x128xf32, #tpu.memory_space<vmem>>, vector<1x16xf32>,
          %parallel_loop3A_575 = arith.index_cast %parallel_loop3A_514 : i32 to index
          %parallel_loop3A_576 = arith.constant 96 : index
          %parallel_loop3A_577 = tpu.vector_load %arg11[%parallel_loop3A_575, %parallel_loop3A_576] {strides = array<i32>} : memref<128x128xf32, #tpu.memory_space<vmem>>, vector<1x16xf32>,
          %parallel_loop3A_578 = vector.shape_cast %parallel_loop3A_577 : vector<1x16xf32> to vector<16xf32>
          %parallel_loop3A_579 = arith.mulf %parallel_loop3A_578, %parallel_loop3A_206 : vector<16xf32>
          %parallel_loop3A_580 = arith.index_cast %parallel_loop3A_514 : i32 to index
          %parallel_loop3A_581 = arith.constant 96 : index
          %parallel_loop3A_582 = tpu.vector_load %arg11[%parallel_loop3A_580, %parallel_loop3A_581] {strides = array<i32>} : memref<128x128xf32, #tpu.memory_space<vmem>>, vector<1x16xf32>,
          %parallel_loop3A_583 = vector.shape_cast %parallel_loop3A_582 : vector<1x16xf32> to vector<16xf32>
          %parallel_loop3A_584 = vector.shape_cast %parallel_loop3A_579 : vector<16xf32> to vector<1x16xf32>
          tpu.vector_store %arg11[%parallel_loop3A_580, %parallel_loop3A_581], %parallel_loop3A_584 {strides = array<i32>} : memref<128x128xf32, #tpu.memory_space<vmem>>, vector<1x16xf32>,
          %parallel_loop3A_585 = arith.index_cast %parallel_loop3A_514 : i32 to index
          %parallel_loop3A_586 = arith.constant 112 : index
          %parallel_loop3A_587 = tpu.vector_load %arg11[%parallel_loop3A_585, %parallel_loop3A_586] {strides = array<i32>} : memref<128x128xf32, #tpu.memory_space<vmem>>, vector<1x16xf32>,
          %parallel_loop3A_588 = vector.shape_cast %parallel_loop3A_587 : vector<1x16xf32> to vector<16xf32>
          %parallel_loop3A_589 = arith.mulf %parallel_loop3A_588, %parallel_loop3A_206 : vector<16xf32>
          %parallel_loop3A_590 = arith.index_cast %parallel_loop3A_514 : i32 to index
          %parallel_loop3A_591 = arith.constant 112 : index
          %parallel_loop3A_592 = tpu.vector_load %arg11[%parallel_loop3A_590, %parallel_loop3A_591] {strides = array<i32>} : memref<128x128xf32, #tpu.memory_space<vmem>>, vector<1x16xf32>,
          %parallel_loop3A_593 = vector.shape_cast %parallel_loop3A_592 : vector<1x16xf32> to vector<16xf32>
          %parallel_loop3A_594 = vector.shape_cast %parallel_loop3A_589 : vector<16xf32> to vector<1x16xf32>
          tpu.vector_store %arg11[%parallel_loop3A_590, %parallel_loop3A_591], %parallel_loop3A_594 {strides = array<i32>} : memref<128x128xf32, #tpu.memory_space<vmem>>, vector<1x16xf32>,
          %parallel_loop3A_595 = arith.constant 4 : i32
          %parallel_loop3A_596 = arith.addi %parallel_loop3A_182, %parallel_loop3A_595 : i32
          %parallel_loop3A_597 = arith.index_cast %parallel_loop3A_596 : i32 to index
          %parallel_loop3A_598 = arith.constant 0 : index
          %parallel_loop3A_599 = tpu.vector_load %arg11[%parallel_loop3A_597, %parallel_loop3A_598] {strides = array<i32>} : memref<128x128xf32, #tpu.memory_space<vmem>>, vector<1x16xf32>,
          %parallel_loop3A_600 = vector.shape_cast %parallel_loop3A_599 : vector<1x16xf32> to vector<16xf32>
          %parallel_loop3A_601 = arith.mulf %parallel_loop3A_600, %parallel_loop3A_211 : vector<16xf32>
          %parallel_loop3A_602 = arith.index_cast %parallel_loop3A_596 : i32 to index
          %parallel_loop3A_603 = arith.constant 0 : index
          %parallel_loop3A_604 = tpu.vector_load %arg11[%parallel_loop3A_602, %parallel_loop3A_603] {strides = array<i32>} : memref<128x128xf32, #tpu.memory_space<vmem>>, vector<1x16xf32>,
          %parallel_loop3A_605 = vector.shape_cast %parallel_loop3A_604 : vector<1x16xf32> to vector<16xf32>
          %parallel_loop3A_606 = vector.shape_cast %parallel_loop3A_601 : vector<16xf32> to vector<1x16xf32>
          tpu.vector_store %arg11[%parallel_loop3A_602, %parallel_loop3A_603], %parallel_loop3A_606 {strides = array<i32>} : memref<128x128xf32, #tpu.memory_space<vmem>>, vector<1x16xf32>,
          %parallel_loop3A_607 = arith.index_cast %parallel_loop3A_596 : i32 to index
          %parallel_loop3A_608 = arith.constant 16 : index
          %parallel_loop3A_609 = tpu.vector_load %arg11[%parallel_loop3A_607, %parallel_loop3A_608] {strides = array<i32>} : memref<128x128xf32, #tpu.memory_space<vmem>>, vector<1x16xf32>,
          %parallel_loop3A_610 = vector.shape_cast %parallel_loop3A_609 : vector<1x16xf32> to vector<16xf32>
          %parallel_loop3A_611 = arith.mulf %parallel_loop3A_610, %parallel_loop3A_211 : vector<16xf32>
          %parallel_loop3A_612 = arith.index_cast %parallel_loop3A_596 : i32 to index
          %parallel_loop3A_613 = arith.constant 16 : index
          %parallel_loop3A_614 = tpu.vector_load %arg11[%parallel_loop3A_612, %parallel_loop3A_613] {strides = array<i32>} : memref<128x128xf32, #tpu.memory_space<vmem>>, vector<1x16xf32>,
          %parallel_loop3A_615 = vector.shape_cast %parallel_loop3A_614 : vector<1x16xf32> to vector<16xf32>
          %parallel_loop3A_616 = vector.shape_cast %parallel_loop3A_611 : vector<16xf32> to vector<1x16xf32>
          tpu.vector_store %arg11[%parallel_loop3A_612, %parallel_loop3A_613], %parallel_loop3A_616 {strides = array<i32>} : memref<128x128xf32, #tpu.memory_space<vmem>>, vector<1x16xf32>,
          %parallel_loop3A_617 = arith.index_cast %parallel_loop3A_596 : i32 to index
          %parallel_loop3A_618 = arith.constant 32 : index
          %parallel_loop3A_619 = tpu.vector_load %arg11[%parallel_loop3A_617, %parallel_loop3A_618] {strides = array<i32>} : memref<128x128xf32, #tpu.memory_space<vmem>>, vector<1x16xf32>,
          %parallel_loop3A_620 = vector.shape_cast %parallel_loop3A_619 : vector<1x16xf32> to vector<16xf32>
          %parallel_loop3A_621 = arith.mulf %parallel_loop3A_620, %parallel_loop3A_211 : vector<16xf32>
          %parallel_loop3A_622 = arith.index_cast %parallel_loop3A_596 : i32 to index
          %parallel_loop3A_623 = arith.constant 32 : index
          %parallel_loop3A_624 = tpu.vector_load %arg11[%parallel_loop3A_622, %parallel_loop3A_623] {strides = array<i32>} : memref<128x128xf32, #tpu.memory_space<vmem>>, vector<1x16xf32>,
          %parallel_loop3A_625 = vector.shape_cast %parallel_loop3A_624 : vector<1x16xf32> to vector<16xf32>
          %parallel_loop3A_626 = vector.shape_cast %parallel_loop3A_621 : vector<16xf32> to vector<1x16xf32>
          tpu.vector_store %arg11[%parallel_loop3A_622, %parallel_loop3A_623], %parallel_loop3A_626 {strides = array<i32>} : memref<128x128xf32, #tpu.memory_space<vmem>>, vector<1x16xf32>,
          %parallel_loop3A_627 = arith.index_cast %parallel_loop3A_596 : i32 to index
          %parallel_loop3A_628 = arith.constant 48 : index
          %parallel_loop3A_629 = tpu.vector_load %arg11[%parallel_loop3A_627, %parallel_loop3A_628] {strides = array<i32>} : memref<128x128xf32, #tpu.memory_space<vmem>>, vector<1x16xf32>,
          %parallel_loop3A_630 = vector.shape_cast %parallel_loop3A_629 : vector<1x16xf32> to vector<16xf32>
          %parallel_loop3A_631 = arith.mulf %parallel_loop3A_630, %parallel_loop3A_211 : vector<16xf32>
          %parallel_loop3A_632 = arith.index_cast %parallel_loop3A_596 : i32 to index
          %parallel_loop3A_633 = arith.constant 48 : index
          %parallel_loop3A_634 = tpu.vector_load %arg11[%parallel_loop3A_632, %parallel_loop3A_633] {strides = array<i32>} : memref<128x128xf32, #tpu.memory_space<vmem>>, vector<1x16xf32>,
          %parallel_loop3A_635 = vector.shape_cast %parallel_loop3A_634 : vector<1x16xf32> to vector<16xf32>
          %parallel_loop3A_636 = vector.shape_cast %parallel_loop3A_631 : vector<16xf32> to vector<1x16xf32>
          tpu.vector_store %arg11[%parallel_loop3A_632, %parallel_loop3A_633], %parallel_loop3A_636 {strides = array<i32>} : memref<128x128xf32, #tpu.memory_space<vmem>>, vector<1x16xf32>,
          %parallel_loop3A_637 = arith.index_cast %parallel_loop3A_596 : i32 to index
          %parallel_loop3A_638 = arith.constant 64 : index
          %parallel_loop3A_639 = tpu.vector_load %arg11[%parallel_loop3A_637, %parallel_loop3A_638] {strides = array<i32>} : memref<128x128xf32, #tpu.memory_space<vmem>>, vector<1x16xf32>,
          %parallel_loop3A_640 = vector.shape_cast %parallel_loop3A_639 : vector<1x16xf32> to vector<16xf32>
          %parallel_loop3A_641 = arith.mulf %parallel_loop3A_640, %parallel_loop3A_211 : vector<16xf32>
          %parallel_loop3A_642 = arith.index_cast %parallel_loop3A_596 : i32 to index
          %parallel_loop3A_643 = arith.constant 64 : index
          %parallel_loop3A_644 = tpu.vector_load %arg11[%parallel_loop3A_642, %parallel_loop3A_643] {strides = array<i32>} : memref<128x128xf32, #tpu.memory_space<vmem>>, vector<1x16xf32>,
          %parallel_loop3A_645 = vector.shape_cast %parallel_loop3A_644 : vector<1x16xf32> to vector<16xf32>
          %parallel_loop3A_646 = vector.shape_cast %parallel_loop3A_641 : vector<16xf32> to vector<1x16xf32>
          tpu.vector_store %arg11[%parallel_loop3A_642, %parallel_loop3A_643], %parallel_loop3A_646 {strides = array<i32>} : memref<128x128xf32, #tpu.memory_space<vmem>>, vector<1x16xf32>,
          %parallel_loop3A_647 = arith.index_cast %parallel_loop3A_596 : i32 to index
          %parallel_loop3A_648 = arith.constant 80 : index
          %parallel_loop3A_649 = tpu.vector_load %arg11[%parallel_loop3A_647, %parallel_loop3A_648] {strides = array<i32>} : memref<128x128xf32, #tpu.memory_space<vmem>>, vector<1x16xf32>,
          %parallel_loop3A_650 = vector.shape_cast %parallel_loop3A_649 : vector<1x16xf32> to vector<16xf32>
          %parallel_loop3A_651 = arith.mulf %parallel_loop3A_650, %parallel_loop3A_211 : vector<16xf32>
          %parallel_loop3A_652 = arith.index_cast %parallel_loop3A_596 : i32 to index
          %parallel_loop3A_653 = arith.constant 80 : index
          %parallel_loop3A_654 = tpu.vector_load %arg11[%parallel_loop3A_652, %parallel_loop3A_653] {strides = array<i32>} : memref<128x128xf32, #tpu.memory_space<vmem>>, vector<1x16xf32>,
          %parallel_loop3A_655 = vector.shape_cast %parallel_loop3A_654 : vector<1x16xf32> to vector<16xf32>
          %parallel_loop3A_656 = vector.shape_cast %parallel_loop3A_651 : vector<16xf32> to vector<1x16xf32>
          tpu.vector_store %arg11[%parallel_loop3A_652, %parallel_loop3A_653], %parallel_loop3A_656 {strides = array<i32>} : memref<128x128xf32, #tpu.memory_space<vmem>>, vector<1x16xf32>,
          %parallel_loop3A_657 = arith.index_cast %parallel_loop3A_596 : i32 to index
          %parallel_loop3A_658 = arith.constant 96 : index
          %parallel_loop3A_659 = tpu.vector_load %arg11[%parallel_loop3A_657, %parallel_loop3A_658] {strides = array<i32>} : memref<128x128xf32, #tpu.memory_space<vmem>>, vector<1x16xf32>,
          %parallel_loop3A_660 = vector.shape_cast %parallel_loop3A_659 : vector<1x16xf32> to vector<16xf32>
          %parallel_loop3A_661 = arith.mulf %parallel_loop3A_660, %parallel_loop3A_211 : vector<16xf32>
          %parallel_loop3A_662 = arith.index_cast %parallel_loop3A_596 : i32 to index
          %parallel_loop3A_663 = arith.constant 96 : index
          %parallel_loop3A_664 = tpu.vector_load %arg11[%parallel_loop3A_662, %parallel_loop3A_663] {strides = array<i32>} : memref<128x128xf32, #tpu.memory_space<vmem>>, vector<1x16xf32>,
          %parallel_loop3A_665 = vector.shape_cast %parallel_loop3A_664 : vector<1x16xf32> to vector<16xf32>
          %parallel_loop3A_666 = vector.shape_cast %parallel_loop3A_661 : vector<16xf32> to vector<1x16xf32>
          tpu.vector_store %arg11[%parallel_loop3A_662, %parallel_loop3A_663], %parallel_loop3A_666 {strides = array<i32>} : memref<128x128xf32, #tpu.memory_space<vmem>>, vector<1x16xf32>,
          %parallel_loop3A_667 = arith.index_cast %parallel_loop3A_596 : i32 to index
          %parallel_loop3A_668 = arith.constant 112 : index
          %parallel_loop3A_669 = tpu.vector_load %arg11[%parallel_loop3A_667, %parallel_loop3A_668] {strides = array<i32>} : memref<128x128xf32, #tpu.memory_space<vmem>>, vector<1x16xf32>,
          %parallel_loop3A_670 = vector.shape_cast %parallel_loop3A_669 : vector<1x16xf32> to vector<16xf32>
          %parallel_loop3A_671 = arith.mulf %parallel_loop3A_670, %parallel_loop3A_211 : vector<16xf32>
          %parallel_loop3A_672 = arith.index_cast %parallel_loop3A_596 : i32 to index
          %parallel_loop3A_673 = arith.constant 112 : index
          %parallel_loop3A_674 = tpu.vector_load %arg11[%parallel_loop3A_672, %parallel_loop3A_673] {strides = array<i32>} : memref<128x128xf32, #tpu.memory_space<vmem>>, vector<1x16xf32>,
          %parallel_loop3A_675 = vector.shape_cast %parallel_loop3A_674 : vector<1x16xf32> to vector<16xf32>
          %parallel_loop3A_676 = vector.shape_cast %parallel_loop3A_671 : vector<16xf32> to vector<1x16xf32>
          tpu.vector_store %arg11[%parallel_loop3A_672, %parallel_loop3A_673], %parallel_loop3A_676 {strides = array<i32>} : memref<128x128xf32, #tpu.memory_space<vmem>>, vector<1x16xf32>,
          %parallel_loop3A_677 = arith.constant 5 : i32
          %parallel_loop3A_678 = arith.addi %parallel_loop3A_182, %parallel_loop3A_677 : i32
          %parallel_loop3A_679 = arith.index_cast %parallel_loop3A_678 : i32 to index
          %parallel_loop3A_680 = arith.constant 0 : index
          %parallel_loop3A_681 = tpu.vector_load %arg11[%parallel_loop3A_679, %parallel_loop3A_680] {strides = array<i32>} : memref<128x128xf32, #tpu.memory_space<vmem>>, vector<1x16xf32>,
          %parallel_loop3A_682 = vector.shape_cast %parallel_loop3A_681 : vector<1x16xf32> to vector<16xf32>
          %parallel_loop3A_683 = arith.mulf %parallel_loop3A_682, %parallel_loop3A_216 : vector<16xf32>
          %parallel_loop3A_684 = arith.index_cast %parallel_loop3A_678 : i32 to index
          %parallel_loop3A_685 = arith.constant 0 : index
          %parallel_loop3A_686 = tpu.vector_load %arg11[%parallel_loop3A_684, %parallel_loop3A_685] {strides = array<i32>} : memref<128x128xf32, #tpu.memory_space<vmem>>, vector<1x16xf32>,
          %parallel_loop3A_687 = vector.shape_cast %parallel_loop3A_686 : vector<1x16xf32> to vector<16xf32>
          %parallel_loop3A_688 = vector.shape_cast %parallel_loop3A_683 : vector<16xf32> to vector<1x16xf32>
          tpu.vector_store %arg11[%parallel_loop3A_684, %parallel_loop3A_685], %parallel_loop3A_688 {strides = array<i32>} : memref<128x128xf32, #tpu.memory_space<vmem>>, vector<1x16xf32>,
          %parallel_loop3A_689 = arith.index_cast %parallel_loop3A_678 : i32 to index
          %parallel_loop3A_690 = arith.constant 16 : index
          %parallel_loop3A_691 = tpu.vector_load %arg11[%parallel_loop3A_689, %parallel_loop3A_690] {strides = array<i32>} : memref<128x128xf32, #tpu.memory_space<vmem>>, vector<1x16xf32>,
          %parallel_loop3A_692 = vector.shape_cast %parallel_loop3A_691 : vector<1x16xf32> to vector<16xf32>
          %parallel_loop3A_693 = arith.mulf %parallel_loop3A_692, %parallel_loop3A_216 : vector<16xf32>
          %parallel_loop3A_694 = arith.index_cast %parallel_loop3A_678 : i32 to index
          %parallel_loop3A_695 = arith.constant 16 : index
          %parallel_loop3A_696 = tpu.vector_load %arg11[%parallel_loop3A_694, %parallel_loop3A_695] {strides = array<i32>} : memref<128x128xf32, #tpu.memory_space<vmem>>, vector<1x16xf32>,
          %parallel_loop3A_697 = vector.shape_cast %parallel_loop3A_696 : vector<1x16xf32> to vector<16xf32>
          %parallel_loop3A_698 = vector.shape_cast %parallel_loop3A_693 : vector<16xf32> to vector<1x16xf32>
          tpu.vector_store %arg11[%parallel_loop3A_694, %parallel_loop3A_695], %parallel_loop3A_698 {strides = array<i32>} : memref<128x128xf32, #tpu.memory_space<vmem>>, vector<1x16xf32>,
          %parallel_loop3A_699 = arith.index_cast %parallel_loop3A_678 : i32 to index
          %parallel_loop3A_700 = arith.constant 32 : index
          %parallel_loop3A_701 = tpu.vector_load %arg11[%parallel_loop3A_699, %parallel_loop3A_700] {strides = array<i32>} : memref<128x128xf32, #tpu.memory_space<vmem>>, vector<1x16xf32>,
          %parallel_loop3A_702 = vector.shape_cast %parallel_loop3A_701 : vector<1x16xf32> to vector<16xf32>
          %parallel_loop3A_703 = arith.mulf %parallel_loop3A_702, %parallel_loop3A_216 : vector<16xf32>
          %parallel_loop3A_704 = arith.index_cast %parallel_loop3A_678 : i32 to index
          %parallel_loop3A_705 = arith.constant 32 : index
          %parallel_loop3A_706 = tpu.vector_load %arg11[%parallel_loop3A_704, %parallel_loop3A_705] {strides = array<i32>} : memref<128x128xf32, #tpu.memory_space<vmem>>, vector<1x16xf32>,
          %parallel_loop3A_707 = vector.shape_cast %parallel_loop3A_706 : vector<1x16xf32> to vector<16xf32>
          %parallel_loop3A_708 = vector.shape_cast %parallel_loop3A_703 : vector<16xf32> to vector<1x16xf32>
          tpu.vector_store %arg11[%parallel_loop3A_704, %parallel_loop3A_705], %parallel_loop3A_708 {strides = array<i32>} : memref<128x128xf32, #tpu.memory_space<vmem>>, vector<1x16xf32>,
          %parallel_loop3A_709 = arith.index_cast %parallel_loop3A_678 : i32 to index
          %parallel_loop3A_710 = arith.constant 48 : index
          %parallel_loop3A_711 = tpu.vector_load %arg11[%parallel_loop3A_709, %parallel_loop3A_710] {strides = array<i32>} : memref<128x128xf32, #tpu.memory_space<vmem>>, vector<1x16xf32>,
          %parallel_loop3A_712 = vector.shape_cast %parallel_loop3A_711 : vector<1x16xf32> to vector<16xf32>
          %parallel_loop3A_713 = arith.mulf %parallel_loop3A_712, %parallel_loop3A_216 : vector<16xf32>
          %parallel_loop3A_714 = arith.index_cast %parallel_loop3A_678 : i32 to index
          %parallel_loop3A_715 = arith.constant 48 : index
          %parallel_loop3A_716 = tpu.vector_load %arg11[%parallel_loop3A_714, %parallel_loop3A_715] {strides = array<i32>} : memref<128x128xf32, #tpu.memory_space<vmem>>, vector<1x16xf32>,
          %parallel_loop3A_717 = vector.shape_cast %parallel_loop3A_716 : vector<1x16xf32> to vector<16xf32>
          %parallel_loop3A_718 = vector.shape_cast %parallel_loop3A_713 : vector<16xf32> to vector<1x16xf32>
          tpu.vector_store %arg11[%parallel_loop3A_714, %parallel_loop3A_715], %parallel_loop3A_718 {strides = array<i32>} : memref<128x128xf32, #tpu.memory_space<vmem>>, vector<1x16xf32>,
          %parallel_loop3A_719 = arith.index_cast %parallel_loop3A_678 : i32 to index
          %parallel_loop3A_720 = arith.constant 64 : index
          %parallel_loop3A_721 = tpu.vector_load %arg11[%parallel_loop3A_719, %parallel_loop3A_720] {strides = array<i32>} : memref<128x128xf32, #tpu.memory_space<vmem>>, vector<1x16xf32>,
          %parallel_loop3A_722 = vector.shape_cast %parallel_loop3A_721 : vector<1x16xf32> to vector<16xf32>
          %parallel_loop3A_723 = arith.mulf %parallel_loop3A_722, %parallel_loop3A_216 : vector<16xf32>
          %parallel_loop3A_724 = arith.index_cast %parallel_loop3A_678 : i32 to index
          %parallel_loop3A_725 = arith.constant 64 : index
          %parallel_loop3A_726 = tpu.vector_load %arg11[%parallel_loop3A_724, %parallel_loop3A_725] {strides = array<i32>} : memref<128x128xf32, #tpu.memory_space<vmem>>, vector<1x16xf32>,
          %parallel_loop3A_727 = vector.shape_cast %parallel_loop3A_726 : vector<1x16xf32> to vector<16xf32>
          %parallel_loop3A_728 = vector.shape_cast %parallel_loop3A_723 : vector<16xf32> to vector<1x16xf32>
          tpu.vector_store %arg11[%parallel_loop3A_724, %parallel_loop3A_725], %parallel_loop3A_728 {strides = array<i32>} : memref<128x128xf32, #tpu.memory_space<vmem>>, vector<1x16xf32>,
          %parallel_loop3A_729 = arith.index_cast %parallel_loop3A_678 : i32 to index
          %parallel_loop3A_730 = arith.constant 80 : index
          %parallel_loop3A_731 = tpu.vector_load %arg11[%parallel_loop3A_729, %parallel_loop3A_730] {strides = array<i32>} : memref<128x128xf32, #tpu.memory_space<vmem>>, vector<1x16xf32>,
          %parallel_loop3A_732 = vector.shape_cast %parallel_loop3A_731 : vector<1x16xf32> to vector<16xf32>
          %parallel_loop3A_733 = arith.mulf %parallel_loop3A_732, %parallel_loop3A_216 : vector<16xf32>
          %parallel_loop3A_734 = arith.index_cast %parallel_loop3A_678 : i32 to index
          %parallel_loop3A_735 = arith.constant 80 : index
          %parallel_loop3A_736 = tpu.vector_load %arg11[%parallel_loop3A_734, %parallel_loop3A_735] {strides = array<i32>} : memref<128x128xf32, #tpu.memory_space<vmem>>, vector<1x16xf32>,
          %parallel_loop3A_737 = vector.shape_cast %parallel_loop3A_736 : vector<1x16xf32> to vector<16xf32>
          %parallel_loop3A_738 = vector.shape_cast %parallel_loop3A_733 : vector<16xf32> to vector<1x16xf32>
          tpu.vector_store %arg11[%parallel_loop3A_734, %parallel_loop3A_735], %parallel_loop3A_738 {strides = array<i32>} : memref<128x128xf32, #tpu.memory_space<vmem>>, vector<1x16xf32>,
          %parallel_loop3A_739 = arith.index_cast %parallel_loop3A_678 : i32 to index
          %parallel_loop3A_740 = arith.constant 96 : index
          %parallel_loop3A_741 = tpu.vector_load %arg11[%parallel_loop3A_739, %parallel_loop3A_740] {strides = array<i32>} : memref<128x128xf32, #tpu.memory_space<vmem>>, vector<1x16xf32>,
          %parallel_loop3A_742 = vector.shape_cast %parallel_loop3A_741 : vector<1x16xf32> to vector<16xf32>
          %parallel_loop3A_743 = arith.mulf %parallel_loop3A_742, %parallel_loop3A_216 : vector<16xf32>
          %parallel_loop3A_744 = arith.index_cast %parallel_loop3A_678 : i32 to index
          %parallel_loop3A_745 = arith.constant 96 : index
          %parallel_loop3A_746 = tpu.vector_load %arg11[%parallel_loop3A_744, %parallel_loop3A_745] {strides = array<i32>} : memref<128x128xf32, #tpu.memory_space<vmem>>, vector<1x16xf32>,
          %parallel_loop3A_747 = vector.shape_cast %parallel_loop3A_746 : vector<1x16xf32> to vector<16xf32>
          %parallel_loop3A_748 = vector.shape_cast %parallel_loop3A_743 : vector<16xf32> to vector<1x16xf32>
          tpu.vector_store %arg11[%parallel_loop3A_744, %parallel_loop3A_745], %parallel_loop3A_748 {strides = array<i32>} : memref<128x128xf32, #tpu.memory_space<vmem>>, vector<1x16xf32>,
          %parallel_loop3A_749 = arith.index_cast %parallel_loop3A_678 : i32 to index
          %parallel_loop3A_750 = arith.constant 112 : index
          %parallel_loop3A_751 = tpu.vector_load %arg11[%parallel_loop3A_749, %parallel_loop3A_750] {strides = array<i32>} : memref<128x128xf32, #tpu.memory_space<vmem>>, vector<1x16xf32>,
          %parallel_loop3A_752 = vector.shape_cast %parallel_loop3A_751 : vector<1x16xf32> to vector<16xf32>
          %parallel_loop3A_753 = arith.mulf %parallel_loop3A_752, %parallel_loop3A_216 : vector<16xf32>
          %parallel_loop3A_754 = arith.index_cast %parallel_loop3A_678 : i32 to index
          %parallel_loop3A_755 = arith.constant 112 : index
          %parallel_loop3A_756 = tpu.vector_load %arg11[%parallel_loop3A_754, %parallel_loop3A_755] {strides = array<i32>} : memref<128x128xf32, #tpu.memory_space<vmem>>, vector<1x16xf32>,
          %parallel_loop3A_757 = vector.shape_cast %parallel_loop3A_756 : vector<1x16xf32> to vector<16xf32>
          %parallel_loop3A_758 = vector.shape_cast %parallel_loop3A_753 : vector<16xf32> to vector<1x16xf32>
          tpu.vector_store %arg11[%parallel_loop3A_754, %parallel_loop3A_755], %parallel_loop3A_758 {strides = array<i32>} : memref<128x128xf32, #tpu.memory_space<vmem>>, vector<1x16xf32>,
          %parallel_loop3A_759 = arith.constant 6 : i32
          %parallel_loop3A_760 = arith.addi %parallel_loop3A_182, %parallel_loop3A_759 : i32
          %parallel_loop3A_761 = arith.index_cast %parallel_loop3A_760 : i32 to index
          %parallel_loop3A_762 = arith.constant 0 : index
          %parallel_loop3A_763 = tpu.vector_load %arg11[%parallel_loop3A_761, %parallel_loop3A_762] {strides = array<i32>} : memref<128x128xf32, #tpu.memory_space<vmem>>, vector<1x16xf32>,
          %parallel_loop3A_764 = vector.shape_cast %parallel_loop3A_763 : vector<1x16xf32> to vector<16xf32>
          %parallel_loop3A_765 = arith.mulf %parallel_loop3A_764, %parallel_loop3A_221 : vector<16xf32>
          %parallel_loop3A_766 = arith.index_cast %parallel_loop3A_760 : i32 to index
          %parallel_loop3A_767 = arith.constant 0 : index
          %parallel_loop3A_768 = tpu.vector_load %arg11[%parallel_loop3A_766, %parallel_loop3A_767] {strides = array<i32>} : memref<128x128xf32, #tpu.memory_space<vmem>>, vector<1x16xf32>,
          %parallel_loop3A_769 = vector.shape_cast %parallel_loop3A_768 : vector<1x16xf32> to vector<16xf32>
          %parallel_loop3A_770 = vector.shape_cast %parallel_loop3A_765 : vector<16xf32> to vector<1x16xf32>
          tpu.vector_store %arg11[%parallel_loop3A_766, %parallel_loop3A_767], %parallel_loop3A_770 {strides = array<i32>} : memref<128x128xf32, #tpu.memory_space<vmem>>, vector<1x16xf32>,
          %parallel_loop3A_771 = arith.index_cast %parallel_loop3A_760 : i32 to index
          %parallel_loop3A_772 = arith.constant 16 : index
          %parallel_loop3A_773 = tpu.vector_load %arg11[%parallel_loop3A_771, %parallel_loop3A_772] {strides = array<i32>} : memref<128x128xf32, #tpu.memory_space<vmem>>, vector<1x16xf32>,
          %parallel_loop3A_774 = vector.shape_cast %parallel_loop3A_773 : vector<1x16xf32> to vector<16xf32>
          %parallel_loop3A_775 = arith.mulf %parallel_loop3A_774, %parallel_loop3A_221 : vector<16xf32>
          %parallel_loop3A_776 = arith.index_cast %parallel_loop3A_760 : i32 to index
          %parallel_loop3A_777 = arith.constant 16 : index
          %parallel_loop3A_778 = tpu.vector_load %arg11[%parallel_loop3A_776, %parallel_loop3A_777] {strides = array<i32>} : memref<128x128xf32, #tpu.memory_space<vmem>>, vector<1x16xf32>,
          %parallel_loop3A_779 = vector.shape_cast %parallel_loop3A_778 : vector<1x16xf32> to vector<16xf32>
          %parallel_loop3A_780 = vector.shape_cast %parallel_loop3A_775 : vector<16xf32> to vector<1x16xf32>
          tpu.vector_store %arg11[%parallel_loop3A_776, %parallel_loop3A_777], %parallel_loop3A_780 {strides = array<i32>} : memref<128x128xf32, #tpu.memory_space<vmem>>, vector<1x16xf32>,
          %parallel_loop3A_781 = arith.index_cast %parallel_loop3A_760 : i32 to index
          %parallel_loop3A_782 = arith.constant 32 : index
          %parallel_loop3A_783 = tpu.vector_load %arg11[%parallel_loop3A_781, %parallel_loop3A_782] {strides = array<i32>} : memref<128x128xf32, #tpu.memory_space<vmem>>, vector<1x16xf32>,
          %parallel_loop3A_784 = vector.shape_cast %parallel_loop3A_783 : vector<1x16xf32> to vector<16xf32>
          %parallel_loop3A_785 = arith.mulf %parallel_loop3A_784, %parallel_loop3A_221 : vector<16xf32>
          %parallel_loop3A_786 = arith.index_cast %parallel_loop3A_760 : i32 to index
          %parallel_loop3A_787 = arith.constant 32 : index
          %parallel_loop3A_788 = tpu.vector_load %arg11[%parallel_loop3A_786, %parallel_loop3A_787] {strides = array<i32>} : memref<128x128xf32, #tpu.memory_space<vmem>>, vector<1x16xf32>,
          %parallel_loop3A_789 = vector.shape_cast %parallel_loop3A_788 : vector<1x16xf32> to vector<16xf32>
          %parallel_loop3A_790 = vector.shape_cast %parallel_loop3A_785 : vector<16xf32> to vector<1x16xf32>
          tpu.vector_store %arg11[%parallel_loop3A_786, %parallel_loop3A_787], %parallel_loop3A_790 {strides = array<i32>} : memref<128x128xf32, #tpu.memory_space<vmem>>, vector<1x16xf32>,
          %parallel_loop3A_791 = arith.index_cast %parallel_loop3A_760 : i32 to index
          %parallel_loop3A_792 = arith.constant 48 : index
          %parallel_loop3A_793 = tpu.vector_load %arg11[%parallel_loop3A_791, %parallel_loop3A_792] {strides = array<i32>} : memref<128x128xf32, #tpu.memory_space<vmem>>, vector<1x16xf32>,
          %parallel_loop3A_794 = vector.shape_cast %parallel_loop3A_793 : vector<1x16xf32> to vector<16xf32>
          %parallel_loop3A_795 = arith.mulf %parallel_loop3A_794, %parallel_loop3A_221 : vector<16xf32>
          %parallel_loop3A_796 = arith.index_cast %parallel_loop3A_760 : i32 to index
          %parallel_loop3A_797 = arith.constant 48 : index
          %parallel_loop3A_798 = tpu.vector_load %arg11[%parallel_loop3A_796, %parallel_loop3A_797] {strides = array<i32>} : memref<128x128xf32, #tpu.memory_space<vmem>>, vector<1x16xf32>,
          %parallel_loop3A_799 = vector.shape_cast %parallel_loop3A_798 : vector<1x16xf32> to vector<16xf32>
          %parallel_loop3A_800 = vector.shape_cast %parallel_loop3A_795 : vector<16xf32> to vector<1x16xf32>
          tpu.vector_store %arg11[%parallel_loop3A_796, %parallel_loop3A_797], %parallel_loop3A_800 {strides = array<i32>} : memref<128x128xf32, #tpu.memory_space<vmem>>, vector<1x16xf32>,
          %parallel_loop3A_801 = arith.index_cast %parallel_loop3A_760 : i32 to index
          %parallel_loop3A_802 = arith.constant 64 : index
          %parallel_loop3A_803 = tpu.vector_load %arg11[%parallel_loop3A_801, %parallel_loop3A_802] {strides = array<i32>} : memref<128x128xf32, #tpu.memory_space<vmem>>, vector<1x16xf32>,
          %parallel_loop3A_804 = vector.shape_cast %parallel_loop3A_803 : vector<1x16xf32> to vector<16xf32>
          %parallel_loop3A_805 = arith.mulf %parallel_loop3A_804, %parallel_loop3A_221 : vector<16xf32>
          %parallel_loop3A_806 = arith.index_cast %parallel_loop3A_760 : i32 to index
          %parallel_loop3A_807 = arith.constant 64 : index
          %parallel_loop3A_808 = tpu.vector_load %arg11[%parallel_loop3A_806, %parallel_loop3A_807] {strides = array<i32>} : memref<128x128xf32, #tpu.memory_space<vmem>>, vector<1x16xf32>,
          %parallel_loop3A_809 = vector.shape_cast %parallel_loop3A_808 : vector<1x16xf32> to vector<16xf32>
          %parallel_loop3A_810 = vector.shape_cast %parallel_loop3A_805 : vector<16xf32> to vector<1x16xf32>
          tpu.vector_store %arg11[%parallel_loop3A_806, %parallel_loop3A_807], %parallel_loop3A_810 {strides = array<i32>} : memref<128x128xf32, #tpu.memory_space<vmem>>, vector<1x16xf32>,
          %parallel_loop3A_811 = arith.index_cast %parallel_loop3A_760 : i32 to index
          %parallel_loop3A_812 = arith.constant 80 : index
          %parallel_loop3A_813 = tpu.vector_load %arg11[%parallel_loop3A_811, %parallel_loop3A_812] {strides = array<i32>} : memref<128x128xf32, #tpu.memory_space<vmem>>, vector<1x16xf32>,
          %parallel_loop3A_814 = vector.shape_cast %parallel_loop3A_813 : vector<1x16xf32> to vector<16xf32>
          %parallel_loop3A_815 = arith.mulf %parallel_loop3A_814, %parallel_loop3A_221 : vector<16xf32>
          %parallel_loop3A_816 = arith.index_cast %parallel_loop3A_760 : i32 to index
          %parallel_loop3A_817 = arith.constant 80 : index
          %parallel_loop3A_818 = tpu.vector_load %arg11[%parallel_loop3A_816, %parallel_loop3A_817] {strides = array<i32>} : memref<128x128xf32, #tpu.memory_space<vmem>>, vector<1x16xf32>,
          %parallel_loop3A_819 = vector.shape_cast %parallel_loop3A_818 : vector<1x16xf32> to vector<16xf32>
          %parallel_loop3A_820 = vector.shape_cast %parallel_loop3A_815 : vector<16xf32> to vector<1x16xf32>
          tpu.vector_store %arg11[%parallel_loop3A_816, %parallel_loop3A_817], %parallel_loop3A_820 {strides = array<i32>} : memref<128x128xf32, #tpu.memory_space<vmem>>, vector<1x16xf32>,
          %parallel_loop3A_821 = arith.index_cast %parallel_loop3A_760 : i32 to index
          %parallel_loop3A_822 = arith.constant 96 : index
          %parallel_loop3A_823 = tpu.vector_load %arg11[%parallel_loop3A_821, %parallel_loop3A_822] {strides = array<i32>} : memref<128x128xf32, #tpu.memory_space<vmem>>, vector<1x16xf32>,
          %parallel_loop3A_824 = vector.shape_cast %parallel_loop3A_823 : vector<1x16xf32> to vector<16xf32>
          %parallel_loop3A_825 = arith.mulf %parallel_loop3A_824, %parallel_loop3A_221 : vector<16xf32>
          %parallel_loop3A_826 = arith.index_cast %parallel_loop3A_760 : i32 to index
          %parallel_loop3A_827 = arith.constant 96 : index
          %parallel_loop3A_828 = tpu.vector_load %arg11[%parallel_loop3A_826, %parallel_loop3A_827] {strides = array<i32>} : memref<128x128xf32, #tpu.memory_space<vmem>>, vector<1x16xf32>,
          %parallel_loop3A_829 = vector.shape_cast %parallel_loop3A_828 : vector<1x16xf32> to vector<16xf32>
          %parallel_loop3A_830 = vector.shape_cast %parallel_loop3A_825 : vector<16xf32> to vector<1x16xf32>
          tpu.vector_store %arg11[%parallel_loop3A_826, %parallel_loop3A_827], %parallel_loop3A_830 {strides = array<i32>} : memref<128x128xf32, #tpu.memory_space<vmem>>, vector<1x16xf32>,
          %parallel_loop3A_831 = arith.index_cast %parallel_loop3A_760 : i32 to index
          %parallel_loop3A_832 = arith.constant 112 : index
          %parallel_loop3A_833 = tpu.vector_load %arg11[%parallel_loop3A_831, %parallel_loop3A_832] {strides = array<i32>} : memref<128x128xf32, #tpu.memory_space<vmem>>, vector<1x16xf32>,
          %parallel_loop3A_834 = vector.shape_cast %parallel_loop3A_833 : vector<1x16xf32> to vector<16xf32>
          %parallel_loop3A_835 = arith.mulf %parallel_loop3A_834, %parallel_loop3A_221 : vector<16xf32>
          %parallel_loop3A_836 = arith.index_cast %parallel_loop3A_760 : i32 to index
          %parallel_loop3A_837 = arith.constant 112 : index
          %parallel_loop3A_838 = tpu.vector_load %arg11[%parallel_loop3A_836, %parallel_loop3A_837] {strides = array<i32>} : memref<128x128xf32, #tpu.memory_space<vmem>>, vector<1x16xf32>,
          %parallel_loop3A_839 = vector.shape_cast %parallel_loop3A_838 : vector<1x16xf32> to vector<16xf32>
          %parallel_loop3A_840 = vector.shape_cast %parallel_loop3A_835 : vector<16xf32> to vector<1x16xf32>
          tpu.vector_store %arg11[%parallel_loop3A_836, %parallel_loop3A_837], %parallel_loop3A_840 {strides = array<i32>} : memref<128x128xf32, #tpu.memory_space<vmem>>, vector<1x16xf32>,
          %parallel_loop3A_841 = arith.constant 7 : i32
          %parallel_loop3A_842 = arith.addi %parallel_loop3A_182, %parallel_loop3A_841 : i32
          %parallel_loop3A_843 = arith.index_cast %parallel_loop3A_842 : i32 to index
          %parallel_loop3A_844 = arith.constant 0 : index
          %parallel_loop3A_845 = tpu.vector_load %arg11[%parallel_loop3A_843, %parallel_loop3A_844] {strides = array<i32>} : memref<128x128xf32, #tpu.memory_space<vmem>>, vector<1x16xf32>,
          %parallel_loop3A_846 = vector.shape_cast %parallel_loop3A_845 : vector<1x16xf32> to vector<16xf32>
          %parallel_loop3A_847 = arith.mulf %parallel_loop3A_846, %parallel_loop3A_226 : vector<16xf32>
          %parallel_loop3A_848 = arith.index_cast %parallel_loop3A_842 : i32 to index
          %parallel_loop3A_849 = arith.constant 0 : index
          %parallel_loop3A_850 = tpu.vector_load %arg11[%parallel_loop3A_848, %parallel_loop3A_849] {strides = array<i32>} : memref<128x128xf32, #tpu.memory_space<vmem>>, vector<1x16xf32>,
          %parallel_loop3A_851 = vector.shape_cast %parallel_loop3A_850 : vector<1x16xf32> to vector<16xf32>
          %parallel_loop3A_852 = vector.shape_cast %parallel_loop3A_847 : vector<16xf32> to vector<1x16xf32>
          tpu.vector_store %arg11[%parallel_loop3A_848, %parallel_loop3A_849], %parallel_loop3A_852 {strides = array<i32>} : memref<128x128xf32, #tpu.memory_space<vmem>>, vector<1x16xf32>,
          %parallel_loop3A_853 = arith.index_cast %parallel_loop3A_842 : i32 to index
          %parallel_loop3A_854 = arith.constant 16 : index
          %parallel_loop3A_855 = tpu.vector_load %arg11[%parallel_loop3A_853, %parallel_loop3A_854] {strides = array<i32>} : memref<128x128xf32, #tpu.memory_space<vmem>>, vector<1x16xf32>,
          %parallel_loop3A_856 = vector.shape_cast %parallel_loop3A_855 : vector<1x16xf32> to vector<16xf32>
          %parallel_loop3A_857 = arith.mulf %parallel_loop3A_856, %parallel_loop3A_226 : vector<16xf32>
          %parallel_loop3A_858 = arith.index_cast %parallel_loop3A_842 : i32 to index
          %parallel_loop3A_859 = arith.constant 16 : index
          %parallel_loop3A_860 = tpu.vector_load %arg11[%parallel_loop3A_858, %parallel_loop3A_859] {strides = array<i32>} : memref<128x128xf32, #tpu.memory_space<vmem>>, vector<1x16xf32>,
          %parallel_loop3A_861 = vector.shape_cast %parallel_loop3A_860 : vector<1x16xf32> to vector<16xf32>
          %parallel_loop3A_862 = vector.shape_cast %parallel_loop3A_857 : vector<16xf32> to vector<1x16xf32>
          tpu.vector_store %arg11[%parallel_loop3A_858, %parallel_loop3A_859], %parallel_loop3A_862 {strides = array<i32>} : memref<128x128xf32, #tpu.memory_space<vmem>>, vector<1x16xf32>,
          %parallel_loop3A_863 = arith.index_cast %parallel_loop3A_842 : i32 to index
          %parallel_loop3A_864 = arith.constant 32 : index
          %parallel_loop3A_865 = tpu.vector_load %arg11[%parallel_loop3A_863, %parallel_loop3A_864] {strides = array<i32>} : memref<128x128xf32, #tpu.memory_space<vmem>>, vector<1x16xf32>,
          %parallel_loop3A_866 = vector.shape_cast %parallel_loop3A_865 : vector<1x16xf32> to vector<16xf32>
          %parallel_loop3A_867 = arith.mulf %parallel_loop3A_866, %parallel_loop3A_226 : vector<16xf32>
          %parallel_loop3A_868 = arith.index_cast %parallel_loop3A_842 : i32 to index
          %parallel_loop3A_869 = arith.constant 32 : index
          %parallel_loop3A_870 = tpu.vector_load %arg11[%parallel_loop3A_868, %parallel_loop3A_869] {strides = array<i32>} : memref<128x128xf32, #tpu.memory_space<vmem>>, vector<1x16xf32>,
          %parallel_loop3A_871 = vector.shape_cast %parallel_loop3A_870 : vector<1x16xf32> to vector<16xf32>
          %parallel_loop3A_872 = vector.shape_cast %parallel_loop3A_867 : vector<16xf32> to vector<1x16xf32>
          tpu.vector_store %arg11[%parallel_loop3A_868, %parallel_loop3A_869], %parallel_loop3A_872 {strides = array<i32>} : memref<128x128xf32, #tpu.memory_space<vmem>>, vector<1x16xf32>,
          %parallel_loop3A_873 = arith.index_cast %parallel_loop3A_842 : i32 to index
          %parallel_loop3A_874 = arith.constant 48 : index
          %parallel_loop3A_875 = tpu.vector_load %arg11[%parallel_loop3A_873, %parallel_loop3A_874] {strides = array<i32>} : memref<128x128xf32, #tpu.memory_space<vmem>>, vector<1x16xf32>,
          %parallel_loop3A_876 = vector.shape_cast %parallel_loop3A_875 : vector<1x16xf32> to vector<16xf32>
          %parallel_loop3A_877 = arith.mulf %parallel_loop3A_876, %parallel_loop3A_226 : vector<16xf32>
          %parallel_loop3A_878 = arith.index_cast %parallel_loop3A_842 : i32 to index
          %parallel_loop3A_879 = arith.constant 48 : index
          %parallel_loop3A_880 = tpu.vector_load %arg11[%parallel_loop3A_878, %parallel_loop3A_879] {strides = array<i32>} : memref<128x128xf32, #tpu.memory_space<vmem>>, vector<1x16xf32>,
          %parallel_loop3A_881 = vector.shape_cast %parallel_loop3A_880 : vector<1x16xf32> to vector<16xf32>
          %parallel_loop3A_882 = vector.shape_cast %parallel_loop3A_877 : vector<16xf32> to vector<1x16xf32>
          tpu.vector_store %arg11[%parallel_loop3A_878, %parallel_loop3A_879], %parallel_loop3A_882 {strides = array<i32>} : memref<128x128xf32, #tpu.memory_space<vmem>>, vector<1x16xf32>,
          %parallel_loop3A_883 = arith.index_cast %parallel_loop3A_842 : i32 to index
          %parallel_loop3A_884 = arith.constant 64 : index
          %parallel_loop3A_885 = tpu.vector_load %arg11[%parallel_loop3A_883, %parallel_loop3A_884] {strides = array<i32>} : memref<128x128xf32, #tpu.memory_space<vmem>>, vector<1x16xf32>,
          %parallel_loop3A_886 = vector.shape_cast %parallel_loop3A_885 : vector<1x16xf32> to vector<16xf32>
          %parallel_loop3A_887 = arith.mulf %parallel_loop3A_886, %parallel_loop3A_226 : vector<16xf32>
          %parallel_loop3A_888 = arith.index_cast %parallel_loop3A_842 : i32 to index
          %parallel_loop3A_889 = arith.constant 64 : index
          %parallel_loop3A_890 = tpu.vector_load %arg11[%parallel_loop3A_888, %parallel_loop3A_889] {strides = array<i32>} : memref<128x128xf32, #tpu.memory_space<vmem>>, vector<1x16xf32>,
          %parallel_loop3A_891 = vector.shape_cast %parallel_loop3A_890 : vector<1x16xf32> to vector<16xf32>
          %parallel_loop3A_892 = vector.shape_cast %parallel_loop3A_887 : vector<16xf32> to vector<1x16xf32>
          tpu.vector_store %arg11[%parallel_loop3A_888, %parallel_loop3A_889], %parallel_loop3A_892 {strides = array<i32>} : memref<128x128xf32, #tpu.memory_space<vmem>>, vector<1x16xf32>,
          %parallel_loop3A_893 = arith.index_cast %parallel_loop3A_842 : i32 to index
          %parallel_loop3A_894 = arith.constant 80 : index
          %parallel_loop3A_895 = tpu.vector_load %arg11[%parallel_loop3A_893, %parallel_loop3A_894] {strides = array<i32>} : memref<128x128xf32, #tpu.memory_space<vmem>>, vector<1x16xf32>,
          %parallel_loop3A_896 = vector.shape_cast %parallel_loop3A_895 : vector<1x16xf32> to vector<16xf32>
          %parallel_loop3A_897 = arith.mulf %parallel_loop3A_896, %parallel_loop3A_226 : vector<16xf32>
          %parallel_loop3A_898 = arith.index_cast %parallel_loop3A_842 : i32 to index
          %parallel_loop3A_899 = arith.constant 80 : index
          %parallel_loop3A_900 = tpu.vector_load %arg11[%parallel_loop3A_898, %parallel_loop3A_899] {strides = array<i32>} : memref<128x128xf32, #tpu.memory_space<vmem>>, vector<1x16xf32>,
          %parallel_loop3A_901 = vector.shape_cast %parallel_loop3A_900 : vector<1x16xf32> to vector<16xf32>
          %parallel_loop3A_902 = vector.shape_cast %parallel_loop3A_897 : vector<16xf32> to vector<1x16xf32>
          tpu.vector_store %arg11[%parallel_loop3A_898, %parallel_loop3A_899], %parallel_loop3A_902 {strides = array<i32>} : memref<128x128xf32, #tpu.memory_space<vmem>>, vector<1x16xf32>,
          %parallel_loop3A_903 = arith.index_cast %parallel_loop3A_842 : i32 to index
          %parallel_loop3A_904 = arith.constant 96 : index
          %parallel_loop3A_905 = tpu.vector_load %arg11[%parallel_loop3A_903, %parallel_loop3A_904] {strides = array<i32>} : memref<128x128xf32, #tpu.memory_space<vmem>>, vector<1x16xf32>,
          %parallel_loop3A_906 = vector.shape_cast %parallel_loop3A_905 : vector<1x16xf32> to vector<16xf32>
          %parallel_loop3A_907 = arith.mulf %parallel_loop3A_906, %parallel_loop3A_226 : vector<16xf32>
          %parallel_loop3A_908 = arith.index_cast %parallel_loop3A_842 : i32 to index
          %parallel_loop3A_909 = arith.constant 96 : index
          %parallel_loop3A_910 = tpu.vector_load %arg11[%parallel_loop3A_908, %parallel_loop3A_909] {strides = array<i32>} : memref<128x128xf32, #tpu.memory_space<vmem>>, vector<1x16xf32>,
          %parallel_loop3A_911 = vector.shape_cast %parallel_loop3A_910 : vector<1x16xf32> to vector<16xf32>
          %parallel_loop3A_912 = vector.shape_cast %parallel_loop3A_907 : vector<16xf32> to vector<1x16xf32>
          tpu.vector_store %arg11[%parallel_loop3A_908, %parallel_loop3A_909], %parallel_loop3A_912 {strides = array<i32>} : memref<128x128xf32, #tpu.memory_space<vmem>>, vector<1x16xf32>,
          %parallel_loop3A_913 = arith.index_cast %parallel_loop3A_842 : i32 to index
          %parallel_loop3A_914 = arith.constant 112 : index
          %parallel_loop3A_915 = tpu.vector_load %arg11[%parallel_loop3A_913, %parallel_loop3A_914] {strides = array<i32>} : memref<128x128xf32, #tpu.memory_space<vmem>>, vector<1x16xf32>,
          %parallel_loop3A_916 = vector.shape_cast %parallel_loop3A_915 : vector<1x16xf32> to vector<16xf32>
          %parallel_loop3A_917 = arith.mulf %parallel_loop3A_916, %parallel_loop3A_226 : vector<16xf32>
          %parallel_loop3A_918 = arith.index_cast %parallel_loop3A_842 : i32 to index
          %parallel_loop3A_919 = arith.constant 112 : index
          %parallel_loop3A_920 = tpu.vector_load %arg11[%parallel_loop3A_918, %parallel_loop3A_919] {strides = array<i32>} : memref<128x128xf32, #tpu.memory_space<vmem>>, vector<1x16xf32>,
          %parallel_loop3A_921 = vector.shape_cast %parallel_loop3A_920 : vector<1x16xf32> to vector<16xf32>
          %parallel_loop3A_922 = vector.shape_cast %parallel_loop3A_917 : vector<16xf32> to vector<1x16xf32>
          tpu.vector_store %arg11[%parallel_loop3A_918, %parallel_loop3A_919], %parallel_loop3A_922 {strides = array<i32>} : memref<128x128xf32, #tpu.memory_space<vmem>>, vector<1x16xf32>,
          %parallel_loop3A_923 = arith.constant 8 : i32
          %parallel_loop3A_924 = arith.addi %parallel_loop3A_182, %parallel_loop3A_923 : i32
          %parallel_loop3A_925 = arith.index_cast %parallel_loop3A_924 : i32 to index
          %parallel_loop3A_926 = arith.constant 0 : index
          %parallel_loop3A_927 = tpu.vector_load %arg11[%parallel_loop3A_925, %parallel_loop3A_926] {strides = array<i32>} : memref<128x128xf32, #tpu.memory_space<vmem>>, vector<1x16xf32>,
          %parallel_loop3A_928 = vector.shape_cast %parallel_loop3A_927 : vector<1x16xf32> to vector<16xf32>
          %parallel_loop3A_929 = arith.mulf %parallel_loop3A_928, %parallel_loop3A_231 : vector<16xf32>
          %parallel_loop3A_930 = arith.index_cast %parallel_loop3A_924 : i32 to index
          %parallel_loop3A_931 = arith.constant 0 : index
          %parallel_loop3A_932 = tpu.vector_load %arg11[%parallel_loop3A_930, %parallel_loop3A_931] {strides = array<i32>} : memref<128x128xf32, #tpu.memory_space<vmem>>, vector<1x16xf32>,
          %parallel_loop3A_933 = vector.shape_cast %parallel_loop3A_932 : vector<1x16xf32> to vector<16xf32>
          %parallel_loop3A_934 = vector.shape_cast %parallel_loop3A_929 : vector<16xf32> to vector<1x16xf32>
          tpu.vector_store %arg11[%parallel_loop3A_930, %parallel_loop3A_931], %parallel_loop3A_934 {strides = array<i32>} : memref<128x128xf32, #tpu.memory_space<vmem>>, vector<1x16xf32>,
          %parallel_loop3A_935 = arith.index_cast %parallel_loop3A_924 : i32 to index
          %parallel_loop3A_936 = arith.constant 16 : index
          %parallel_loop3A_937 = tpu.vector_load %arg11[%parallel_loop3A_935, %parallel_loop3A_936] {strides = array<i32>} : memref<128x128xf32, #tpu.memory_space<vmem>>, vector<1x16xf32>,
          %parallel_loop3A_938 = vector.shape_cast %parallel_loop3A_937 : vector<1x16xf32> to vector<16xf32>
          %parallel_loop3A_939 = arith.mulf %parallel_loop3A_938, %parallel_loop3A_231 : vector<16xf32>
          %parallel_loop3A_940 = arith.index_cast %parallel_loop3A_924 : i32 to index
          %parallel_loop3A_941 = arith.constant 16 : index
          %parallel_loop3A_942 = tpu.vector_load %arg11[%parallel_loop3A_940, %parallel_loop3A_941] {strides = array<i32>} : memref<128x128xf32, #tpu.memory_space<vmem>>, vector<1x16xf32>,
          %parallel_loop3A_943 = vector.shape_cast %parallel_loop3A_942 : vector<1x16xf32> to vector<16xf32>
          %parallel_loop3A_944 = vector.shape_cast %parallel_loop3A_939 : vector<16xf32> to vector<1x16xf32>
          tpu.vector_store %arg11[%parallel_loop3A_940, %parallel_loop3A_941], %parallel_loop3A_944 {strides = array<i32>} : memref<128x128xf32, #tpu.memory_space<vmem>>, vector<1x16xf32>,
          %parallel_loop3A_945 = arith.index_cast %parallel_loop3A_924 : i32 to index
          %parallel_loop3A_946 = arith.constant 32 : index
          %parallel_loop3A_947 = tpu.vector_load %arg11[%parallel_loop3A_945, %parallel_loop3A_946] {strides = array<i32>} : memref<128x128xf32, #tpu.memory_space<vmem>>, vector<1x16xf32>,
          %parallel_loop3A_948 = vector.shape_cast %parallel_loop3A_947 : vector<1x16xf32> to vector<16xf32>
          %parallel_loop3A_949 = arith.mulf %parallel_loop3A_948, %parallel_loop3A_231 : vector<16xf32>
          %parallel_loop3A_950 = arith.index_cast %parallel_loop3A_924 : i32 to index
          %parallel_loop3A_951 = arith.constant 32 : index
          %parallel_loop3A_952 = tpu.vector_load %arg11[%parallel_loop3A_950, %parallel_loop3A_951] {strides = array<i32>} : memref<128x128xf32, #tpu.memory_space<vmem>>, vector<1x16xf32>,
          %parallel_loop3A_953 = vector.shape_cast %parallel_loop3A_952 : vector<1x16xf32> to vector<16xf32>
          %parallel_loop3A_954 = vector.shape_cast %parallel_loop3A_949 : vector<16xf32> to vector<1x16xf32>
          tpu.vector_store %arg11[%parallel_loop3A_950, %parallel_loop3A_951], %parallel_loop3A_954 {strides = array<i32>} : memref<128x128xf32, #tpu.memory_space<vmem>>, vector<1x16xf32>,
          %parallel_loop3A_955 = arith.index_cast %parallel_loop3A_924 : i32 to index
          %parallel_loop3A_956 = arith.constant 48 : index
          %parallel_loop3A_957 = tpu.vector_load %arg11[%parallel_loop3A_955, %parallel_loop3A_956] {strides = array<i32>} : memref<128x128xf32, #tpu.memory_space<vmem>>, vector<1x16xf32>,
          %parallel_loop3A_958 = vector.shape_cast %parallel_loop3A_957 : vector<1x16xf32> to vector<16xf32>
          %parallel_loop3A_959 = arith.mulf %parallel_loop3A_958, %parallel_loop3A_231 : vector<16xf32>
          %parallel_loop3A_960 = arith.index_cast %parallel_loop3A_924 : i32 to index
          %parallel_loop3A_961 = arith.constant 48 : index
          %parallel_loop3A_962 = tpu.vector_load %arg11[%parallel_loop3A_960, %parallel_loop3A_961] {strides = array<i32>} : memref<128x128xf32, #tpu.memory_space<vmem>>, vector<1x16xf32>,
          %parallel_loop3A_963 = vector.shape_cast %parallel_loop3A_962 : vector<1x16xf32> to vector<16xf32>
          %parallel_loop3A_964 = vector.shape_cast %parallel_loop3A_959 : vector<16xf32> to vector<1x16xf32>
          tpu.vector_store %arg11[%parallel_loop3A_960, %parallel_loop3A_961], %parallel_loop3A_964 {strides = array<i32>} : memref<128x128xf32, #tpu.memory_space<vmem>>, vector<1x16xf32>,
          %parallel_loop3A_965 = arith.index_cast %parallel_loop3A_924 : i32 to index
          %parallel_loop3A_966 = arith.constant 64 : index
          %parallel_loop3A_967 = tpu.vector_load %arg11[%parallel_loop3A_965, %parallel_loop3A_966] {strides = array<i32>} : memref<128x128xf32, #tpu.memory_space<vmem>>, vector<1x16xf32>,
          %parallel_loop3A_968 = vector.shape_cast %parallel_loop3A_967 : vector<1x16xf32> to vector<16xf32>
          %parallel_loop3A_969 = arith.mulf %parallel_loop3A_968, %parallel_loop3A_231 : vector<16xf32>
          %parallel_loop3A_970 = arith.index_cast %parallel_loop3A_924 : i32 to index
          %parallel_loop3A_971 = arith.constant 64 : index
          %parallel_loop3A_972 = tpu.vector_load %arg11[%parallel_loop3A_970, %parallel_loop3A_971] {strides = array<i32>} : memref<128x128xf32, #tpu.memory_space<vmem>>, vector<1x16xf32>,
          %parallel_loop3A_973 = vector.shape_cast %parallel_loop3A_972 : vector<1x16xf32> to vector<16xf32>
          %parallel_loop3A_974 = vector.shape_cast %parallel_loop3A_969 : vector<16xf32> to vector<1x16xf32>
          tpu.vector_store %arg11[%parallel_loop3A_970, %parallel_loop3A_971], %parallel_loop3A_974 {strides = array<i32>} : memref<128x128xf32, #tpu.memory_space<vmem>>, vector<1x16xf32>,
          %parallel_loop3A_975 = arith.index_cast %parallel_loop3A_924 : i32 to index
          %parallel_loop3A_976 = arith.constant 80 : index
          %parallel_loop3A_977 = tpu.vector_load %arg11[%parallel_loop3A_975, %parallel_loop3A_976] {strides = array<i32>} : memref<128x128xf32, #tpu.memory_space<vmem>>, vector<1x16xf32>,
          %parallel_loop3A_978 = vector.shape_cast %parallel_loop3A_977 : vector<1x16xf32> to vector<16xf32>
          %parallel_loop3A_979 = arith.mulf %parallel_loop3A_978, %parallel_loop3A_231 : vector<16xf32>
          %parallel_loop3A_980 = arith.index_cast %parallel_loop3A_924 : i32 to index
          %parallel_loop3A_981 = arith.constant 80 : index
          %parallel_loop3A_982 = tpu.vector_load %arg11[%parallel_loop3A_980, %parallel_loop3A_981] {strides = array<i32>} : memref<128x128xf32, #tpu.memory_space<vmem>>, vector<1x16xf32>,
          %parallel_loop3A_983 = vector.shape_cast %parallel_loop3A_982 : vector<1x16xf32> to vector<16xf32>
          %parallel_loop3A_984 = vector.shape_cast %parallel_loop3A_979 : vector<16xf32> to vector<1x16xf32>
          tpu.vector_store %arg11[%parallel_loop3A_980, %parallel_loop3A_981], %parallel_loop3A_984 {strides = array<i32>} : memref<128x128xf32, #tpu.memory_space<vmem>>, vector<1x16xf32>,
          %parallel_loop3A_985 = arith.index_cast %parallel_loop3A_924 : i32 to index
          %parallel_loop3A_986 = arith.constant 96 : index
          %parallel_loop3A_987 = tpu.vector_load %arg11[%parallel_loop3A_985, %parallel_loop3A_986] {strides = array<i32>} : memref<128x128xf32, #tpu.memory_space<vmem>>, vector<1x16xf32>,
          %parallel_loop3A_988 = vector.shape_cast %parallel_loop3A_987 : vector<1x16xf32> to vector<16xf32>
          %parallel_loop3A_989 = arith.mulf %parallel_loop3A_988, %parallel_loop3A_231 : vector<16xf32>
          %parallel_loop3A_990 = arith.index_cast %parallel_loop3A_924 : i32 to index
          %parallel_loop3A_991 = arith.constant 96 : index
          %parallel_loop3A_992 = tpu.vector_load %arg11[%parallel_loop3A_990, %parallel_loop3A_991] {strides = array<i32>} : memref<128x128xf32, #tpu.memory_space<vmem>>, vector<1x16xf32>,
          %parallel_loop3A_993 = vector.shape_cast %parallel_loop3A_992 : vector<1x16xf32> to vector<16xf32>
          %parallel_loop3A_994 = vector.shape_cast %parallel_loop3A_989 : vector<16xf32> to vector<1x16xf32>
          tpu.vector_store %arg11[%parallel_loop3A_990, %parallel_loop3A_991], %parallel_loop3A_994 {strides = array<i32>} : memref<128x128xf32, #tpu.memory_space<vmem>>, vector<1x16xf32>,
          %parallel_loop3A_995 = arith.index_cast %parallel_loop3A_924 : i32 to index
          %parallel_loop3A_996 = arith.constant 112 : index
          %parallel_loop3A_997 = tpu.vector_load %arg11[%parallel_loop3A_995, %parallel_loop3A_996] {strides = array<i32>} : memref<128x128xf32, #tpu.memory_space<vmem>>, vector<1x16xf32>,
          %parallel_loop3A_998 = vector.shape_cast %parallel_loop3A_997 : vector<1x16xf32> to vector<16xf32>
          %parallel_loop3A_999 = arith.mulf %parallel_loop3A_998, %parallel_loop3A_231 : vector<16xf32>
          %parallel_loop3A_1000 = arith.index_cast %parallel_loop3A_924 : i32 to index
          %parallel_loop3A_1001 = arith.constant 112 : index
          %parallel_loop3A_1002 = tpu.vector_load %arg11[%parallel_loop3A_1000, %parallel_loop3A_1001] {strides = array<i32>} : memref<128x128xf32, #tpu.memory_space<vmem>>, vector<1x16xf32>,
          %parallel_loop3A_1003 = vector.shape_cast %parallel_loop3A_1002 : vector<1x16xf32> to vector<16xf32>
          %parallel_loop3A_1004 = vector.shape_cast %parallel_loop3A_999 : vector<16xf32> to vector<1x16xf32>
          tpu.vector_store %arg11[%parallel_loop3A_1000, %parallel_loop3A_1001], %parallel_loop3A_1004 {strides = array<i32>} : memref<128x128xf32, #tpu.memory_space<vmem>>, vector<1x16xf32>,
          %parallel_loop3A_1005 = arith.constant 9 : i32
          %parallel_loop3A_1006 = arith.addi %parallel_loop3A_182, %parallel_loop3A_1005 : i32
          %parallel_loop3A_1007 = arith.index_cast %parallel_loop3A_1006 : i32 to index
          %parallel_loop3A_1008 = arith.constant 0 : index
          %parallel_loop3A_1009 = tpu.vector_load %arg11[%parallel_loop3A_1007, %parallel_loop3A_1008] {strides = array<i32>} : memref<128x128xf32, #tpu.memory_space<vmem>>, vector<1x16xf32>,
          %parallel_loop3A_1010 = vector.shape_cast %parallel_loop3A_1009 : vector<1x16xf32> to vector<16xf32>
          %parallel_loop3A_1011 = arith.mulf %parallel_loop3A_1010, %parallel_loop3A_236 : vector<16xf32>
          %parallel_loop3A_1012 = arith.index_cast %parallel_loop3A_1006 : i32 to index
          %parallel_loop3A_1013 = arith.constant 0 : index
          %parallel_loop3A_1014 = tpu.vector_load %arg11[%parallel_loop3A_1012, %parallel_loop3A_1013] {strides = array<i32>} : memref<128x128xf32, #tpu.memory_space<vmem>>, vector<1x16xf32>,
          %parallel_loop3A_1015 = vector.shape_cast %parallel_loop3A_1014 : vector<1x16xf32> to vector<16xf32>
          %parallel_loop3A_1016 = vector.shape_cast %parallel_loop3A_1011 : vector<16xf32> to vector<1x16xf32>
          tpu.vector_store %arg11[%parallel_loop3A_1012, %parallel_loop3A_1013], %parallel_loop3A_1016 {strides = array<i32>} : memref<128x128xf32, #tpu.memory_space<vmem>>, vector<1x16xf32>,
          %parallel_loop3A_1017 = arith.index_cast %parallel_loop3A_1006 : i32 to index
          %parallel_loop3A_1018 = arith.constant 16 : index
          %parallel_loop3A_1019 = tpu.vector_load %arg11[%parallel_loop3A_1017, %parallel_loop3A_1018] {strides = array<i32>} : memref<128x128xf32, #tpu.memory_space<vmem>>, vector<1x16xf32>,
          %parallel_loop3A_1020 = vector.shape_cast %parallel_loop3A_1019 : vector<1x16xf32> to vector<16xf32>
          %parallel_loop3A_1021 = arith.mulf %parallel_loop3A_1020, %parallel_loop3A_236 : vector<16xf32>
          %parallel_loop3A_1022 = arith.index_cast %parallel_loop3A_1006 : i32 to index
          %parallel_loop3A_1023 = arith.constant 16 : index
          %parallel_loop3A_1024 = tpu.vector_load %arg11[%parallel_loop3A_1022, %parallel_loop3A_1023] {strides = array<i32>} : memref<128x128xf32, #tpu.memory_space<vmem>>, vector<1x16xf32>,
          %parallel_loop3A_1025 = vector.shape_cast %parallel_loop3A_1024 : vector<1x16xf32> to vector<16xf32>
          %parallel_loop3A_1026 = vector.shape_cast %parallel_loop3A_1021 : vector<16xf32> to vector<1x16xf32>
          tpu.vector_store %arg11[%parallel_loop3A_1022, %parallel_loop3A_1023], %parallel_loop3A_1026 {strides = array<i32>} : memref<128x128xf32, #tpu.memory_space<vmem>>, vector<1x16xf32>,
          %parallel_loop3A_1027 = arith.index_cast %parallel_loop3A_1006 : i32 to index
          %parallel_loop3A_1028 = arith.constant 32 : index
          %parallel_loop3A_1029 = tpu.vector_load %arg11[%parallel_loop3A_1027, %parallel_loop3A_1028] {strides = array<i32>} : memref<128x128xf32, #tpu.memory_space<vmem>>, vector<1x16xf32>,
          %parallel_loop3A_1030 = vector.shape_cast %parallel_loop3A_1029 : vector<1x16xf32> to vector<16xf32>
          %parallel_loop3A_1031 = arith.mulf %parallel_loop3A_1030, %parallel_loop3A_236 : vector<16xf32>
          %parallel_loop3A_1032 = arith.index_cast %parallel_loop3A_1006 : i32 to index
          %parallel_loop3A_1033 = arith.constant 32 : index
          %parallel_loop3A_1034 = tpu.vector_load %arg11[%parallel_loop3A_1032, %parallel_loop3A_1033] {strides = array<i32>} : memref<128x128xf32, #tpu.memory_space<vmem>>, vector<1x16xf32>,
          %parallel_loop3A_1035 = vector.shape_cast %parallel_loop3A_1034 : vector<1x16xf32> to vector<16xf32>
          %parallel_loop3A_1036 = vector.shape_cast %parallel_loop3A_1031 : vector<16xf32> to vector<1x16xf32>
          tpu.vector_store %arg11[%parallel_loop3A_1032, %parallel_loop3A_1033], %parallel_loop3A_1036 {strides = array<i32>} : memref<128x128xf32, #tpu.memory_space<vmem>>, vector<1x16xf32>,
          %parallel_loop3A_1037 = arith.index_cast %parallel_loop3A_1006 : i32 to index
          %parallel_loop3A_1038 = arith.constant 48 : index
          %parallel_loop3A_1039 = tpu.vector_load %arg11[%parallel_loop3A_1037, %parallel_loop3A_1038] {strides = array<i32>} : memref<128x128xf32, #tpu.memory_space<vmem>>, vector<1x16xf32>,
          %parallel_loop3A_1040 = vector.shape_cast %parallel_loop3A_1039 : vector<1x16xf32> to vector<16xf32>
          %parallel_loop3A_1041 = arith.mulf %parallel_loop3A_1040, %parallel_loop3A_236 : vector<16xf32>
          %parallel_loop3A_1042 = arith.index_cast %parallel_loop3A_1006 : i32 to index
          %parallel_loop3A_1043 = arith.constant 48 : index
          %parallel_loop3A_1044 = tpu.vector_load %arg11[%parallel_loop3A_1042, %parallel_loop3A_1043] {strides = array<i32>} : memref<128x128xf32, #tpu.memory_space<vmem>>, vector<1x16xf32>,
          %parallel_loop3A_1045 = vector.shape_cast %parallel_loop3A_1044 : vector<1x16xf32> to vector<16xf32>
          %parallel_loop3A_1046 = vector.shape_cast %parallel_loop3A_1041 : vector<16xf32> to vector<1x16xf32>
          tpu.vector_store %arg11[%parallel_loop3A_1042, %parallel_loop3A_1043], %parallel_loop3A_1046 {strides = array<i32>} : memref<128x128xf32, #tpu.memory_space<vmem>>, vector<1x16xf32>,
          %parallel_loop3A_1047 = arith.index_cast %parallel_loop3A_1006 : i32 to index
          %parallel_loop3A_1048 = arith.constant 64 : index
          %parallel_loop3A_1049 = tpu.vector_load %arg11[%parallel_loop3A_1047, %parallel_loop3A_1048] {strides = array<i32>} : memref<128x128xf32, #tpu.memory_space<vmem>>, vector<1x16xf32>,
          %parallel_loop3A_1050 = vector.shape_cast %parallel_loop3A_1049 : vector<1x16xf32> to vector<16xf32>
          %parallel_loop3A_1051 = arith.mulf %parallel_loop3A_1050, %parallel_loop3A_236 : vector<16xf32>
          %parallel_loop3A_1052 = arith.index_cast %parallel_loop3A_1006 : i32 to index
          %parallel_loop3A_1053 = arith.constant 64 : index
          %parallel_loop3A_1054 = tpu.vector_load %arg11[%parallel_loop3A_1052, %parallel_loop3A_1053] {strides = array<i32>} : memref<128x128xf32, #tpu.memory_space<vmem>>, vector<1x16xf32>,
          %parallel_loop3A_1055 = vector.shape_cast %parallel_loop3A_1054 : vector<1x16xf32> to vector<16xf32>
          %parallel_loop3A_1056 = vector.shape_cast %parallel_loop3A_1051 : vector<16xf32> to vector<1x16xf32>
          tpu.vector_store %arg11[%parallel_loop3A_1052, %parallel_loop3A_1053], %parallel_loop3A_1056 {strides = array<i32>} : memref<128x128xf32, #tpu.memory_space<vmem>>, vector<1x16xf32>,
          %parallel_loop3A_1057 = arith.index_cast %parallel_loop3A_1006 : i32 to index
          %parallel_loop3A_1058 = arith.constant 80 : index
          %parallel_loop3A_1059 = tpu.vector_load %arg11[%parallel_loop3A_1057, %parallel_loop3A_1058] {strides = array<i32>} : memref<128x128xf32, #tpu.memory_space<vmem>>, vector<1x16xf32>,
          %parallel_loop3A_1060 = vector.shape_cast %parallel_loop3A_1059 : vector<1x16xf32> to vector<16xf32>
          %parallel_loop3A_1061 = arith.mulf %parallel_loop3A_1060, %parallel_loop3A_236 : vector<16xf32>
          %parallel_loop3A_1062 = arith.index_cast %parallel_loop3A_1006 : i32 to index
          %parallel_loop3A_1063 = arith.constant 80 : index
          %parallel_loop3A_1064 = tpu.vector_load %arg11[%parallel_loop3A_1062, %parallel_loop3A_1063] {strides = array<i32>} : memref<128x128xf32, #tpu.memory_space<vmem>>, vector<1x16xf32>,
          %parallel_loop3A_1065 = vector.shape_cast %parallel_loop3A_1064 : vector<1x16xf32> to vector<16xf32>
          %parallel_loop3A_1066 = vector.shape_cast %parallel_loop3A_1061 : vector<16xf32> to vector<1x16xf32>
          tpu.vector_store %arg11[%parallel_loop3A_1062, %parallel_loop3A_1063], %parallel_loop3A_1066 {strides = array<i32>} : memref<128x128xf32, #tpu.memory_space<vmem>>, vector<1x16xf32>,
          %parallel_loop3A_1067 = arith.index_cast %parallel_loop3A_1006 : i32 to index
          %parallel_loop3A_1068 = arith.constant 96 : index
          %parallel_loop3A_1069 = tpu.vector_load %arg11[%parallel_loop3A_1067, %parallel_loop3A_1068] {strides = array<i32>} : memref<128x128xf32, #tpu.memory_space<vmem>>, vector<1x16xf32>,
          %parallel_loop3A_1070 = vector.shape_cast %parallel_loop3A_1069 : vector<1x16xf32> to vector<16xf32>
          %parallel_loop3A_1071 = arith.mulf %parallel_loop3A_1070, %parallel_loop3A_236 : vector<16xf32>
          %parallel_loop3A_1072 = arith.index_cast %parallel_loop3A_1006 : i32 to index
          %parallel_loop3A_1073 = arith.constant 96 : index
          %parallel_loop3A_1074 = tpu.vector_load %arg11[%parallel_loop3A_1072, %parallel_loop3A_1073] {strides = array<i32>} : memref<128x128xf32, #tpu.memory_space<vmem>>, vector<1x16xf32>,
          %parallel_loop3A_1075 = vector.shape_cast %parallel_loop3A_1074 : vector<1x16xf32> to vector<16xf32>
          %parallel_loop3A_1076 = vector.shape_cast %parallel_loop3A_1071 : vector<16xf32> to vector<1x16xf32>
          tpu.vector_store %arg11[%parallel_loop3A_1072, %parallel_loop3A_1073], %parallel_loop3A_1076 {strides = array<i32>} : memref<128x128xf32, #tpu.memory_space<vmem>>, vector<1x16xf32>,
          %parallel_loop3A_1077 = arith.index_cast %parallel_loop3A_1006 : i32 to index
          %parallel_loop3A_1078 = arith.constant 112 : index
          %parallel_loop3A_1079 = tpu.vector_load %arg11[%parallel_loop3A_1077, %parallel_loop3A_1078] {strides = array<i32>} : memref<128x128xf32, #tpu.memory_space<vmem>>, vector<1x16xf32>,
          %parallel_loop3A_1080 = vector.shape_cast %parallel_loop3A_1079 : vector<1x16xf32> to vector<16xf32>
          %parallel_loop3A_1081 = arith.mulf %parallel_loop3A_1080, %parallel_loop3A_236 : vector<16xf32>
          %parallel_loop3A_1082 = arith.index_cast %parallel_loop3A_1006 : i32 to index
          %parallel_loop3A_1083 = arith.constant 112 : index
          %parallel_loop3A_1084 = tpu.vector_load %arg11[%parallel_loop3A_1082, %parallel_loop3A_1083] {strides = array<i32>} : memref<128x128xf32, #tpu.memory_space<vmem>>, vector<1x16xf32>,
          %parallel_loop3A_1085 = vector.shape_cast %parallel_loop3A_1084 : vector<1x16xf32> to vector<16xf32>
          %parallel_loop3A_1086 = vector.shape_cast %parallel_loop3A_1081 : vector<16xf32> to vector<1x16xf32>
          tpu.vector_store %arg11[%parallel_loop3A_1082, %parallel_loop3A_1083], %parallel_loop3A_1086 {strides = array<i32>} : memref<128x128xf32, #tpu.memory_space<vmem>>, vector<1x16xf32>,
          %parallel_loop3A_1087 = arith.constant 10 : i32
          %parallel_loop3A_1088 = arith.addi %parallel_loop3A_182, %parallel_loop3A_1087 : i32
          %parallel_loop3A_1089 = arith.index_cast %parallel_loop3A_1088 : i32 to index
          %parallel_loop3A_1090 = arith.constant 0 : index
          %parallel_loop3A_1091 = tpu.vector_load %arg11[%parallel_loop3A_1089, %parallel_loop3A_1090] {strides = array<i32>} : memref<128x128xf32, #tpu.memory_space<vmem>>, vector<1x16xf32>,
          %parallel_loop3A_1092 = vector.shape_cast %parallel_loop3A_1091 : vector<1x16xf32> to vector<16xf32>
          %parallel_loop3A_1093 = arith.mulf %parallel_loop3A_1092, %parallel_loop3A_241 : vector<16xf32>
          %parallel_loop3A_1094 = arith.index_cast %parallel_loop3A_1088 : i32 to index
          %parallel_loop3A_1095 = arith.constant 0 : index
          %parallel_loop3A_1096 = tpu.vector_load %arg11[%parallel_loop3A_1094, %parallel_loop3A_1095] {strides = array<i32>} : memref<128x128xf32, #tpu.memory_space<vmem>>, vector<1x16xf32>,
          %parallel_loop3A_1097 = vector.shape_cast %parallel_loop3A_1096 : vector<1x16xf32> to vector<16xf32>
          %parallel_loop3A_1098 = vector.shape_cast %parallel_loop3A_1093 : vector<16xf32> to vector<1x16xf32>
          tpu.vector_store %arg11[%parallel_loop3A_1094, %parallel_loop3A_1095], %parallel_loop3A_1098 {strides = array<i32>} : memref<128x128xf32, #tpu.memory_space<vmem>>, vector<1x16xf32>,
          %parallel_loop3A_1099 = arith.index_cast %parallel_loop3A_1088 : i32 to index
          %parallel_loop3A_1100 = arith.constant 16 : index
          %parallel_loop3A_1101 = tpu.vector_load %arg11[%parallel_loop3A_1099, %parallel_loop3A_1100] {strides = array<i32>} : memref<128x128xf32, #tpu.memory_space<vmem>>, vector<1x16xf32>,
          %parallel_loop3A_1102 = vector.shape_cast %parallel_loop3A_1101 : vector<1x16xf32> to vector<16xf32>
          %parallel_loop3A_1103 = arith.mulf %parallel_loop3A_1102, %parallel_loop3A_241 : vector<16xf32>
          %parallel_loop3A_1104 = arith.index_cast %parallel_loop3A_1088 : i32 to index
          %parallel_loop3A_1105 = arith.constant 16 : index
          %parallel_loop3A_1106 = tpu.vector_load %arg11[%parallel_loop3A_1104, %parallel_loop3A_1105] {strides = array<i32>} : memref<128x128xf32, #tpu.memory_space<vmem>>, vector<1x16xf32>,
          %parallel_loop3A_1107 = vector.shape_cast %parallel_loop3A_1106 : vector<1x16xf32> to vector<16xf32>
          %parallel_loop3A_1108 = vector.shape_cast %parallel_loop3A_1103 : vector<16xf32> to vector<1x16xf32>
          tpu.vector_store %arg11[%parallel_loop3A_1104, %parallel_loop3A_1105], %parallel_loop3A_1108 {strides = array<i32>} : memref<128x128xf32, #tpu.memory_space<vmem>>, vector<1x16xf32>,
          %parallel_loop3A_1109 = arith.index_cast %parallel_loop3A_1088 : i32 to index
          %parallel_loop3A_1110 = arith.constant 32 : index
          %parallel_loop3A_1111 = tpu.vector_load %arg11[%parallel_loop3A_1109, %parallel_loop3A_1110] {strides = array<i32>} : memref<128x128xf32, #tpu.memory_space<vmem>>, vector<1x16xf32>,
          %parallel_loop3A_1112 = vector.shape_cast %parallel_loop3A_1111 : vector<1x16xf32> to vector<16xf32>
          %parallel_loop3A_1113 = arith.mulf %parallel_loop3A_1112, %parallel_loop3A_241 : vector<16xf32>
          %parallel_loop3A_1114 = arith.index_cast %parallel_loop3A_1088 : i32 to index
          %parallel_loop3A_1115 = arith.constant 32 : index
          %parallel_loop3A_1116 = tpu.vector_load %arg11[%parallel_loop3A_1114, %parallel_loop3A_1115] {strides = array<i32>} : memref<128x128xf32, #tpu.memory_space<vmem>>, vector<1x16xf32>,
          %parallel_loop3A_1117 = vector.shape_cast %parallel_loop3A_1116 : vector<1x16xf32> to vector<16xf32>
          %parallel_loop3A_1118 = vector.shape_cast %parallel_loop3A_1113 : vector<16xf32> to vector<1x16xf32>
          tpu.vector_store %arg11[%parallel_loop3A_1114, %parallel_loop3A_1115], %parallel_loop3A_1118 {strides = array<i32>} : memref<128x128xf32, #tpu.memory_space<vmem>>, vector<1x16xf32>,
          %parallel_loop3A_1119 = arith.index_cast %parallel_loop3A_1088 : i32 to index
          %parallel_loop3A_1120 = arith.constant 48 : index
          %parallel_loop3A_1121 = tpu.vector_load %arg11[%parallel_loop3A_1119, %parallel_loop3A_1120] {strides = array<i32>} : memref<128x128xf32, #tpu.memory_space<vmem>>, vector<1x16xf32>,
          %parallel_loop3A_1122 = vector.shape_cast %parallel_loop3A_1121 : vector<1x16xf32> to vector<16xf32>
          %parallel_loop3A_1123 = arith.mulf %parallel_loop3A_1122, %parallel_loop3A_241 : vector<16xf32>
          %parallel_loop3A_1124 = arith.index_cast %parallel_loop3A_1088 : i32 to index
          %parallel_loop3A_1125 = arith.constant 48 : index
          %parallel_loop3A_1126 = tpu.vector_load %arg11[%parallel_loop3A_1124, %parallel_loop3A_1125] {strides = array<i32>} : memref<128x128xf32, #tpu.memory_space<vmem>>, vector<1x16xf32>,
          %parallel_loop3A_1127 = vector.shape_cast %parallel_loop3A_1126 : vector<1x16xf32> to vector<16xf32>
          %parallel_loop3A_1128 = vector.shape_cast %parallel_loop3A_1123 : vector<16xf32> to vector<1x16xf32>
          tpu.vector_store %arg11[%parallel_loop3A_1124, %parallel_loop3A_1125], %parallel_loop3A_1128 {strides = array<i32>} : memref<128x128xf32, #tpu.memory_space<vmem>>, vector<1x16xf32>,
          %parallel_loop3A_1129 = arith.index_cast %parallel_loop3A_1088 : i32 to index
          %parallel_loop3A_1130 = arith.constant 64 : index
          %parallel_loop3A_1131 = tpu.vector_load %arg11[%parallel_loop3A_1129, %parallel_loop3A_1130] {strides = array<i32>} : memref<128x128xf32, #tpu.memory_space<vmem>>, vector<1x16xf32>,
          %parallel_loop3A_1132 = vector.shape_cast %parallel_loop3A_1131 : vector<1x16xf32> to vector<16xf32>
          %parallel_loop3A_1133 = arith.mulf %parallel_loop3A_1132, %parallel_loop3A_241 : vector<16xf32>
          %parallel_loop3A_1134 = arith.index_cast %parallel_loop3A_1088 : i32 to index
          %parallel_loop3A_1135 = arith.constant 64 : index
          %parallel_loop3A_1136 = tpu.vector_load %arg11[%parallel_loop3A_1134, %parallel_loop3A_1135] {strides = array<i32>} : memref<128x128xf32, #tpu.memory_space<vmem>>, vector<1x16xf32>,
          %parallel_loop3A_1137 = vector.shape_cast %parallel_loop3A_1136 : vector<1x16xf32> to vector<16xf32>
          %parallel_loop3A_1138 = vector.shape_cast %parallel_loop3A_1133 : vector<16xf32> to vector<1x16xf32>
          tpu.vector_store %arg11[%parallel_loop3A_1134, %parallel_loop3A_1135], %parallel_loop3A_1138 {strides = array<i32>} : memref<128x128xf32, #tpu.memory_space<vmem>>, vector<1x16xf32>,
          %parallel_loop3A_1139 = arith.index_cast %parallel_loop3A_1088 : i32 to index
          %parallel_loop3A_1140 = arith.constant 80 : index
          %parallel_loop3A_1141 = tpu.vector_load %arg11[%parallel_loop3A_1139, %parallel_loop3A_1140] {strides = array<i32>} : memref<128x128xf32, #tpu.memory_space<vmem>>, vector<1x16xf32>,
          %parallel_loop3A_1142 = vector.shape_cast %parallel_loop3A_1141 : vector<1x16xf32> to vector<16xf32>
          %parallel_loop3A_1143 = arith.mulf %parallel_loop3A_1142, %parallel_loop3A_241 : vector<16xf32>
          %parallel_loop3A_1144 = arith.index_cast %parallel_loop3A_1088 : i32 to index
          %parallel_loop3A_1145 = arith.constant 80 : index
          %parallel_loop3A_1146 = tpu.vector_load %arg11[%parallel_loop3A_1144, %parallel_loop3A_1145] {strides = array<i32>} : memref<128x128xf32, #tpu.memory_space<vmem>>, vector<1x16xf32>,
          %parallel_loop3A_1147 = vector.shape_cast %parallel_loop3A_1146 : vector<1x16xf32> to vector<16xf32>
          %parallel_loop3A_1148 = vector.shape_cast %parallel_loop3A_1143 : vector<16xf32> to vector<1x16xf32>
          tpu.vector_store %arg11[%parallel_loop3A_1144, %parallel_loop3A_1145], %parallel_loop3A_1148 {strides = array<i32>} : memref<128x128xf32, #tpu.memory_space<vmem>>, vector<1x16xf32>,
          %parallel_loop3A_1149 = arith.index_cast %parallel_loop3A_1088 : i32 to index
          %parallel_loop3A_1150 = arith.constant 96 : index
          %parallel_loop3A_1151 = tpu.vector_load %arg11[%parallel_loop3A_1149, %parallel_loop3A_1150] {strides = array<i32>} : memref<128x128xf32, #tpu.memory_space<vmem>>, vector<1x16xf32>,
          %parallel_loop3A_1152 = vector.shape_cast %parallel_loop3A_1151 : vector<1x16xf32> to vector<16xf32>
          %parallel_loop3A_1153 = arith.mulf %parallel_loop3A_1152, %parallel_loop3A_241 : vector<16xf32>
          %parallel_loop3A_1154 = arith.index_cast %parallel_loop3A_1088 : i32 to index
          %parallel_loop3A_1155 = arith.constant 96 : index
          %parallel_loop3A_1156 = tpu.vector_load %arg11[%parallel_loop3A_1154, %parallel_loop3A_1155] {strides = array<i32>} : memref<128x128xf32, #tpu.memory_space<vmem>>, vector<1x16xf32>,
          %parallel_loop3A_1157 = vector.shape_cast %parallel_loop3A_1156 : vector<1x16xf32> to vector<16xf32>
          %parallel_loop3A_1158 = vector.shape_cast %parallel_loop3A_1153 : vector<16xf32> to vector<1x16xf32>
          tpu.vector_store %arg11[%parallel_loop3A_1154, %parallel_loop3A_1155], %parallel_loop3A_1158 {strides = array<i32>} : memref<128x128xf32, #tpu.memory_space<vmem>>, vector<1x16xf32>,
          %parallel_loop3A_1159 = arith.index_cast %parallel_loop3A_1088 : i32 to index
          %parallel_loop3A_1160 = arith.constant 112 : index
          %parallel_loop3A_1161 = tpu.vector_load %arg11[%parallel_loop3A_1159, %parallel_loop3A_1160] {strides = array<i32>} : memref<128x128xf32, #tpu.memory_space<vmem>>, vector<1x16xf32>,
          %parallel_loop3A_1162 = vector.shape_cast %parallel_loop3A_1161 : vector<1x16xf32> to vector<16xf32>
          %parallel_loop3A_1163 = arith.mulf %parallel_loop3A_1162, %parallel_loop3A_241 : vector<16xf32>
          %parallel_loop3A_1164 = arith.index_cast %parallel_loop3A_1088 : i32 to index
          %parallel_loop3A_1165 = arith.constant 112 : index
          %parallel_loop3A_1166 = tpu.vector_load %arg11[%parallel_loop3A_1164, %parallel_loop3A_1165] {strides = array<i32>} : memref<128x128xf32, #tpu.memory_space<vmem>>, vector<1x16xf32>,
          %parallel_loop3A_1167 = vector.shape_cast %parallel_loop3A_1166 : vector<1x16xf32> to vector<16xf32>
          %parallel_loop3A_1168 = vector.shape_cast %parallel_loop3A_1163 : vector<16xf32> to vector<1x16xf32>
          tpu.vector_store %arg11[%parallel_loop3A_1164, %parallel_loop3A_1165], %parallel_loop3A_1168 {strides = array<i32>} : memref<128x128xf32, #tpu.memory_space<vmem>>, vector<1x16xf32>,
          %parallel_loop3A_1169 = arith.constant 11 : i32
          %parallel_loop3A_1170 = arith.addi %parallel_loop3A_182, %parallel_loop3A_1169 : i32
          %parallel_loop3A_1171 = arith.index_cast %parallel_loop3A_1170 : i32 to index
          %parallel_loop3A_1172 = arith.constant 0 : index
          %parallel_loop3A_1173 = tpu.vector_load %arg11[%parallel_loop3A_1171, %parallel_loop3A_1172] {strides = array<i32>} : memref<128x128xf32, #tpu.memory_space<vmem>>, vector<1x16xf32>,
          %parallel_loop3A_1174 = vector.shape_cast %parallel_loop3A_1173 : vector<1x16xf32> to vector<16xf32>
          %parallel_loop3A_1175 = arith.mulf %parallel_loop3A_1174, %parallel_loop3A_246 : vector<16xf32>
          %parallel_loop3A_1176 = arith.index_cast %parallel_loop3A_1170 : i32 to index
          %parallel_loop3A_1177 = arith.constant 0 : index
          %parallel_loop3A_1178 = tpu.vector_load %arg11[%parallel_loop3A_1176, %parallel_loop3A_1177] {strides = array<i32>} : memref<128x128xf32, #tpu.memory_space<vmem>>, vector<1x16xf32>,
          %parallel_loop3A_1179 = vector.shape_cast %parallel_loop3A_1178 : vector<1x16xf32> to vector<16xf32>
          %parallel_loop3A_1180 = vector.shape_cast %parallel_loop3A_1175 : vector<16xf32> to vector<1x16xf32>
          tpu.vector_store %arg11[%parallel_loop3A_1176, %parallel_loop3A_1177], %parallel_loop3A_1180 {strides = array<i32>} : memref<128x128xf32, #tpu.memory_space<vmem>>, vector<1x16xf32>,
          %parallel_loop3A_1181 = arith.index_cast %parallel_loop3A_1170 : i32 to index
          %parallel_loop3A_1182 = arith.constant 16 : index
          %parallel_loop3A_1183 = tpu.vector_load %arg11[%parallel_loop3A_1181, %parallel_loop3A_1182] {strides = array<i32>} : memref<128x128xf32, #tpu.memory_space<vmem>>, vector<1x16xf32>,
          %parallel_loop3A_1184 = vector.shape_cast %parallel_loop3A_1183 : vector<1x16xf32> to vector<16xf32>
          %parallel_loop3A_1185 = arith.mulf %parallel_loop3A_1184, %parallel_loop3A_246 : vector<16xf32>
          %parallel_loop3A_1186 = arith.index_cast %parallel_loop3A_1170 : i32 to index
          %parallel_loop3A_1187 = arith.constant 16 : index
          %parallel_loop3A_1188 = tpu.vector_load %arg11[%parallel_loop3A_1186, %parallel_loop3A_1187] {strides = array<i32>} : memref<128x128xf32, #tpu.memory_space<vmem>>, vector<1x16xf32>,
          %parallel_loop3A_1189 = vector.shape_cast %parallel_loop3A_1188 : vector<1x16xf32> to vector<16xf32>
          %parallel_loop3A_1190 = vector.shape_cast %parallel_loop3A_1185 : vector<16xf32> to vector<1x16xf32>
          tpu.vector_store %arg11[%parallel_loop3A_1186, %parallel_loop3A_1187], %parallel_loop3A_1190 {strides = array<i32>} : memref<128x128xf32, #tpu.memory_space<vmem>>, vector<1x16xf32>,
          %parallel_loop3A_1191 = arith.index_cast %parallel_loop3A_1170 : i32 to index
          %parallel_loop3A_1192 = arith.constant 32 : index
          %parallel_loop3A_1193 = tpu.vector_load %arg11[%parallel_loop3A_1191, %parallel_loop3A_1192] {strides = array<i32>} : memref<128x128xf32, #tpu.memory_space<vmem>>, vector<1x16xf32>,
          %parallel_loop3A_1194 = vector.shape_cast %parallel_loop3A_1193 : vector<1x16xf32> to vector<16xf32>
          %parallel_loop3A_1195 = arith.mulf %parallel_loop3A_1194, %parallel_loop3A_246 : vector<16xf32>
          %parallel_loop3A_1196 = arith.index_cast %parallel_loop3A_1170 : i32 to index
          %parallel_loop3A_1197 = arith.constant 32 : index
          %parallel_loop3A_1198 = tpu.vector_load %arg11[%parallel_loop3A_1196, %parallel_loop3A_1197] {strides = array<i32>} : memref<128x128xf32, #tpu.memory_space<vmem>>, vector<1x16xf32>,
          %parallel_loop3A_1199 = vector.shape_cast %parallel_loop3A_1198 : vector<1x16xf32> to vector<16xf32>
          %parallel_loop3A_1200 = vector.shape_cast %parallel_loop3A_1195 : vector<16xf32> to vector<1x16xf32>
          tpu.vector_store %arg11[%parallel_loop3A_1196, %parallel_loop3A_1197], %parallel_loop3A_1200 {strides = array<i32>} : memref<128x128xf32, #tpu.memory_space<vmem>>, vector<1x16xf32>,
          %parallel_loop3A_1201 = arith.index_cast %parallel_loop3A_1170 : i32 to index
          %parallel_loop3A_1202 = arith.constant 48 : index
          %parallel_loop3A_1203 = tpu.vector_load %arg11[%parallel_loop3A_1201, %parallel_loop3A_1202] {strides = array<i32>} : memref<128x128xf32, #tpu.memory_space<vmem>>, vector<1x16xf32>,
          %parallel_loop3A_1204 = vector.shape_cast %parallel_loop3A_1203 : vector<1x16xf32> to vector<16xf32>
          %parallel_loop3A_1205 = arith.mulf %parallel_loop3A_1204, %parallel_loop3A_246 : vector<16xf32>
          %parallel_loop3A_1206 = arith.index_cast %parallel_loop3A_1170 : i32 to index
          %parallel_loop3A_1207 = arith.constant 48 : index
          %parallel_loop3A_1208 = tpu.vector_load %arg11[%parallel_loop3A_1206, %parallel_loop3A_1207] {strides = array<i32>} : memref<128x128xf32, #tpu.memory_space<vmem>>, vector<1x16xf32>,
          %parallel_loop3A_1209 = vector.shape_cast %parallel_loop3A_1208 : vector<1x16xf32> to vector<16xf32>
          %parallel_loop3A_1210 = vector.shape_cast %parallel_loop3A_1205 : vector<16xf32> to vector<1x16xf32>
          tpu.vector_store %arg11[%parallel_loop3A_1206, %parallel_loop3A_1207], %parallel_loop3A_1210 {strides = array<i32>} : memref<128x128xf32, #tpu.memory_space<vmem>>, vector<1x16xf32>,
          %parallel_loop3A_1211 = arith.index_cast %parallel_loop3A_1170 : i32 to index
          %parallel_loop3A_1212 = arith.constant 64 : index
          %parallel_loop3A_1213 = tpu.vector_load %arg11[%parallel_loop3A_1211, %parallel_loop3A_1212] {strides = array<i32>} : memref<128x128xf32, #tpu.memory_space<vmem>>, vector<1x16xf32>,
          %parallel_loop3A_1214 = vector.shape_cast %parallel_loop3A_1213 : vector<1x16xf32> to vector<16xf32>
          %parallel_loop3A_1215 = arith.mulf %parallel_loop3A_1214, %parallel_loop3A_246 : vector<16xf32>
          %parallel_loop3A_1216 = arith.index_cast %parallel_loop3A_1170 : i32 to index
          %parallel_loop3A_1217 = arith.constant 64 : index
          %parallel_loop3A_1218 = tpu.vector_load %arg11[%parallel_loop3A_1216, %parallel_loop3A_1217] {strides = array<i32>} : memref<128x128xf32, #tpu.memory_space<vmem>>, vector<1x16xf32>,
          %parallel_loop3A_1219 = vector.shape_cast %parallel_loop3A_1218 : vector<1x16xf32> to vector<16xf32>
          %parallel_loop3A_1220 = vector.shape_cast %parallel_loop3A_1215 : vector<16xf32> to vector<1x16xf32>
          tpu.vector_store %arg11[%parallel_loop3A_1216, %parallel_loop3A_1217], %parallel_loop3A_1220 {strides = array<i32>} : memref<128x128xf32, #tpu.memory_space<vmem>>, vector<1x16xf32>,
          %parallel_loop3A_1221 = arith.index_cast %parallel_loop3A_1170 : i32 to index
          %parallel_loop3A_1222 = arith.constant 80 : index
          %parallel_loop3A_1223 = tpu.vector_load %arg11[%parallel_loop3A_1221, %parallel_loop3A_1222] {strides = array<i32>} : memref<128x128xf32, #tpu.memory_space<vmem>>, vector<1x16xf32>,
          %parallel_loop3A_1224 = vector.shape_cast %parallel_loop3A_1223 : vector<1x16xf32> to vector<16xf32>
          %parallel_loop3A_1225 = arith.mulf %parallel_loop3A_1224, %parallel_loop3A_246 : vector<16xf32>
          %parallel_loop3A_1226 = arith.index_cast %parallel_loop3A_1170 : i32 to index
          %parallel_loop3A_1227 = arith.constant 80 : index
          %parallel_loop3A_1228 = tpu.vector_load %arg11[%parallel_loop3A_1226, %parallel_loop3A_1227] {strides = array<i32>} : memref<128x128xf32, #tpu.memory_space<vmem>>, vector<1x16xf32>,
          %parallel_loop3A_1229 = vector.shape_cast %parallel_loop3A_1228 : vector<1x16xf32> to vector<16xf32>
          %parallel_loop3A_1230 = vector.shape_cast %parallel_loop3A_1225 : vector<16xf32> to vector<1x16xf32>
          tpu.vector_store %arg11[%parallel_loop3A_1226, %parallel_loop3A_1227], %parallel_loop3A_1230 {strides = array<i32>} : memref<128x128xf32, #tpu.memory_space<vmem>>, vector<1x16xf32>,
          %parallel_loop3A_1231 = arith.index_cast %parallel_loop3A_1170 : i32 to index
          %parallel_loop3A_1232 = arith.constant 96 : index
          %parallel_loop3A_1233 = tpu.vector_load %arg11[%parallel_loop3A_1231, %parallel_loop3A_1232] {strides = array<i32>} : memref<128x128xf32, #tpu.memory_space<vmem>>, vector<1x16xf32>,
          %parallel_loop3A_1234 = vector.shape_cast %parallel_loop3A_1233 : vector<1x16xf32> to vector<16xf32>
          %parallel_loop3A_1235 = arith.mulf %parallel_loop3A_1234, %parallel_loop3A_246 : vector<16xf32>
          %parallel_loop3A_1236 = arith.index_cast %parallel_loop3A_1170 : i32 to index
          %parallel_loop3A_1237 = arith.constant 96 : index
          %parallel_loop3A_1238 = tpu.vector_load %arg11[%parallel_loop3A_1236, %parallel_loop3A_1237] {strides = array<i32>} : memref<128x128xf32, #tpu.memory_space<vmem>>, vector<1x16xf32>,
          %parallel_loop3A_1239 = vector.shape_cast %parallel_loop3A_1238 : vector<1x16xf32> to vector<16xf32>
          %parallel_loop3A_1240 = vector.shape_cast %parallel_loop3A_1235 : vector<16xf32> to vector<1x16xf32>
          tpu.vector_store %arg11[%parallel_loop3A_1236, %parallel_loop3A_1237], %parallel_loop3A_1240 {strides = array<i32>} : memref<128x128xf32, #tpu.memory_space<vmem>>, vector<1x16xf32>,
          %parallel_loop3A_1241 = arith.index_cast %parallel_loop3A_1170 : i32 to index
          %parallel_loop3A_1242 = arith.constant 112 : index
          %parallel_loop3A_1243 = tpu.vector_load %arg11[%parallel_loop3A_1241, %parallel_loop3A_1242] {strides = array<i32>} : memref<128x128xf32, #tpu.memory_space<vmem>>, vector<1x16xf32>,
          %parallel_loop3A_1244 = vector.shape_cast %parallel_loop3A_1243 : vector<1x16xf32> to vector<16xf32>
          %parallel_loop3A_1245 = arith.mulf %parallel_loop3A_1244, %parallel_loop3A_246 : vector<16xf32>
          %parallel_loop3A_1246 = arith.index_cast %parallel_loop3A_1170 : i32 to index
          %parallel_loop3A_1247 = arith.constant 112 : index
          %parallel_loop3A_1248 = tpu.vector_load %arg11[%parallel_loop3A_1246, %parallel_loop3A_1247] {strides = array<i32>} : memref<128x128xf32, #tpu.memory_space<vmem>>, vector<1x16xf32>,
          %parallel_loop3A_1249 = vector.shape_cast %parallel_loop3A_1248 : vector<1x16xf32> to vector<16xf32>
          %parallel_loop3A_1250 = vector.shape_cast %parallel_loop3A_1245 : vector<16xf32> to vector<1x16xf32>
          tpu.vector_store %arg11[%parallel_loop3A_1246, %parallel_loop3A_1247], %parallel_loop3A_1250 {strides = array<i32>} : memref<128x128xf32, #tpu.memory_space<vmem>>, vector<1x16xf32>,
          %parallel_loop3A_1251 = arith.constant 12 : i32
          %parallel_loop3A_1252 = arith.addi %parallel_loop3A_182, %parallel_loop3A_1251 : i32
          %parallel_loop3A_1253 = arith.index_cast %parallel_loop3A_1252 : i32 to index
          %parallel_loop3A_1254 = arith.constant 0 : index
          %parallel_loop3A_1255 = tpu.vector_load %arg11[%parallel_loop3A_1253, %parallel_loop3A_1254] {strides = array<i32>} : memref<128x128xf32, #tpu.memory_space<vmem>>, vector<1x16xf32>,
          %parallel_loop3A_1256 = vector.shape_cast %parallel_loop3A_1255 : vector<1x16xf32> to vector<16xf32>
          %parallel_loop3A_1257 = arith.mulf %parallel_loop3A_1256, %parallel_loop3A_251 : vector<16xf32>
          %parallel_loop3A_1258 = arith.index_cast %parallel_loop3A_1252 : i32 to index
          %parallel_loop3A_1259 = arith.constant 0 : index
          %parallel_loop3A_1260 = tpu.vector_load %arg11[%parallel_loop3A_1258, %parallel_loop3A_1259] {strides = array<i32>} : memref<128x128xf32, #tpu.memory_space<vmem>>, vector<1x16xf32>,
          %parallel_loop3A_1261 = vector.shape_cast %parallel_loop3A_1260 : vector<1x16xf32> to vector<16xf32>
          %parallel_loop3A_1262 = vector.shape_cast %parallel_loop3A_1257 : vector<16xf32> to vector<1x16xf32>
          tpu.vector_store %arg11[%parallel_loop3A_1258, %parallel_loop3A_1259], %parallel_loop3A_1262 {strides = array<i32>} : memref<128x128xf32, #tpu.memory_space<vmem>>, vector<1x16xf32>,
          %parallel_loop3A_1263 = arith.index_cast %parallel_loop3A_1252 : i32 to index
          %parallel_loop3A_1264 = arith.constant 16 : index
          %parallel_loop3A_1265 = tpu.vector_load %arg11[%parallel_loop3A_1263, %parallel_loop3A_1264] {strides = array<i32>} : memref<128x128xf32, #tpu.memory_space<vmem>>, vector<1x16xf32>,
          %parallel_loop3A_1266 = vector.shape_cast %parallel_loop3A_1265 : vector<1x16xf32> to vector<16xf32>
          %parallel_loop3A_1267 = arith.mulf %parallel_loop3A_1266, %parallel_loop3A_251 : vector<16xf32>
          %parallel_loop3A_1268 = arith.index_cast %parallel_loop3A_1252 : i32 to index
          %parallel_loop3A_1269 = arith.constant 16 : index
          %parallel_loop3A_1270 = tpu.vector_load %arg11[%parallel_loop3A_1268, %parallel_loop3A_1269] {strides = array<i32>} : memref<128x128xf32, #tpu.memory_space<vmem>>, vector<1x16xf32>,
          %parallel_loop3A_1271 = vector.shape_cast %parallel_loop3A_1270 : vector<1x16xf32> to vector<16xf32>
          %parallel_loop3A_1272 = vector.shape_cast %parallel_loop3A_1267 : vector<16xf32> to vector<1x16xf32>
          tpu.vector_store %arg11[%parallel_loop3A_1268, %parallel_loop3A_1269], %parallel_loop3A_1272 {strides = array<i32>} : memref<128x128xf32, #tpu.memory_space<vmem>>, vector<1x16xf32>,
          %parallel_loop3A_1273 = arith.index_cast %parallel_loop3A_1252 : i32 to index
          %parallel_loop3A_1274 = arith.constant 32 : index
          %parallel_loop3A_1275 = tpu.vector_load %arg11[%parallel_loop3A_1273, %parallel_loop3A_1274] {strides = array<i32>} : memref<128x128xf32, #tpu.memory_space<vmem>>, vector<1x16xf32>,
          %parallel_loop3A_1276 = vector.shape_cast %parallel_loop3A_1275 : vector<1x16xf32> to vector<16xf32>
          %parallel_loop3A_1277 = arith.mulf %parallel_loop3A_1276, %parallel_loop3A_251 : vector<16xf32>
          %parallel_loop3A_1278 = arith.index_cast %parallel_loop3A_1252 : i32 to index
          %parallel_loop3A_1279 = arith.constant 32 : index
          %parallel_loop3A_1280 = tpu.vector_load %arg11[%parallel_loop3A_1278, %parallel_loop3A_1279] {strides = array<i32>} : memref<128x128xf32, #tpu.memory_space<vmem>>, vector<1x16xf32>,
          %parallel_loop3A_1281 = vector.shape_cast %parallel_loop3A_1280 : vector<1x16xf32> to vector<16xf32>
          %parallel_loop3A_1282 = vector.shape_cast %parallel_loop3A_1277 : vector<16xf32> to vector<1x16xf32>
          tpu.vector_store %arg11[%parallel_loop3A_1278, %parallel_loop3A_1279], %parallel_loop3A_1282 {strides = array<i32>} : memref<128x128xf32, #tpu.memory_space<vmem>>, vector<1x16xf32>,
          %parallel_loop3A_1283 = arith.index_cast %parallel_loop3A_1252 : i32 to index
          %parallel_loop3A_1284 = arith.constant 48 : index
          %parallel_loop3A_1285 = tpu.vector_load %arg11[%parallel_loop3A_1283, %parallel_loop3A_1284] {strides = array<i32>} : memref<128x128xf32, #tpu.memory_space<vmem>>, vector<1x16xf32>,
          %parallel_loop3A_1286 = vector.shape_cast %parallel_loop3A_1285 : vector<1x16xf32> to vector<16xf32>
          %parallel_loop3A_1287 = arith.mulf %parallel_loop3A_1286, %parallel_loop3A_251 : vector<16xf32>
          %parallel_loop3A_1288 = arith.index_cast %parallel_loop3A_1252 : i32 to index
          %parallel_loop3A_1289 = arith.constant 48 : index
          %parallel_loop3A_1290 = tpu.vector_load %arg11[%parallel_loop3A_1288, %parallel_loop3A_1289] {strides = array<i32>} : memref<128x128xf32, #tpu.memory_space<vmem>>, vector<1x16xf32>,
          %parallel_loop3A_1291 = vector.shape_cast %parallel_loop3A_1290 : vector<1x16xf32> to vector<16xf32>
          %parallel_loop3A_1292 = vector.shape_cast %parallel_loop3A_1287 : vector<16xf32> to vector<1x16xf32>
          tpu.vector_store %arg11[%parallel_loop3A_1288, %parallel_loop3A_1289], %parallel_loop3A_1292 {strides = array<i32>} : memref<128x128xf32, #tpu.memory_space<vmem>>, vector<1x16xf32>,
          %parallel_loop3A_1293 = arith.index_cast %parallel_loop3A_1252 : i32 to index
          %parallel_loop3A_1294 = arith.constant 64 : index
          %parallel_loop3A_1295 = tpu.vector_load %arg11[%parallel_loop3A_1293, %parallel_loop3A_1294] {strides = array<i32>} : memref<128x128xf32, #tpu.memory_space<vmem>>, vector<1x16xf32>,
          %parallel_loop3A_1296 = vector.shape_cast %parallel_loop3A_1295 : vector<1x16xf32> to vector<16xf32>
          %parallel_loop3A_1297 = arith.mulf %parallel_loop3A_1296, %parallel_loop3A_251 : vector<16xf32>
          %parallel_loop3A_1298 = arith.index_cast %parallel_loop3A_1252 : i32 to index
          %parallel_loop3A_1299 = arith.constant 64 : index
          %parallel_loop3A_1300 = tpu.vector_load %arg11[%parallel_loop3A_1298, %parallel_loop3A_1299] {strides = array<i32>} : memref<128x128xf32, #tpu.memory_space<vmem>>, vector<1x16xf32>,
          %parallel_loop3A_1301 = vector.shape_cast %parallel_loop3A_1300 : vector<1x16xf32> to vector<16xf32>
          %parallel_loop3A_1302 = vector.shape_cast %parallel_loop3A_1297 : vector<16xf32> to vector<1x16xf32>
          tpu.vector_store %arg11[%parallel_loop3A_1298, %parallel_loop3A_1299], %parallel_loop3A_1302 {strides = array<i32>} : memref<128x128xf32, #tpu.memory_space<vmem>>, vector<1x16xf32>,
          %parallel_loop3A_1303 = arith.index_cast %parallel_loop3A_1252 : i32 to index
          %parallel_loop3A_1304 = arith.constant 80 : index
          %parallel_loop3A_1305 = tpu.vector_load %arg11[%parallel_loop3A_1303, %parallel_loop3A_1304] {strides = array<i32>} : memref<128x128xf32, #tpu.memory_space<vmem>>, vector<1x16xf32>,
          %parallel_loop3A_1306 = vector.shape_cast %parallel_loop3A_1305 : vector<1x16xf32> to vector<16xf32>
          %parallel_loop3A_1307 = arith.mulf %parallel_loop3A_1306, %parallel_loop3A_251 : vector<16xf32>
          %parallel_loop3A_1308 = arith.index_cast %parallel_loop3A_1252 : i32 to index
          %parallel_loop3A_1309 = arith.constant 80 : index
          %parallel_loop3A_1310 = tpu.vector_load %arg11[%parallel_loop3A_1308, %parallel_loop3A_1309] {strides = array<i32>} : memref<128x128xf32, #tpu.memory_space<vmem>>, vector<1x16xf32>,
          %parallel_loop3A_1311 = vector.shape_cast %parallel_loop3A_1310 : vector<1x16xf32> to vector<16xf32>
          %parallel_loop3A_1312 = vector.shape_cast %parallel_loop3A_1307 : vector<16xf32> to vector<1x16xf32>
          tpu.vector_store %arg11[%parallel_loop3A_1308, %parallel_loop3A_1309], %parallel_loop3A_1312 {strides = array<i32>} : memref<128x128xf32, #tpu.memory_space<vmem>>, vector<1x16xf32>,
          %parallel_loop3A_1313 = arith.index_cast %parallel_loop3A_1252 : i32 to index
          %parallel_loop3A_1314 = arith.constant 96 : index
          %parallel_loop3A_1315 = tpu.vector_load %arg11[%parallel_loop3A_1313, %parallel_loop3A_1314] {strides = array<i32>} : memref<128x128xf32, #tpu.memory_space<vmem>>, vector<1x16xf32>,
          %parallel_loop3A_1316 = vector.shape_cast %parallel_loop3A_1315 : vector<1x16xf32> to vector<16xf32>
          %parallel_loop3A_1317 = arith.mulf %parallel_loop3A_1316, %parallel_loop3A_251 : vector<16xf32>
          %parallel_loop3A_1318 = arith.index_cast %parallel_loop3A_1252 : i32 to index
          %parallel_loop3A_1319 = arith.constant 96 : index
          %parallel_loop3A_1320 = tpu.vector_load %arg11[%parallel_loop3A_1318, %parallel_loop3A_1319] {strides = array<i32>} : memref<128x128xf32, #tpu.memory_space<vmem>>, vector<1x16xf32>,
          %parallel_loop3A_1321 = vector.shape_cast %parallel_loop3A_1320 : vector<1x16xf32> to vector<16xf32>
          %parallel_loop3A_1322 = vector.shape_cast %parallel_loop3A_1317 : vector<16xf32> to vector<1x16xf32>
          tpu.vector_store %arg11[%parallel_loop3A_1318, %parallel_loop3A_1319], %parallel_loop3A_1322 {strides = array<i32>} : memref<128x128xf32, #tpu.memory_space<vmem>>, vector<1x16xf32>,
          %parallel_loop3A_1323 = arith.index_cast %parallel_loop3A_1252 : i32 to index
          %parallel_loop3A_1324 = arith.constant 112 : index
          %parallel_loop3A_1325 = tpu.vector_load %arg11[%parallel_loop3A_1323, %parallel_loop3A_1324] {strides = array<i32>} : memref<128x128xf32, #tpu.memory_space<vmem>>, vector<1x16xf32>,
          %parallel_loop3A_1326 = vector.shape_cast %parallel_loop3A_1325 : vector<1x16xf32> to vector<16xf32>
          %parallel_loop3A_1327 = arith.mulf %parallel_loop3A_1326, %parallel_loop3A_251 : vector<16xf32>
          %parallel_loop3A_1328 = arith.index_cast %parallel_loop3A_1252 : i32 to index
          %parallel_loop3A_1329 = arith.constant 112 : index
          %parallel_loop3A_1330 = tpu.vector_load %arg11[%parallel_loop3A_1328, %parallel_loop3A_1329] {strides = array<i32>} : memref<128x128xf32, #tpu.memory_space<vmem>>, vector<1x16xf32>,
          %parallel_loop3A_1331 = vector.shape_cast %parallel_loop3A_1330 : vector<1x16xf32> to vector<16xf32>
          %parallel_loop3A_1332 = vector.shape_cast %parallel_loop3A_1327 : vector<16xf32> to vector<1x16xf32>
          tpu.vector_store %arg11[%parallel_loop3A_1328, %parallel_loop3A_1329], %parallel_loop3A_1332 {strides = array<i32>} : memref<128x128xf32, #tpu.memory_space<vmem>>, vector<1x16xf32>,
          %parallel_loop3A_1333 = arith.constant 13 : i32
          %parallel_loop3A_1334 = arith.addi %parallel_loop3A_182, %parallel_loop3A_1333 : i32
          %parallel_loop3A_1335 = arith.index_cast %parallel_loop3A_1334 : i32 to index
          %parallel_loop3A_1336 = arith.constant 0 : index
          %parallel_loop3A_1337 = tpu.vector_load %arg11[%parallel_loop3A_1335, %parallel_loop3A_1336] {strides = array<i32>} : memref<128x128xf32, #tpu.memory_space<vmem>>, vector<1x16xf32>,
          %parallel_loop3A_1338 = vector.shape_cast %parallel_loop3A_1337 : vector<1x16xf32> to vector<16xf32>
          %parallel_loop3A_1339 = arith.mulf %parallel_loop3A_1338, %parallel_loop3A_256 : vector<16xf32>
          %parallel_loop3A_1340 = arith.index_cast %parallel_loop3A_1334 : i32 to index
          %parallel_loop3A_1341 = arith.constant 0 : index
          %parallel_loop3A_1342 = tpu.vector_load %arg11[%parallel_loop3A_1340, %parallel_loop3A_1341] {strides = array<i32>} : memref<128x128xf32, #tpu.memory_space<vmem>>, vector<1x16xf32>,
          %parallel_loop3A_1343 = vector.shape_cast %parallel_loop3A_1342 : vector<1x16xf32> to vector<16xf32>
          %parallel_loop3A_1344 = vector.shape_cast %parallel_loop3A_1339 : vector<16xf32> to vector<1x16xf32>
          tpu.vector_store %arg11[%parallel_loop3A_1340, %parallel_loop3A_1341], %parallel_loop3A_1344 {strides = array<i32>} : memref<128x128xf32, #tpu.memory_space<vmem>>, vector<1x16xf32>,
          %parallel_loop3A_1345 = arith.index_cast %parallel_loop3A_1334 : i32 to index
          %parallel_loop3A_1346 = arith.constant 16 : index
          %parallel_loop3A_1347 = tpu.vector_load %arg11[%parallel_loop3A_1345, %parallel_loop3A_1346] {strides = array<i32>} : memref<128x128xf32, #tpu.memory_space<vmem>>, vector<1x16xf32>,
          %parallel_loop3A_1348 = vector.shape_cast %parallel_loop3A_1347 : vector<1x16xf32> to vector<16xf32>
          %parallel_loop3A_1349 = arith.mulf %parallel_loop3A_1348, %parallel_loop3A_256 : vector<16xf32>
          %parallel_loop3A_1350 = arith.index_cast %parallel_loop3A_1334 : i32 to index
          %parallel_loop3A_1351 = arith.constant 16 : index
          %parallel_loop3A_1352 = tpu.vector_load %arg11[%parallel_loop3A_1350, %parallel_loop3A_1351] {strides = array<i32>} : memref<128x128xf32, #tpu.memory_space<vmem>>, vector<1x16xf32>,
          %parallel_loop3A_1353 = vector.shape_cast %parallel_loop3A_1352 : vector<1x16xf32> to vector<16xf32>
          %parallel_loop3A_1354 = vector.shape_cast %parallel_loop3A_1349 : vector<16xf32> to vector<1x16xf32>
          tpu.vector_store %arg11[%parallel_loop3A_1350, %parallel_loop3A_1351], %parallel_loop3A_1354 {strides = array<i32>} : memref<128x128xf32, #tpu.memory_space<vmem>>, vector<1x16xf32>,
          %parallel_loop3A_1355 = arith.index_cast %parallel_loop3A_1334 : i32 to index
          %parallel_loop3A_1356 = arith.constant 32 : index
          %parallel_loop3A_1357 = tpu.vector_load %arg11[%parallel_loop3A_1355, %parallel_loop3A_1356] {strides = array<i32>} : memref<128x128xf32, #tpu.memory_space<vmem>>, vector<1x16xf32>,
          %parallel_loop3A_1358 = vector.shape_cast %parallel_loop3A_1357 : vector<1x16xf32> to vector<16xf32>
          %parallel_loop3A_1359 = arith.mulf %parallel_loop3A_1358, %parallel_loop3A_256 : vector<16xf32>
          %parallel_loop3A_1360 = arith.index_cast %parallel_loop3A_1334 : i32 to index
          %parallel_loop3A_1361 = arith.constant 32 : index
          %parallel_loop3A_1362 = tpu.vector_load %arg11[%parallel_loop3A_1360, %parallel_loop3A_1361] {strides = array<i32>} : memref<128x128xf32, #tpu.memory_space<vmem>>, vector<1x16xf32>,
          %parallel_loop3A_1363 = vector.shape_cast %parallel_loop3A_1362 : vector<1x16xf32> to vector<16xf32>
          %parallel_loop3A_1364 = vector.shape_cast %parallel_loop3A_1359 : vector<16xf32> to vector<1x16xf32>
          tpu.vector_store %arg11[%parallel_loop3A_1360, %parallel_loop3A_1361], %parallel_loop3A_1364 {strides = array<i32>} : memref<128x128xf32, #tpu.memory_space<vmem>>, vector<1x16xf32>,
          %parallel_loop3A_1365 = arith.index_cast %parallel_loop3A_1334 : i32 to index
          %parallel_loop3A_1366 = arith.constant 48 : index
          %parallel_loop3A_1367 = tpu.vector_load %arg11[%parallel_loop3A_1365, %parallel_loop3A_1366] {strides = array<i32>} : memref<128x128xf32, #tpu.memory_space<vmem>>, vector<1x16xf32>,
          %parallel_loop3A_1368 = vector.shape_cast %parallel_loop3A_1367 : vector<1x16xf32> to vector<16xf32>
          %parallel_loop3A_1369 = arith.mulf %parallel_loop3A_1368, %parallel_loop3A_256 : vector<16xf32>
          %parallel_loop3A_1370 = arith.index_cast %parallel_loop3A_1334 : i32 to index
          %parallel_loop3A_1371 = arith.constant 48 : index
          %parallel_loop3A_1372 = tpu.vector_load %arg11[%parallel_loop3A_1370, %parallel_loop3A_1371] {strides = array<i32>} : memref<128x128xf32, #tpu.memory_space<vmem>>, vector<1x16xf32>,
          %parallel_loop3A_1373 = vector.shape_cast %parallel_loop3A_1372 : vector<1x16xf32> to vector<16xf32>
          %parallel_loop3A_1374 = vector.shape_cast %parallel_loop3A_1369 : vector<16xf32> to vector<1x16xf32>
          tpu.vector_store %arg11[%parallel_loop3A_1370, %parallel_loop3A_1371], %parallel_loop3A_1374 {strides = array<i32>} : memref<128x128xf32, #tpu.memory_space<vmem>>, vector<1x16xf32>,
          %parallel_loop3A_1375 = arith.index_cast %parallel_loop3A_1334 : i32 to index
          %parallel_loop3A_1376 = arith.constant 64 : index
          %parallel_loop3A_1377 = tpu.vector_load %arg11[%parallel_loop3A_1375, %parallel_loop3A_1376] {strides = array<i32>} : memref<128x128xf32, #tpu.memory_space<vmem>>, vector<1x16xf32>,
          %parallel_loop3A_1378 = vector.shape_cast %parallel_loop3A_1377 : vector<1x16xf32> to vector<16xf32>
          %parallel_loop3A_1379 = arith.mulf %parallel_loop3A_1378, %parallel_loop3A_256 : vector<16xf32>
          %parallel_loop3A_1380 = arith.index_cast %parallel_loop3A_1334 : i32 to index
          %parallel_loop3A_1381 = arith.constant 64 : index
          %parallel_loop3A_1382 = tpu.vector_load %arg11[%parallel_loop3A_1380, %parallel_loop3A_1381] {strides = array<i32>} : memref<128x128xf32, #tpu.memory_space<vmem>>, vector<1x16xf32>,
          %parallel_loop3A_1383 = vector.shape_cast %parallel_loop3A_1382 : vector<1x16xf32> to vector<16xf32>
          %parallel_loop3A_1384 = vector.shape_cast %parallel_loop3A_1379 : vector<16xf32> to vector<1x16xf32>
          tpu.vector_store %arg11[%parallel_loop3A_1380, %parallel_loop3A_1381], %parallel_loop3A_1384 {strides = array<i32>} : memref<128x128xf32, #tpu.memory_space<vmem>>, vector<1x16xf32>,
          %parallel_loop3A_1385 = arith.index_cast %parallel_loop3A_1334 : i32 to index
          %parallel_loop3A_1386 = arith.constant 80 : index
          %parallel_loop3A_1387 = tpu.vector_load %arg11[%parallel_loop3A_1385, %parallel_loop3A_1386] {strides = array<i32>} : memref<128x128xf32, #tpu.memory_space<vmem>>, vector<1x16xf32>,
          %parallel_loop3A_1388 = vector.shape_cast %parallel_loop3A_1387 : vector<1x16xf32> to vector<16xf32>
          %parallel_loop3A_1389 = arith.mulf %parallel_loop3A_1388, %parallel_loop3A_256 : vector<16xf32>
          %parallel_loop3A_1390 = arith.index_cast %parallel_loop3A_1334 : i32 to index
          %parallel_loop3A_1391 = arith.constant 80 : index
          %parallel_loop3A_1392 = tpu.vector_load %arg11[%parallel_loop3A_1390, %parallel_loop3A_1391] {strides = array<i32>} : memref<128x128xf32, #tpu.memory_space<vmem>>, vector<1x16xf32>,
          %parallel_loop3A_1393 = vector.shape_cast %parallel_loop3A_1392 : vector<1x16xf32> to vector<16xf32>
          %parallel_loop3A_1394 = vector.shape_cast %parallel_loop3A_1389 : vector<16xf32> to vector<1x16xf32>
          tpu.vector_store %arg11[%parallel_loop3A_1390, %parallel_loop3A_1391], %parallel_loop3A_1394 {strides = array<i32>} : memref<128x128xf32, #tpu.memory_space<vmem>>, vector<1x16xf32>,
          %parallel_loop3A_1395 = arith.index_cast %parallel_loop3A_1334 : i32 to index
          %parallel_loop3A_1396 = arith.constant 96 : index
          %parallel_loop3A_1397 = tpu.vector_load %arg11[%parallel_loop3A_1395, %parallel_loop3A_1396] {strides = array<i32>} : memref<128x128xf32, #tpu.memory_space<vmem>>, vector<1x16xf32>,
          %parallel_loop3A_1398 = vector.shape_cast %parallel_loop3A_1397 : vector<1x16xf32> to vector<16xf32>
          %parallel_loop3A_1399 = arith.mulf %parallel_loop3A_1398, %parallel_loop3A_256 : vector<16xf32>
          %parallel_loop3A_1400 = arith.index_cast %parallel_loop3A_1334 : i32 to index
          %parallel_loop3A_1401 = arith.constant 96 : index
          %parallel_loop3A_1402 = tpu.vector_load %arg11[%parallel_loop3A_1400, %parallel_loop3A_1401] {strides = array<i32>} : memref<128x128xf32, #tpu.memory_space<vmem>>, vector<1x16xf32>,
          %parallel_loop3A_1403 = vector.shape_cast %parallel_loop3A_1402 : vector<1x16xf32> to vector<16xf32>
          %parallel_loop3A_1404 = vector.shape_cast %parallel_loop3A_1399 : vector<16xf32> to vector<1x16xf32>
          tpu.vector_store %arg11[%parallel_loop3A_1400, %parallel_loop3A_1401], %parallel_loop3A_1404 {strides = array<i32>} : memref<128x128xf32, #tpu.memory_space<vmem>>, vector<1x16xf32>,
          %parallel_loop3A_1405 = arith.index_cast %parallel_loop3A_1334 : i32 to index
          %parallel_loop3A_1406 = arith.constant 112 : index
          %parallel_loop3A_1407 = tpu.vector_load %arg11[%parallel_loop3A_1405, %parallel_loop3A_1406] {strides = array<i32>} : memref<128x128xf32, #tpu.memory_space<vmem>>, vector<1x16xf32>,
          %parallel_loop3A_1408 = vector.shape_cast %parallel_loop3A_1407 : vector<1x16xf32> to vector<16xf32>
          %parallel_loop3A_1409 = arith.mulf %parallel_loop3A_1408, %parallel_loop3A_256 : vector<16xf32>
          %parallel_loop3A_1410 = arith.index_cast %parallel_loop3A_1334 : i32 to index
          %parallel_loop3A_1411 = arith.constant 112 : index
          %parallel_loop3A_1412 = tpu.vector_load %arg11[%parallel_loop3A_1410, %parallel_loop3A_1411] {strides = array<i32>} : memref<128x128xf32, #tpu.memory_space<vmem>>, vector<1x16xf32>,
          %parallel_loop3A_1413 = vector.shape_cast %parallel_loop3A_1412 : vector<1x16xf32> to vector<16xf32>
          %parallel_loop3A_1414 = vector.shape_cast %parallel_loop3A_1409 : vector<16xf32> to vector<1x16xf32>
          tpu.vector_store %arg11[%parallel_loop3A_1410, %parallel_loop3A_1411], %parallel_loop3A_1414 {strides = array<i32>} : memref<128x128xf32, #tpu.memory_space<vmem>>, vector<1x16xf32>,
          %parallel_loop3A_1415 = arith.constant 14 : i32
          %parallel_loop3A_1416 = arith.addi %parallel_loop3A_182, %parallel_loop3A_1415 : i32
          %parallel_loop3A_1417 = arith.index_cast %parallel_loop3A_1416 : i32 to index
          %parallel_loop3A_1418 = arith.constant 0 : index
          %parallel_loop3A_1419 = tpu.vector_load %arg11[%parallel_loop3A_1417, %parallel_loop3A_1418] {strides = array<i32>} : memref<128x128xf32, #tpu.memory_space<vmem>>, vector<1x16xf32>,
          %parallel_loop3A_1420 = vector.shape_cast %parallel_loop3A_1419 : vector<1x16xf32> to vector<16xf32>
          %parallel_loop3A_1421 = arith.mulf %parallel_loop3A_1420, %parallel_loop3A_261 : vector<16xf32>
          %parallel_loop3A_1422 = arith.index_cast %parallel_loop3A_1416 : i32 to index
          %parallel_loop3A_1423 = arith.constant 0 : index
          %parallel_loop3A_1424 = tpu.vector_load %arg11[%parallel_loop3A_1422, %parallel_loop3A_1423] {strides = array<i32>} : memref<128x128xf32, #tpu.memory_space<vmem>>, vector<1x16xf32>,
          %parallel_loop3A_1425 = vector.shape_cast %parallel_loop3A_1424 : vector<1x16xf32> to vector<16xf32>
          %parallel_loop3A_1426 = vector.shape_cast %parallel_loop3A_1421 : vector<16xf32> to vector<1x16xf32>
          tpu.vector_store %arg11[%parallel_loop3A_1422, %parallel_loop3A_1423], %parallel_loop3A_1426 {strides = array<i32>} : memref<128x128xf32, #tpu.memory_space<vmem>>, vector<1x16xf32>,
          %parallel_loop3A_1427 = arith.index_cast %parallel_loop3A_1416 : i32 to index
          %parallel_loop3A_1428 = arith.constant 16 : index
          %parallel_loop3A_1429 = tpu.vector_load %arg11[%parallel_loop3A_1427, %parallel_loop3A_1428] {strides = array<i32>} : memref<128x128xf32, #tpu.memory_space<vmem>>, vector<1x16xf32>,
          %parallel_loop3A_1430 = vector.shape_cast %parallel_loop3A_1429 : vector<1x16xf32> to vector<16xf32>
          %parallel_loop3A_1431 = arith.mulf %parallel_loop3A_1430, %parallel_loop3A_261 : vector<16xf32>
          %parallel_loop3A_1432 = arith.index_cast %parallel_loop3A_1416 : i32 to index
          %parallel_loop3A_1433 = arith.constant 16 : index
          %parallel_loop3A_1434 = tpu.vector_load %arg11[%parallel_loop3A_1432, %parallel_loop3A_1433] {strides = array<i32>} : memref<128x128xf32, #tpu.memory_space<vmem>>, vector<1x16xf32>,
          %parallel_loop3A_1435 = vector.shape_cast %parallel_loop3A_1434 : vector<1x16xf32> to vector<16xf32>
          %parallel_loop3A_1436 = vector.shape_cast %parallel_loop3A_1431 : vector<16xf32> to vector<1x16xf32>
          tpu.vector_store %arg11[%parallel_loop3A_1432, %parallel_loop3A_1433], %parallel_loop3A_1436 {strides = array<i32>} : memref<128x128xf32, #tpu.memory_space<vmem>>, vector<1x16xf32>,
          %parallel_loop3A_1437 = arith.index_cast %parallel_loop3A_1416 : i32 to index
          %parallel_loop3A_1438 = arith.constant 32 : index
          %parallel_loop3A_1439 = tpu.vector_load %arg11[%parallel_loop3A_1437, %parallel_loop3A_1438] {strides = array<i32>} : memref<128x128xf32, #tpu.memory_space<vmem>>, vector<1x16xf32>,
          %parallel_loop3A_1440 = vector.shape_cast %parallel_loop3A_1439 : vector<1x16xf32> to vector<16xf32>
          %parallel_loop3A_1441 = arith.mulf %parallel_loop3A_1440, %parallel_loop3A_261 : vector<16xf32>
          %parallel_loop3A_1442 = arith.index_cast %parallel_loop3A_1416 : i32 to index
          %parallel_loop3A_1443 = arith.constant 32 : index
          %parallel_loop3A_1444 = tpu.vector_load %arg11[%parallel_loop3A_1442, %parallel_loop3A_1443] {strides = array<i32>} : memref<128x128xf32, #tpu.memory_space<vmem>>, vector<1x16xf32>,
          %parallel_loop3A_1445 = vector.shape_cast %parallel_loop3A_1444 : vector<1x16xf32> to vector<16xf32>
          %parallel_loop3A_1446 = vector.shape_cast %parallel_loop3A_1441 : vector<16xf32> to vector<1x16xf32>
          tpu.vector_store %arg11[%parallel_loop3A_1442, %parallel_loop3A_1443], %parallel_loop3A_1446 {strides = array<i32>} : memref<128x128xf32, #tpu.memory_space<vmem>>, vector<1x16xf32>,
          %parallel_loop3A_1447 = arith.index_cast %parallel_loop3A_1416 : i32 to index
          %parallel_loop3A_1448 = arith.constant 48 : index
          %parallel_loop3A_1449 = tpu.vector_load %arg11[%parallel_loop3A_1447, %parallel_loop3A_1448] {strides = array<i32>} : memref<128x128xf32, #tpu.memory_space<vmem>>, vector<1x16xf32>,
          %parallel_loop3A_1450 = vector.shape_cast %parallel_loop3A_1449 : vector<1x16xf32> to vector<16xf32>
          %parallel_loop3A_1451 = arith.mulf %parallel_loop3A_1450, %parallel_loop3A_261 : vector<16xf32>
          %parallel_loop3A_1452 = arith.index_cast %parallel_loop3A_1416 : i32 to index
          %parallel_loop3A_1453 = arith.constant 48 : index
          %parallel_loop3A_1454 = tpu.vector_load %arg11[%parallel_loop3A_1452, %parallel_loop3A_1453] {strides = array<i32>} : memref<128x128xf32, #tpu.memory_space<vmem>>, vector<1x16xf32>,
          %parallel_loop3A_1455 = vector.shape_cast %parallel_loop3A_1454 : vector<1x16xf32> to vector<16xf32>
          %parallel_loop3A_1456 = vector.shape_cast %parallel_loop3A_1451 : vector<16xf32> to vector<1x16xf32>
          tpu.vector_store %arg11[%parallel_loop3A_1452, %parallel_loop3A_1453], %parallel_loop3A_1456 {strides = array<i32>} : memref<128x128xf32, #tpu.memory_space<vmem>>, vector<1x16xf32>,
          %parallel_loop3A_1457 = arith.index_cast %parallel_loop3A_1416 : i32 to index
          %parallel_loop3A_1458 = arith.constant 64 : index
          %parallel_loop3A_1459 = tpu.vector_load %arg11[%parallel_loop3A_1457, %parallel_loop3A_1458] {strides = array<i32>} : memref<128x128xf32, #tpu.memory_space<vmem>>, vector<1x16xf32>,
          %parallel_loop3A_1460 = vector.shape_cast %parallel_loop3A_1459 : vector<1x16xf32> to vector<16xf32>
          %parallel_loop3A_1461 = arith.mulf %parallel_loop3A_1460, %parallel_loop3A_261 : vector<16xf32>
          %parallel_loop3A_1462 = arith.index_cast %parallel_loop3A_1416 : i32 to index
          %parallel_loop3A_1463 = arith.constant 64 : index
          %parallel_loop3A_1464 = tpu.vector_load %arg11[%parallel_loop3A_1462, %parallel_loop3A_1463] {strides = array<i32>} : memref<128x128xf32, #tpu.memory_space<vmem>>, vector<1x16xf32>,
          %parallel_loop3A_1465 = vector.shape_cast %parallel_loop3A_1464 : vector<1x16xf32> to vector<16xf32>
          %parallel_loop3A_1466 = vector.shape_cast %parallel_loop3A_1461 : vector<16xf32> to vector<1x16xf32>
          tpu.vector_store %arg11[%parallel_loop3A_1462, %parallel_loop3A_1463], %parallel_loop3A_1466 {strides = array<i32>} : memref<128x128xf32, #tpu.memory_space<vmem>>, vector<1x16xf32>,
          %parallel_loop3A_1467 = arith.index_cast %parallel_loop3A_1416 : i32 to index
          %parallel_loop3A_1468 = arith.constant 80 : index
          %parallel_loop3A_1469 = tpu.vector_load %arg11[%parallel_loop3A_1467, %parallel_loop3A_1468] {strides = array<i32>} : memref<128x128xf32, #tpu.memory_space<vmem>>, vector<1x16xf32>,
          %parallel_loop3A_1470 = vector.shape_cast %parallel_loop3A_1469 : vector<1x16xf32> to vector<16xf32>
          %parallel_loop3A_1471 = arith.mulf %parallel_loop3A_1470, %parallel_loop3A_261 : vector<16xf32>
          %parallel_loop3A_1472 = arith.index_cast %parallel_loop3A_1416 : i32 to index
          %parallel_loop3A_1473 = arith.constant 80 : index
          %parallel_loop3A_1474 = tpu.vector_load %arg11[%parallel_loop3A_1472, %parallel_loop3A_1473] {strides = array<i32>} : memref<128x128xf32, #tpu.memory_space<vmem>>, vector<1x16xf32>,
          %parallel_loop3A_1475 = vector.shape_cast %parallel_loop3A_1474 : vector<1x16xf32> to vector<16xf32>
          %parallel_loop3A_1476 = vector.shape_cast %parallel_loop3A_1471 : vector<16xf32> to vector<1x16xf32>
          tpu.vector_store %arg11[%parallel_loop3A_1472, %parallel_loop3A_1473], %parallel_loop3A_1476 {strides = array<i32>} : memref<128x128xf32, #tpu.memory_space<vmem>>, vector<1x16xf32>,
          %parallel_loop3A_1477 = arith.index_cast %parallel_loop3A_1416 : i32 to index
          %parallel_loop3A_1478 = arith.constant 96 : index
          %parallel_loop3A_1479 = tpu.vector_load %arg11[%parallel_loop3A_1477, %parallel_loop3A_1478] {strides = array<i32>} : memref<128x128xf32, #tpu.memory_space<vmem>>, vector<1x16xf32>,
          %parallel_loop3A_1480 = vector.shape_cast %parallel_loop3A_1479 : vector<1x16xf32> to vector<16xf32>
          %parallel_loop3A_1481 = arith.mulf %parallel_loop3A_1480, %parallel_loop3A_261 : vector<16xf32>
          %parallel_loop3A_1482 = arith.index_cast %parallel_loop3A_1416 : i32 to index
          %parallel_loop3A_1483 = arith.constant 96 : index
          %parallel_loop3A_1484 = tpu.vector_load %arg11[%parallel_loop3A_1482, %parallel_loop3A_1483] {strides = array<i32>} : memref<128x128xf32, #tpu.memory_space<vmem>>, vector<1x16xf32>,
          %parallel_loop3A_1485 = vector.shape_cast %parallel_loop3A_1484 : vector<1x16xf32> to vector<16xf32>
          %parallel_loop3A_1486 = vector.shape_cast %parallel_loop3A_1481 : vector<16xf32> to vector<1x16xf32>
          tpu.vector_store %arg11[%parallel_loop3A_1482, %parallel_loop3A_1483], %parallel_loop3A_1486 {strides = array<i32>} : memref<128x128xf32, #tpu.memory_space<vmem>>, vector<1x16xf32>,
          %parallel_loop3A_1487 = arith.index_cast %parallel_loop3A_1416 : i32 to index
          %parallel_loop3A_1488 = arith.constant 112 : index
          %parallel_loop3A_1489 = tpu.vector_load %arg11[%parallel_loop3A_1487, %parallel_loop3A_1488] {strides = array<i32>} : memref<128x128xf32, #tpu.memory_space<vmem>>, vector<1x16xf32>,
          %parallel_loop3A_1490 = vector.shape_cast %parallel_loop3A_1489 : vector<1x16xf32> to vector<16xf32>
          %parallel_loop3A_1491 = arith.mulf %parallel_loop3A_1490, %parallel_loop3A_261 : vector<16xf32>
          %parallel_loop3A_1492 = arith.index_cast %parallel_loop3A_1416 : i32 to index
          %parallel_loop3A_1493 = arith.constant 112 : index
          %parallel_loop3A_1494 = tpu.vector_load %arg11[%parallel_loop3A_1492, %parallel_loop3A_1493] {strides = array<i32>} : memref<128x128xf32, #tpu.memory_space<vmem>>, vector<1x16xf32>,
          %parallel_loop3A_1495 = vector.shape_cast %parallel_loop3A_1494 : vector<1x16xf32> to vector<16xf32>
          %parallel_loop3A_1496 = vector.shape_cast %parallel_loop3A_1491 : vector<16xf32> to vector<1x16xf32>
          tpu.vector_store %arg11[%parallel_loop3A_1492, %parallel_loop3A_1493], %parallel_loop3A_1496 {strides = array<i32>} : memref<128x128xf32, #tpu.memory_space<vmem>>, vector<1x16xf32>,
          %parallel_loop3A_1497 = arith.constant 15 : i32
          %parallel_loop3A_1498 = arith.addi %parallel_loop3A_182, %parallel_loop3A_1497 : i32
          %parallel_loop3A_1499 = arith.index_cast %parallel_loop3A_1498 : i32 to index
          %parallel_loop3A_1500 = arith.constant 0 : index
          %parallel_loop3A_1501 = tpu.vector_load %arg11[%parallel_loop3A_1499, %parallel_loop3A_1500] {strides = array<i32>} : memref<128x128xf32, #tpu.memory_space<vmem>>, vector<1x16xf32>,
          %parallel_loop3A_1502 = vector.shape_cast %parallel_loop3A_1501 : vector<1x16xf32> to vector<16xf32>
          %parallel_loop3A_1503 = arith.mulf %parallel_loop3A_1502, %parallel_loop3A_266 : vector<16xf32>
          %parallel_loop3A_1504 = arith.index_cast %parallel_loop3A_1498 : i32 to index
          %parallel_loop3A_1505 = arith.constant 0 : index
          %parallel_loop3A_1506 = tpu.vector_load %arg11[%parallel_loop3A_1504, %parallel_loop3A_1505] {strides = array<i32>} : memref<128x128xf32, #tpu.memory_space<vmem>>, vector<1x16xf32>,
          %parallel_loop3A_1507 = vector.shape_cast %parallel_loop3A_1506 : vector<1x16xf32> to vector<16xf32>
          %parallel_loop3A_1508 = vector.shape_cast %parallel_loop3A_1503 : vector<16xf32> to vector<1x16xf32>
          tpu.vector_store %arg11[%parallel_loop3A_1504, %parallel_loop3A_1505], %parallel_loop3A_1508 {strides = array<i32>} : memref<128x128xf32, #tpu.memory_space<vmem>>, vector<1x16xf32>,
          %parallel_loop3A_1509 = arith.index_cast %parallel_loop3A_1498 : i32 to index
          %parallel_loop3A_1510 = arith.constant 16 : index
          %parallel_loop3A_1511 = tpu.vector_load %arg11[%parallel_loop3A_1509, %parallel_loop3A_1510] {strides = array<i32>} : memref<128x128xf32, #tpu.memory_space<vmem>>, vector<1x16xf32>,
          %parallel_loop3A_1512 = vector.shape_cast %parallel_loop3A_1511 : vector<1x16xf32> to vector<16xf32>
          %parallel_loop3A_1513 = arith.mulf %parallel_loop3A_1512, %parallel_loop3A_266 : vector<16xf32>
          %parallel_loop3A_1514 = arith.index_cast %parallel_loop3A_1498 : i32 to index
          %parallel_loop3A_1515 = arith.constant 16 : index
          %parallel_loop3A_1516 = tpu.vector_load %arg11[%parallel_loop3A_1514, %parallel_loop3A_1515] {strides = array<i32>} : memref<128x128xf32, #tpu.memory_space<vmem>>, vector<1x16xf32>,
          %parallel_loop3A_1517 = vector.shape_cast %parallel_loop3A_1516 : vector<1x16xf32> to vector<16xf32>
          %parallel_loop3A_1518 = vector.shape_cast %parallel_loop3A_1513 : vector<16xf32> to vector<1x16xf32>
          tpu.vector_store %arg11[%parallel_loop3A_1514, %parallel_loop3A_1515], %parallel_loop3A_1518 {strides = array<i32>} : memref<128x128xf32, #tpu.memory_space<vmem>>, vector<1x16xf32>,
          %parallel_loop3A_1519 = arith.index_cast %parallel_loop3A_1498 : i32 to index
          %parallel_loop3A_1520 = arith.constant 32 : index
          %parallel_loop3A_1521 = tpu.vector_load %arg11[%parallel_loop3A_1519, %parallel_loop3A_1520] {strides = array<i32>} : memref<128x128xf32, #tpu.memory_space<vmem>>, vector<1x16xf32>,
          %parallel_loop3A_1522 = vector.shape_cast %parallel_loop3A_1521 : vector<1x16xf32> to vector<16xf32>
          %parallel_loop3A_1523 = arith.mulf %parallel_loop3A_1522, %parallel_loop3A_266 : vector<16xf32>
          %parallel_loop3A_1524 = arith.index_cast %parallel_loop3A_1498 : i32 to index
          %parallel_loop3A_1525 = arith.constant 32 : index
          %parallel_loop3A_1526 = tpu.vector_load %arg11[%parallel_loop3A_1524, %parallel_loop3A_1525] {strides = array<i32>} : memref<128x128xf32, #tpu.memory_space<vmem>>, vector<1x16xf32>,
          %parallel_loop3A_1527 = vector.shape_cast %parallel_loop3A_1526 : vector<1x16xf32> to vector<16xf32>
          %parallel_loop3A_1528 = vector.shape_cast %parallel_loop3A_1523 : vector<16xf32> to vector<1x16xf32>
          tpu.vector_store %arg11[%parallel_loop3A_1524, %parallel_loop3A_1525], %parallel_loop3A_1528 {strides = array<i32>} : memref<128x128xf32, #tpu.memory_space<vmem>>, vector<1x16xf32>,
          %parallel_loop3A_1529 = arith.index_cast %parallel_loop3A_1498 : i32 to index
          %parallel_loop3A_1530 = arith.constant 48 : index
          %parallel_loop3A_1531 = tpu.vector_load %arg11[%parallel_loop3A_1529, %parallel_loop3A_1530] {strides = array<i32>} : memref<128x128xf32, #tpu.memory_space<vmem>>, vector<1x16xf32>,
          %parallel_loop3A_1532 = vector.shape_cast %parallel_loop3A_1531 : vector<1x16xf32> to vector<16xf32>
          %parallel_loop3A_1533 = arith.mulf %parallel_loop3A_1532, %parallel_loop3A_266 : vector<16xf32>
          %parallel_loop3A_1534 = arith.index_cast %parallel_loop3A_1498 : i32 to index
          %parallel_loop3A_1535 = arith.constant 48 : index
          %parallel_loop3A_1536 = tpu.vector_load %arg11[%parallel_loop3A_1534, %parallel_loop3A_1535] {strides = array<i32>} : memref<128x128xf32, #tpu.memory_space<vmem>>, vector<1x16xf32>,
          %parallel_loop3A_1537 = vector.shape_cast %parallel_loop3A_1536 : vector<1x16xf32> to vector<16xf32>
          %parallel_loop3A_1538 = vector.shape_cast %parallel_loop3A_1533 : vector<16xf32> to vector<1x16xf32>
          tpu.vector_store %arg11[%parallel_loop3A_1534, %parallel_loop3A_1535], %parallel_loop3A_1538 {strides = array<i32>} : memref<128x128xf32, #tpu.memory_space<vmem>>, vector<1x16xf32>,
          %parallel_loop3A_1539 = arith.index_cast %parallel_loop3A_1498 : i32 to index
          %parallel_loop3A_1540 = arith.constant 64 : index
          %parallel_loop3A_1541 = tpu.vector_load %arg11[%parallel_loop3A_1539, %parallel_loop3A_1540] {strides = array<i32>} : memref<128x128xf32, #tpu.memory_space<vmem>>, vector<1x16xf32>,
          %parallel_loop3A_1542 = vector.shape_cast %parallel_loop3A_1541 : vector<1x16xf32> to vector<16xf32>
          %parallel_loop3A_1543 = arith.mulf %parallel_loop3A_1542, %parallel_loop3A_266 : vector<16xf32>
          %parallel_loop3A_1544 = arith.index_cast %parallel_loop3A_1498 : i32 to index
          %parallel_loop3A_1545 = arith.constant 64 : index
          %parallel_loop3A_1546 = tpu.vector_load %arg11[%parallel_loop3A_1544, %parallel_loop3A_1545] {strides = array<i32>} : memref<128x128xf32, #tpu.memory_space<vmem>>, vector<1x16xf32>,
          %parallel_loop3A_1547 = vector.shape_cast %parallel_loop3A_1546 : vector<1x16xf32> to vector<16xf32>
          %parallel_loop3A_1548 = vector.shape_cast %parallel_loop3A_1543 : vector<16xf32> to vector<1x16xf32>
          tpu.vector_store %arg11[%parallel_loop3A_1544, %parallel_loop3A_1545], %parallel_loop3A_1548 {strides = array<i32>} : memref<128x128xf32, #tpu.memory_space<vmem>>, vector<1x16xf32>,
          %parallel_loop3A_1549 = arith.index_cast %parallel_loop3A_1498 : i32 to index
          %parallel_loop3A_1550 = arith.constant 80 : index
          %parallel_loop3A_1551 = tpu.vector_load %arg11[%parallel_loop3A_1549, %parallel_loop3A_1550] {strides = array<i32>} : memref<128x128xf32, #tpu.memory_space<vmem>>, vector<1x16xf32>,
          %parallel_loop3A_1552 = vector.shape_cast %parallel_loop3A_1551 : vector<1x16xf32> to vector<16xf32>
          %parallel_loop3A_1553 = arith.mulf %parallel_loop3A_1552, %parallel_loop3A_266 : vector<16xf32>
          %parallel_loop3A_1554 = arith.index_cast %parallel_loop3A_1498 : i32 to index
          %parallel_loop3A_1555 = arith.constant 80 : index
          %parallel_loop3A_1556 = tpu.vector_load %arg11[%parallel_loop3A_1554, %parallel_loop3A_1555] {strides = array<i32>} : memref<128x128xf32, #tpu.memory_space<vmem>>, vector<1x16xf32>,
          %parallel_loop3A_1557 = vector.shape_cast %parallel_loop3A_1556 : vector<1x16xf32> to vector<16xf32>
          %parallel_loop3A_1558 = vector.shape_cast %parallel_loop3A_1553 : vector<16xf32> to vector<1x16xf32>
          tpu.vector_store %arg11[%parallel_loop3A_1554, %parallel_loop3A_1555], %parallel_loop3A_1558 {strides = array<i32>} : memref<128x128xf32, #tpu.memory_space<vmem>>, vector<1x16xf32>,
          %parallel_loop3A_1559 = arith.index_cast %parallel_loop3A_1498 : i32 to index
          %parallel_loop3A_1560 = arith.constant 96 : index
          %parallel_loop3A_1561 = tpu.vector_load %arg11[%parallel_loop3A_1559, %parallel_loop3A_1560] {strides = array<i32>} : memref<128x128xf32, #tpu.memory_space<vmem>>, vector<1x16xf32>,
          %parallel_loop3A_1562 = vector.shape_cast %parallel_loop3A_1561 : vector<1x16xf32> to vector<16xf32>
          %parallel_loop3A_1563 = arith.mulf %parallel_loop3A_1562, %parallel_loop3A_266 : vector<16xf32>
          %parallel_loop3A_1564 = arith.index_cast %parallel_loop3A_1498 : i32 to index
          %parallel_loop3A_1565 = arith.constant 96 : index
          %parallel_loop3A_1566 = tpu.vector_load %arg11[%parallel_loop3A_1564, %parallel_loop3A_1565] {strides = array<i32>} : memref<128x128xf32, #tpu.memory_space<vmem>>, vector<1x16xf32>,
          %parallel_loop3A_1567 = vector.shape_cast %parallel_loop3A_1566 : vector<1x16xf32> to vector<16xf32>
          %parallel_loop3A_1568 = vector.shape_cast %parallel_loop3A_1563 : vector<16xf32> to vector<1x16xf32>
          tpu.vector_store %arg11[%parallel_loop3A_1564, %parallel_loop3A_1565], %parallel_loop3A_1568 {strides = array<i32>} : memref<128x128xf32, #tpu.memory_space<vmem>>, vector<1x16xf32>,
          %parallel_loop3A_1569 = arith.index_cast %parallel_loop3A_1498 : i32 to index
          %parallel_loop3A_1570 = arith.constant 112 : index
          %parallel_loop3A_1571 = tpu.vector_load %arg11[%parallel_loop3A_1569, %parallel_loop3A_1570] {strides = array<i32>} : memref<128x128xf32, #tpu.memory_space<vmem>>, vector<1x16xf32>,
          %parallel_loop3A_1572 = vector.shape_cast %parallel_loop3A_1571 : vector<1x16xf32> to vector<16xf32>
          %parallel_loop3A_1573 = arith.mulf %parallel_loop3A_1572, %parallel_loop3A_266 : vector<16xf32>
          %parallel_loop3A_1574 = arith.index_cast %parallel_loop3A_1498 : i32 to index
          %parallel_loop3A_1575 = arith.constant 112 : index
          %parallel_loop3A_1576 = tpu.vector_load %arg11[%parallel_loop3A_1574, %parallel_loop3A_1575] {strides = array<i32>} : memref<128x128xf32, #tpu.memory_space<vmem>>, vector<1x16xf32>,
          %parallel_loop3A_1577 = vector.shape_cast %parallel_loop3A_1576 : vector<1x16xf32> to vector<16xf32>
          %parallel_loop3A_1578 = vector.shape_cast %parallel_loop3A_1573 : vector<16xf32> to vector<1x16xf32>
          tpu.vector_store %arg11[%parallel_loop3A_1574, %parallel_loop3A_1575], %parallel_loop3A_1578 {strides = array<i32>} : memref<128x128xf32, #tpu.memory_space<vmem>>, vector<1x16xf32>,
        } {sc.loop_unroll_factor = 2 : i64, sc.parallel_access}
        %dma_start3A_172 = arith.constant 0 : i32
        %dma_start3A_173 = tpu.memref_slice %arg7[%add3A_149, %dma_start3A_172] : memref<40x128xi32, #tpu.memory_space<vmem>> -> memref<1x128xi32, #tpu.memory_space<vmem>>
        %dma_start3A_174 = tpu.memref_squeeze %dma_start3A_173 : memref<1x128xi32, #tpu.memory_space<vmem>> -> memref<128xi32, #tpu.memory_space<vmem>>
        %dma_start3A_175 = arith.constant 0 : i32
        %dma_start3A_176 = arith.constant 0 : i32
        %dma_start3A_177 = tpu.memref_slice %arg16[%dma_start3A_175, %dma_start3A_176] : memref<10000x128xf32, #tpu.memory_space<vmem_shared>> -> memref<10000x128xf32, #tpu.memory_space<vmem_shared>>
        tpu.enqueue_indirect_dma source(%arg11 : memref<128x128xf32, #tpu.memory_space<vmem>>) target(%dma_start3A_177 : memref<10000x128xf32, #tpu.memory_space<vmem_shared>>) offsets(%dma_start3A_174 : memref<128xi32, #tpu.memory_space<vmem>>) semaphore(%arg15 : memref<!tpu.dma_semaphore, #tpu.memory_space<semaphore_mem>>) {add = true}
        %scan3A_178 = arith.constant 0 : i32
        scf.yield %scan3A_178 : i32
      }
      %scan3A_106 = arith.constant 20 : i32
      %dma_wait3A_107 = arith.constant 0 : i32
      %dma_wait3A_108 = arith.constant 0 : i32
      %dma_wait3A_109 = tpu.memref_slice %arg7[%dma_wait3A_107, %dma_wait3A_108] : memref<40x128xi32, #tpu.memory_space<vmem>> -> memref<1x128xi32, #tpu.memory_space<vmem>>
      %dma_wait3A_110 = tpu.memref_squeeze %dma_wait3A_109 : memref<1x128xi32, #tpu.memory_space<vmem>> -> memref<128xi32, #tpu.memory_space<vmem>>
      %dma_wait3A_111 = arith.constant 0 : i32
      %dma_wait3A_112 = arith.constant 0 : i32
      %dma_wait3A_113 = tpu.memref_slice %arg16[%dma_wait3A_111, %dma_wait3A_112] : memref<10000x128xf32, #tpu.memory_space<vmem_shared>> -> memref<10000x128xf32, #tpu.memory_space<vmem_shared>>
      tpu.wait_indirect_dma semaphore(%arg15 : memref<!tpu.dma_semaphore, #tpu.memory_space<semaphore_mem>>) src(%arg11 : memref<128x128xf32, #tpu.memory_space<vmem>>) dst(%dma_wait3A_113 : memref<10000x128xf32, #tpu.memory_space<vmem_shared>>)
      %scan3A_114 = arith.constant 0 : i32
      scf.yield %scan3A_114 : i32
    }
    %scan3A_45 = arith.constant 2 : i32
    %barrier3A_46 = arith.constant 0 : index
    tpu.barrier barrier_id(%barrier3A_46)
    %mul3A_47 = arith.constant 128 : i32
    %mul3A_48 = arith.muli %arg0, %mul3A_47 : i32
    %multiple_of3A_49 = tpu.assume_multiple %mul3A_48, 128 : i32
    %lt3A_50 = arith.constant 15 : i32
    %lt3A_51 = arith.cmpi slt, %arg1, %lt3A_50 : i32
    %convert_element_type3A_52 = arith.extui %lt3A_51 : i1 to i32
    %cond3A_53 = arith.constant 0 : i32
    %cond3A_54 = arith.cmpi ne, %convert_element_type3A_52, %cond3A_53 : i32
    scf.if %cond3A_54 {
      "tpu.region"() ({
        %run_scoped3A = tpu.sem_alloc : memref<!tpu.dma_semaphore, #tpu.memory_space<semaphore_mem>>
        %dma_start3A_60 = tpu.memref_slice %arg6[%multiple_of3A, %multiple_of3A_49] : memref<10000x256xf32, #tpu.memory_space<hbm>> -> memref<640x128xf32, #tpu.memory_space<hbm>>
        %dma_start3A_61 = arith.constant 0 : i32
        %dma_start3A_62 = tpu.memref_slice %arg16[%multiple_of3A, %dma_start3A_61] : memref<10000x128xf32, #tpu.memory_space<vmem_shared>> -> memref<640x128xf32, #tpu.memory_space<vmem_shared>>
        tpu.enqueue_dma source(%dma_start3A_62 : memref<640x128xf32, #tpu.memory_space<vmem_shared>>) target(%dma_start3A_60 : memref<640x128xf32, #tpu.memory_space<hbm>>) target_semaphore(%run_scoped3A : memref<!tpu.dma_semaphore, #tpu.memory_space<semaphore_mem>>)
        %dma_wait3A = tpu.memref_slice %arg6[%multiple_of3A, %multiple_of3A_49] : memref<10000x256xf32, #tpu.memory_space<hbm>> -> memref<640x128xf32, #tpu.memory_space<hbm>>
        %dma_wait3A_63 = arith.constant 0 : i32
        %dma_wait3A_64 = tpu.memref_slice %arg16[%multiple_of3A, %dma_wait3A_63] : memref<10000x128xf32, #tpu.memory_space<vmem_shared>> -> memref<640x128xf32, #tpu.memory_space<vmem_shared>>
        tpu.wait_dma2 semaphore(%run_scoped3A : memref<!tpu.dma_semaphore, #tpu.memory_space<semaphore_mem>>) src(%dma_wait3A_64 : memref<640x128xf32, #tpu.memory_space<vmem_shared>>) dst(%dma_wait3A : memref<640x128xf32, #tpu.memory_space<hbm>>)
        tpu.yield
      }) : () -> ()
    } else {
    }
    %eq3A_55 = arith.constant 15 : i32
    %eq3A_56 = arith.cmpi eq, %arg1, %eq3A_55 : i32
    %convert_element_type3A_57 = arith.extui %eq3A_56 : i1 to i32
    %cond3A_58 = arith.constant 0 : i32
    %cond3A_59 = arith.cmpi ne, %convert_element_type3A_57, %cond3A_58 : i32
    scf.if %cond3A_59 {
      "tpu.region"() ({
        %run_scoped3A = tpu.sem_alloc : memref<!tpu.dma_semaphore, #tpu.memory_space<semaphore_mem>>
        %dma_start3A_60 = tpu.memref_slice %arg6[%multiple_of3A, %multiple_of3A_49] : memref<10000x256xf32, #tpu.memory_space<hbm>> -> memref<400x128xf32, #tpu.memory_space<hbm>>
        %dma_start3A_61 = arith.constant 0 : i32
        %dma_start3A_62 = tpu.memref_slice %arg16[%multiple_of3A, %dma_start3A_61] : memref<10000x128xf32, #tpu.memory_space<vmem_shared>> -> memref<400x128xf32, #tpu.memory_space<vmem_shared>>
        tpu.enqueue_dma source(%dma_start3A_62 : memref<400x128xf32, #tpu.memory_space<vmem_shared>>) target(%dma_start3A_60 : memref<400x128xf32, #tpu.memory_space<hbm>>) target_semaphore(%run_scoped3A : memref<!tpu.dma_semaphore, #tpu.memory_space<semaphore_mem>>)
        %dma_wait3A = tpu.memref_slice %arg6[%multiple_of3A, %multiple_of3A_49] : memref<10000x256xf32, #tpu.memory_space<hbm>> -> memref<400x128xf32, #tpu.memory_space<hbm>>
        %dma_wait3A_63 = arith.constant 0 : i32
        %dma_wait3A_64 = tpu.memref_slice %arg16[%multiple_of3A, %dma_wait3A_63] : memref<10000x128xf32, #tpu.memory_space<vmem_shared>> -> memref<400x128xf32, #tpu.memory_space<vmem_shared>>
        tpu.wait_dma2 semaphore(%run_scoped3A : memref<!tpu.dma_semaphore, #tpu.memory_space<semaphore_mem>>) src(%dma_wait3A_64 : memref<400x128xf32, #tpu.memory_space<vmem_shared>>) dst(%dma_wait3A : memref<400x128xf32, #tpu.memory_space<hbm>>)
        tpu.yield
      }) : () -> ()
    } else {
    }
    return
  }
}

module attributes {stable_mosaic.version = 14 : i64} {
  func.func @_matmul_body(%arg0: i32, %arg1: i32, %arg2: memref<1000x256xf32, #tpu.memory_space<vmem>>, %arg3: memref<128x256xf32, #tpu.memory_space<vmem>>, %arg4: memref<1x1x128xf32, #tpu.memory_space<vmem>>, %arg5: memref<1x1000x128xf32, #tpu.memory_space<vmem>>) attributes {dimension_semantics = [#tpu.dimension_semantics<arbitrary>, #tpu.dimension_semantics<arbitrary>], iteration_bounds = array<i64: 2, 10>, scalar_prefetch = 0 : i64, scratch_operands = 0 : i64, tpu.core_type = #tpu.core_type<tc>, window_params = [{transform_indices = @transform_0, window_bounds = array<i64: 1000, 256>}, {transform_indices = @transform_1, window_bounds = array<i64: 128, 256>}, {transform_indices = @transform_2, window_bounds = array<i64: 1, 1, 128>}, {transform_indices = @transform_3, window_bounds = array<i64: 1, 1000, 128>}]} {
    %get3A = arith.constant 0 : index
    %get3A_0 = arith.constant 0 : index
    %get3A_1 = vector.load %arg2[%get3A, %get3A_0] : memref<1000x256xf32, #tpu.memory_space<vmem>>, vector<1000x256xf32>
    %get3A_2 = arith.constant 0 : index
    %get3A_3 = arith.constant 0 : index
    %get3A_4 = vector.load %arg3[%get3A_2, %get3A_3] : memref<128x256xf32, #tpu.memory_space<vmem>>, vector<128x256xf32>
    %dot_general3A = arith.constant dense<0.000000e+00> : vector<1000x128xf32>
    %dot_general3A_5 = tpu.matmul %get3A_1, %get3A_4, %dot_general3A {dimension_numbers = #tpu.dot_dimension_numbers<[1], [1], [0], [0], [0, 0, 1, 0], [], []>, transpose_lhs_hint = false} : vector<1000x256xf32>, vector<128x256xf32>, vector<1000x128xf32> -> vector<1000x128xf32>
    %get3A_6 = arith.constant 0 : index
    %get3A_7 = arith.constant 0 : index
    %get3A_8 = arith.constant 0 : index
    %get3A_9 = vector.load %arg4[%get3A_6, %get3A_7, %get3A_8] : memref<1x1x128xf32, #tpu.memory_space<vmem>>, vector<1x1x128xf32>
    %get3A_10 = vector.shape_cast %get3A_9 : vector<1x1x128xf32> to vector<1x128xf32>
    %add3A = vector.broadcast %get3A_10 : vector<1x128xf32> to vector<1000x128xf32>
    %add3A_11 = arith.addf %dot_general3A_5, %add3A : vector<1000x128xf32>
    %swap3A = arith.constant 0 : index
    %swap3A_12 = arith.constant 0 : index
    %swap3A_13 = arith.constant 0 : index
    %swap3A_14 = vector.load %arg5[%swap3A, %swap3A_12, %swap3A_13] : memref<1x1000x128xf32, #tpu.memory_space<vmem>>, vector<1x1000x128xf32>
    %swap3A_15 = vector.shape_cast %swap3A_14 : vector<1x1000x128xf32> to vector<1000x128xf32>
    %swap3A_16 = vector.shape_cast %add3A_11 : vector<1000x128xf32> to vector<1x1000x128xf32>
    tpu.vector_store %arg5[%swap3A, %swap3A_12, %swap3A_13], %swap3A_16 {strides = array<i32>} : memref<1x1000x128xf32, #tpu.memory_space<vmem>>, vector<1x1000x128xf32>,
    return
  }
  func.func @transform_0(%arg0: i32, %arg1: i32) -> (i32, i32) {
    %c0_i32 = arith.constant 0 : i32
    %c0_i32_0 = arith.constant 0 : i32
    return %arg1, %c0_i32 : i32, i32
  }
  func.func @transform_1(%arg0: i32, %arg1: i32) -> (i32, i32) {
    %c0_i32 = arith.constant 0 : i32
    %c0_i32_0 = arith.constant 0 : i32
    return %arg0, %c0_i32 : i32, i32
  }
  func.func @transform_2(%arg0: i32, %arg1: i32) -> (i32, i32, i32) {
    %c0_i32 = arith.constant 0 : i32
    %c0_i32_0 = arith.constant 0 : i32
    %c0_i32_1 = arith.constant 0 : i32
    return %arg0, %c0_i32, %c0_i32_0 : i32, i32, i32
  }
  func.func @transform_3(%arg0: i32, %arg1: i32) -> (i32, i32, i32) {
    %c0_i32 = arith.constant 0 : i32
    %c0_i32_0 = arith.constant 0 : i32
    return %arg0, %arg1, %c0_i32 : i32, i32, i32
  }
}

</mosaic_0001>

<sc_bundles>
// kernel: kernel.4.cloned.1.call-start
scs
__scs_entry_jumppad:
0x0: {  	(pc) =	sbr.rel $0x88, $3  }
0x1: {  	(tag) =	ssettag $0x0;
	lr =	simm.s32 $0x1  }
0x2: {  	[smem:$0x3F9C] =	sst lr;
	_ =	strace $0xD0000000  }
0x3: {  	_ = 	snop  }
0x4: {  	_ = 	snop  }
0x5: {  	_ = 	snop  }
0x6: {  	_ = 	snop  }
0x7: {  	_ = 	snop  }
__scs_overlays_trampoline_lowered:
0x8: {  	[smem:$0x3FAB] =	sst s0  }
0x9: {  	[smem:$0x3FAC] =	sst s1  }
0xa: {  	[smem:$0x3FAD] =	sst s2  }
0xb: {  	[smem:$0x3FAE] =	sst s3  }
0xc: {  	[smem:$0x3FAF] =	sst s4  }
0xd: {  	[smem:$0x3FB0] =	sst s5  }
0xe: {  	[smem:$0x3FB1] =	sst s6  }
0xf: {  	[smem:$0x3FB2] =	sst s7  }
0x10: {  	[smem:$0x3FB3] =	sst s8  }
0x11: {  	[smem:$0x3FB4] =	sst s9;
	s0 =	simm.s32 @!p0 $0x0  }
0x12: {  	s1 =	sld [smem:$0x3F9A];
	s0 =	simm.s32 @p0 $0x1  }
0x13: {  	[smem:$0x3FB5] =	sst s0;
	s0 =	simm.s32 @!p1 $0x0  }
0x14: {  	s2 =	sld [smem:$0x3F99];
	s0 =	simm.s32 @p1 $0x1  }
0x15: {  	[smem:$0x3FB6] =	sst s0;
	s0 =	simm.s32 @!p2 $0x0  }
0x16: {  	s3 =	sld [smem:$0x3FDB];
	s0 =	simm.s32 @p2 $0x1  }
0x17: {  	s4 =	simm.s32 $0x1BF5;
	[smem:$0x3FB8] =	sst s0  }
0x18: {  	s0 =	sld [smem:$0x3F9B];
	_ =	swait.ge [sflag:s4], $0x0  }
0x19: {  	s7 =	sld [smem:$0x3F9C]  }
0x1a: {  	s8 =	sadd.s32 $0xFFFFE003, lr  }
0x1b: {  	s9 =	sadd.s32 $0xFFFFFEF7, lr;
	s5 =	simm.s32 $0xFFFFFFFF;
	p2 =	slt.u32 s8, $0xFFFFF086  }
0x1c: {  	p1 =	slt.u32 s9, $0xF7A;
	s5 =	simm.s32 @!p2 $0x0  }
0x1d: {  	s5 =	simm.s32 @p1 $0x1;
	p0 =	seq.s32 s7, s2  }
0x1e: {  	s7 =	smul.u32 @!p0 $0xF7A, s2;
	p2 =	seq.s32 @!p0 s5, $0x0  }
0x1f: {  	s9 =	smul.u32 $0xF7A, s1;
	s8 =	simm.s32 @!p0 $0x1BF5;
	p2 =	por !p2, p0  }
0x20: {  	[sflag:s8] =	ssyncset.s32 @!p0 $0xFFFFF086;
	s6 =	sadd.s32 @!p0 s3, s7;
	s7 =	simm.s32 @!p0 $0x108  }
0x21: {  	s3 =	sadd.s32 s3, s9;
	s6 =	sadd.s32 @!p0 $0x88, s6;
	s7 =	simm.s32 @p2 $0x1082  }
0x22: {  	[simem:s7], [sflag:s8] =	dma.local @!p0 [hbm:s6], $0xF7A  }
0x23: {  	s9 =	sor.u32 $0xD0000000, s2;
	s6 =	simm.s32 $0x108;
	_ =	swait.ge @!p0 [sflag:s8], $0x0  }
0x24: {  	s3 =	sadd.s32 $0x88, s3;
	s6 =	simm.s32 @!p1 $0x1082;
	[sflag:s4] =	ssyncset.s32 $0xFFFFF086  }
0x25: {  	[simem:s6], [sflag:s4] =	dma.local [hbm:s3], $0xF7A  }
0x26: {  	[smem:$0x3F9C] =	sst s1;
	(tag) =	ssettag s2;
	_ =	strace s9  }
0x27: {  	s1 =	sld [smem:$0x3FAC]  }
0x28: {  	s2 =	sld [smem:$0x3FAD]  }
0x29: {  	s4 =	sld [smem:$0x3FAF]  }
0x2a: {  	p0 =	seq.s32 s5, $0x0;
	s5 =	sld [smem:$0x3FB0]  }
0x2b: {  	s6 =	sld [smem:$0x3FB1]  }
0x2c: {  	s7 =	sld [smem:$0x3FB2]  }
0x2d: {  	s3 =	simm.s32 $0x108;
	s8 =	sld [smem:$0x3FB3]  }
0x2e: {  	s3 =	simm.s32 @!p0 $0x1082;
	s9 =	sld [smem:$0x3FB4]  }
0x2f: {  	lr =	sadd.s32 s0, s3;
	s0 =	sld [smem:$0x3FAB]  }
0x30: {  	s3 =	sld [smem:$0x3FAE]  }
0x31: {  	[smem:$0x3FB7] =	sst s10  }
0x32: {  	s10 =	sld [smem:$0x3FB5];
	_ =	sdelay $0x3  }
0x33: {  	p0 =	seq.s32 s10, $0x1;
	s10 =	sld [smem:$0x3FB7];
	_ =	sdelay $0x3  }
0x34: {  	[smem:$0x3FB7] =	sst s10  }
0x35: {  	s10 =	sld [smem:$0x3FB6];
	_ =	sdelay $0x3  }
0x36: {  	p1 =	seq.s32 s10, $0x1;
	s10 =	sld [smem:$0x3FB7];
	_ =	sdelay $0x3  }
0x37: {  	[smem:$0x3FB7] =	sst s10  }
0x38: {  	s10 =	sld [smem:$0x3FB8]  }
0x39: {  	_ = 	snop;
	(pc) =	sbr.ind lr, $3  }
0x3a: {  	_ = 	snop  }
0x3b: {  	_ = 	snop  }
0x3c: {  	p2 =	seq.s32 s10, $0x1;
	s10 =	sld [smem:$0x3FB7]  }
0x3d: {  	_ =	shalt  }
0x3e: {  	_ =	shalt  }
0x3f: {  	_ =	shalt  }
0x40: {  	_ =	shalt  }
0x41: {  	_ =	shalt  }
0x42: {  	_ =	shalt  }
0x43: {  	_ =	shalt  }
0x44: {  	_ =	shalt  }
0x45: {  	_ =	shalt  }
0x46: {  	_ =	shalt  }
0x47: {  	_ =	shalt  }
0x48: {  	_ =	shalt  }
0x49: {  	_ =	shalt  }
0x4a: {  	_ =	shalt  }
0x4b: {  	_ =	shalt  }
0x4c: {  	_ =	shalt  }
0x4d: {  	_ =	shalt  }
0x4e: {  	_ =	shalt  }
0x4f: {  	_ =	shalt  }
0x50: {  	_ =	shalt  }
0x51: {  	_ =	shalt  }
0x52: {  	_ =	shalt  }
0x53: {  	_ =	shalt  }
0x54: {  	_ =	shalt  }
0x55: {  	_ =	shalt  }
0x56: {  	_ =	shalt  }
0x57: {  	_ =	shalt  }
0x58: {  	_ =	shalt  }
0x59: {  	_ =	shalt  }
0x5a: {  	_ =	shalt  }
0x5b: {  	_ =	shalt  }
0x5c: {  	_ =	shalt  }
0x5d: {  	_ =	shalt  }
0x5e: {  	_ =	shalt  }
0x5f: {  	_ =	shalt  }
0x60: {  	_ =	shalt  }
0x61: {  	_ =	shalt  }
0x62: {  	_ =	shalt  }
0x63: {  	_ =	shalt  }
0x64: {  	_ =	shalt  }
0x65: {  	_ =	shalt  }
0x66: {  	_ =	shalt  }
0x67: {  	_ =	shalt  }
0x68: {  	_ =	shalt  }
0x69: {  	_ =	shalt  }
0x6a: {  	_ =	shalt  }
0x6b: {  	_ =	shalt  }
0x6c: {  	_ =	shalt  }
0x6d: {  	_ =	shalt  }
0x6e: {  	_ =	shalt  }
0x6f: {  	_ =	shalt  }
0x70: {  	_ =	shalt  }
0x71: {  	_ =	shalt  }
0x72: {  	_ =	shalt  }
0x73: {  	_ =	shalt  }
0x74: {  	_ =	shalt  }
0x75: {  	_ =	shalt  }
0x76: {  	_ =	shalt  }
0x77: {  	_ =	shalt  }
0x78: {  	_ =	shalt  }
0x79: {  	_ =	shalt  }
0x7a: {  	_ =	shalt  }
0x7b: {  	_ =	shalt  }
0x7c: {  	_ =	shalt  }
0x7d: {  	_ =	shalt  }
0x7e: {  	_ =	shalt  }
0x7f: {  	_ =	shalt  }
0x80: {  	_ =	shalt  }
0x81: {  	_ =	shalt  }
0x82: {  	_ =	shalt  }
0x83: {  	_ =	shalt  }
0x84: {  	_ =	shalt  }
0x85: {  	_ =	shalt  }
0x86: {  	_ =	shalt  }
0x87: {  	_ =	shalt  }
.Lfunc_end0:
.L_simem_size_0:
called_computation_lowered:
.L_overlay_start_0:
0x88: {  	s2 =	sld [smem:$0x3FD9]  }
0x89: {  	s3 =	sld [smem:$0x3FFE];
	_ =	sdelay $0x1  }
0x8a: {  	s1 =	srdreg.scid  }
0x8b: {  	s0 =	sand.u32 $0x1, s1  }
0x8c: {  	s17 =	sshll.u32 s0, $0xA;
	s2 =	sadd.s32 s3, s2  }
0x8d: {  	s2 =	sadd.s32 s2, s17  }
0x8e: {  	[smem:$0x3FC3] =	sst s2  }
0x8f: {  	_ = 	snop  }
0x90: {  	s2 =	sld [smem:$0x3FD0];
	(tm) =	ssettm $0x1  }
0x91: {  	s18 =	sld [smem:$0x3FFB];
	_ =	sdelay $0x3  }
0x92: {  	_ =	strace s18  }
0x93: {  	s3 =	sld [smem:$0x3FFC];
	_ =	sdelay $0x3  }
0x94: {  	_ =	strace s3  }
0x95: {  	s3 =	sld [smem:$0x3FFD];
	_ =	sdelay $0x3  }
0x96: {  	_ =	strace s3  }
0x97: {  	_ =	strace $0x8FFFFFFF  }
0x98: {  	s19 =	sld [smem:$0x3FDB];
	_ =	sdelay $0x1  }
0x99: {  	s4 =	simm.s32 $_scs_section_size  }
0x9a: {  	s5 =	simm.s32 $_size__tile_overlayer_lowered;
	s6 =	simm.s32 $_tile_overlayer_lowered  }
0x9b: {  	s22 =	simm.s32 $0x1BFF;
	s21 =	sshll.u32 s6, $0x1;
	s3 =	sadd.s32 s4, s19  }
0x9c: {  	s7 =	simm.s32 $0x0;
	s20 =	sshll.u32 s5, $0x1;
	s5 =	sadd.s32 s21, s3  }
0x9d: {  	[timem:s7], [sflag:s22] =	dma.local [hbm:s5], s20  }
0x9e: {  	_ =	swait.ge [sflag:s22], s20  }
0x9f: {  	s4 =	ssub.s32 $0x0, s20;
	[sflag:s22] =	ssyncset.done $0x0  }
0xa0: {  	[sflag:s22] =	ssyncadd.s32 s4;
	_ =	sdelay $0x1  }
0xa1: {  	s23 =	simm.s32 $0x1B8B  }
0xa2: {  	_ =	swait.ge [sflag:s23], $0x1  }
0xa3: {  	[sflag:s23] =	ssyncset.done $0x0  }
0xa4: {  	s25 =	simm.s32 $0x1B8E;
	s24 =	sld [smem:$0x3FFE];
	[sflag:s23] =	ssyncadd.s32 $0xFFFFFFFF  }
0xa5: {  	s26 =	simm.s32 $execute0_lowered;
	[smem:$0x3FD2] =	sst s25  }
0xa6: {  	s5 =	sshll.u32 s26, $0x1;
	_ =	strace $0x80000046;
	[dreg:$0x1] =	wrdreg $0xFFFFFFFF  }
0xa7: {  	s28 =	simm.s32 $_size_execute0_lowered;
	s3 =	sadd.s32 s3, s5;
	[dreg:$0x0] =	wrdreg $0x0  }
0xa8: {  	s5 =	sshll.u32 s28, $0x1;
	[dreg:$0x2] =	wrdreg s3  }
0xa9: {  	[dreg:$0x3] =	wrdreg s5  }
0xaa: {  	[dreg:$0x4] =	wrdreg $0xC0  }
0xab: {  	_ =	task [dreg:s7], $0x5FFFF  }
0xac: {  	[dreg:$0x1] =	wrdreg $0xFFFFFFFF  }
0xad: {  	[dreg:$0x0] =	wrdreg $0x60  }
0xae: {  	[dreg:$0x2] =	wrdreg s24  }
0xaf: {  	[dreg:$0x3] =	wrdreg s2  }
0xb0: {  	[dreg:$0x4] =	wrdreg $0xBC000  }
0xb1: {  	[dreg:$0x5] =	wrdreg $0x9  }
0xb2: {  	_ =	task.clear_ibuf [dreg:s7], $0x6FFFF;
	_ =	strace $0x90000046  }
0xb3: {  	s29 =	simm.s32 $0x9;
	_ =	strace $0x80000048  }
0xb4: {  	_ =	swait.ge [sflag:s29], $0x1  }
0xb5: {  	[sflag:s29] =	ssyncadd.s32 $0xFFFFFFFF  }
0xb6: {  	_ =	strace $0x90000048  }
0xb7: {  	_ =	sfence  }
0xb8: {  	s30 =	sld [smem:$0x0];
	_ =	sdelay $0x2  }
0xb9: {  	s31 =	sshll.u32 s1, $0xD;
	s1 =	sshrl.u32 s1, $0x2  }
0xba: {  	s3 =	sand.u32 $0x4000, s31;
	s1 =	sadd.s32 s1, s30  }
0xbb: {  	s0 =	sor.u32 s3, s0;
	s1 =	sshll.u32 s1, $0x11  }
0xbc: {  	s0 =	sor.u32 s1, s0  }
0xbd: {  	s0 =	sadd.s32 $0x8F2B, s0  }
0xbe: {  	[sflag:s0] =	ssyncadd.remote.s32 $0x1  }
0xbf: {  	_ =	sfence.sel $0xFFFF  }
0xc0: {  	[dreg:$0x0] =	wrdreg $0xFFFFFFFF;
	(pc) =	sbr.abs _section_cstart, $3  }
0xc1: {  	[dreg:$0x1] =	wrdreg $0xFFFFFFFF  }
0xc2: {  	_ =	task.clear_ibuf [dreg:s7], $0x2FFFF;
	_ =	strace $0x9FFFFFFF  }
0xc3: {  	(tm) =	ssettm $0x7FFFFFFF  }
tec
execute0_lowered:
.L_overlay_start_1:
0x0: {  	(tag) =	ssettag $0x1  }
0x1: {  	s0 =	rddreg [dreg:$0x0]  }
0x2: {  	s3 =	rddreg [dreg:$0x1]  }
0x3: {  	s1 =	rddreg [dreg:$0x2];
	s2 =	simm.s32 $0x0;
	s5 =	srdreg.scid  }
0x4: {  	s24 =	stileid.u32;
	s28 =	simm.s32 $0x3C00;
	s29 =	simm.s32 $0x7C00  }
0x5: {  	s30 =	simm.s32 $0x2;
	s31 =	simm.s32 $0x3;
	[smem:$0x7FF] =	sst s2  }
0x6: {  	s4 =	sadd.s32 $0x10000, s0;
	s6 =	sadd.s32 $0x6000, s0;
	s7 =	smul.u32 $0x2800, s24  }
0x7: {  	s5 =	sand.u32 $0x1, s5;
	s9 =	sadd.s32 $0x1000, s0;
	s10 =	smul.u32 $0x50000, s24  }
0x8: {  	s0 =	sadd.s32 $0xB000, s0;
	s13 =	sadd.s32 $0x12C000, s1;
	s25 =	smul.u32 $0x28000, s24  }
0x9: {  	s14 =	sadd.s32 $0x130000, s1;
	s15 =	sadd.s32 $0x134000, s1;
	p0 =	seq.s32 s24, $0xF  }
0xa: {  	s24 =	simm.s32 $0x0;
	_ =	strace $0x80000047;
	s8 =	ssub.s32 $0x2, s5  }
0xb: {  	s16 =	sshll.u32 s5, $0xA;
	s11 =	sshrl.u32 s8, $0x1;
	s7 =	sshrl.u32 s7, $0x3  }
0xc: {  	s18 =	sshrl.u32 s10, $0x2;
	s10 =	sor.u32 s16, s25;
	s16 =	sadd.s32 $0x138000, s1  }
0xd: {  	s25 =	simm.s32 $0x1;
	s11 =	ssub.s32 s8, s11;
	s17 =	sadd.s32 s6, s7  }
0xe: {  	s19 =	sadd.s32 s9, s7;
	s20 =	sadd.s32 s0, s7;
	[dreg:$0x4] =	wrdreg s17  }
0xf: {  	s8 =	sadd.s32 s18, s1;
	s7 =	sadd.s32 $0x280, s7;
	[dreg:$0x5] =	wrdreg s19  }
0x10: {  	s26 =	sshrl.u32 s10, $0x3;
	[dreg:$0x6] =	wrdreg s20;
	s21 =	sadd.s32 $0x4000, s8  }
0x11: {  	v1 =	vimm.f32 $0.0e+00;
	v2 =	vimm.s32 $0x0;
	v3 =	vimm.s32 $0x1;
	s22 =	sadd.s32 $0x8000, s8;
	s23 =	sadd.s32 $0xC000, s8;
	s12 =	sadd.s32 $0x10000, s8  }
0x12: {  	v4 =	vimm.s32 $0x2;
	v5 =	vimm.s32 $0x3;
	v6 =	vimm.s32 $0x4;
	s19 =	smul.u32 $0x2710, s5;
	s17 =	sadd.s32 s6, s7;
	[dreg:$0x7] =	wrdreg s21  }
0x13: {  	v7 =	vimm.s32 $0x5;
	v8 =	vimm.s32 $0x6;
	v9 =	vimm.s32 $0x7;
	s5 =	sshll.u32 s5, $0x7;
	s18 =	sadd.s32 s9, s7;
	[dreg:$0x8] =	wrdreg s22  }
0x14: {  	v10 =	vimm.s32 $0x8;
	v11 =	vimm.s32 $0x9;
	v12 =	vimm.s32 $0xA;
	s20 =	sadd.s32 s3, s26;
	s26 =	simm.s32 $0x80;
	[dreg:$0x9] =	wrdreg s23  }
0x15: {  	v13 =	vimm.s32 $0xB;
	v14 =	vimm.s32 $0xC;
	v15 =	vimm.s32 $0xD;
	s5 =	sadd.s32 s5, s3;
	s22 =	smax.u32 s11, $0x1;
	s23 =	simm.s32 $0x1400  }
0x16: {  	v16 =	vimm.s32 $0xE;
	v17 =	vimm.s32 $0xF;
	v0 =	vmov s19;
	s19 =	sadd.s32 s0, s7;
	s21 =	sadd.s32 $0x4B000, s5;
	s0 =	simm.s32 $0x4  }
.LBB2_1:
0x17: {  	s3 =	rddreg [dreg:$0x4]  }
0x18: {  	[tilespmem:s2], [sflag:$0x1] =	stream.linear.gather [hbm4b:s3+s2], $0x1400, $0x38;
	[tilespmem:$0x1F480] =	vst v63  }
0x19: {  	s10 =	rddreg [dreg:$0x5]  }
0x1a: {  	[tilespmem:s23], [sflag:$0x1] =	stream.linear.gather [hbm4b:s10+s2], $0x1400, $0x38;
	[tilespmem:$0x1F480] =	vst v63  }
0x1b: {  	s11 =	rddreg [dreg:$0x6];
	s5 =	simm.s32 $0x2800  }
0x1c: {  	[tilespmem:s5], [sflag:$0x1] =	stream.linear.gather [hbm4b:s11+s2], $0x1400, $0x38;
	[tilespmem:$0x1F480] =	vst v63  }
0x1d: {  	s3 =	simm.s32 $0x0;
	s5 =	simm.s32 $0x200  }
.LBB2_2:
0x1e: {  	p1 =	sne.s32 s5, $0xFE00;
	[tilespmem:s3+$0x3C70] =	vst v1  }
0x1f: {  	[tilespmem:s3+$0x3C00] =	vst v1  }
0x20: {  	[tilespmem:s3+$0x3C10] =	vst v1  }
.Ltmp0:
0x21: {  	[tilespmem:s3+$0x3C20] =	vst v1;
	(pc) =	sbr.rel @p1 .LBB2_2-.Ltmp0, $4  }
0x22: {  	[tilespmem:s3+$0x3C30] =	vst v1  }
0x23: {  	[tilespmem:s3+$0x3C40] =	vst v1  }
0x24: {  	[tilespmem:s3+$0x3C50] =	vst v1  }
0x25: {  	[tilespmem:s3+$0x3C60] =	vst v1;
	s3 =	sshra.s32 s5, $0x2;
	s5 =	sadd.s32 $0x200, s5  }
0x26: {  	[tilespmem:s3+$0x3C70] =	vst v1  }
0x27: {  	[tilespmem:s3+$0x3C00] =	vst v1  }
0x28: {  	[tilespmem:s3+$0x3C10] =	vst v1  }
0x29: {  	[tilespmem:s3+$0x3C20] =	vst v1  }
0x2a: {  	[tilespmem:s3+$0x3C30] =	vst v1  }
0x2b: {  	[tilespmem:s3+$0x3C40] =	vst v1  }
0x2c: {  	[tilespmem:s3+$0x3C50] =	vst v1  }
0x2d: {  	[tilespmem:s3+$0x3C60] =	vst v1;
	s3 =	simm.s32 @p0 $0x3C00  }
0x2e: {  	[spmem:s13] =	stream.linear.scatter @p0 [tilespmem:s3], [sflag:$0x3], $0x4000, $0x38;
	[tilespmem:$0x1F480] =	vst v63  }
0x2f: {  	_ = 	snop  }
0x30: {  	[spmem:s14] =	stream.linear.scatter @p0 [tilespmem:s3], [sflag:$0x3], $0x4000, $0x38;
	[tilespmem:$0x1F480] =	vst v63  }
0x31: {  	_ = 	snop  }
0x32: {  	[spmem:s15] =	stream.linear.scatter @p0 [tilespmem:s3], [sflag:$0x3], $0x4000, $0x38;
	[tilespmem:$0x1F480] =	vst v63  }
0x33: {  	_ = 	snop  }
0x34: {  	[spmem:s16] =	stream.linear.scatter @p0 [tilespmem:s3], [sflag:$0x3], $0x800, $0x38;
	[tilespmem:$0x1F480] =	vst v63  }
0x35: {  	s3 =	simm.s32 @p0 $0x3  }
0x36: {  	_ =	swait.ge @p0 [sflag:s3], $0x4000  }
0x37: {  	[sflag:s3] =	ssyncset.done @p0 $0x0  }
0x38: {  	[sflag:s3] =	ssyncadd.s32 @p0 $0xFFFFC000  }
0x39: {  	_ =	swait.ge @p0 [sflag:s3], $0x4000  }
0x3a: {  	[sflag:s3] =	ssyncset.done @p0 $0x0  }
0x3b: {  	[sflag:s3] =	ssyncadd.s32 @p0 $0xFFFFC000  }
0x3c: {  	_ =	swait.ge @p0 [sflag:s3], $0x4000  }
0x3d: {  	[sflag:s3] =	ssyncset.done @p0 $0x0  }
0x3e: {  	[sflag:s3] =	ssyncadd.s32 @p0 $0xFFFFC000  }
0x3f: {  	_ =	swait.ge @p0 [sflag:s3], $0x800  }
0x40: {  	[sflag:s3] =	ssyncset.done @p0 $0x0  }
0x41: {  	[sflag:s3] =	ssyncadd.s32 @p0 $0xFFFFF800;
	s3 =	simm.s32 @!p0 $0x3C00  }
0x42: {  	[spmem:s8] =	stream.linear.scatter @!p0 [tilespmem:s3], [sflag:$0x3], $0x4000, $0x38;
	[tilespmem:$0x1F480] =	vst v63  }
0x43: {  	s5 =	rddreg [dreg:$0x7]  }
0x44: {  	[spmem:s5] =	stream.linear.scatter @!p0 [tilespmem:s3], [sflag:$0x3], $0x4000, $0x38;
	[tilespmem:$0x1F480] =	vst v63  }
0x45: {  	s5 =	rddreg [dreg:$0x8]  }
0x46: {  	[spmem:s5] =	stream.linear.scatter @!p0 [tilespmem:s3], [sflag:$0x3], $0x4000, $0x38;
	[tilespmem:$0x1F480] =	vst v63  }
0x47: {  	s5 =	rddreg [dreg:$0x9]  }
0x48: {  	[spmem:s5] =	stream.linear.scatter @!p0 [tilespmem:s3], [sflag:$0x3], $0x4000, $0x38;
	[tilespmem:$0x1F480] =	vst v63  }
0x49: {  	_ = 	snop  }
0x4a: {  	[spmem:s12] =	stream.linear.scatter @!p0 [tilespmem:s3], [sflag:$0x3], $0x4000, $0x38;
	[tilespmem:$0x1F480] =	vst v63  }
0x4b: {  	s3 =	simm.s32 @!p0 $0x3  }
0x4c: {  	_ =	swait.ge @!p0 [sflag:s3], $0x4000  }
0x4d: {  	[sflag:s3] =	ssyncset.done @!p0 $0x0  }
0x4e: {  	[sflag:s3] =	ssyncadd.s32 @!p0 $0xFFFFC000  }
0x4f: {  	_ =	swait.ge @!p0 [sflag:s3], $0x4000  }
0x50: {  	[sflag:s3] =	ssyncset.done @!p0 $0x0  }
0x51: {  	[sflag:s3] =	ssyncadd.s32 @!p0 $0xFFFFC000  }
0x52: {  	_ =	swait.ge @!p0 [sflag:s3], $0x4000  }
0x53: {  	[sflag:s3] =	ssyncset.done @!p0 $0x0  }
0x54: {  	[sflag:s3] =	ssyncadd.s32 @!p0 $0xFFFFC000  }
0x55: {  	_ =	swait.ge @!p0 [sflag:s3], $0x4000  }
0x56: {  	[sflag:s3] =	ssyncset.done @!p0 $0x0  }
0x57: {  	[sflag:s3] =	ssyncadd.s32 @!p0 $0xFFFFC000  }
0x58: {  	_ =	swait.ge @!p0 [sflag:s3], $0x4000  }
0x59: {  	[sflag:s3] =	ssyncset.done @!p0 $0x0  }
0x5a: {  	[sflag:s3] =	ssyncadd.s32 @!p0 $0xFFFFC000  }
0x5b: {  	p2 =	por $0x1, $0x1;
	p3 =	por $0x0, $0x0;
	[bflag:$0x0] =	sbarrier.arrive $0xFFFF  }
.LBB2_4:
0x5c: {  	s3 =	simm.s32 @p3 $0x0  }
0x5d: {  	[tilespmem:s3], [sflag:$0x1] =	stream.linear.gather @p3 [hbm4b:s17+s3], $0x1400, $0x38;
	[tilespmem:$0x1F480] =	vst v63  }
0x5e: {  	s5 =	simm.s32 @p3 $0x1400  }
0x5f: {  	[tilespmem:s5], [sflag:$0x1] =	stream.linear.gather @p3 [hbm4b:s18+s3], $0x1400, $0x38;
	[tilespmem:$0x1F480] =	vst v63  }
0x60: {  	s5 =	simm.s32 @p3 $0x2800  }
0x61: {  	[tilespmem:s5], [sflag:$0x1] =	stream.linear.gather @p3 [hbm4b:s19+s3], $0x1400, $0x38;
	[tilespmem:$0x1F480] =	vst v63  }
0x62: {  	_ =	swait.ge [sflag:s25], $0x1400  }
0x63: {  	[sflag:s25] =	ssyncset.done $0x0  }
0x64: {  	[sflag:s25] =	ssyncadd.s32 $0xFFFFEC00  }
0x65: {  	_ =	swait.ge [sflag:s25], $0x1400  }
0x66: {  	[sflag:s25] =	ssyncset.done $0x0  }
0x67: {  	[sflag:s25] =	ssyncadd.s32 $0xFFFFEC00  }
0x68: {  	_ =	swait.ge [sflag:s25], $0x1400  }
0x69: {  	[sflag:s25] =	ssyncset.done $0x0  }
0x6a: {  	s3 =	simm.s32 $0x0;
	[sflag:s25] =	ssyncadd.s32 $0xFFFFEC00  }
0x6b: {  	v20 =	vld [tilespmem:s3+$0x1400]  }
0x6c: {  	v22 =	vld [tilespmem:s3+$0x1410]  }
0x6d: {  	v21 =	vld [tilespmem:s3+$0x1420]  }
0x6e: {  	v19 =	vld [tilespmem:s3+$0x1430]  }
0x6f: {  	v18 =	vld [tilespmem:s3+$0x1440]  }
0x70: {  	v23 =	vadd.s32 v0, v20;
	v20 =	vld [tilespmem:s3+$0x1450]  }
0x71: {  	p1 =	por p2, p2;
	s5 =	simm.s32 $0x200;
	[tilespmem:s3+$0x1400] =	vst v23;
	v23 =	vadd.s32 v0, v22;
	v22 =	vld [tilespmem:s3+$0x1460]  }
.LBB2_5:
0x72: {  	s6 =	sshra.s32 s5, $0x2;
	p2 =	sne.s32 s5, $0x4E00;
	[tilespmem:s3+$0x1410] =	vst v23;
	v21 =	vadd.s32 v0, v21;
	v23 =	vld [tilespmem:s3+$0x1470]  }
0x73: {  	v24 =	vld [tilespmem:s6+$0x1400];
	[tilespmem:s3+$0x1420] =	vst v21;
	v19 =	vadd.s32 v0, v19  }
0x74: {  	v25 =	vld [tilespmem:s6+$0x1410];
	[tilespmem:s3+$0x1430] =	vst v19;
	v18 =	vadd.s32 v0, v18  }
.Ltmp1:
0x75: {  	v21 =	vld [tilespmem:s6+$0x1420];
	[tilespmem:s3+$0x1440] =	vst v18;
	v18 =	vadd.s32 v0, v20;
	(pc) =	sbr.rel @p2 .LBB2_5-.Ltmp1, $4  }
0x76: {  	v19 =	vld [tilespmem:s6+$0x1430];
	[tilespmem:s3+$0x1450] =	vst v18;
	v20 =	vadd.s32 v0, v22  }
0x77: {  	v18 =	vld [tilespmem:s6+$0x1440];
	[tilespmem:s3+$0x1460] =	vst v20;
	v22 =	vadd.s32 v0, v23  }
0x78: {  	v23 =	vadd.s32 v0, v24;
	v20 =	vld [tilespmem:s6+$0x1450];
	[tilespmem:s3+$0x1470] =	vst v22;
	s3 =	smov.u32 s6  }
0x79: {  	s5 =	sadd.s32 $0x200, s5;
	[tilespmem:s3+$0x1400] =	vst v23;
	v23 =	vadd.s32 v0, v25;
	v22 =	vld [tilespmem:s3+$0x1460]  }
0x7a: {  	[tilespmem:s3+$0x1410] =	vst v23;
	v21 =	vadd.s32 v0, v21;
	v63 =	vld [tilespmem:s3+$0x1470]  }
0x7b: {  	[tilespmem:s3+$0x1420] =	vst v21;
	v19 =	vadd.s32 v0, v19  }
0x7c: {  	[tilespmem:s3+$0x1430] =	vst v19;
	v18 =	vadd.s32 v0, v18  }
0x7d: {  	[tilespmem:s3+$0x1440] =	vst v18;
	v18 =	vadd.s32 v0, v20  }
0x7e: {  	[tilespmem:s3+$0x1450] =	vst v18;
	v18 =	vadd.s32 v0, v22  }
0x7f: {  	[tilespmem:s3+$0x1460] =	vst v18;
	v18 =	vadd.s32 v0, v63  }
0x80: {  	[tilespmem:s3+$0x1470] =	vst v18;
	s3 =	simm.s32 $0x0  }
0x81: {  	[tilespmem:s28], [sflag:$0x1] =	stream.indirect.gather [hbm4b:s4+s26], $0x80, s23, s26, $0xb8;
	[tilespmem:$0x1F480] =	vst v63  }
.LBB2_7:
0x82: {  	_ =	swait.ge [sflag:s25], $0x4000  }
0x83: {  	p2 =	seq.s32 s3, $0x0;
	[sflag:s25] =	ssyncset.done $0x0  }
0x84: {  	s7 =	simm.s32 @!p2 $0x4;
	[sflag:s25] =	ssyncadd.s32 $0xFFFFC000  }
0x85: {  	_ =	swait.ge @!p2 [sflag:s7], $0x4000  }
0x86: {  	s6 =	sshll.u32 s3, $0xA;
	[sflag:s7] =	ssyncset.done @!p2 $0x0  }
0x87: {  	s5 =	sor.u32 $0x200, s6;
	[sflag:s7] =	ssyncadd.s32 @!p2 $0xFFFFC000;
	s7 =	sshra.s32 s6, $0x2  }
0x88: {  	s5 =	sshra.s32 s5, $0x2;
	s9 =	sadd.s32 $0x2800, s7  }
0x89: {  	s11 =	sadd.s32 $0x1400, s5;
	v18 =	vmov s9  }
0x8a: {  	[tilespmem:s29], [sflag:$0x2] =	stream.indirect.gather [hbm4b:s4+s26], $0x80, s11, s26, $0xb8;
	[tilespmem:$0x1F480] =	vst v63  }
0x8b: {  	s9 =	simm.s32 $0x0  }
.LBB2_8:
0x8c: {  	s11 =	sshll.u32 s9, $0x4  }
0x8d: {  	s10 =	sand.u32 $0x3FFFFFF0, s11  }
0x8e: {  	v20 =	vld.idx.msk [tilespmem:v18+s10+$0x0 ss:$0x1], $0xffff;
	s10 =	sshll.u32 s9, $0xB  }
0x8f: {  	s10 =	sand.u32 $0x3FFFF800, s10  }
0x90: {  	v19 =	vld [tilespmem:s10+$0x3C00]  }
0x91: {  	v21 =	vld [tilespmem:s10+$0x3C10]  }
0x92: {  	v22 =	vld [tilespmem:s10+$0x3C20]  }
0x93: {  	v24 =	vld [tilespmem:s10+$0x3C30];
	v23 =	vperm.xlane v20, v2  }
0x94: {  	v25 =	vld [tilespmem:s10+$0x3C40]  }
0x95: {  	v26 =	vld [tilespmem:s10+$0x3C50];
	v19 =	vmul.f32 v19, v23  }
0x96: {  	v27 =	vld [tilespmem:s10+$0x3C60];
	v21 =	vmul.f32 v21, v23  }
0x97: {  	[tilespmem:s10+$0x3C00] =	vst v19;
	v19 =	vmul.f32 v22, v23  }
0x98: {  	v54 =	vmul.f32 v24, v23;
	[tilespmem:s10+$0x3C10] =	vst v21  }
0x99: {  	[tilespmem:s10+$0x3C20] =	vst v19;
	v19 =	vmul.f32 v25, v23  }
0x9a: {  	v55 =	vmul.f32 v26, v23;
	[tilespmem:s10+$0x3C30] =	vst v54  }
0x9b: {  	[tilespmem:s10+$0x3C40] =	vst v19;
	v19 =	vmul.f32 v27, v23  }
0x9c: {  	[tilespmem:s10+$0x3C50] =	vst v55  }
0x9d: {  	[tilespmem:s10+$0x3C60] =	vst v19  }
0x9e: {  	v19 =	vld [tilespmem:s10+$0x3C70]  }
0x9f: {  	v56 =	vld [tilespmem:s10+$0x3C80]  }
0xa0: {  	v57 =	vld [tilespmem:s10+$0x3C90]  }
0xa1: {  	v58 =	vld [tilespmem:s10+$0x3CA0]  }
0xa2: {  	v59 =	vld [tilespmem:s10+$0x3CB0]  }
0xa3: {  	v61 =	vld [tilespmem:s10+$0x3CC0]  }
0xa4: {  	v62 =	vld [tilespmem:s10+$0x3CD0]  }
0xa5: {  	v60 =	vperm.xlane v20, v3;
	v28 =	vld [tilespmem:s10+$0x3CE0]  }
0xa6: {  	v63 =	vld [tilespmem:s10+$0x3CF0];
	v19 =	vmul.f32 v19, v23  }
0xa7: {  	v33 =	vld [tilespmem:s10+$0x3D00];
	v21 =	vmul.f32 v56, v60  }
0xa8: {  	v34 =	vld [tilespmem:s10+$0x3D10];
	[tilespmem:s10+$0x3C70] =	vst v19;
	v19 =	vmul.f32 v57, v60  }
0xa9: {  	v36 =	vld [tilespmem:s10+$0x3D20];
	v32 =	vmul.f32 v58, v60;
	[tilespmem:s10+$0x3C80] =	vst v21  }
0xaa: {  	v37 =	vld [tilespmem:s10+$0x3D30];
	[tilespmem:s10+$0x3C90] =	vst v19;
	v19 =	vmul.f32 v59, v60  }
0xab: {  	v39 =	vld [tilespmem:s10+$0x3D40];
	v35 =	vmul.f32 v61, v60;
	[tilespmem:s10+$0x3CA0] =	vst v32  }
0xac: {  	v40 =	vld [tilespmem:s10+$0x3D50];
	[tilespmem:s10+$0x3CB0] =	vst v19;
	v19 =	vmul.f32 v62, v60  }
0xad: {  	v29 =	vperm.xlane v20, v4;
	v42 =	vld [tilespmem:s10+$0x3D60];
	v38 =	vmul.f32 v28, v60;
	[tilespmem:s10+$0x3CC0] =	vst v35  }
0xae: {  	v43 =	vld [tilespmem:s10+$0x3D70];
	[tilespmem:s10+$0x3CD0] =	vst v19;
	v19 =	vmul.f32 v63, v60  }
0xaf: {  	v45 =	vld [tilespmem:s10+$0x3D80];
	v41 =	vmul.f32 v33, v29;
	[tilespmem:s10+$0x3CE0] =	vst v38  }
0xb0: {  	v46 =	vld [tilespmem:s10+$0x3D90];
	[tilespmem:s10+$0x3CF0] =	vst v19;
	v19 =	vmul.f32 v34, v29  }
0xb1: {  	v48 =	vld [tilespmem:s10+$0x3DA0];
	v44 =	vmul.f32 v36, v29;
	[tilespmem:s10+$0x3D00] =	vst v41  }
0xb2: {  	v49 =	vld [tilespmem:s10+$0x3DB0];
	[tilespmem:s10+$0x3D10] =	vst v19;
	v19 =	vmul.f32 v37, v29  }
0xb3: {  	v52 =	vld [tilespmem:s10+$0x3DC0];
	v47 =	vmul.f32 v39, v29;
	[tilespmem:s10+$0x3D20] =	vst v44  }
0xb4: {  	v53 =	vld [tilespmem:s10+$0x3DD0];
	[tilespmem:s10+$0x3D30] =	vst v19;
	v19 =	vmul.f32 v40, v29  }
0xb5: {  	v50 =	vperm.xlane v20, v5;
	v55 =	vld [tilespmem:s10+$0x3DE0];
	v51 =	vmul.f32 v42, v29;
	[tilespmem:s10+$0x3D40] =	vst v47  }
0xb6: {  	v56 =	vld [tilespmem:s10+$0x3DF0];
	[tilespmem:s10+$0x3D50] =	vst v19;
	v19 =	vmul.f32 v43, v29  }
0xb7: {  	v54 =	vmul.f32 v45, v50;
	v58 =	vld [tilespmem:s10+$0x3E00];
	[tilespmem:s10+$0x3D60] =	vst v51  }
0xb8: {  	v39 =	vld [tilespmem:s10+$0x3E80];
	[tilespmem:s10+$0x3D70] =	vst v19;
	v19 =	vmul.f32 v46, v50  }
0xb9: {  	v61 =	vld [tilespmem:s10+$0x3E20];
	[tilespmem:s10+$0x3D80] =	vst v54;
	v57 =	vmul.f32 v48, v50  }
0xba: {  	v42 =	vld [tilespmem:s10+$0x3EA0];
	[tilespmem:s10+$0x3D90] =	vst v19;
	v19 =	vmul.f32 v49, v50  }
0xbb: {  	v32 =	vmul.f32 v55, v50;
	v44 =	vperm.xlane v20, v7;
	v59 =	vld [tilespmem:s10+$0x3E10];
	[tilespmem:s10+$0x3DA0] =	vst v57  }
0xbc: {  	v55 =	vld [tilespmem:s10+$0x3F20];
	[tilespmem:s10+$0x3DB0] =	vst v19;
	v19 =	vmul.f32 v53, v50  }
0xbd: {  	[tilespmem:s10+$0x3DE0] =	vst v32;
	v48 =	vmul.f32 v39, v44;
	v62 =	vld [tilespmem:s10+$0x3E30]  }
0xbe: {  	v33 =	vld [tilespmem:s10+$0x3E40];
	v63 =	vperm.xlane v20, v6;
	[tilespmem:s10+$0x3DD0] =	vst v19;
	v19 =	vmul.f32 v56, v50  }
0xbf: {  	v57 =	vperm.xlane v20, v8;
	v51 =	vmul.f32 v42, v44;
	[tilespmem:s10+$0x3E80] =	vst v48;
	v34 =	vld [tilespmem:s10+$0x3E50]  }
0xc0: {  	v36 =	vld [tilespmem:s10+$0x3E60];
	[tilespmem:s10+$0x3DF0] =	vst v19;
	v19 =	vmul.f32 v59, v63  }
0xc1: {  	[tilespmem:s10+$0x3EA0] =	vst v51;
	v31 =	vmul.f32 v55, v57;
	v37 =	vld [tilespmem:s10+$0x3E70]  }
0xc2: {  	v47 =	vld [tilespmem:s10+$0x3ED0];
	[tilespmem:s10+$0x3E10] =	vst v19;
	v19 =	vmul.f32 v62, v63  }
0xc3: {  	v60 =	vmul.f32 v52, v50;
	[tilespmem:s10+$0x3F20] =	vst v31;
	v40 =	vld [tilespmem:s10+$0x3E90]  }
0xc4: {  	v32 =	vld [tilespmem:s10+$0x3F80];
	[tilespmem:s10+$0x3E30] =	vst v19;
	v19 =	vmul.f32 v34, v63  }
0xc5: {  	[tilespmem:s10+$0x3DC0] =	vst v60;
	v35 =	vmul.f32 v58, v63;
	v43 =	vld [tilespmem:s10+$0x3EB0]  }
0xc6: {  	v39 =	vld [tilespmem:s10+$0x3FC0];
	[tilespmem:s10+$0x3E50] =	vst v19;
	v19 =	vmul.f32 v37, v63  }
0xc7: {  	v42 =	vld [tilespmem:s10+$0x3FE0];
	v38 =	vmul.f32 v61, v63;
	[tilespmem:s10+$0x3E00] =	vst v35  }
0xc8: {  	v52 =	vld [tilespmem:s10+$0x3F00];
	[tilespmem:s10+$0x3E70] =	vst v19;
	v19 =	vmul.f32 v40, v44  }
0xc9: {  	v41 =	vmul.f32 v33, v63;
	[tilespmem:s10+$0x3E20] =	vst v38;
	v50 =	vld [tilespmem:s10+$0x3EF0]  }
0xca: {  	v46 =	vld [tilespmem:s10+$0x3EC0];
	[tilespmem:s10+$0x3E90] =	vst v19;
	v19 =	vmul.f32 v43, v44  }
0xcb: {  	v45 =	vmul.f32 v36, v63;
	[tilespmem:s10+$0x3E40] =	vst v41;
	v53 =	vld [tilespmem:s10+$0x3F10]  }
0xcc: {  	v49 =	vld [tilespmem:s10+$0x3EE0];
	[tilespmem:s10+$0x3EB0] =	vst v19;
	v19 =	vmul.f32 v47, v44  }
0xcd: {  	[tilespmem:s10+$0x3E60] =	vst v45;
	v61 =	vmul.f32 v52, v57;
	v56 =	vld [tilespmem:s10+$0x3F30]  }
0xce: {  	v59 =	vld [tilespmem:s10+$0x3F40];
	[tilespmem:s10+$0x3ED0] =	vst v19;
	v19 =	vmul.f32 v50, v44  }
0xcf: {  	v60 =	vld [tilespmem:s10+$0x3F50];
	[tilespmem:s10+$0x3F00] =	vst v61;
	v54 =	vmul.f32 v46, v44  }
0xd0: {  	v62 =	vld [tilespmem:s10+$0x3F60];
	[tilespmem:s10+$0x3EF0] =	vst v19;
	v19 =	vmul.f32 v53, v57  }
0xd1: {  	[tilespmem:s10+$0x3EC0] =	vst v54;
	v58 =	vmul.f32 v49, v44;
	v63 =	vld [tilespmem:s10+$0x3F70]  }
0xd2: {  	v48 =	vld [tilespmem:s10+$0x4020];
	[tilespmem:s10+$0x3F10] =	vst v19;
	v19 =	vmul.f32 v56, v57  }
0xd3: {  	v33 =	vld [tilespmem:s10+$0x3F90];
	[tilespmem:s10+$0x3EE0] =	vst v58;
	v34 =	vmul.f32 v59, v57  }
0xd4: {  	v55 =	vld [tilespmem:s10+$0x4060];
	[tilespmem:s10+$0x3F30] =	vst v19;
	v19 =	vmul.f32 v60, v57  }
0xd5: {  	v36 =	vld [tilespmem:s10+$0x3FB0];
	v37 =	vperm.xlane v20, v9;
	[tilespmem:s10+$0x3F40] =	vst v34;
	v38 =	vmul.f32 v62, v57  }
0xd6: {  	v35 =	vld [tilespmem:s10+$0x3FA0];
	[tilespmem:s10+$0x3F50] =	vst v19;
	v19 =	vmul.f32 v63, v57  }
0xd7: {  	v40 =	vld [tilespmem:s10+$0x3FD0];
	v41 =	vmul.f32 v32, v37;
	[tilespmem:s10+$0x3F60] =	vst v38  }
0xd8: {  	v45 =	vld [tilespmem:s10+$0x4000];
	[tilespmem:s10+$0x3F70] =	vst v19;
	v19 =	vmul.f32 v33, v37  }
0xd9: {  	v51 =	vmul.f32 v42, v37;
	v43 =	vld [tilespmem:s10+$0x3FF0];
	[tilespmem:s10+$0x3F80] =	vst v41  }
0xda: {  	v52 =	vld [tilespmem:s10+$0x4040];
	[tilespmem:s10+$0x3F90] =	vst v19;
	v19 =	vmul.f32 v36, v37  }
0xdb: {  	v46 =	vld [tilespmem:s10+$0x4010];
	[tilespmem:s10+$0x3FE0] =	vst v51;
	v47 =	vmul.f32 v39, v37  }
0xdc: {  	v61 =	vld [tilespmem:s10+$0x40A0];
	[tilespmem:s10+$0x3FB0] =	vst v19;
	v19 =	vmul.f32 v40, v37  }
0xdd: {  	v49 =	vld [tilespmem:s10+$0x4030];
	v44 =	vmul.f32 v35, v37;
	v50 =	vperm.xlane v20, v10;
	[tilespmem:s10+$0x3FC0] =	vst v47  }
0xde: {  	v42 =	vld [tilespmem:s10+$0x4120];
	[tilespmem:s10+$0x3FD0] =	vst v19;
	v19 =	vmul.f32 v43, v37  }
0xdf: {  	[tilespmem:s10+$0x3FA0] =	vst v44;
	v53 =	vld [tilespmem:s10+$0x4050];
	v54 =	vmul.f32 v45, v50  }
0xe0: {  	v58 =	vld [tilespmem:s10+$0x4080];
	[tilespmem:s10+$0x3FF0] =	vst v19;
	v19 =	vmul.f32 v46, v50  }
0xe1: {  	v32 =	vmul.f32 v55, v50;
	v44 =	vperm.xlane v20, v12;
	v56 =	vld [tilespmem:s10+$0x4070];
	[tilespmem:s10+$0x4000] =	vst v54  }
0xe2: {  	v59 =	vld [tilespmem:s10+$0x4090];
	[tilespmem:s10+$0x4010] =	vst v19;
	v19 =	vmul.f32 v49, v50  }
0xe3: {  	v62 =	vld [tilespmem:s10+$0x40B0];
	[tilespmem:s10+$0x4060] =	vst v32;
	v51 =	vmul.f32 v42, v44  }
0xe4: {  	v39 =	vld [tilespmem:s10+$0x4100];
	[tilespmem:s10+$0x4030] =	vst v19;
	v19 =	vmul.f32 v53, v50  }
0xe5: {  	v34 =	vld [tilespmem:s10+$0x40D0];
	v60 =	vmul.f32 v52, v50;
	[tilespmem:s10+$0x4120] =	vst v51  }
0xe6: {  	v47 =	vld [tilespmem:s10+$0x4150];
	v63 =	vperm.xlane v20, v11;
	[tilespmem:s10+$0x4050] =	vst v19;
	v19 =	vmul.f32 v56, v50  }
0xe7: {  	v52 =	vld [tilespmem:s10+$0x4180];
	v57 =	vmul.f32 v48, v50;
	[tilespmem:s10+$0x4040] =	vst v60  }
0xe8: {  	v33 =	vld [tilespmem:s10+$0x40C0];
	[tilespmem:s10+$0x4070] =	vst v19;
	v19 =	vmul.f32 v59, v63  }
0xe9: {  	v48 =	vmul.f32 v39, v44;
	[tilespmem:s10+$0x4020] =	vst v57;
	v37 =	vld [tilespmem:s10+$0x40F0]  }
0xea: {  	v36 =	vld [tilespmem:s10+$0x40E0];
	[tilespmem:s10+$0x4090] =	vst v19;
	v19 =	vmul.f32 v62, v63  }
0xeb: {  	v35 =	vmul.f32 v58, v63;
	[tilespmem:s10+$0x4100] =	vst v48;
	v40 =	vld [tilespmem:s10+$0x4110]  }
0xec: {  	v55 =	vld [tilespmem:s10+$0x41A0];
	[tilespmem:s10+$0x40B0] =	vst v19;
	v19 =	vmul.f32 v34, v63  }
0xed: {  	v38 =	vmul.f32 v61, v63;
	v57 =	vperm.xlane v20, v13;
	[tilespmem:s10+$0x4080] =	vst v35;
	v43 =	vld [tilespmem:s10+$0x4130]  }
0xee: {  	v60 =	vld [tilespmem:s10+$0x41D0];
	[tilespmem:s10+$0x40D0] =	vst v19;
	v19 =	vmul.f32 v37, v63  }
0xef: {  	[tilespmem:s10+$0x40A0] =	vst v38;
	v61 =	vmul.f32 v52, v57;
	v41 =	vmul.f32 v33, v63;
	v33 =	vld [tilespmem:s10+$0x4200]  }
0xf0: {  	v45 =	vmul.f32 v36, v63;
	v36 =	vld [tilespmem:s10+$0x4220];
	[tilespmem:s10+$0x40F0] =	vst v19;
	v19 =	vmul.f32 v40, v44  }
0xf1: {  	[tilespmem:s10+$0x4180] =	vst v61;
	v50 =	vld [tilespmem:s10+$0x4170]  }
0xf2: {  	v46 =	vld [tilespmem:s10+$0x4140];
	[tilespmem:s10+$0x4110] =	vst v19;
	v19 =	vmul.f32 v43, v44  }
0xf3: {  	v32 =	vmul.f32 v55, v57;
	[tilespmem:s10+$0x40C0] =	vst v41;
	v53 =	vld [tilespmem:s10+$0x4190]  }
0xf4: {  	v41 =	vld [tilespmem:s10+$0x4250];
	[tilespmem:s10+$0x4130] =	vst v19;
	v19 =	vmul.f32 v47, v44  }
0xf5: {  	v38 =	vperm.xlane v20, v14;
	[tilespmem:s10+$0x41A0] =	vst v32;
	v56 =	vld [tilespmem:s10+$0x41B0]  }
0xf6: {  	v49 =	vld [tilespmem:s10+$0x4160];
	[tilespmem:s10+$0x4150] =	vst v19;
	v19 =	vmul.f32 v50, v44  }
0xf7: {  	[tilespmem:s10+$0x40E0] =	vst v45;
	v42 =	vmul.f32 v33, v38;
	v54 =	vmul.f32 v46, v44;
	v46 =	vld [tilespmem:s10+$0x4280]  }
0xf8: {  	v59 =	vld [tilespmem:s10+$0x41C0];
	[tilespmem:s10+$0x4170] =	vst v19;
	v19 =	vmul.f32 v53, v57  }
0xf9: {  	[tilespmem:s10+$0x4200] =	vst v42;
	v45 =	vmul.f32 v36, v38;
	v63 =	vld [tilespmem:s10+$0x41F0]  }
0xfa: {  	v62 =	vld [tilespmem:s10+$0x41E0];
	[tilespmem:s10+$0x4190] =	vst v19;
	v19 =	vmul.f32 v56, v57  }
0xfb: {  	[tilespmem:s10+$0x4220] =	vst v45;
	v34 =	vld [tilespmem:s10+$0x4210]  }
0xfc: {  	v58 =	vmul.f32 v49, v44;
	v49 =	vld [tilespmem:s10+$0x42A0];
	[tilespmem:s10+$0x41B0] =	vst v19;
	v19 =	vmul.f32 v60, v57  }
0xfd: {  	v51 =	vperm.xlane v20, v15;
	[tilespmem:s10+$0x4140] =	vst v54;
	v37 =	vld [tilespmem:s10+$0x4230]  }
0xfe: {  	v54 =	vld [tilespmem:s10+$0x42D0];
	[tilespmem:s10+$0x41D0] =	vst v19;
	v19 =	vmul.f32 v63, v57  }
0xff: {  	[tilespmem:s10+$0x4160] =	vst v58;
	v55 =	vmul.f32 v46, v51;
	v35 =	vmul.f32 v59, v57;
	v59 =	vld [tilespmem:s10+$0x4300]  }
0x100: {  	v39 =	vmul.f32 v62, v57;
	v62 =	vld [tilespmem:s10+$0x4320];
	[tilespmem:s10+$0x41F0] =	vst v19;
	v19 =	vmul.f32 v34, v38  }
0x101: {  	[tilespmem:s10+$0x4280] =	vst v55;
	v44 =	vld [tilespmem:s10+$0x4270]  }
0x102: {  	v40 =	vld [tilespmem:s10+$0x4240];
	[tilespmem:s10+$0x4210] =	vst v19;
	v19 =	vmul.f32 v37, v38  }
0x103: {  	v58 =	vmul.f32 v49, v51;
	[tilespmem:s10+$0x41C0] =	vst v35;
	v47 =	vld [tilespmem:s10+$0x4290]  }
0x104: {  	v35 =	vld [tilespmem:s10+$0x4350];
	[tilespmem:s10+$0x4230] =	vst v19;
	v19 =	vmul.f32 v41, v38  }
0x105: {  	v32 =	vperm.xlane v20, v16;
	[tilespmem:s10+$0x42A0] =	vst v58;
	v50 =	vld [tilespmem:s10+$0x42B0]  }
0x106: {  	v53 =	vld [tilespmem:s10+$0x42C0];
	[tilespmem:s10+$0x4250] =	vst v19;
	v19 =	vmul.f32 v44, v38  }
0x107: {  	[tilespmem:s10+$0x41E0] =	vst v39;
	v43 =	vld [tilespmem:s10+$0x4260];
	v36 =	vmul.f32 v59, v32  }
0x108: {  	v48 =	vmul.f32 v40, v38;
	v40 =	vld [tilespmem:s10+$0x4380];
	[tilespmem:s10+$0x4270] =	vst v19;
	v19 =	vmul.f32 v47, v51  }
0x109: {  	[tilespmem:s10+$0x4300] =	vst v36;
	v39 =	vmul.f32 v62, v32;
	v57 =	vld [tilespmem:s10+$0x42F0]  }
0x10a: {  	v56 =	vld [tilespmem:s10+$0x42E0];
	[tilespmem:s10+$0x4290] =	vst v19;
	v19 =	vmul.f32 v50, v51  }
0x10b: {  	[tilespmem:s10+$0x4320] =	vst v39;
	v60 =	vld [tilespmem:s10+$0x4310];
	v61 =	vmul.f32 v53, v51  }
0x10c: {  	v63 =	vld [tilespmem:s10+$0x4330];
	[tilespmem:s10+$0x42B0] =	vst v19;
	v19 =	vmul.f32 v54, v51  }
0x10d: {  	v22 =	vmul.f32 v35, v32;
	[tilespmem:s10+$0x42C0] =	vst v61;
	v61 =	vld [tilespmem:s10+$0x43B0]  }
0x10e: {  	v34 =	vld [tilespmem:s10+$0x4340];
	[tilespmem:s10+$0x42D0] =	vst v19;
	v19 =	vmul.f32 v57, v51  }
0x10f: {  	s11 =	sor.u32 $0x10, s11;
	v20 =	vperm.xlane v20, v17;
	[tilespmem:s10+$0x4350] =	vst v22;
	v37 =	vld [tilespmem:s10+$0x4360]  }
0x110: {  	v52 =	vmul.f32 v43, v38;
	[tilespmem:s10+$0x42F0] =	vst v19;
	v19 =	vld.idx.msk [tilespmem:v18+s11+$0x0 ss:$0x1], $0xffff;
	s11 =	sshll.u32 s11, $0x7  }
0x111: {  	[tilespmem:s10+$0x4240] =	vst v48;
	v49 =	vmul.f32 v40, v20;
	v38 =	vld [tilespmem:s10+$0x4370];
	s11 =	sand.u32 $0x3FFFF800, s11  }
0x112: {  	[tilespmem:s10+$0x4260] =	vst v52;
	v33 =	vmul.f32 v56, v51;
	v42 =	vld [tilespmem:s11+$0x3C00]  }
0x113: {  	[tilespmem:s10+$0x4380] =	vst v49;
	v25 =	vmul.f32 v60, v32;
	v43 =	vld [tilespmem:s11+$0x3C10]  }
0x114: {  	[tilespmem:s10+$0x42E0] =	vst v33;
	v23 =	vmul.f32 v63, v32;
	v45 =	vld [tilespmem:s11+$0x3C20]  }
0x115: {  	[tilespmem:s10+$0x4310] =	vst v25;
	v39 =	vmul.f32 v61, v20;
	v48 =	vld [tilespmem:s11+$0x3C30];
	v47 =	vperm.xlane v19, v2  }
0x116: {  	v41 =	vmul.f32 v34, v32;
	[tilespmem:s10+$0x4330] =	vst v23;
	v50 =	vld [tilespmem:s11+$0x3C40]  }
0x117: {  	[tilespmem:s10+$0x43B0] =	vst v39;
	v52 =	vld [tilespmem:s11+$0x3C50];
	v51 =	vmul.f32 v42, v47  }
0x118: {  	[tilespmem:s10+$0x4340] =	vst v41;
	v54 =	vld [tilespmem:s11+$0x3C60];
	v53 =	vmul.f32 v43, v47  }
0x119: {  	v56 =	vld [tilespmem:s11+$0x3C70];
	v55 =	vmul.f32 v45, v47;
	[tilespmem:s11+$0x3C00] =	vst v51  }
0x11a: {  	v58 =	vmul.f32 v48, v47;
	[tilespmem:s11+$0x3C10] =	vst v53  }
0x11b: {  	v59 =	vld [tilespmem:s10+$0x43A0];
	v60 =	vmul.f32 v50, v47;
	[tilespmem:s11+$0x3C20] =	vst v55  }
0x11c: {  	v63 =	vld [tilespmem:s10+$0x43C0];
	v44 =	vmul.f32 v37, v32;
	v62 =	vmul.f32 v52, v47;
	[tilespmem:s11+$0x3C30] =	vst v58  }
0x11d: {  	v36 =	vld [tilespmem:s10+$0x43E0];
	v46 =	vmul.f32 v38, v32;
	v32 =	vmul.f32 v54, v47;
	[tilespmem:s11+$0x3C40] =	vst v60  }
0x11e: {  	v57 =	vld [tilespmem:s10+$0x4390];
	v34 =	vmul.f32 v56, v47;
	[tilespmem:s11+$0x3C50] =	vst v62  }
0x11f: {  	v33 =	vld [tilespmem:s10+$0x43D0];
	[tilespmem:s11+$0x3C60] =	vst v32  }
0x120: {  	v37 =	vmul.f32 v59, v20;
	v38 =	vld [tilespmem:s10+$0x43F0];
	[tilespmem:s11+$0x3C70] =	vst v34  }
0x121: {  	v41 =	vmul.f32 v63, v20;
	[tilespmem:s10+$0x4360] =	vst v44;
	v40 =	vld [tilespmem:s10+$0x4480]  }
0x122: {  	[tilespmem:s10+$0x43A0] =	vst v37;
	v42 =	vld [tilespmem:s10+$0x4490]  }
0x123: {  	[tilespmem:s10+$0x43C0] =	vst v41;
	v35 =	vmul.f32 v57, v20;
	v44 =	vld [tilespmem:s10+$0x44A0]  }
0x124: {  	[tilespmem:s10+$0x4370] =	vst v46;
	v43 =	vmul.f32 v33, v20;
	v47 =	vld [tilespmem:s10+$0x44B0]  }
0x125: {  	[tilespmem:s10+$0x4390] =	vst v35;
	v46 =	vperm.xlane v19, v3;
	v45 =	vmul.f32 v36, v20;
	v48 =	vld [tilespmem:s10+$0x44C0]  }
0x126: {  	v20 =	vmul.f32 v38, v20;
	[tilespmem:s10+$0x43D0] =	vst v43;
	v50 =	vld [tilespmem:s10+$0x44D0]  }
0x127: {  	[tilespmem:s10+$0x43E0] =	vst v45;
	v51 =	vld [tilespmem:s10+$0x44E0];
	v49 =	vmul.f32 v40, v46  }
0x128: {  	[tilespmem:s10+$0x43F0] =	vst v20;
	v53 =	vld [tilespmem:s10+$0x44F0];
	v20 =	vmul.f32 v42, v46  }
0x129: {  	v54 =	vld [tilespmem:s10+$0x4500];
	v52 =	vmul.f32 v44, v46;
	[tilespmem:s10+$0x4480] =	vst v49  }
0x12a: {  	v55 =	vld [tilespmem:s10+$0x4510];
	v21 =	vmul.f32 v48, v46;
	[tilespmem:s10+$0x4490] =	vst v20  }
0x12b: {  	v56 =	vld [tilespmem:s10+$0x4520];
	v20 =	vmul.f32 v47, v46;
	[tilespmem:s10+$0x44A0] =	vst v52  }
0x12c: {  	v57 =	vperm.xlane v19, v4;
	v59 =	vld [tilespmem:s10+$0x4530];
	v58 =	vmul.f32 v51, v46;
	[tilespmem:s10+$0x44C0] =	vst v21  }
0x12d: {  	v60 =	vld [tilespmem:s10+$0x4540];
	[tilespmem:s10+$0x44B0] =	vst v20;
	v20 =	vmul.f32 v50, v46  }
0x12e: {  	v62 =	vld [tilespmem:s10+$0x4550];
	v61 =	vmul.f32 v54, v57;
	[tilespmem:s10+$0x44E0] =	vst v58  }
0x12f: {  	v63 =	vld [tilespmem:s10+$0x4560];
	[tilespmem:s10+$0x44D0] =	vst v20;
	v20 =	vmul.f32 v53, v46  }
0x130: {  	v30 =	vld [tilespmem:s10+$0x4570];
	v29 =	vmul.f32 v56, v57;
	[tilespmem:s10+$0x4500] =	vst v61  }
0x131: {  	v31 =	vld [tilespmem:s10+$0x4580];
	[tilespmem:s10+$0x44F0] =	vst v20;
	v20 =	vmul.f32 v55, v57  }
0x132: {  	v33 =	vld [tilespmem:s10+$0x4590];
	v32 =	vmul.f32 v60, v57;
	[tilespmem:s10+$0x4520] =	vst v29  }
0x133: {  	v34 =	vld [tilespmem:s10+$0x45A0];
	[tilespmem:s10+$0x4510] =	vst v20;
	v20 =	vmul.f32 v59, v57  }
0x134: {  	v35 =	vperm.xlane v19, v5;
	v37 =	vld [tilespmem:s10+$0x45B0];
	v36 =	vmul.f32 v63, v57;
	[tilespmem:s10+$0x4540] =	vst v32  }
0x135: {  	v38 =	vld [tilespmem:s10+$0x45C0];
	[tilespmem:s10+$0x4530] =	vst v20;
	v20 =	vmul.f32 v62, v57  }
0x136: {  	v41 =	vld [tilespmem:s10+$0x45E0];
	v39 =	vmul.f32 v31, v35;
	[tilespmem:s10+$0x4560] =	vst v36  }
0x137: {  	v43 =	vld [tilespmem:s10+$0x45F0];
	[tilespmem:s10+$0x4550] =	vst v20;
	v20 =	vmul.f32 v30, v57  }
0x138: {  	v40 =	vld [tilespmem:s10+$0x45D0];
	v42 =	vmul.f32 v34, v35;
	[tilespmem:s10+$0x4580] =	vst v39  }
0x139: {  	v44 =	vld [tilespmem:s10+$0x4600];
	[tilespmem:s10+$0x4570] =	vst v20;
	v20 =	vmul.f32 v33, v35  }
0x13a: {  	v45 =	vmul.f32 v38, v35;
	v51 =	vld [tilespmem:s10+$0x4640];
	[tilespmem:s10+$0x45A0] =	vst v42  }
0x13b: {  	v54 =	vld [tilespmem:s10+$0x4660];
	[tilespmem:s10+$0x4590] =	vst v20;
	v20 =	vmul.f32 v37, v35  }
0x13c: {  	v48 =	vperm.xlane v19, v6;
	[tilespmem:s10+$0x45C0] =	vst v45;
	v49 =	vmul.f32 v41, v35;
	v46 =	vld [tilespmem:s10+$0x4610]  }
0x13d: {  	v47 =	vld [tilespmem:s10+$0x4620];
	[tilespmem:s10+$0x45B0] =	vst v20;
	v20 =	vmul.f32 v40, v35  }
0x13e: {  	v50 =	vld [tilespmem:s10+$0x4630];
	[tilespmem:s10+$0x45E0] =	vst v49;
	v52 =	vmul.f32 v44, v48  }
0x13f: {  	v29 =	vld [tilespmem:s10+$0x46C0];
	[tilespmem:s10+$0x45D0] =	vst v20;
	v20 =	vmul.f32 v43, v35  }
0x140: {  	v58 =	vmul.f32 v51, v48;
	v53 =	vld [tilespmem:s10+$0x4650];
	[tilespmem:s10+$0x4600] =	vst v52  }
0x141: {  	v42 =	vld [tilespmem:s10+$0x4740];
	[tilespmem:s10+$0x45F0] =	vst v20;
	v20 =	vmul.f32 v46, v48  }
0x142: {  	v56 =	vld [tilespmem:s10+$0x4670];
	v61 =	vperm.xlane v19, v7;
	[tilespmem:s10+$0x4640] =	vst v58;
	v55 =	vmul.f32 v47, v48  }
0x143: {  	v60 =	vld [tilespmem:s10+$0x46A0];
	[tilespmem:s10+$0x4610] =	vst v20;
	v20 =	vmul.f32 v50, v48  }
0x144: {  	v39 =	vperm.xlane v19, v8;
	v36 =	vmul.f32 v29, v61;
	[tilespmem:s10+$0x4620] =	vst v55;
	v59 =	vld [tilespmem:s10+$0x4690]  }
0x145: {  	v55 =	vld [tilespmem:s10+$0x47C0];
	[tilespmem:s10+$0x4630] =	vst v20;
	v20 =	vmul.f32 v53, v48  }
0x146: {  	v63 =	vld [tilespmem:s10+$0x46B0];
	v49 =	vmul.f32 v42, v39;
	[tilespmem:s10+$0x46C0] =	vst v36  }
0x147: {  	v31 =	vld [tilespmem:s10+$0x46D0];
	[tilespmem:s10+$0x4650] =	vst v20;
	v20 =	vmul.f32 v56, v48  }
0x148: {  	v34 =	vld [tilespmem:s10+$0x46F0];
	v52 =	vperm.xlane v19, v9;
	[tilespmem:s10+$0x4740] =	vst v49;
	v62 =	vmul.f32 v54, v48  }
0x149: {  	v57 =	vld [tilespmem:s10+$0x4680];
	[tilespmem:s10+$0x4670] =	vst v20;
	v20 =	vmul.f32 v59, v61  }
0x14a: {  	v32 =	vld [tilespmem:s10+$0x46E0];
	[tilespmem:s10+$0x4660] =	vst v62;
	v62 =	vmul.f32 v55, v52  }
0x14b: {  	[tilespmem:s10+$0x4690] =	vst v20;
	v20 =	vmul.f32 v63, v61  }
0x14c: {  	v33 =	vmul.f32 v60, v61;
	[tilespmem:s10+$0x47C0] =	vst v62;
	v37 =	vld [tilespmem:s10+$0x4710]  }
0x14d: {  	v38 =	vld [tilespmem:s10+$0x4720];
	[tilespmem:s10+$0x46B0] =	vst v20;
	v20 =	vmul.f32 v31, v61  }
0x14e: {  	v41 =	vld [tilespmem:s10+$0x4730];
	[tilespmem:s10+$0x46A0] =	vst v33;
	v30 =	vmul.f32 v57, v61  }
0x14f: {  	v40 =	vmul.f32 v32, v61;
	v32 =	vld [tilespmem:s10+$0x4820];
	[tilespmem:s10+$0x46D0] =	vst v20;
	v20 =	vmul.f32 v34, v61  }
0x150: {  	v44 =	vld [tilespmem:s10+$0x4750];
	[tilespmem:s10+$0x4680] =	vst v30  }
0x151: {  	v35 =	vld [tilespmem:s10+$0x4700];
	[tilespmem:s10+$0x46F0] =	vst v20;
	v20 =	vmul.f32 v37, v39  }
0x152: {  	v47 =	vld [tilespmem:s10+$0x4770];
	v33 =	vperm.xlane v19, v10;
	[tilespmem:s10+$0x46E0] =	vst v40;
	v46 =	vmul.f32 v38, v39  }
0x153: {  	v45 =	vld [tilespmem:s10+$0x4760];
	[tilespmem:s10+$0x4710] =	vst v20;
	v20 =	vmul.f32 v41, v39  }
0x154: {  	v40 =	vmul.f32 v32, v33;
	[tilespmem:s10+$0x4720] =	vst v46;
	v50 =	vld [tilespmem:s10+$0x4790]  }
0x155: {  	v36 =	vld [tilespmem:s10+$0x4840];
	[tilespmem:s10+$0x4730] =	vst v20;
	v20 =	vmul.f32 v44, v39  }
0x156: {  	v54 =	vld [tilespmem:s10+$0x47B0];
	v43 =	vmul.f32 v35, v39;
	[tilespmem:s10+$0x4820] =	vst v40  }
0x157: {  	v51 =	vld [tilespmem:s10+$0x47A0];
	[tilespmem:s10+$0x4750] =	vst v20;
	v20 =	vmul.f32 v47, v39  }
0x158: {  	v57 =	vld [tilespmem:s10+$0x47D0];
	v53 =	vmul.f32 v45, v39;
	[tilespmem:s10+$0x4700] =	vst v43  }
0x159: {  	v45 =	vld [tilespmem:s10+$0x48A0];
	[tilespmem:s10+$0x4770] =	vst v20;
	v20 =	vmul.f32 v50, v52  }
0x15a: {  	v60 =	vld [tilespmem:s10+$0x47F0];
	v43 =	vmul.f32 v36, v33;
	[tilespmem:s10+$0x4760] =	vst v53  }
0x15b: {  	v48 =	vld [tilespmem:s10+$0x4780];
	[tilespmem:s10+$0x4790] =	vst v20;
	v20 =	vmul.f32 v54, v52  }
0x15c: {  	v46 =	vperm.xlane v19, v11;
	[tilespmem:s10+$0x4840] =	vst v43;
	v59 =	vmul.f32 v51, v52;
	v63 =	vld [tilespmem:s10+$0x4810]  }
0x15d: {  	v49 =	vld [tilespmem:s10+$0x48C0];
	[tilespmem:s10+$0x47B0] =	vst v20;
	v20 =	vmul.f32 v57, v52  }
0x15e: {  	v35 =	vld [tilespmem:s10+$0x4830];
	v53 =	vmul.f32 v45, v46;
	[tilespmem:s10+$0x47A0] =	vst v59  }
0x15f: {  	v58 =	vld [tilespmem:s10+$0x47E0];
	[tilespmem:s10+$0x47D0] =	vst v20;
	v20 =	vmul.f32 v60, v52  }
0x160: {  	v38 =	vld [tilespmem:s10+$0x4850];
	v56 =	vmul.f32 v48, v52;
	[tilespmem:s10+$0x48A0] =	vst v53  }
0x161: {  	v62 =	vld [tilespmem:s10+$0x4940];
	[tilespmem:s10+$0x47F0] =	vst v20;
	v20 =	vmul.f32 v63, v33  }
0x162: {  	[tilespmem:s10+$0x4780] =	vst v56;
	v56 =	vmul.f32 v49, v46;
	v41 =	vld [tilespmem:s10+$0x4870]  }
0x163: {  	v61 =	vld [tilespmem:s10+$0x4800];
	[tilespmem:s10+$0x4810] =	vst v20;
	v20 =	vmul.f32 v35, v33  }
0x164: {  	v59 =	vperm.xlane v19, v12;
	v34 =	vmul.f32 v58, v52;
	[tilespmem:s10+$0x48C0] =	vst v56;
	v44 =	vld [tilespmem:s10+$0x4890]  }
0x165: {  	v58 =	vld [tilespmem:s10+$0x4920];
	[tilespmem:s10+$0x4830] =	vst v20;
	v20 =	vmul.f32 v38, v33  }
0x166: {  	v48 =	vld [tilespmem:s10+$0x48B0];
	[tilespmem:s10+$0x47E0] =	vst v34;
	v34 =	vmul.f32 v62, v59  }
0x167: {  	v42 =	vld [tilespmem:s10+$0x4880];
	[tilespmem:s10+$0x4850] =	vst v20;
	v20 =	vmul.f32 v41, v33  }
0x168: {  	v51 =	vld [tilespmem:s10+$0x48D0];
	[tilespmem:s10+$0x4940] =	vst v34;
	v37 =	vmul.f32 v61, v33  }
0x169: {  	v39 =	vld [tilespmem:s10+$0x4860];
	[tilespmem:s10+$0x4870] =	vst v20;
	v20 =	vmul.f32 v44, v46  }
0x16a: {  	v31 =	vmul.f32 v58, v59;
	[tilespmem:s10+$0x4800] =	vst v37;
	v54 =	vld [tilespmem:s10+$0x48F0]  }
0x16b: {  	v40 =	vld [tilespmem:s10+$0x49C0];
	[tilespmem:s10+$0x4890] =	vst v20;
	v20 =	vmul.f32 v48, v46  }
0x16c: {  	[tilespmem:s10+$0x4920] =	vst v31;
	v50 =	vmul.f32 v42, v46;
	v57 =	vld [tilespmem:s10+$0x4910]  }
0x16d: {  	v55 =	vld [tilespmem:s10+$0x4900];
	[tilespmem:s10+$0x48B0] =	vst v20;
	v20 =	vmul.f32 v51, v46  }
0x16e: {  	v61 =	vld [tilespmem:s10+$0x4930];
	v37 =	vperm.xlane v19, v13;
	[tilespmem:s10+$0x4880] =	vst v50;
	v47 =	vmul.f32 v39, v33  }
0x16f: {  	v52 =	vld [tilespmem:s10+$0x48E0];
	[tilespmem:s10+$0x48D0] =	vst v20;
	v20 =	vmul.f32 v54, v46  }
0x170: {  	v29 =	vld [tilespmem:s10+$0x4950];
	[tilespmem:s10+$0x4860] =	vst v47;
	v47 =	vmul.f32 v40, v37  }
0x171: {  	v30 =	vld [tilespmem:s10+$0x4960];
	[tilespmem:s10+$0x48F0] =	vst v20;
	v20 =	vmul.f32 v57, v59  }
0x172: {  	v32 =	vld [tilespmem:s10+$0x4970];
	[tilespmem:s10+$0x49C0] =	vst v47;
	v63 =	vmul.f32 v55, v59  }
0x173: {  	v53 =	vld [tilespmem:s10+$0x4A40];
	[tilespmem:s10+$0x4910] =	vst v20;
	v20 =	vmul.f32 v61, v59  }
0x174: {  	[tilespmem:s10+$0x4900] =	vst v63;
	v35 =	vld [tilespmem:s10+$0x4990];
	v60 =	vmul.f32 v52, v46  }
0x175: {  	v36 =	vld [tilespmem:s10+$0x49A0];
	[tilespmem:s10+$0x4930] =	vst v20;
	v20 =	vmul.f32 v29, v59  }
0x176: {  	v50 =	vperm.xlane v19, v14;
	v39 =	vld [tilespmem:s10+$0x49B0];
	v38 =	vmul.f32 v30, v59;
	[tilespmem:s10+$0x48E0] =	vst v60  }
0x177: {  	v31 =	vld [tilespmem:s10+$0x4AC0];
	[tilespmem:s10+$0x4950] =	vst v20;
	v20 =	vmul.f32 v32, v59  }
0x178: {  	v42 =	vld [tilespmem:s10+$0x49D0];
	v60 =	vmul.f32 v53, v50;
	[tilespmem:s10+$0x4960] =	vst v38  }
0x179: {  	v33 =	vld [tilespmem:s10+$0x4980];
	[tilespmem:s10+$0x4970] =	vst v20;
	v20 =	vmul.f32 v35, v37  }
0x17a: {  	v45 =	vld [tilespmem:s10+$0x49F0];
	v63 =	vperm.xlane v19, v15;
	[tilespmem:s10+$0x4A40] =	vst v60;
	v44 =	vmul.f32 v36, v37  }
0x17b: {  	v43 =	vld [tilespmem:s10+$0x49E0];
	[tilespmem:s10+$0x4990] =	vst v20;
	v20 =	vmul.f32 v39, v37  }
0x17c: {  	v38 =	vmul.f32 v31, v63;
	[tilespmem:s10+$0x49A0] =	vst v44;
	v48 =	vld [tilespmem:s10+$0x4A10]  }
0x17d: {  	v44 =	vld [tilespmem:s10+$0x4B40];
	[tilespmem:s10+$0x49B0] =	vst v20;
	v20 =	vmul.f32 v42, v37  }
0x17e: {  	v52 =	vld [tilespmem:s10+$0x4A30];
	[tilespmem:s10+$0x4AC0] =	vst v38;
	v41 =	vmul.f32 v33, v37  }
0x17f: {  	v53 =	vld [tilespmem:s10+$0x4BA0];
	[tilespmem:s10+$0x49D0] =	vst v20;
	v20 =	vmul.f32 v45, v37  }
0x180: {  	v55 =	vld [tilespmem:s10+$0x4A50];
	v51 =	vmul.f32 v43, v37;
	[tilespmem:s10+$0x4980] =	vst v41;
	v41 =	vperm.xlane v19, v16  }
0x181: {  	v49 =	vld [tilespmem:s10+$0x4A20];
	[tilespmem:s10+$0x49F0] =	vst v20;
	v20 =	vmul.f32 v48, v50  }
0x182: {  	v58 =	vld [tilespmem:s10+$0x4A70];
	v19 =	vperm.xlane v19, v17;
	[tilespmem:s10+$0x49E0] =	vst v51;
	v51 =	vmul.f32 v44, v41  }
0x183: {  	v46 =	vld [tilespmem:s10+$0x4A00];
	[tilespmem:s10+$0x4A10] =	vst v20;
	v20 =	vmul.f32 v52, v50  }
0x184: {  	v60 =	vmul.f32 v53, v19;
	[tilespmem:s10+$0x4B40] =	vst v51;
	v61 =	vld [tilespmem:s10+$0x4A90]  }
0x185: {  	v56 =	vld [tilespmem:s10+$0x4A60];
	[tilespmem:s10+$0x4A30] =	vst v20;
	v20 =	vmul.f32 v55, v50  }
0x186: {  	v30 =	vld [tilespmem:s10+$0x4AB0];
	v57 =	vmul.f32 v49, v50;
	[tilespmem:s10+$0x4BA0] =	vst v60  }
0x187: {  	v47 =	vld [tilespmem:s10+$0x4B60];
	[tilespmem:s10+$0x4A50] =	vst v20;
	v20 =	vmul.f32 v58, v50  }
0x188: {  	v33 =	vld [tilespmem:s10+$0x4AD0];
	[tilespmem:s10+$0x4A20] =	vst v57;
	v54 =	vmul.f32 v46, v50  }
0x189: {  	v62 =	vld [tilespmem:s10+$0x4AA0];
	[tilespmem:s10+$0x4A70] =	vst v20;
	v20 =	vmul.f32 v61, v63  }
0x18a: {  	v36 =	vld [tilespmem:s10+$0x4AF0];
	v29 =	vmul.f32 v56, v50;
	[tilespmem:s10+$0x4A00] =	vst v54  }
0x18b: {  	v56 =	vld [tilespmem:s10+$0x4BC0];
	[tilespmem:s10+$0x4A90] =	vst v20;
	v20 =	vmul.f32 v30, v63  }
0x18c: {  	v54 =	vmul.f32 v47, v41;
	[tilespmem:s10+$0x4A60] =	vst v29;
	v39 =	vld [tilespmem:s10+$0x4B10]  }
0x18d: {  	v59 =	vld [tilespmem:s10+$0x4A80];
	[tilespmem:s10+$0x4AB0] =	vst v20;
	v20 =	vmul.f32 v33, v63  }
0x18e: {  	v43 =	vld [tilespmem:s10+$0x4B30];
	[tilespmem:s10+$0x4B60] =	vst v54;
	v35 =	vmul.f32 v62, v63  }
0x18f: {  	v34 =	vld [tilespmem:s10+$0x4AE0];
	[tilespmem:s10+$0x4AD0] =	vst v20;
	v20 =	vmul.f32 v36, v63  }
0x190: {  	v46 =	vld [tilespmem:s10+$0x4B50];
	v62 =	vmul.f32 v56, v19;
	[tilespmem:s10+$0x4AA0] =	vst v35  }
0x191: {  	v40 =	vld [tilespmem:s10+$0x4B20];
	[tilespmem:s10+$0x4AF0] =	vst v20;
	v20 =	vmul.f32 v39, v41  }
0x192: {  	v49 =	vld [tilespmem:s10+$0x4B70];
	v32 =	vmul.f32 v59, v63;
	[tilespmem:s10+$0x4BC0] =	vst v62  }
0x193: {  	v37 =	vld [tilespmem:s10+$0x4B00];
	[tilespmem:s10+$0x4B10] =	vst v20;
	v20 =	vmul.f32 v43, v41  }
0x194: {  	v42 =	vmul.f32 v34, v63;
	[tilespmem:s10+$0x4A80] =	vst v32;
	v52 =	vld [tilespmem:s10+$0x4B90]  }
0x195: {  	v50 =	vld [tilespmem:s10+$0x4B80];
	[tilespmem:s10+$0x4B30] =	vst v20;
	v20 =	vmul.f32 v46, v41  }
0x196: {  	[tilespmem:s10+$0x4AE0] =	vst v42;
	v48 =	vmul.f32 v40, v41;
	v55 =	vld [tilespmem:s10+$0x4BB0]  }
0x197: {  	v59 =	vld [tilespmem:s10+$0x4BE0];
	[tilespmem:s10+$0x4B50] =	vst v20;
	v20 =	vmul.f32 v49, v41  }
0x198: {  	[tilespmem:s10+$0x4B20] =	vst v48;
	v45 =	vmul.f32 v37, v41;
	v58 =	vld [tilespmem:s10+$0x4BD0]  }
0x199: {  	v61 =	vld [tilespmem:s10+$0x4BF0];
	[tilespmem:s10+$0x4B70] =	vst v20;
	v20 =	vmul.f32 v52, v19  }
0x19a: {  	[tilespmem:s10+$0x4B00] =	vst v45;
	v57 =	vmul.f32 v50, v19  }
0x19b: {  	p2 =	slt.u32 s9, $0x6;
	[tilespmem:s10+$0x4B90] =	vst v20;
	v20 =	vmul.f32 v55, v19  }
.Ltmp2:
0x19c: {  	[tilespmem:s10+$0x4B80] =	vst v57;
	v63 =	vmul.f32 v59, v19;
	(pc) =	sbr.rel @p2 .LBB2_8-.Ltmp2, $4  }
0x19d: {  	[tilespmem:s10+$0x4BB0] =	vst v20;
	v20 =	vmul.f32 v58, v19  }
0x19e: {  	[tilespmem:s10+$0x4BE0] =	vst v63;
	v19 =	vmul.f32 v61, v19  }
0x19f: {  	s11 =	sadd.s32 $0x2, s9;
	[tilespmem:s10+$0x4BD0] =	vst v20  }
0x1a0: {  	s9 =	smov.u32 s11;
	[tilespmem:s10+$0x4BF0] =	vst v19  }
0x1a1: {  	[spmem:s1] =	stream.indirect.scatter.add.f32 [tilespmem:s28], [sflag:$0x3], $0x80, s7, s26, $0xb8;
	[tilespmem:$0x1F480] =	vst v63  }
0x1a2: {  	_ =	swait.ge [sflag:s30], $0x4000  }
0x1a3: {  	[sflag:s30] =	ssyncset.done $0x0  }
0x1a4: {  	[sflag:s30] =	ssyncadd.s32 $0xFFFFC000  }
0x1a5: {  	p2 =	seq.s32 s3, $0x13;
	s11 =	sadd.s32 $0x2800, s5;
	_ =	swait.ge [sflag:s31], $0x4000  }
0x1a6: {  	s6 =	sshra.s32 @!p2 s6, $0x2;
	s7 =	simm.s32 @!p2 $0x80;
	[sflag:s31] =	ssyncset.done $0x0  }
0x1a7: {  	s9 =	simm.s32 @!p2 $0x3C00;
	v18 =	vmov s11;
	s6 =	sadd.s32 @!p2 $0x1500, s6;
	[sflag:s31] =	ssyncadd.s32 $0xFFFFC000  }
0x1a8: {  	[tilespmem:s9], [sflag:$0x1] =	stream.indirect.gather @!p2 [hbm4b:s4+s7], $0x80, s6, s7, $0xb8;
	[tilespmem:$0x1F480] =	vst v63  }
0x1a9: {  	s6 =	simm.s32 $0x0  }
.LBB2_10:
0x1aa: {  	s9 =	sshll.u32 s6, $0x4  }
0x1ab: {  	s7 =	sand.u32 $0x3FFFFFF0, s9  }
0x1ac: {  	s10 =	sshll.u32 s6, $0xB;
	v20 =	vld.idx.msk [tilespmem:v18+s7+$0x0 ss:$0x1], $0xffff  }
0x1ad: {  	s7 =	sand.u32 $0x3FFFF800, s10  }
0x1ae: {  	v19 =	vld [tilespmem:s7+$0x7C00]  }
0x1af: {  	v21 =	vld [tilespmem:s7+$0x7C10]  }
0x1b0: {  	v22 =	vld [tilespmem:s7+$0x7C20]  }
0x1b1: {  	v24 =	vld [tilespmem:s7+$0x7C30];
	v23 =	vperm.xlane v20, v2  }
0x1b2: {  	v25 =	vld [tilespmem:s7+$0x7C40]  }
0x1b3: {  	v26 =	vld [tilespmem:s7+$0x7C50];
	v19 =	vmul.f32 v19, v23  }
0x1b4: {  	v27 =	vld [tilespmem:s7+$0x7C60];
	v21 =	vmul.f32 v21, v23  }
0x1b5: {  	[tilespmem:s7+$0x7C00] =	vst v19;
	v19 =	vmul.f32 v22, v23  }
0x1b6: {  	v54 =	vmul.f32 v24, v23;
	[tilespmem:s7+$0x7C10] =	vst v21  }
0x1b7: {  	[tilespmem:s7+$0x7C20] =	vst v19;
	v19 =	vmul.f32 v25, v23  }
0x1b8: {  	v55 =	vmul.f32 v26, v23;
	[tilespmem:s7+$0x7C30] =	vst v54  }
0x1b9: {  	[tilespmem:s7+$0x7C40] =	vst v19;
	v19 =	vmul.f32 v27, v23  }
0x1ba: {  	[tilespmem:s7+$0x7C50] =	vst v55  }
0x1bb: {  	[tilespmem:s7+$0x7C60] =	vst v19  }
0x1bc: {  	v19 =	vld [tilespmem:s7+$0x7C70]  }
0x1bd: {  	v56 =	vld [tilespmem:s7+$0x7C80]  }
0x1be: {  	v57 =	vld [tilespmem:s7+$0x7C90]  }
0x1bf: {  	v58 =	vld [tilespmem:s7+$0x7CA0]  }
0x1c0: {  	v59 =	vld [tilespmem:s7+$0x7CB0]  }
0x1c1: {  	v61 =	vld [tilespmem:s7+$0x7CC0]  }
0x1c2: {  	v62 =	vld [tilespmem:s7+$0x7CD0]  }
0x1c3: {  	v60 =	vperm.xlane v20, v3;
	v28 =	vld [tilespmem:s7+$0x7CE0]  }
0x1c4: {  	v63 =	vld [tilespmem:s7+$0x7CF0];
	v19 =	vmul.f32 v19, v23  }
0x1c5: {  	v33 =	vld [tilespmem:s7+$0x7D00];
	v21 =	vmul.f32 v56, v60  }
0x1c6: {  	v34 =	vld [tilespmem:s7+$0x7D10];
	[tilespmem:s7+$0x7C70] =	vst v19;
	v19 =	vmul.f32 v57, v60  }
0x1c7: {  	v36 =	vld [tilespmem:s7+$0x7D20];
	v32 =	vmul.f32 v58, v60;
	[tilespmem:s7+$0x7C80] =	vst v21  }
0x1c8: {  	v37 =	vld [tilespmem:s7+$0x7D30];
	[tilespmem:s7+$0x7C90] =	vst v19;
	v19 =	vmul.f32 v59, v60  }
0x1c9: {  	v39 =	vld [tilespmem:s7+$0x7D40];
	v35 =	vmul.f32 v61, v60;
	[tilespmem:s7+$0x7CA0] =	vst v32  }
0x1ca: {  	v40 =	vld [tilespmem:s7+$0x7D50];
	[tilespmem:s7+$0x7CB0] =	vst v19;
	v19 =	vmul.f32 v62, v60  }
0x1cb: {  	v29 =	vperm.xlane v20, v4;
	v42 =	vld [tilespmem:s7+$0x7D60];
	v38 =	vmul.f32 v28, v60;
	[tilespmem:s7+$0x7CC0] =	vst v35  }
0x1cc: {  	v43 =	vld [tilespmem:s7+$0x7D70];
	[tilespmem:s7+$0x7CD0] =	vst v19;
	v19 =	vmul.f32 v63, v60  }
0x1cd: {  	v45 =	vld [tilespmem:s7+$0x7D80];
	v41 =	vmul.f32 v33, v29;
	[tilespmem:s7+$0x7CE0] =	vst v38  }
0x1ce: {  	v46 =	vld [tilespmem:s7+$0x7D90];
	[tilespmem:s7+$0x7CF0] =	vst v19;
	v19 =	vmul.f32 v34, v29  }
0x1cf: {  	v48 =	vld [tilespmem:s7+$0x7DA0];
	v44 =	vmul.f32 v36, v29;
	[tilespmem:s7+$0x7D00] =	vst v41  }
0x1d0: {  	v49 =	vld [tilespmem:s7+$0x7DB0];
	[tilespmem:s7+$0x7D10] =	vst v19;
	v19 =	vmul.f32 v37, v29  }
0x1d1: {  	v52 =	vld [tilespmem:s7+$0x7DC0];
	v47 =	vmul.f32 v39, v29;
	[tilespmem:s7+$0x7D20] =	vst v44  }
0x1d2: {  	v53 =	vld [tilespmem:s7+$0x7DD0];
	[tilespmem:s7+$0x7D30] =	vst v19;
	v19 =	vmul.f32 v40, v29  }
0x1d3: {  	v50 =	vperm.xlane v20, v5;
	v55 =	vld [tilespmem:s7+$0x7DE0];
	v51 =	vmul.f32 v42, v29;
	[tilespmem:s7+$0x7D40] =	vst v47  }
0x1d4: {  	v56 =	vld [tilespmem:s7+$0x7DF0];
	[tilespmem:s7+$0x7D50] =	vst v19;
	v19 =	vmul.f32 v43, v29  }
0x1d5: {  	v54 =	vmul.f32 v45, v50;
	v58 =	vld [tilespmem:s7+$0x7E00];
	[tilespmem:s7+$0x7D60] =	vst v51  }
0x1d6: {  	v39 =	vld [tilespmem:s7+$0x7E80];
	[tilespmem:s7+$0x7D70] =	vst v19;
	v19 =	vmul.f32 v46, v50  }
0x1d7: {  	v61 =	vld [tilespmem:s7+$0x7E20];
	[tilespmem:s7+$0x7D80] =	vst v54;
	v57 =	vmul.f32 v48, v50  }
0x1d8: {  	v42 =	vld [tilespmem:s7+$0x7EA0];
	[tilespmem:s7+$0x7D90] =	vst v19;
	v19 =	vmul.f32 v49, v50  }
0x1d9: {  	v32 =	vmul.f32 v55, v50;
	v44 =	vperm.xlane v20, v7;
	v59 =	vld [tilespmem:s7+$0x7E10];
	[tilespmem:s7+$0x7DA0] =	vst v57  }
0x1da: {  	v55 =	vld [tilespmem:s7+$0x7F20];
	[tilespmem:s7+$0x7DB0] =	vst v19;
	v19 =	vmul.f32 v53, v50  }
0x1db: {  	[tilespmem:s7+$0x7DE0] =	vst v32;
	v48 =	vmul.f32 v39, v44;
	v62 =	vld [tilespmem:s7+$0x7E30]  }
0x1dc: {  	v33 =	vld [tilespmem:s7+$0x7E40];
	v63 =	vperm.xlane v20, v6;
	[tilespmem:s7+$0x7DD0] =	vst v19;
	v19 =	vmul.f32 v56, v50  }
0x1dd: {  	v57 =	vperm.xlane v20, v8;
	v51 =	vmul.f32 v42, v44;
	[tilespmem:s7+$0x7E80] =	vst v48;
	v34 =	vld [tilespmem:s7+$0x7E50]  }
0x1de: {  	v36 =	vld [tilespmem:s7+$0x7E60];
	[tilespmem:s7+$0x7DF0] =	vst v19;
	v19 =	vmul.f32 v59, v63  }
0x1df: {  	[tilespmem:s7+$0x7EA0] =	vst v51;
	v31 =	vmul.f32 v55, v57;
	v37 =	vld [tilespmem:s7+$0x7E70]  }
0x1e0: {  	v47 =	vld [tilespmem:s7+$0x7ED0];
	[tilespmem:s7+$0x7E10] =	vst v19;
	v19 =	vmul.f32 v62, v63  }
0x1e1: {  	v60 =	vmul.f32 v52, v50;
	[tilespmem:s7+$0x7F20] =	vst v31;
	v40 =	vld [tilespmem:s7+$0x7E90]  }
0x1e2: {  	v32 =	vld [tilespmem:s7+$0x7F80];
	[tilespmem:s7+$0x7E30] =	vst v19;
	v19 =	vmul.f32 v34, v63  }
0x1e3: {  	[tilespmem:s7+$0x7DC0] =	vst v60;
	v35 =	vmul.f32 v58, v63;
	v43 =	vld [tilespmem:s7+$0x7EB0]  }
0x1e4: {  	v39 =	vld [tilespmem:s7+$0x7FC0];
	[tilespmem:s7+$0x7E50] =	vst v19;
	v19 =	vmul.f32 v37, v63  }
0x1e5: {  	v42 =	vld [tilespmem:s7+$0x7FE0];
	v38 =	vmul.f32 v61, v63;
	[tilespmem:s7+$0x7E00] =	vst v35  }
0x1e6: {  	v52 =	vld [tilespmem:s7+$0x7F00];
	[tilespmem:s7+$0x7E70] =	vst v19;
	v19 =	vmul.f32 v40, v44  }
0x1e7: {  	v41 =	vmul.f32 v33, v63;
	[tilespmem:s7+$0x7E20] =	vst v38;
	v50 =	vld [tilespmem:s7+$0x7EF0]  }
0x1e8: {  	v46 =	vld [tilespmem:s7+$0x7EC0];
	[tilespmem:s7+$0x7E90] =	vst v19;
	v19 =	vmul.f32 v43, v44  }
0x1e9: {  	v45 =	vmul.f32 v36, v63;
	[tilespmem:s7+$0x7E40] =	vst v41;
	v53 =	vld [tilespmem:s7+$0x7F10]  }
0x1ea: {  	v49 =	vld [tilespmem:s7+$0x7EE0];
	[tilespmem:s7+$0x7EB0] =	vst v19;
	v19 =	vmul.f32 v47, v44  }
0x1eb: {  	[tilespmem:s7+$0x7E60] =	vst v45;
	v61 =	vmul.f32 v52, v57;
	v56 =	vld [tilespmem:s7+$0x7F30]  }
0x1ec: {  	v59 =	vld [tilespmem:s7+$0x7F40];
	[tilespmem:s7+$0x7ED0] =	vst v19;
	v19 =	vmul.f32 v50, v44  }
0x1ed: {  	v60 =	vld [tilespmem:s7+$0x7F50];
	[tilespmem:s7+$0x7F00] =	vst v61;
	v54 =	vmul.f32 v46, v44  }
0x1ee: {  	v62 =	vld [tilespmem:s7+$0x7F60];
	[tilespmem:s7+$0x7EF0] =	vst v19;
	v19 =	vmul.f32 v53, v57  }
0x1ef: {  	[tilespmem:s7+$0x7EC0] =	vst v54;
	v58 =	vmul.f32 v49, v44;
	v63 =	vld [tilespmem:s7+$0x7F70]  }
0x1f0: {  	v48 =	vld [tilespmem:s7+$0x8020];
	[tilespmem:s7+$0x7F10] =	vst v19;
	v19 =	vmul.f32 v56, v57  }
0x1f1: {  	v33 =	vld [tilespmem:s7+$0x7F90];
	[tilespmem:s7+$0x7EE0] =	vst v58;
	v34 =	vmul.f32 v59, v57  }
0x1f2: {  	v55 =	vld [tilespmem:s7+$0x8060];
	[tilespmem:s7+$0x7F30] =	vst v19;
	v19 =	vmul.f32 v60, v57  }
0x1f3: {  	v36 =	vld [tilespmem:s7+$0x7FB0];
	v37 =	vperm.xlane v20, v9;
	[tilespmem:s7+$0x7F40] =	vst v34;
	v38 =	vmul.f32 v62, v57  }
0x1f4: {  	v35 =	vld [tilespmem:s7+$0x7FA0];
	[tilespmem:s7+$0x7F50] =	vst v19;
	v19 =	vmul.f32 v63, v57  }
0x1f5: {  	v40 =	vld [tilespmem:s7+$0x7FD0];
	v41 =	vmul.f32 v32, v37;
	[tilespmem:s7+$0x7F60] =	vst v38  }
0x1f6: {  	v45 =	vld [tilespmem:s7+$0x8000];
	[tilespmem:s7+$0x7F70] =	vst v19;
	v19 =	vmul.f32 v33, v37  }
0x1f7: {  	v51 =	vmul.f32 v42, v37;
	v43 =	vld [tilespmem:s7+$0x7FF0];
	[tilespmem:s7+$0x7F80] =	vst v41  }
0x1f8: {  	v52 =	vld [tilespmem:s7+$0x8040];
	[tilespmem:s7+$0x7F90] =	vst v19;
	v19 =	vmul.f32 v36, v37  }
0x1f9: {  	v46 =	vld [tilespmem:s7+$0x8010];
	[tilespmem:s7+$0x7FE0] =	vst v51;
	v47 =	vmul.f32 v39, v37  }
0x1fa: {  	v61 =	vld [tilespmem:s7+$0x80A0];
	[tilespmem:s7+$0x7FB0] =	vst v19;
	v19 =	vmul.f32 v40, v37  }
0x1fb: {  	v49 =	vld [tilespmem:s7+$0x8030];
	v44 =	vmul.f32 v35, v37;
	v50 =	vperm.xlane v20, v10;
	[tilespmem:s7+$0x7FC0] =	vst v47  }
0x1fc: {  	v42 =	vld [tilespmem:s7+$0x8120];
	[tilespmem:s7+$0x7FD0] =	vst v19;
	v19 =	vmul.f32 v43, v37  }
0x1fd: {  	[tilespmem:s7+$0x7FA0] =	vst v44;
	v53 =	vld [tilespmem:s7+$0x8050];
	v54 =	vmul.f32 v45, v50  }
0x1fe: {  	v58 =	vld [tilespmem:s7+$0x8080];
	[tilespmem:s7+$0x7FF0] =	vst v19;
	v19 =	vmul.f32 v46, v50  }
0x1ff: {  	v32 =	vmul.f32 v55, v50;
	v44 =	vperm.xlane v20, v12;
	v56 =	vld [tilespmem:s7+$0x8070];
	[tilespmem:s7+$0x8000] =	vst v54  }
0x200: {  	v59 =	vld [tilespmem:s7+$0x8090];
	[tilespmem:s7+$0x8010] =	vst v19;
	v19 =	vmul.f32 v49, v50  }
0x201: {  	v62 =	vld [tilespmem:s7+$0x80B0];
	[tilespmem:s7+$0x8060] =	vst v32;
	v51 =	vmul.f32 v42, v44  }
0x202: {  	v39 =	vld [tilespmem:s7+$0x8100];
	[tilespmem:s7+$0x8030] =	vst v19;
	v19 =	vmul.f32 v53, v50  }
0x203: {  	v34 =	vld [tilespmem:s7+$0x80D0];
	v60 =	vmul.f32 v52, v50;
	[tilespmem:s7+$0x8120] =	vst v51  }
0x204: {  	v47 =	vld [tilespmem:s7+$0x8150];
	v63 =	vperm.xlane v20, v11;
	[tilespmem:s7+$0x8050] =	vst v19;
	v19 =	vmul.f32 v56, v50  }
0x205: {  	v52 =	vld [tilespmem:s7+$0x8180];
	v57 =	vmul.f32 v48, v50;
	[tilespmem:s7+$0x8040] =	vst v60  }
0x206: {  	v33 =	vld [tilespmem:s7+$0x80C0];
	[tilespmem:s7+$0x8070] =	vst v19;
	v19 =	vmul.f32 v59, v63  }
0x207: {  	v48 =	vmul.f32 v39, v44;
	[tilespmem:s7+$0x8020] =	vst v57;
	v37 =	vld [tilespmem:s7+$0x80F0]  }
0x208: {  	v36 =	vld [tilespmem:s7+$0x80E0];
	[tilespmem:s7+$0x8090] =	vst v19;
	v19 =	vmul.f32 v62, v63  }
0x209: {  	v35 =	vmul.f32 v58, v63;
	[tilespmem:s7+$0x8100] =	vst v48;
	v40 =	vld [tilespmem:s7+$0x8110]  }
0x20a: {  	v55 =	vld [tilespmem:s7+$0x81A0];
	[tilespmem:s7+$0x80B0] =	vst v19;
	v19 =	vmul.f32 v34, v63  }
0x20b: {  	v38 =	vmul.f32 v61, v63;
	v57 =	vperm.xlane v20, v13;
	[tilespmem:s7+$0x8080] =	vst v35;
	v43 =	vld [tilespmem:s7+$0x8130]  }
0x20c: {  	v60 =	vld [tilespmem:s7+$0x81D0];
	[tilespmem:s7+$0x80D0] =	vst v19;
	v19 =	vmul.f32 v37, v63  }
0x20d: {  	[tilespmem:s7+$0x80A0] =	vst v38;
	v61 =	vmul.f32 v52, v57;
	v41 =	vmul.f32 v33, v63;
	v33 =	vld [tilespmem:s7+$0x8200]  }
0x20e: {  	v45 =	vmul.f32 v36, v63;
	v36 =	vld [tilespmem:s7+$0x8220];
	[tilespmem:s7+$0x80F0] =	vst v19;
	v19 =	vmul.f32 v40, v44  }
0x20f: {  	[tilespmem:s7+$0x8180] =	vst v61;
	v50 =	vld [tilespmem:s7+$0x8170]  }
0x210: {  	v46 =	vld [tilespmem:s7+$0x8140];
	[tilespmem:s7+$0x8110] =	vst v19;
	v19 =	vmul.f32 v43, v44  }
0x211: {  	v32 =	vmul.f32 v55, v57;
	[tilespmem:s7+$0x80C0] =	vst v41;
	v53 =	vld [tilespmem:s7+$0x8190]  }
0x212: {  	v41 =	vld [tilespmem:s7+$0x8250];
	[tilespmem:s7+$0x8130] =	vst v19;
	v19 =	vmul.f32 v47, v44  }
0x213: {  	v38 =	vperm.xlane v20, v14;
	[tilespmem:s7+$0x81A0] =	vst v32;
	v56 =	vld [tilespmem:s7+$0x81B0]  }
0x214: {  	v49 =	vld [tilespmem:s7+$0x8160];
	[tilespmem:s7+$0x8150] =	vst v19;
	v19 =	vmul.f32 v50, v44  }
0x215: {  	[tilespmem:s7+$0x80E0] =	vst v45;
	v42 =	vmul.f32 v33, v38;
	v54 =	vmul.f32 v46, v44;
	v46 =	vld [tilespmem:s7+$0x8280]  }
0x216: {  	v59 =	vld [tilespmem:s7+$0x81C0];
	[tilespmem:s7+$0x8170] =	vst v19;
	v19 =	vmul.f32 v53, v57  }
0x217: {  	[tilespmem:s7+$0x8200] =	vst v42;
	v45 =	vmul.f32 v36, v38;
	v63 =	vld [tilespmem:s7+$0x81F0]  }
0x218: {  	v62 =	vld [tilespmem:s7+$0x81E0];
	[tilespmem:s7+$0x8190] =	vst v19;
	v19 =	vmul.f32 v56, v57  }
0x219: {  	[tilespmem:s7+$0x8220] =	vst v45;
	v34 =	vld [tilespmem:s7+$0x8210]  }
0x21a: {  	v58 =	vmul.f32 v49, v44;
	v49 =	vld [tilespmem:s7+$0x82A0];
	[tilespmem:s7+$0x81B0] =	vst v19;
	v19 =	vmul.f32 v60, v57  }
0x21b: {  	v51 =	vperm.xlane v20, v15;
	[tilespmem:s7+$0x8140] =	vst v54;
	v37 =	vld [tilespmem:s7+$0x8230]  }
0x21c: {  	v54 =	vld [tilespmem:s7+$0x82D0];
	[tilespmem:s7+$0x81D0] =	vst v19;
	v19 =	vmul.f32 v63, v57  }
0x21d: {  	[tilespmem:s7+$0x8160] =	vst v58;
	v55 =	vmul.f32 v46, v51;
	v35 =	vmul.f32 v59, v57;
	v59 =	vld [tilespmem:s7+$0x8300]  }
0x21e: {  	v39 =	vmul.f32 v62, v57;
	v62 =	vld [tilespmem:s7+$0x8320];
	[tilespmem:s7+$0x81F0] =	vst v19;
	v19 =	vmul.f32 v34, v38  }
0x21f: {  	[tilespmem:s7+$0x8280] =	vst v55;
	v44 =	vld [tilespmem:s7+$0x8270]  }
0x220: {  	v40 =	vld [tilespmem:s7+$0x8240];
	[tilespmem:s7+$0x8210] =	vst v19;
	v19 =	vmul.f32 v37, v38  }
0x221: {  	v58 =	vmul.f32 v49, v51;
	[tilespmem:s7+$0x81C0] =	vst v35;
	v47 =	vld [tilespmem:s7+$0x8290]  }
0x222: {  	v35 =	vld [tilespmem:s7+$0x8350];
	[tilespmem:s7+$0x8230] =	vst v19;
	v19 =	vmul.f32 v41, v38  }
0x223: {  	v32 =	vperm.xlane v20, v16;
	[tilespmem:s7+$0x82A0] =	vst v58;
	v50 =	vld [tilespmem:s7+$0x82B0]  }
0x224: {  	v53 =	vld [tilespmem:s7+$0x82C0];
	[tilespmem:s7+$0x8250] =	vst v19;
	v19 =	vmul.f32 v44, v38  }
0x225: {  	[tilespmem:s7+$0x81E0] =	vst v39;
	v43 =	vld [tilespmem:s7+$0x8260];
	v36 =	vmul.f32 v59, v32  }
0x226: {  	v48 =	vmul.f32 v40, v38;
	v40 =	vld [tilespmem:s7+$0x8380];
	[tilespmem:s7+$0x8270] =	vst v19;
	v19 =	vmul.f32 v47, v51  }
0x227: {  	[tilespmem:s7+$0x8300] =	vst v36;
	v39 =	vmul.f32 v62, v32;
	v57 =	vld [tilespmem:s7+$0x82F0]  }
0x228: {  	v56 =	vld [tilespmem:s7+$0x82E0];
	[tilespmem:s7+$0x8290] =	vst v19;
	v19 =	vmul.f32 v50, v51  }
0x229: {  	[tilespmem:s7+$0x8320] =	vst v39;
	v60 =	vld [tilespmem:s7+$0x8310];
	v61 =	vmul.f32 v53, v51  }
0x22a: {  	v63 =	vld [tilespmem:s7+$0x8330];
	[tilespmem:s7+$0x82B0] =	vst v19;
	v19 =	vmul.f32 v54, v51  }
0x22b: {  	v22 =	vmul.f32 v35, v32;
	[tilespmem:s7+$0x82C0] =	vst v61;
	v61 =	vld [tilespmem:s7+$0x83B0]  }
0x22c: {  	v34 =	vld [tilespmem:s7+$0x8340];
	[tilespmem:s7+$0x82D0] =	vst v19;
	v19 =	vmul.f32 v57, v51  }
0x22d: {  	s9 =	sor.u32 $0x10, s9;
	v20 =	vperm.xlane v20, v17;
	[tilespmem:s7+$0x8350] =	vst v22;
	v37 =	vld [tilespmem:s7+$0x8360]  }
0x22e: {  	v52 =	vmul.f32 v43, v38;
	[tilespmem:s7+$0x82F0] =	vst v19;
	v19 =	vld.idx.msk [tilespmem:v18+s9+$0x0 ss:$0x1], $0xffff;
	s9 =	sshll.u32 s9, $0x7  }
0x22f: {  	[tilespmem:s7+$0x8240] =	vst v48;
	v49 =	vmul.f32 v40, v20;
	v38 =	vld [tilespmem:s7+$0x8370];
	s9 =	sand.u32 $0x3FFFF800, s9  }
0x230: {  	[tilespmem:s7+$0x8260] =	vst v52;
	v33 =	vmul.f32 v56, v51;
	v42 =	vld [tilespmem:s9+$0x7C00]  }
0x231: {  	[tilespmem:s7+$0x8380] =	vst v49;
	v25 =	vmul.f32 v60, v32;
	v43 =	vld [tilespmem:s9+$0x7C10]  }
0x232: {  	[tilespmem:s7+$0x82E0] =	vst v33;
	v23 =	vmul.f32 v63, v32;
	v45 =	vld [tilespmem:s9+$0x7C20]  }
0x233: {  	[tilespmem:s7+$0x8310] =	vst v25;
	v39 =	vmul.f32 v61, v20;
	v48 =	vld [tilespmem:s9+$0x7C30];
	v47 =	vperm.xlane v19, v2  }
0x234: {  	v41 =	vmul.f32 v34, v32;
	[tilespmem:s7+$0x8330] =	vst v23;
	v50 =	vld [tilespmem:s9+$0x7C40]  }
0x235: {  	[tilespmem:s7+$0x83B0] =	vst v39;
	v52 =	vld [tilespmem:s9+$0x7C50];
	v51 =	vmul.f32 v42, v47  }
0x236: {  	[tilespmem:s7+$0x8340] =	vst v41;
	v54 =	vld [tilespmem:s9+$0x7C60];
	v53 =	vmul.f32 v43, v47  }
0x237: {  	v56 =	vld [tilespmem:s9+$0x7C70];
	v55 =	vmul.f32 v45, v47;
	[tilespmem:s9+$0x7C00] =	vst v51  }
0x238: {  	v58 =	vmul.f32 v48, v47;
	[tilespmem:s9+$0x7C10] =	vst v53  }
0x239: {  	v59 =	vld [tilespmem:s7+$0x83A0];
	v60 =	vmul.f32 v50, v47;
	[tilespmem:s9+$0x7C20] =	vst v55  }
0x23a: {  	v63 =	vld [tilespmem:s7+$0x83C0];
	v44 =	vmul.f32 v37, v32;
	v62 =	vmul.f32 v52, v47;
	[tilespmem:s9+$0x7C30] =	vst v58  }
0x23b: {  	v36 =	vld [tilespmem:s7+$0x83E0];
	v46 =	vmul.f32 v38, v32;
	v32 =	vmul.f32 v54, v47;
	[tilespmem:s9+$0x7C40] =	vst v60  }
0x23c: {  	v57 =	vld [tilespmem:s7+$0x8390];
	v34 =	vmul.f32 v56, v47;
	[tilespmem:s9+$0x7C50] =	vst v62  }
0x23d: {  	v33 =	vld [tilespmem:s7+$0x83D0];
	[tilespmem:s9+$0x7C60] =	vst v32  }
0x23e: {  	v37 =	vmul.f32 v59, v20;
	v38 =	vld [tilespmem:s7+$0x83F0];
	[tilespmem:s9+$0x7C70] =	vst v34  }
0x23f: {  	v41 =	vmul.f32 v63, v20;
	[tilespmem:s7+$0x8360] =	vst v44;
	v40 =	vld [tilespmem:s7+$0x8480]  }
0x240: {  	[tilespmem:s7+$0x83A0] =	vst v37;
	v42 =	vld [tilespmem:s7+$0x8490]  }
0x241: {  	[tilespmem:s7+$0x83C0] =	vst v41;
	v35 =	vmul.f32 v57, v20;
	v44 =	vld [tilespmem:s7+$0x84A0]  }
0x242: {  	[tilespmem:s7+$0x8370] =	vst v46;
	v43 =	vmul.f32 v33, v20;
	v47 =	vld [tilespmem:s7+$0x84B0]  }
0x243: {  	[tilespmem:s7+$0x8390] =	vst v35;
	v46 =	vperm.xlane v19, v3;
	v45 =	vmul.f32 v36, v20;
	v48 =	vld [tilespmem:s7+$0x84C0]  }
0x244: {  	v20 =	vmul.f32 v38, v20;
	[tilespmem:s7+$0x83D0] =	vst v43;
	v50 =	vld [tilespmem:s7+$0x84D0]  }
0x245: {  	[tilespmem:s7+$0x83E0] =	vst v45;
	v51 =	vld [tilespmem:s7+$0x84E0];
	v49 =	vmul.f32 v40, v46  }
0x246: {  	[tilespmem:s7+$0x83F0] =	vst v20;
	v53 =	vld [tilespmem:s7+$0x84F0];
	v20 =	vmul.f32 v42, v46  }
0x247: {  	v54 =	vld [tilespmem:s7+$0x8500];
	v52 =	vmul.f32 v44, v46;
	[tilespmem:s7+$0x8480] =	vst v49  }
0x248: {  	v55 =	vld [tilespmem:s7+$0x8510];
	v21 =	vmul.f32 v48, v46;
	[tilespmem:s7+$0x8490] =	vst v20  }
0x249: {  	v56 =	vld [tilespmem:s7+$0x8520];
	v20 =	vmul.f32 v47, v46;
	[tilespmem:s7+$0x84A0] =	vst v52  }
0x24a: {  	v57 =	vperm.xlane v19, v4;
	v59 =	vld [tilespmem:s7+$0x8530];
	v58 =	vmul.f32 v51, v46;
	[tilespmem:s7+$0x84C0] =	vst v21  }
0x24b: {  	v60 =	vld [tilespmem:s7+$0x8540];
	[tilespmem:s7+$0x84B0] =	vst v20;
	v20 =	vmul.f32 v50, v46  }
0x24c: {  	v62 =	vld [tilespmem:s7+$0x8550];
	v61 =	vmul.f32 v54, v57;
	[tilespmem:s7+$0x84E0] =	vst v58  }
0x24d: {  	v63 =	vld [tilespmem:s7+$0x8560];
	[tilespmem:s7+$0x84D0] =	vst v20;
	v20 =	vmul.f32 v53, v46  }
0x24e: {  	v30 =	vld [tilespmem:s7+$0x8570];
	v29 =	vmul.f32 v56, v57;
	[tilespmem:s7+$0x8500] =	vst v61  }
0x24f: {  	v31 =	vld [tilespmem:s7+$0x8580];
	[tilespmem:s7+$0x84F0] =	vst v20;
	v20 =	vmul.f32 v55, v57  }
0x250: {  	v33 =	vld [tilespmem:s7+$0x8590];
	v32 =	vmul.f32 v60, v57;
	[tilespmem:s7+$0x8520] =	vst v29  }
0x251: {  	v34 =	vld [tilespmem:s7+$0x85A0];
	[tilespmem:s7+$0x8510] =	vst v20;
	v20 =	vmul.f32 v59, v57  }
0x252: {  	v35 =	vperm.xlane v19, v5;
	v37 =	vld [tilespmem:s7+$0x85B0];
	v36 =	vmul.f32 v63, v57;
	[tilespmem:s7+$0x8540] =	vst v32  }
0x253: {  	v38 =	vld [tilespmem:s7+$0x85C0];
	[tilespmem:s7+$0x8530] =	vst v20;
	v20 =	vmul.f32 v62, v57  }
0x254: {  	v41 =	vld [tilespmem:s7+$0x85E0];
	v39 =	vmul.f32 v31, v35;
	[tilespmem:s7+$0x8560] =	vst v36  }
0x255: {  	v43 =	vld [tilespmem:s7+$0x85F0];
	[tilespmem:s7+$0x8550] =	vst v20;
	v20 =	vmul.f32 v30, v57  }
0x256: {  	v40 =	vld [tilespmem:s7+$0x85D0];
	v42 =	vmul.f32 v34, v35;
	[tilespmem:s7+$0x8580] =	vst v39  }
0x257: {  	v44 =	vld [tilespmem:s7+$0x8600];
	[tilespmem:s7+$0x8570] =	vst v20;
	v20 =	vmul.f32 v33, v35  }
0x258: {  	v45 =	vmul.f32 v38, v35;
	v51 =	vld [tilespmem:s7+$0x8640];
	[tilespmem:s7+$0x85A0] =	vst v42  }
0x259: {  	v54 =	vld [tilespmem:s7+$0x8660];
	[tilespmem:s7+$0x8590] =	vst v20;
	v20 =	vmul.f32 v37, v35  }
0x25a: {  	v48 =	vperm.xlane v19, v6;
	[tilespmem:s7+$0x85C0] =	vst v45;
	v49 =	vmul.f32 v41, v35;
	v46 =	vld [tilespmem:s7+$0x8610]  }
0x25b: {  	v47 =	vld [tilespmem:s7+$0x8620];
	[tilespmem:s7+$0x85B0] =	vst v20;
	v20 =	vmul.f32 v40, v35  }
0x25c: {  	v50 =	vld [tilespmem:s7+$0x8630];
	[tilespmem:s7+$0x85E0] =	vst v49;
	v52 =	vmul.f32 v44, v48  }
0x25d: {  	v29 =	vld [tilespmem:s7+$0x86C0];
	[tilespmem:s7+$0x85D0] =	vst v20;
	v20 =	vmul.f32 v43, v35  }
0x25e: {  	v58 =	vmul.f32 v51, v48;
	v53 =	vld [tilespmem:s7+$0x8650];
	[tilespmem:s7+$0x8600] =	vst v52  }
0x25f: {  	v42 =	vld [tilespmem:s7+$0x8740];
	[tilespmem:s7+$0x85F0] =	vst v20;
	v20 =	vmul.f32 v46, v48  }
0x260: {  	v56 =	vld [tilespmem:s7+$0x8670];
	v61 =	vperm.xlane v19, v7;
	[tilespmem:s7+$0x8640] =	vst v58;
	v55 =	vmul.f32 v47, v48  }
0x261: {  	v60 =	vld [tilespmem:s7+$0x86A0];
	[tilespmem:s7+$0x8610] =	vst v20;
	v20 =	vmul.f32 v50, v48  }
0x262: {  	v39 =	vperm.xlane v19, v8;
	v36 =	vmul.f32 v29, v61;
	[tilespmem:s7+$0x8620] =	vst v55;
	v59 =	vld [tilespmem:s7+$0x8690]  }
0x263: {  	v55 =	vld [tilespmem:s7+$0x87C0];
	[tilespmem:s7+$0x8630] =	vst v20;
	v20 =	vmul.f32 v53, v48  }
0x264: {  	v63 =	vld [tilespmem:s7+$0x86B0];
	v49 =	vmul.f32 v42, v39;
	[tilespmem:s7+$0x86C0] =	vst v36  }
0x265: {  	v31 =	vld [tilespmem:s7+$0x86D0];
	[tilespmem:s7+$0x8650] =	vst v20;
	v20 =	vmul.f32 v56, v48  }
0x266: {  	v34 =	vld [tilespmem:s7+$0x86F0];
	v52 =	vperm.xlane v19, v9;
	[tilespmem:s7+$0x8740] =	vst v49;
	v62 =	vmul.f32 v54, v48  }
0x267: {  	v57 =	vld [tilespmem:s7+$0x8680];
	[tilespmem:s7+$0x8670] =	vst v20;
	v20 =	vmul.f32 v59, v61  }
0x268: {  	v32 =	vld [tilespmem:s7+$0x86E0];
	[tilespmem:s7+$0x8660] =	vst v62;
	v62 =	vmul.f32 v55, v52  }
0x269: {  	[tilespmem:s7+$0x8690] =	vst v20;
	v20 =	vmul.f32 v63, v61  }
0x26a: {  	v33 =	vmul.f32 v60, v61;
	[tilespmem:s7+$0x87C0] =	vst v62;
	v37 =	vld [tilespmem:s7+$0x8710]  }
0x26b: {  	v38 =	vld [tilespmem:s7+$0x8720];
	[tilespmem:s7+$0x86B0] =	vst v20;
	v20 =	vmul.f32 v31, v61  }
0x26c: {  	v41 =	vld [tilespmem:s7+$0x8730];
	[tilespmem:s7+$0x86A0] =	vst v33;
	v30 =	vmul.f32 v57, v61  }
0x26d: {  	v40 =	vmul.f32 v32, v61;
	v32 =	vld [tilespmem:s7+$0x8820];
	[tilespmem:s7+$0x86D0] =	vst v20;
	v20 =	vmul.f32 v34, v61  }
0x26e: {  	v44 =	vld [tilespmem:s7+$0x8750];
	[tilespmem:s7+$0x8680] =	vst v30  }
0x26f: {  	v35 =	vld [tilespmem:s7+$0x8700];
	[tilespmem:s7+$0x86F0] =	vst v20;
	v20 =	vmul.f32 v37, v39  }
0x270: {  	v47 =	vld [tilespmem:s7+$0x8770];
	v33 =	vperm.xlane v19, v10;
	[tilespmem:s7+$0x86E0] =	vst v40;
	v46 =	vmul.f32 v38, v39  }
0x271: {  	v45 =	vld [tilespmem:s7+$0x8760];
	[tilespmem:s7+$0x8710] =	vst v20;
	v20 =	vmul.f32 v41, v39  }
0x272: {  	v40 =	vmul.f32 v32, v33;
	[tilespmem:s7+$0x8720] =	vst v46;
	v50 =	vld [tilespmem:s7+$0x8790]  }
0x273: {  	v36 =	vld [tilespmem:s7+$0x8840];
	[tilespmem:s7+$0x8730] =	vst v20;
	v20 =	vmul.f32 v44, v39  }
0x274: {  	v54 =	vld [tilespmem:s7+$0x87B0];
	v43 =	vmul.f32 v35, v39;
	[tilespmem:s7+$0x8820] =	vst v40  }
0x275: {  	v51 =	vld [tilespmem:s7+$0x87A0];
	[tilespmem:s7+$0x8750] =	vst v20;
	v20 =	vmul.f32 v47, v39  }
0x276: {  	v57 =	vld [tilespmem:s7+$0x87D0];
	v53 =	vmul.f32 v45, v39;
	[tilespmem:s7+$0x8700] =	vst v43  }
0x277: {  	v45 =	vld [tilespmem:s7+$0x88A0];
	[tilespmem:s7+$0x8770] =	vst v20;
	v20 =	vmul.f32 v50, v52  }
0x278: {  	v60 =	vld [tilespmem:s7+$0x87F0];
	v43 =	vmul.f32 v36, v33;
	[tilespmem:s7+$0x8760] =	vst v53  }
0x279: {  	v48 =	vld [tilespmem:s7+$0x8780];
	[tilespmem:s7+$0x8790] =	vst v20;
	v20 =	vmul.f32 v54, v52  }
0x27a: {  	v46 =	vperm.xlane v19, v11;
	[tilespmem:s7+$0x8840] =	vst v43;
	v59 =	vmul.f32 v51, v52;
	v63 =	vld [tilespmem:s7+$0x8810]  }
0x27b: {  	v49 =	vld [tilespmem:s7+$0x88C0];
	[tilespmem:s7+$0x87B0] =	vst v20;
	v20 =	vmul.f32 v57, v52  }
0x27c: {  	v35 =	vld [tilespmem:s7+$0x8830];
	v53 =	vmul.f32 v45, v46;
	[tilespmem:s7+$0x87A0] =	vst v59  }
0x27d: {  	v58 =	vld [tilespmem:s7+$0x87E0];
	[tilespmem:s7+$0x87D0] =	vst v20;
	v20 =	vmul.f32 v60, v52  }
0x27e: {  	v38 =	vld [tilespmem:s7+$0x8850];
	v56 =	vmul.f32 v48, v52;
	[tilespmem:s7+$0x88A0] =	vst v53  }
0x27f: {  	v62 =	vld [tilespmem:s7+$0x8940];
	[tilespmem:s7+$0x87F0] =	vst v20;
	v20 =	vmul.f32 v63, v33  }
0x280: {  	[tilespmem:s7+$0x8780] =	vst v56;
	v56 =	vmul.f32 v49, v46;
	v41 =	vld [tilespmem:s7+$0x8870]  }
0x281: {  	v61 =	vld [tilespmem:s7+$0x8800];
	[tilespmem:s7+$0x8810] =	vst v20;
	v20 =	vmul.f32 v35, v33  }
0x282: {  	v59 =	vperm.xlane v19, v12;
	v34 =	vmul.f32 v58, v52;
	[tilespmem:s7+$0x88C0] =	vst v56;
	v44 =	vld [tilespmem:s7+$0x8890]  }
0x283: {  	v58 =	vld [tilespmem:s7+$0x8920];
	[tilespmem:s7+$0x8830] =	vst v20;
	v20 =	vmul.f32 v38, v33  }
0x284: {  	v48 =	vld [tilespmem:s7+$0x88B0];
	[tilespmem:s7+$0x87E0] =	vst v34;
	v34 =	vmul.f32 v62, v59  }
0x285: {  	v42 =	vld [tilespmem:s7+$0x8880];
	[tilespmem:s7+$0x8850] =	vst v20;
	v20 =	vmul.f32 v41, v33  }
0x286: {  	v51 =	vld [tilespmem:s7+$0x88D0];
	[tilespmem:s7+$0x8940] =	vst v34;
	v37 =	vmul.f32 v61, v33  }
0x287: {  	v39 =	vld [tilespmem:s7+$0x8860];
	[tilespmem:s7+$0x8870] =	vst v20;
	v20 =	vmul.f32 v44, v46  }
0x288: {  	v31 =	vmul.f32 v58, v59;
	[tilespmem:s7+$0x8800] =	vst v37;
	v54 =	vld [tilespmem:s7+$0x88F0]  }
0x289: {  	v40 =	vld [tilespmem:s7+$0x89C0];
	[tilespmem:s7+$0x8890] =	vst v20;
	v20 =	vmul.f32 v48, v46  }
0x28a: {  	[tilespmem:s7+$0x8920] =	vst v31;
	v50 =	vmul.f32 v42, v46;
	v57 =	vld [tilespmem:s7+$0x8910]  }
0x28b: {  	v55 =	vld [tilespmem:s7+$0x8900];
	[tilespmem:s7+$0x88B0] =	vst v20;
	v20 =	vmul.f32 v51, v46  }
0x28c: {  	v61 =	vld [tilespmem:s7+$0x8930];
	v37 =	vperm.xlane v19, v13;
	[tilespmem:s7+$0x8880] =	vst v50;
	v47 =	vmul.f32 v39, v33  }
0x28d: {  	v52 =	vld [tilespmem:s7+$0x88E0];
	[tilespmem:s7+$0x88D0] =	vst v20;
	v20 =	vmul.f32 v54, v46  }
0x28e: {  	v29 =	vld [tilespmem:s7+$0x8950];
	[tilespmem:s7+$0x8860] =	vst v47;
	v47 =	vmul.f32 v40, v37  }
0x28f: {  	v30 =	vld [tilespmem:s7+$0x8960];
	[tilespmem:s7+$0x88F0] =	vst v20;
	v20 =	vmul.f32 v57, v59  }
0x290: {  	v32 =	vld [tilespmem:s7+$0x8970];
	[tilespmem:s7+$0x89C0] =	vst v47;
	v63 =	vmul.f32 v55, v59  }
0x291: {  	v53 =	vld [tilespmem:s7+$0x8A40];
	[tilespmem:s7+$0x8910] =	vst v20;
	v20 =	vmul.f32 v61, v59  }
0x292: {  	[tilespmem:s7+$0x8900] =	vst v63;
	v35 =	vld [tilespmem:s7+$0x8990];
	v60 =	vmul.f32 v52, v46  }
0x293: {  	v36 =	vld [tilespmem:s7+$0x89A0];
	[tilespmem:s7+$0x8930] =	vst v20;
	v20 =	vmul.f32 v29, v59  }
0x294: {  	v50 =	vperm.xlane v19, v14;
	v39 =	vld [tilespmem:s7+$0x89B0];
	v38 =	vmul.f32 v30, v59;
	[tilespmem:s7+$0x88E0] =	vst v60  }
0x295: {  	v31 =	vld [tilespmem:s7+$0x8AC0];
	[tilespmem:s7+$0x8950] =	vst v20;
	v20 =	vmul.f32 v32, v59  }
0x296: {  	v42 =	vld [tilespmem:s7+$0x89D0];
	v60 =	vmul.f32 v53, v50;
	[tilespmem:s7+$0x8960] =	vst v38  }
0x297: {  	v33 =	vld [tilespmem:s7+$0x8980];
	[tilespmem:s7+$0x8970] =	vst v20;
	v20 =	vmul.f32 v35, v37  }
0x298: {  	v45 =	vld [tilespmem:s7+$0x89F0];
	v63 =	vperm.xlane v19, v15;
	[tilespmem:s7+$0x8A40] =	vst v60;
	v44 =	vmul.f32 v36, v37  }
0x299: {  	v43 =	vld [tilespmem:s7+$0x89E0];
	[tilespmem:s7+$0x8990] =	vst v20;
	v20 =	vmul.f32 v39, v37  }
0x29a: {  	v38 =	vmul.f32 v31, v63;
	[tilespmem:s7+$0x89A0] =	vst v44;
	v48 =	vld [tilespmem:s7+$0x8A10]  }
0x29b: {  	v44 =	vld [tilespmem:s7+$0x8B40];
	[tilespmem:s7+$0x89B0] =	vst v20;
	v20 =	vmul.f32 v42, v37  }
0x29c: {  	v52 =	vld [tilespmem:s7+$0x8A30];
	[tilespmem:s7+$0x8AC0] =	vst v38;
	v41 =	vmul.f32 v33, v37  }
0x29d: {  	v53 =	vld [tilespmem:s7+$0x8BA0];
	[tilespmem:s7+$0x89D0] =	vst v20;
	v20 =	vmul.f32 v45, v37  }
0x29e: {  	v55 =	vld [tilespmem:s7+$0x8A50];
	v51 =	vmul.f32 v43, v37;
	[tilespmem:s7+$0x8980] =	vst v41;
	v41 =	vperm.xlane v19, v16  }
0x29f: {  	v49 =	vld [tilespmem:s7+$0x8A20];
	[tilespmem:s7+$0x89F0] =	vst v20;
	v20 =	vmul.f32 v48, v50  }
0x2a0: {  	v58 =	vld [tilespmem:s7+$0x8A70];
	v19 =	vperm.xlane v19, v17;
	[tilespmem:s7+$0x89E0] =	vst v51;
	v51 =	vmul.f32 v44, v41  }
0x2a1: {  	v46 =	vld [tilespmem:s7+$0x8A00];
	[tilespmem:s7+$0x8A10] =	vst v20;
	v20 =	vmul.f32 v52, v50  }
0x2a2: {  	v60 =	vmul.f32 v53, v19;
	[tilespmem:s7+$0x8B40] =	vst v51;
	v61 =	vld [tilespmem:s7+$0x8A90]  }
0x2a3: {  	v56 =	vld [tilespmem:s7+$0x8A60];
	[tilespmem:s7+$0x8A30] =	vst v20;
	v20 =	vmul.f32 v55, v50  }
0x2a4: {  	v30 =	vld [tilespmem:s7+$0x8AB0];
	v57 =	vmul.f32 v49, v50;
	[tilespmem:s7+$0x8BA0] =	vst v60  }
0x2a5: {  	v47 =	vld [tilespmem:s7+$0x8B60];
	[tilespmem:s7+$0x8A50] =	vst v20;
	v20 =	vmul.f32 v58, v50  }
0x2a6: {  	v33 =	vld [tilespmem:s7+$0x8AD0];
	[tilespmem:s7+$0x8A20] =	vst v57;
	v54 =	vmul.f32 v46, v50  }
0x2a7: {  	v62 =	vld [tilespmem:s7+$0x8AA0];
	[tilespmem:s7+$0x8A70] =	vst v20;
	v20 =	vmul.f32 v61, v63  }
0x2a8: {  	v36 =	vld [tilespmem:s7+$0x8AF0];
	v29 =	vmul.f32 v56, v50;
	[tilespmem:s7+$0x8A00] =	vst v54  }
0x2a9: {  	v56 =	vld [tilespmem:s7+$0x8BC0];
	[tilespmem:s7+$0x8A90] =	vst v20;
	v20 =	vmul.f32 v30, v63  }
0x2aa: {  	v54 =	vmul.f32 v47, v41;
	[tilespmem:s7+$0x8A60] =	vst v29;
	v39 =	vld [tilespmem:s7+$0x8B10]  }
0x2ab: {  	v59 =	vld [tilespmem:s7+$0x8A80];
	[tilespmem:s7+$0x8AB0] =	vst v20;
	v20 =	vmul.f32 v33, v63  }
0x2ac: {  	v43 =	vld [tilespmem:s7+$0x8B30];
	[tilespmem:s7+$0x8B60] =	vst v54;
	v35 =	vmul.f32 v62, v63  }
0x2ad: {  	v34 =	vld [tilespmem:s7+$0x8AE0];
	[tilespmem:s7+$0x8AD0] =	vst v20;
	v20 =	vmul.f32 v36, v63  }
0x2ae: {  	v46 =	vld [tilespmem:s7+$0x8B50];
	v62 =	vmul.f32 v56, v19;
	[tilespmem:s7+$0x8AA0] =	vst v35  }
0x2af: {  	v40 =	vld [tilespmem:s7+$0x8B20];
	[tilespmem:s7+$0x8AF0] =	vst v20;
	v20 =	vmul.f32 v39, v41  }
0x2b0: {  	v49 =	vld [tilespmem:s7+$0x8B70];
	v32 =	vmul.f32 v59, v63;
	[tilespmem:s7+$0x8BC0] =	vst v62  }
0x2b1: {  	v37 =	vld [tilespmem:s7+$0x8B00];
	[tilespmem:s7+$0x8B10] =	vst v20;
	v20 =	vmul.f32 v43, v41  }
0x2b2: {  	v42 =	vmul.f32 v34, v63;
	[tilespmem:s7+$0x8A80] =	vst v32;
	v52 =	vld [tilespmem:s7+$0x8B90]  }
0x2b3: {  	v50 =	vld [tilespmem:s7+$0x8B80];
	[tilespmem:s7+$0x8B30] =	vst v20;
	v20 =	vmul.f32 v46, v41  }
0x2b4: {  	[tilespmem:s7+$0x8AE0] =	vst v42;
	v48 =	vmul.f32 v40, v41;
	v55 =	vld [tilespmem:s7+$0x8BB0]  }
0x2b5: {  	v59 =	vld [tilespmem:s7+$0x8BE0];
	[tilespmem:s7+$0x8B50] =	vst v20;
	v20 =	vmul.f32 v49, v41  }
0x2b6: {  	[tilespmem:s7+$0x8B20] =	vst v48;
	v45 =	vmul.f32 v37, v41;
	v58 =	vld [tilespmem:s7+$0x8BD0]  }
0x2b7: {  	v61 =	vld [tilespmem:s7+$0x8BF0];
	[tilespmem:s7+$0x8B70] =	vst v20;
	v20 =	vmul.f32 v52, v19  }
0x2b8: {  	[tilespmem:s7+$0x8B00] =	vst v45;
	v57 =	vmul.f32 v50, v19  }
0x2b9: {  	p2 =	slt.u32 s6, $0x6;
	[tilespmem:s7+$0x8B90] =	vst v20;
	v20 =	vmul.f32 v55, v19  }
.Ltmp3:
0x2ba: {  	[tilespmem:s7+$0x8B80] =	vst v57;
	v63 =	vmul.f32 v59, v19;
	(pc) =	sbr.rel @p2 .LBB2_10-.Ltmp3, $4  }
0x2bb: {  	[tilespmem:s7+$0x8BB0] =	vst v20;
	v20 =	vmul.f32 v58, v19  }
0x2bc: {  	[tilespmem:s7+$0x8BE0] =	vst v63;
	v19 =	vmul.f32 v61, v19  }
0x2bd: {  	s11 =	sadd.s32 $0x2, s6;
	[tilespmem:s7+$0x8BD0] =	vst v20  }
0x2be: {  	s6 =	smov.u32 s11;
	[tilespmem:s7+$0x8BF0] =	vst v19  }
0x2bf: {  	s3 =	sadd.s32 $0x1, s3  }
0x2c0: {  	p2 =	sne.s32 s3, $0x14  }
.Ltmp4:
0x2c1: {  	_ = 	snop;
	(pc) =	sbr.rel @p2 .LBB2_7-.Ltmp4, $2  }
0x2c2: {  	_ =	sdelay $0x2  }
0x2c3: {  	[spmem:s1] =	stream.indirect.scatter.add.f32 [tilespmem:s29], [sflag:$0x4], $0x80, s5, s26, $0xb8;
	[tilespmem:$0x1F480] =	vst v63  }
.Ltmp5:
0x2c4: {  	(pc) =	sbr.rel @p1 .LBB2_4-.Ltmp5, $4  }
0x2c5: {  	_ = 	snop  }
0x2c6: {  	_ =	swait.ge [sflag:s0], $0x4000  }
0x2c7: {  	[sflag:s0] =	ssyncset.done $0x0  }
0x2c8: {  	p2 =	por $0x0, $0x0;
	p3 =	por $0x1, $0x1;
	[sflag:s0] =	ssyncadd.s32 $0xFFFFC000  }
0x2c9: {  	[bflag:$0x0] =	sbarrier.arrive $0xFFFF  }
0x2ca: {  	s3 =	sshrl.u32 @p0 s13, $0x3;
	s5 =	simm.s32 @p0 $0x8;
	s6 =	simm.s32 @p0 $0x100  }
0x2cb: {  	s7 =	simm.s32 @p0 $0x80;
	s9 =	simm.s32 @p0 $0x1FC5;
	s24 =	sadd.s32 $0x1, s24  }
0x2cc: {  	[hbm:s21@s6], [sflag:s9] =	dma.strided @p0 [spmem:s3@s7], $0x1900, s5, $0x10   }
0x2cd: {  	s3 =	simm.s32 @p0 $0x5;
	s5 =	stileid.u32;
	s6 =	simm.s32 @!p0 $0x8  }
0x2ce: {  	s7 =	simm.s32 @!p0 $0x100;
	s9 =	simm.s32 @!p0 $0x80;
	_ =	swait.ge @p0 [sflag:s3], $0x1900  }
0x2cf: {  	p1 =	sne.s32 s24, s22;
	s5 =	sshll.u32 @!p0 s5, $0x6;
	[sflag:s3] =	ssyncset.done @p0 $0x0  }
0x2d0: {  	[sflag:s3] =	ssyncadd.s32 @p0 $0xFFFFE700;
	s3 =	sor.u32 @!p0 $0x1C05, s5;
	s5 =	sshrl.u32 @!p0 s8, $0x3  }
0x2d1: {  	[hbm:s20@s7], [sflag:s3] =	dma.strided @!p0 [spmem:s5@s9], $0x2800, s6, $0x10   }
.Ltmp6:
0x2d2: {  	_ = 	snop;
	(pc) =	sbr.rel @p1 .LBB2_1-.Ltmp6, $4  }
0x2d3: {  	s3 =	simm.s32 @!p0 $0x5  }
0x2d4: {  	_ =	swait.ge @!p0 [sflag:s3], $0x2800  }
0x2d5: {  	[sflag:s3] =	ssyncset.done @!p0 $0x0  }
0x2d6: {  	[sflag:s3] =	ssyncadd.s32 @!p0 $0xFFFFD800  }
0x2d7: {  	_ =	sfence.sel $0x180000  }
0x2d8: {  	[bflag:$0x0] =	sbarrier.arrive $0xFFFF  }
0x2d9: {  	_ =	strace $0x90000047  }
0x2da: {  	s0 =	stileid.u32;
	[bflag:$0x2] =	sbarrier.arrive $0xFFFF  }
0x2db: {  	p0 =	sne.s32 s0, $0x0;
	s0 =	rddreg [dreg:$0x3]  }
0x2dc: {  	s0 =	sadd.s32 @!p0 $0x100000, s0  }
0x2dd: {  	[sflag:s0] =	ssyncadd.tile.s32 @!p0 $0x1;
	_ =	shalt  }
.Lfunc_end2:
_tile_overlayer_lowered:
.L_overlay_start_2:
0x2de: {  	(tag) =	ssettag $0x2  }
0x2df: {  	s0 =	rddreg [dreg:$0x0];
	s2 =	stileid.u32  }
0x2e0: {  	s1 =	rddreg [dreg:$0x1];
	p0 =	sne.s32 s2, $0x0  }
0x2e1: {  	s3 =	rddreg [dreg:$0x2];
	[bflag:$0x3] =	sbarrier.arrive $0xFFFF;
	s2 =	simm.s32 @!p0 $0x1C05  }
0x2e2: {  	[timem:s3], [sflag:s2] =	dma.local @!p0 [hbm:s0], s1  }
0x2e3: {  	s0 =	simm.s32 @!p0 $0x5  }
0x2e4: {  	_ =	swait.ge @!p0 [sflag:s0], s1  }
0x2e5: {  	s1 =	ssub.s32 @!p0 $0x0, s1;
	[sflag:s0] =	ssyncset.done @!p0 $0x0  }
0x2e6: {  	[sflag:s0] =	ssyncadd.s32 @!p0 s1  }
0x2e7: {  	[bflag:$0x3] =	sbarrier.arrive $0xFFFF  }
0x2e8: {  	_ =	shalt  }

</sc_bundles>
